<compile_context>
chip_gen: v7x
topology: tpu7x:2x2x1
jax: 0.10.2.dev20260603
libtpu: 0.0.44.dev20260713+nightly
codegen_flags: <defaults>
</compile_context>

<pallas_src>
import functools

import jax
import jax.numpy as jnp
from jax import lax
from jax.experimental import pallas as pl
from jax.experimental.pallas import tpu as pltpu
from jax.experimental.pallas import tpu_sc as plsc

_CB = 256


def _select_body(judge_ref, xt_ref, c_ref, idx_ref, iflat_ref):
    b = pl.program_id(0)
    cb = pl.program_id(1)
    n = xt_ref.shape[2]
    judge = judge_ref[...]

    px = xt_ref[0, 0:1, :]
    py = xt_ref[0, 1:2, :]
    pz = xt_ref[0, 2:3, :]
    c = c_ref[0]
    dx = px - c[:, 0:1]
    dy = py - c[:, 1:2]
    dz = pz - c[:, 2:3]
    dist = dx * dx + dy * dy + dz * dz

    lane = lax.broadcasted_iota(jnp.int32, (_CB, n), 1)
    cid = cb * _CB + lax.broadcasted_iota(jnp.int32, (_CB, n), 0)
    base = jnp.where(lane == cid, judge, jnp.float32(1e10))
    valid = (dist > 1e-10) & (dist < judge)
    bx = dx >= 0.0
    by = dy >= 0.0
    bz = dz >= 0.0
    nbx = jnp.logical_not(bx)
    nby = jnp.logical_not(by)
    nbz = jnp.logical_not(bz)
    mx = [valid & nbx, valid & bx]
    mxy = [mx[0] & nby, mx[0] & by, mx[1] & nby, mx[1] & by]
    m8 = []
    for q in mxy:
        m8.append(q & nbz)
        m8.append(q & bz)

    cols = []
    for i in range(8):
        di = jnp.where(m8[i], dist, base)
        mv = jnp.min(di, axis=1, keepdims=True)
        ii = jnp.min(jnp.where(di == mv, lane, n), axis=1, keepdims=True)
        cols.append(ii)
    idx = jnp.concatenate(cols, axis=1)
    idx_ref[0] = idx
    iflat_ref[0] = idx + b * n


def _tc_select(judge, xyz_t, xyz):
    b, n, _ = xyz.shape
    grid = (b, n // _CB)
    return pl.pallas_call(
        _select_body,
        grid=grid,
        compiler_params=pltpu.CompilerParams(
            dimension_semantics=("parallel", "parallel")),
        in_specs=[
            pl.BlockSpec((1, 1), lambda bi, ci: (0, 0)),
            pl.BlockSpec((1, 3, n), lambda bi, ci: (bi, 0, 0)),
            pl.BlockSpec((1, _CB, 3), lambda bi, ci: (bi, ci, 0)),
        ],
        out_specs=[
            pl.BlockSpec((1, _CB, 8), lambda bi, ci: (bi, ci, 0)),
            pl.BlockSpec((1, _CB, 8), lambda bi, ci: (bi, ci, 0)),
        ],
        out_shape=[
            jax.ShapeDtypeStruct((b, n, 8), jnp.int32),
            jax.ShapeDtypeStruct((b, n, 8), jnp.int32),
        ],
    )(judge, xyz_t, xyz)


def _gather_body(nc, cpw, dp, table_hbm, xyz16_hbm, iflat_hbm,
                 pa_hbm, pb_hbm, pc_hbm, gx_hbm,
                 idxv0, idxv1, rows0, rows1, cbuf0, cbuf1, gxb0, gxb1,
                 sg0, sg1, sw0, sw1):
    wid = lax.axis_index("s") * nc + lax.axis_index("c")
    wbase = wid * cpw
    lane16 = lax.iota(jnp.int32, 16)
    mask3 = lane16 < 3
    npair = cpw // 32

    def compute(rows, cbuf, gxb):
        cvecs = []
        for t in range(16):
            raw = cbuf[t, pl.ds(0, 16)]
            cvecs.append(jnp.where(mask3, raw, jnp.float32(0.0)))
        for r in range(128):
            v = rows[r, pl.ds(0, 16)] - cvecs[r // 8]
            rows[r, pl.ds(0, 16)] = v
            plsc.store_scatter(
                gxb, [jnp.full((16,), r, jnp.int32), lane16], v, mask=mask3)

    def pair_body(g, carry):
        slots = (
            (2 * g, idxv0, rows0, cbuf0, gxb0, sg0, sw0),
            (2 * g + 1, idxv1, rows1, cbuf1, gxb1, sg1, sw1),
        )
        gathers = []
        for ch, idxv, rows, cbuf, _, sg, _ in slots:
            cbase = wbase + ch * 16
            pltpu.sync_copy(iflat_hbm.at[pl.ds(cbase * 8, 128)], idxv)
            pltpu.sync_copy(xyz16_hbm.at[pl.ds(cbase, 16)], cbuf)
            gathers.append(pltpu.async_copy(table_hbm.at[idxv], rows, sg))
        writes = []
        for i, (ch, idxv, rows, cbuf, gxb, sg, sw) in enumerate(slots):
            cbase = wbase + ch * 16
            rowbase = cbase * 8
            gathers[i].wait()
            compute(rows, cbuf, gxb)
            writes.append(pltpu.async_copy(
                rows.at[:, pl.ds(0, 128)],
                pa_hbm.at[pl.ds(rowbase, 128)], sw))
            writes.append(pltpu.async_copy(
                rows.at[:, pl.ds(128, 128)],
                pb_hbm.at[pl.ds(rowbase, 128)], sw))
            writes.append(pltpu.async_copy(
                rows.at[:, pl.ds(256, 8)],
                pc_hbm.at[pl.ds(rowbase, 128)], sw))
            writes.append(
                pltpu.async_copy(gxb, gx_hbm.at[pl.ds(rowbase, 128)], sw))
        for w in writes:
            w.wait()
        return carry

    lax.fori_loop(0, npair, pair_body, 0)


def _sc_gather(table, xyz16, iflat):
    bn, dp = table.shape
    info = plsc.get_sparse_core_info()
    nw = info.num_cores * info.num_subcores
    cpw = bn // nw
    mesh = plsc.VectorSubcoreMesh(core_axis_name="c", subcore_axis_name="s")
    return pl.kernel(
        functools.partial(_gather_body, info.num_cores, cpw, dp),
        out_type=(
            jax.ShapeDtypeStruct((bn * 8, 128), jnp.float32),
            jax.ShapeDtypeStruct((bn * 8, 128), jnp.float32),
            jax.ShapeDtypeStruct((bn * 8, 8), jnp.float32),
            jax.ShapeDtypeStruct((bn * 8, 8), jnp.float32),
        ),
        mesh=mesh,
        compiler_params=pltpu.CompilerParams(
            use_tc_tiling_on_sc=False, needs_layout_passes=False),
        scratch_types=[
            pltpu.VMEM((128,), jnp.int32),
            pltpu.VMEM((128,), jnp.int32),
            pltpu.VMEM((128, dp), jnp.float32),
            pltpu.VMEM((128, dp), jnp.float32),
            pltpu.VMEM((16, 16), jnp.float32),
            pltpu.VMEM((16, 16), jnp.float32),
            pltpu.VMEM((128, 8), jnp.float32),
            pltpu.VMEM((128, 8), jnp.float32),
            pltpu.SemaphoreType.DMA,
            pltpu.SemaphoreType.DMA,
            pltpu.SemaphoreType.DMA,
            pltpu.SemaphoreType.DMA,
        ],
    )(table, xyz16, iflat)


def kernel(radius, xyz, points):
    b, n, _ = xyz.shape
    cp = points.shape[-1]
    d = cp + 3
    dp = -(-d // 8) * 8
    judge = (jnp.asarray(radius, jnp.float32) ** 2).reshape(1, 1)
    xyz_t = jnp.transpose(xyz, (0, 2, 1))
    idx, iflat = _tc_select(judge, xyz_t, xyz)
    table = jnp.concatenate(
        [xyz, points, jnp.zeros((b, n, dp - d), jnp.float32)],
        axis=-1).reshape(b * n, dp)
    xyz16 = jnp.concatenate(
        [xyz, jnp.zeros((b, n, 13), jnp.float32)], axis=-1).reshape(b * n, 16)
    pa, pb, pc, gx = _sc_gather(table, xyz16, iflat.reshape(b * n * 8))
    grouped_xyz = jnp.reshape(gx, (b, n, 8, 8))[..., :3]
    grouped_points = jnp.concatenate(
        [jnp.reshape(pa, (b, n, 8, 128)),
         jnp.reshape(pb, (b, n, 8, 128)),
         jnp.reshape(pc, (b, n, 8, 8))[..., : d - 256]],
        axis=-1)
    return (grouped_xyz, grouped_points, idx)

# --- scband reference (transcript-rebuilt; emitter-appended) ---
"""Pipeline reference for scband-point-sift-module-basic-4389456577473 (READ-ONLY COPY).

The authoritative reference and input builder live on the scoring server;
editing this copy changes nothing except your own understanding.
"""

import jax, jax.numpy as jnp
import numpy as np


def setup_inputs(seed: int = 0) -> dict:
    key = jax.random.key(seed)
    k1, k2 = jax.random.split(key)
    xyz = jax.random.normal(k1, (4, 1024, 3), dtype=jnp.float32)
    points = jax.random.normal(k2, (4, 1024, 256), dtype=jnp.float32)
    return {"radius": 1, "xyz": xyz, "points": points}


def _index_points(points, idx):
    # points: [B, N, C]; idx: [B, N, 8] -> [B, N, 8, C]
    return jax.vmap(lambda p, i: p[i])(points, idx)


def _pointsift_select(radius, xyz):
    # Vectorized, faithful translation of the per-center python loop in
    # pointsift_select: for each center n, in each of 8 octants pick the
    # nearest point with 1e-10 < dist^2 < radius^2, else fall back to n itself.
    B, N, _ = xyz.shape
    judge_dist = jnp.asarray(radius, dtype=jnp.float32) ** 2
    # d[b, n, p, :] = xyz[b, p] - xyz[b, n]  (candidate minus centroid)
    d = xyz[:, None, :, :] - xyz[:, :, None, :]
    dist = jnp.sum(d * d, axis=-1)  # [B, N, N]
    # torch .int() truncates toward zero; astype(int32) matches
    sub = jnp.sum((d + 1.0).astype(jnp.int32) * jnp.array([4, 2, 1], dtype=jnp.int32), axis=-1)  # [B, N, N]
    eye = jnp.eye(N, dtype=bool)[None, :, :]
    # baseline: distance[:, n, :] = judge_dist at p == n (self), 1e10 elsewhere
    base = jnp.where(eye, judge_dist, jnp.float32(1e10))
    base = jnp.broadcast_to(base, dist.shape)
    idx_per_octant = []
    for i in range(8):
        mask = (sub == i) & (dist > 1e-10) & (dist < judge_dist)
        di = jnp.where(mask, dist, base)
        idx_per_octant.append(jnp.argmin(di, axis=-1))  # [B, N]
    return jnp.stack(idx_per_octant, axis=-1)  # [B, N, 8]


def reference(radius, xyz, points):
    B, N, C = xyz.shape
    assert C == 3
    idx = _pointsift_select(radius, xyz)
    grouped_xyz = _index_points(xyz, idx) - xyz[:, :, None, :]  # [B, N, 8, 3]
    grouped_points = _index_points(points, idx)  # [B, N, 8, Cp]
    grouped_points = jnp.concatenate([grouped_xyz, grouped_points], axis=-1)  # use_xyz=True
    return (grouped_xyz, grouped_points, idx)

if __name__ == "__main__":
    import jax
    _d = setup_inputs()
    print(jax.jit(kernel)(*tuple(_d.values())))

</pallas_src>

<mosaic_0001>
#map = affine_map<(d0, d1) -> (0, 0)>
#map1 = affine_map<(d0, d1) -> (0)>
module attributes {stable_mosaic.version = 14 : i64} {
  func.func @_gather_body(%arg0: i32, %arg1: i32, %arg2: memref<4096x264xf32, #tpu.memory_space<hbm>>, %arg3: memref<4096x16xf32, #tpu.memory_space<hbm>>, %arg4: memref<32768xi32, #tpu.memory_space<hbm>>, %arg5: memref<32768x128xf32, #tpu.memory_space<hbm>>, %arg6: memref<32768x128xf32, #tpu.memory_space<hbm>>, %arg7: memref<32768x8xf32, #tpu.memory_space<hbm>>, %arg8: memref<32768x8xf32, #tpu.memory_space<hbm>>, %arg9: memref<128xi32, #tpu.memory_space<vmem>>, %arg10: memref<128xi32, #tpu.memory_space<vmem>>, %arg11: memref<128x264xf32, #tpu.memory_space<vmem>>, %arg12: memref<128x264xf32, #tpu.memory_space<vmem>>, %arg13: memref<16x16xf32, #tpu.memory_space<vmem>>, %arg14: memref<16x16xf32, #tpu.memory_space<vmem>>, %arg15: memref<128x8xf32, #tpu.memory_space<vmem>>, %arg16: memref<128x8xf32, #tpu.memory_space<vmem>>, %arg17: memref<!tpu.dma_semaphore, #tpu.memory_space<semaphore_mem>>, %arg18: memref<!tpu.dma_semaphore, #tpu.memory_space<semaphore_mem>>, %arg19: memref<!tpu.dma_semaphore, #tpu.memory_space<semaphore_mem>>, %arg20: memref<!tpu.dma_semaphore, #tpu.memory_space<semaphore_mem>>) attributes {dimension_semantics = [#tpu.dimension_semantics<core_parallel>, #tpu.dimension_semantics<subcore_parallel>], iteration_bounds = array<i64: 2, 16>, scalar_prefetch = 0 : i64, scratch_operands = 12 : i64, tpu.core_type = #tpu.core_type<sc_vector_subcore>, window_params = [{transform_indices = #map}, {transform_indices = #map}, {transform_indices = #map1}, {transform_indices = #map}, {transform_indices = #map}, {transform_indices = #map}, {transform_indices = #map}]} {
    %mul3A = arith.constant 2 : i32
    %mul3A_0 = arith.muli %arg1, %mul3A : i32
    %add3A = arith.addi %mul3A_0, %arg0 : i32
    %mul3A_1 = arith.constant 128 : i32
    %mul3A_2 = arith.muli %add3A, %mul3A_1 : i32
    %iota3A = tpu.iota {dimensions = array<i32: 0>} : vector<16xi32>
    %lt3A = arith.constant 3 : i32
    %lt3A_3 = vector.broadcast %lt3A : i32 to vector<16xi32>
    %lt3A_4 = arith.cmpi slt, %iota3A, %lt3A_3 : vector<16xi32>
    %scan3A = arith.constant 0 : i32
    %scan3A_5 = arith.constant 0 : i32
    %scan3A_6 = arith.constant 4 : i32
    %scan3A_7 = arith.addi %scan3A_5, %scan3A_6 : i32
    %scan3A_8 = arith.constant 1 : i32
    scf.for %scan3A_10 = %scan3A_5 to %scan3A_7 step %scan3A_8  : i32 {
      %mul3A_11 = arith.constant 2 : i32
      %mul3A_12 = arith.muli %mul3A_11, %scan3A_10 : i32
      %mul3A_13 = arith.constant 2 : i32
      %mul3A_14 = arith.muli %mul3A_13, %scan3A_10 : i32
      %add3A_15 = arith.constant 1 : i32
      %add3A_16 = arith.addi %mul3A_14, %add3A_15 : i32
      %mul3A_17 = arith.constant 16 : i32
      %mul3A_18 = arith.muli %mul3A_12, %mul3A_17 : i32
      %add3A_19 = arith.addi %mul3A_2, %mul3A_18 : i32
      %mul3A_20 = arith.constant 8 : i32
      %mul3A_21 = arith.muli %add3A_19, %mul3A_20 : i32
      "tpu.region"() ({
        %run_scoped3A = tpu.sem_alloc : memref<!tpu.dma_semaphore, #tpu.memory_space<semaphore_mem>>
        %dma_start3A_3217 = tpu.memref_slice %arg4[%mul3A_21] : memref<32768xi32, #tpu.memory_space<hbm>> -> memref<128xi32, #tpu.memory_space<hbm>>
        %dma_start3A_3218 = tpu.memref_slice %arg4[%mul3A_21] : memref<32768xi32, #tpu.memory_space<hbm>> -> memref<128xi32, #tpu.memory_space<hbm>>
        tpu.enqueue_dma source(%dma_start3A_3218 : memref<128xi32, #tpu.memory_space<hbm>>) target(%arg9 : memref<128xi32, #tpu.memory_space<vmem>>) target_semaphore(%run_scoped3A : memref<!tpu.dma_semaphore, #tpu.memory_space<semaphore_mem>>)
        %dma_wait3A_3219 = tpu.memref_slice %arg4[%mul3A_21] : memref<32768xi32, #tpu.memory_space<hbm>> -> memref<128xi32, #tpu.memory_space<hbm>>
        %dma_wait3A_3220 = tpu.memref_slice %arg4[%mul3A_21] : memref<32768xi32, #tpu.memory_space<hbm>> -> memref<128xi32, #tpu.memory_space<hbm>>
        tpu.wait_dma2 semaphore(%run_scoped3A : memref<!tpu.dma_semaphore, #tpu.memory_space<semaphore_mem>>) src(%dma_wait3A_3220 : memref<128xi32, #tpu.memory_space<hbm>>) dst(%arg9 : memref<128xi32, #tpu.memory_space<vmem>>)
        tpu.yield
      }) : () -> ()
      "tpu.region"() ({
        %run_scoped3A = tpu.sem_alloc : memref<!tpu.dma_semaphore, #tpu.memory_space<semaphore_mem>>
        %dma_start3A_3217 = arith.constant 0 : i32
        %dma_start3A_3218 = tpu.memref_slice %arg3[%add3A_19, %dma_start3A_3217] : memref<4096x16xf32, #tpu.memory_space<hbm>> -> memref<16x16xf32, #tpu.memory_space<hbm>>
        %dma_start3A_3219 = arith.constant 0 : i32
        %dma_start3A_3220 = tpu.memref_slice %arg3[%add3A_19, %dma_start3A_3219] : memref<4096x16xf32, #tpu.memory_space<hbm>> -> memref<16x16xf32, #tpu.memory_space<hbm>>
        tpu.enqueue_dma source(%dma_start3A_3220 : memref<16x16xf32, #tpu.memory_space<hbm>>) target(%arg13 : memref<16x16xf32, #tpu.memory_space<vmem>>) target_semaphore(%run_scoped3A : memref<!tpu.dma_semaphore, #tpu.memory_space<semaphore_mem>>)
        %dma_wait3A_3221 = arith.constant 0 : i32
        %dma_wait3A_3222 = tpu.memref_slice %arg3[%add3A_19, %dma_wait3A_3221] : memref<4096x16xf32, #tpu.memory_space<hbm>> -> memref<16x16xf32, #tpu.memory_space<hbm>>
        %dma_wait3A_3223 = arith.constant 0 : i32
        %dma_wait3A_3224 = tpu.memref_slice %arg3[%add3A_19, %dma_wait3A_3223] : memref<4096x16xf32, #tpu.memory_space<hbm>> -> memref<16x16xf32, #tpu.memory_space<hbm>>
        tpu.wait_dma2 semaphore(%run_scoped3A : memref<!tpu.dma_semaphore, #tpu.memory_space<semaphore_mem>>) src(%dma_wait3A_3224 : memref<16x16xf32, #tpu.memory_space<hbm>>) dst(%arg13 : memref<16x16xf32, #tpu.memory_space<vmem>>)
        tpu.yield
      }) : () -> ()
      %dma_start3A = arith.constant 0 : i32
      %dma_start3A_22 = arith.constant 0 : i32
      %dma_start3A_23 = tpu.memref_slice %arg2[%dma_start3A, %dma_start3A_22] : memref<4096x264xf32, #tpu.memory_space<hbm>> -> memref<4096x264xf32, #tpu.memory_space<hbm>>
      tpu.enqueue_indirect_dma source(%dma_start3A_23 : memref<4096x264xf32, #tpu.memory_space<hbm>>) target(%arg11 : memref<128x264xf32, #tpu.memory_space<vmem>>) offsets(%arg9 : memref<128xi32, #tpu.memory_space<vmem>>) semaphore(%arg17 : memref<!tpu.dma_semaphore, #tpu.memory_space<semaphore_mem>>)
      %mul3A_24 = arith.constant 16 : i32
      %mul3A_25 = arith.muli %add3A_16, %mul3A_24 : i32
      %add3A_26 = arith.addi %mul3A_2, %mul3A_25 : i32
      %mul3A_27 = arith.constant 8 : i32
      %mul3A_28 = arith.muli %add3A_26, %mul3A_27 : i32
      "tpu.region"() ({
        %run_scoped3A = tpu.sem_alloc : memref<!tpu.dma_semaphore, #tpu.memory_space<semaphore_mem>>
        %dma_start3A_3217 = tpu.memref_slice %arg4[%mul3A_28] : memref<32768xi32, #tpu.memory_space<hbm>> -> memref<128xi32, #tpu.memory_space<hbm>>
        %dma_start3A_3218 = tpu.memref_slice %arg4[%mul3A_28] : memref<32768xi32, #tpu.memory_space<hbm>> -> memref<128xi32, #tpu.memory_space<hbm>>
        tpu.enqueue_dma source(%dma_start3A_3218 : memref<128xi32, #tpu.memory_space<hbm>>) target(%arg10 : memref<128xi32, #tpu.memory_space<vmem>>) target_semaphore(%run_scoped3A : memref<!tpu.dma_semaphore, #tpu.memory_space<semaphore_mem>>)
        %dma_wait3A_3219 = tpu.memref_slice %arg4[%mul3A_28] : memref<32768xi32, #tpu.memory_space<hbm>> -> memref<128xi32, #tpu.memory_space<hbm>>
        %dma_wait3A_3220 = tpu.memref_slice %arg4[%mul3A_28] : memref<32768xi32, #tpu.memory_space<hbm>> -> memref<128xi32, #tpu.memory_space<hbm>>
        tpu.wait_dma2 semaphore(%run_scoped3A : memref<!tpu.dma_semaphore, #tpu.memory_space<semaphore_mem>>) src(%dma_wait3A_3220 : memref<128xi32, #tpu.memory_space<hbm>>) dst(%arg10 : memref<128xi32, #tpu.memory_space<vmem>>)
        tpu.yield
      }) : () -> ()
      "tpu.region"() ({
        %run_scoped3A = tpu.sem_alloc : memref<!tpu.dma_semaphore, #tpu.memory_space<semaphore_mem>>
        %dma_start3A_3217 = arith.constant 0 : i32
        %dma_start3A_3218 = tpu.memref_slice %arg3[%add3A_26, %dma_start3A_3217] : memref<4096x16xf32, #tpu.memory_space<hbm>> -> memref<16x16xf32, #tpu.memory_space<hbm>>
        %dma_start3A_3219 = arith.constant 0 : i32
        %dma_start3A_3220 = tpu.memref_slice %arg3[%add3A_26, %dma_start3A_3219] : memref<4096x16xf32, #tpu.memory_space<hbm>> -> memref<16x16xf32, #tpu.memory_space<hbm>>
        tpu.enqueue_dma source(%dma_start3A_3220 : memref<16x16xf32, #tpu.memory_space<hbm>>) target(%arg14 : memref<16x16xf32, #tpu.memory_space<vmem>>) target_semaphore(%run_scoped3A : memref<!tpu.dma_semaphore, #tpu.memory_space<semaphore_mem>>)
        %dma_wait3A_3221 = arith.constant 0 : i32
        %dma_wait3A_3222 = tpu.memref_slice %arg3[%add3A_26, %dma_wait3A_3221] : memref<4096x16xf32, #tpu.memory_space<hbm>> -> memref<16x16xf32, #tpu.memory_space<hbm>>
        %dma_wait3A_3223 = arith.constant 0 : i32
        %dma_wait3A_3224 = tpu.memref_slice %arg3[%add3A_26, %dma_wait3A_3223] : memref<4096x16xf32, #tpu.memory_space<hbm>> -> memref<16x16xf32, #tpu.memory_space<hbm>>
        tpu.wait_dma2 semaphore(%run_scoped3A : memref<!tpu.dma_semaphore, #tpu.memory_space<semaphore_mem>>) src(%dma_wait3A_3224 : memref<16x16xf32, #tpu.memory_space<hbm>>) dst(%arg14 : memref<16x16xf32, #tpu.memory_space<vmem>>)
        tpu.yield
      }) : () -> ()
      %dma_start3A_29 = arith.constant 0 : i32
      %dma_start3A_30 = arith.constant 0 : i32
      %dma_start3A_31 = tpu.memref_slice %arg2[%dma_start3A_29, %dma_start3A_30] : memref<4096x264xf32, #tpu.memory_space<hbm>> -> memref<4096x264xf32, #tpu.memory_space<hbm>>
      tpu.enqueue_indirect_dma source(%dma_start3A_31 : memref<4096x264xf32, #tpu.memory_space<hbm>>) target(%arg12 : memref<128x264xf32, #tpu.memory_space<vmem>>) offsets(%arg10 : memref<128xi32, #tpu.memory_space<vmem>>) semaphore(%arg18 : memref<!tpu.dma_semaphore, #tpu.memory_space<semaphore_mem>>)
      %mul3A_32 = arith.constant 16 : i32
      %mul3A_33 = arith.muli %mul3A_12, %mul3A_32 : i32
      %add3A_34 = arith.addi %mul3A_2, %mul3A_33 : i32
      %mul3A_35 = arith.constant 8 : i32
      %mul3A_36 = arith.muli %add3A_34, %mul3A_35 : i32
      %dma_wait3A = arith.constant 0 : i32
      %dma_wait3A_37 = arith.constant 0 : i32
      %dma_wait3A_38 = tpu.memref_slice %arg2[%dma_wait3A, %dma_wait3A_37] : memref<4096x264xf32, #tpu.memory_space<hbm>> -> memref<4096x264xf32, #tpu.memory_space<hbm>>
      tpu.wait_indirect_dma semaphore(%arg17 : memref<!tpu.dma_semaphore, #tpu.memory_space<semaphore_mem>>) src(%dma_wait3A_38 : memref<4096x264xf32, #tpu.memory_space<hbm>>) dst(%arg11 : memref<128x264xf32, #tpu.memory_space<vmem>>)
      %get3A = arith.constant 0 : i32
      %get3A_39 = arith.index_cast %get3A : i32 to index
      %get3A_40 = arith.constant 0 : index
      %get3A_41 = tpu.vector_load %arg13[%get3A_39, %get3A_40] {strides = array<i32>} : memref<16x16xf32, #tpu.memory_space<vmem>>, vector<16xf32>,
      %jit3A = arith.constant 0.000000e+00 : f32
      %broadcast_in_dim3A = vector.broadcast %jit3A : f32 to vector<16xf32>
      %select_n3A = arith.select %lt3A_4, %get3A_41, %broadcast_in_dim3A : vector<16xi1>, vector<16xf32>
      %get3A_42 = arith.constant 1 : i32
      %get3A_43 = arith.index_cast %get3A_42 : i32 to index
      %get3A_44 = arith.constant 0 : index
      %get3A_45 = tpu.vector_load %arg13[%get3A_43, %get3A_44] {strides = array<i32>} : memref<16x16xf32, #tpu.memory_space<vmem>>, vector<16xf32>,
      %jit3A_46 = arith.constant 0.000000e+00 : f32
      %broadcast_in_dim3A_47 = vector.broadcast %jit3A_46 : f32 to vector<16xf32>
      %select_n3A_48 = arith.select %lt3A_4, %get3A_45, %broadcast_in_dim3A_47 : vector<16xi1>, vector<16xf32>
      %get3A_49 = arith.constant 2 : i32
      %get3A_50 = arith.index_cast %get3A_49 : i32 to index
      %get3A_51 = arith.constant 0 : index
      %get3A_52 = tpu.vector_load %arg13[%get3A_50, %get3A_51] {strides = array<i32>} : memref<16x16xf32, #tpu.memory_space<vmem>>, vector<16xf32>,
      %jit3A_53 = arith.constant 0.000000e+00 : f32
      %broadcast_in_dim3A_54 = vector.broadcast %jit3A_53 : f32 to vector<16xf32>
      %select_n3A_55 = arith.select %lt3A_4, %get3A_52, %broadcast_in_dim3A_54 : vector<16xi1>, vector<16xf32>
      %get3A_56 = arith.constant 3 : i32
      %get3A_57 = arith.index_cast %get3A_56 : i32 to index
      %get3A_58 = arith.constant 0 : index
      %get3A_59 = tpu.vector_load %arg13[%get3A_57, %get3A_58] {strides = array<i32>} : memref<16x16xf32, #tpu.memory_space<vmem>>, vector<16xf32>,
      %jit3A_60 = arith.constant 0.000000e+00 : f32
      %broadcast_in_dim3A_61 = vector.broadcast %jit3A_60 : f32 to vector<16xf32>
      %select_n3A_62 = arith.select %lt3A_4, %get3A_59, %broadcast_in_dim3A_61 : vector<16xi1>, vector<16xf32>
      %get3A_63 = arith.constant 4 : i32
      %get3A_64 = arith.index_cast %get3A_63 : i32 to index
      %get3A_65 = arith.constant 0 : index
      %get3A_66 = tpu.vector_load %arg13[%get3A_64, %get3A_65] {strides = array<i32>} : memref<16x16xf32, #tpu.memory_space<vmem>>, vector<16xf32>,
      %jit3A_67 = arith.constant 0.000000e+00 : f32
      %broadcast_in_dim3A_68 = vector.broadcast %jit3A_67 : f32 to vector<16xf32>
      %select_n3A_69 = arith.select %lt3A_4, %get3A_66, %broadcast_in_dim3A_68 : vector<16xi1>, vector<16xf32>
      %get3A_70 = arith.constant 5 : i32
      %get3A_71 = arith.index_cast %get3A_70 : i32 to index
      %get3A_72 = arith.constant 0 : index
      %get3A_73 = tpu.vector_load %arg13[%get3A_71, %get3A_72] {strides = array<i32>} : memref<16x16xf32, #tpu.memory_space<vmem>>, vector<16xf32>,
      %jit3A_74 = arith.constant 0.000000e+00 : f32
      %broadcast_in_dim3A_75 = vector.broadcast %jit3A_74 : f32 to vector<16xf32>
      %select_n3A_76 = arith.select %lt3A_4, %get3A_73, %broadcast_in_dim3A_75 : vector<16xi1>, vector<16xf32>
      %get3A_77 = arith.constant 6 : i32
      %get3A_78 = arith.index_cast %get3A_77 : i32 to index
      %get3A_79 = arith.constant 0 : index
      %get3A_80 = tpu.vector_load %arg13[%get3A_78, %get3A_79] {strides = array<i32>} : memref<16x16xf32, #tpu.memory_space<vmem>>, vector<16xf32>,
      %jit3A_81 = arith.constant 0.000000e+00 : f32
      %broadcast_in_dim3A_82 = vector.broadcast %jit3A_81 : f32 to vector<16xf32>
      %select_n3A_83 = arith.select %lt3A_4, %get3A_80, %broadcast_in_dim3A_82 : vector<16xi1>, vector<16xf32>
      %get3A_84 = arith.constant 7 : i32
      %get3A_85 = arith.index_cast %get3A_84 : i32 to index
      %get3A_86 = arith.constant 0 : index
      %get3A_87 = tpu.vector_load %arg13[%get3A_85, %get3A_86] {strides = array<i32>} : memref<16x16xf32, #tpu.memory_space<vmem>>, vector<16xf32>,
      %jit3A_88 = arith.constant 0.000000e+00 : f32
      %broadcast_in_dim3A_89 = vector.broadcast %jit3A_88 : f32 to vector<16xf32>
      %select_n3A_90 = arith.select %lt3A_4, %get3A_87, %broadcast_in_dim3A_89 : vector<16xi1>, vector<16xf32>
      %get3A_91 = arith.constant 8 : i32
      %get3A_92 = arith.index_cast %get3A_91 : i32 to index
      %get3A_93 = arith.constant 0 : index
      %get3A_94 = tpu.vector_load %arg13[%get3A_92, %get3A_93] {strides = array<i32>} : memref<16x16xf32, #tpu.memory_space<vmem>>, vector<16xf32>,
      %jit3A_95 = arith.constant 0.000000e+00 : f32
      %broadcast_in_dim3A_96 = vector.broadcast %jit3A_95 : f32 to vector<16xf32>
      %select_n3A_97 = arith.select %lt3A_4, %get3A_94, %broadcast_in_dim3A_96 : vector<16xi1>, vector<16xf32>
      %get3A_98 = arith.constant 9 : i32
      %get3A_99 = arith.index_cast %get3A_98 : i32 to index
      %get3A_100 = arith.constant 0 : index
      %get3A_101 = tpu.vector_load %arg13[%get3A_99, %get3A_100] {strides = array<i32>} : memref<16x16xf32, #tpu.memory_space<vmem>>, vector<16xf32>,
      %jit3A_102 = arith.constant 0.000000e+00 : f32
      %broadcast_in_dim3A_103 = vector.broadcast %jit3A_102 : f32 to vector<16xf32>
      %select_n3A_104 = arith.select %lt3A_4, %get3A_101, %broadcast_in_dim3A_103 : vector<16xi1>, vector<16xf32>
      %get3A_105 = arith.constant 10 : i32
      %get3A_106 = arith.index_cast %get3A_105 : i32 to index
      %get3A_107 = arith.constant 0 : index
      %get3A_108 = tpu.vector_load %arg13[%get3A_106, %get3A_107] {strides = array<i32>} : memref<16x16xf32, #tpu.memory_space<vmem>>, vector<16xf32>,
      %jit3A_109 = arith.constant 0.000000e+00 : f32
      %broadcast_in_dim3A_110 = vector.broadcast %jit3A_109 : f32 to vector<16xf32>
      %select_n3A_111 = arith.select %lt3A_4, %get3A_108, %broadcast_in_dim3A_110 : vector<16xi1>, vector<16xf32>
      %get3A_112 = arith.constant 11 : i32
      %get3A_113 = arith.index_cast %get3A_112 : i32 to index
      %get3A_114 = arith.constant 0 : index
      %get3A_115 = tpu.vector_load %arg13[%get3A_113, %get3A_114] {strides = array<i32>} : memref<16x16xf32, #tpu.memory_space<vmem>>, vector<16xf32>,
      %jit3A_116 = arith.constant 0.000000e+00 : f32
      %broadcast_in_dim3A_117 = vector.broadcast %jit3A_116 : f32 to vector<16xf32>
      %select_n3A_118 = arith.select %lt3A_4, %get3A_115, %broadcast_in_dim3A_117 : vector<16xi1>, vector<16xf32>
      %get3A_119 = arith.constant 12 : i32
      %get3A_120 = arith.index_cast %get3A_119 : i32 to index
      %get3A_121 = arith.constant 0 : index
      %get3A_122 = tpu.vector_load %arg13[%get3A_120, %get3A_121] {strides = array<i32>} : memref<16x16xf32, #tpu.memory_space<vmem>>, vector<16xf32>,
      %jit3A_123 = arith.constant 0.000000e+00 : f32
      %broadcast_in_dim3A_124 = vector.broadcast %jit3A_123 : f32 to vector<16xf32>
      %select_n3A_125 = arith.select %lt3A_4, %get3A_122, %broadcast_in_dim3A_124 : vector<16xi1>, vector<16xf32>
      %get3A_126 = arith.constant 13 : i32
      %get3A_127 = arith.index_cast %get3A_126 : i32 to index
      %get3A_128 = arith.constant 0 : index
      %get3A_129 = tpu.vector_load %arg13[%get3A_127, %get3A_128] {strides = array<i32>} : memref<16x16xf32, #tpu.memory_space<vmem>>, vector<16xf32>,
      %jit3A_130 = arith.constant 0.000000e+00 : f32
      %broadcast_in_dim3A_131 = vector.broadcast %jit3A_130 : f32 to vector<16xf32>
      %select_n3A_132 = arith.select %lt3A_4, %get3A_129, %broadcast_in_dim3A_131 : vector<16xi1>, vector<16xf32>
      %get3A_133 = arith.constant 14 : i32
      %get3A_134 = arith.index_cast %get3A_133 : i32 to index
      %get3A_135 = arith.constant 0 : index
      %get3A_136 = tpu.vector_load %arg13[%get3A_134, %get3A_135] {strides = array<i32>} : memref<16x16xf32, #tpu.memory_space<vmem>>, vector<16xf32>,
      %jit3A_137 = arith.constant 0.000000e+00 : f32
      %broadcast_in_dim3A_138 = vector.broadcast %jit3A_137 : f32 to vector<16xf32>
      %select_n3A_139 = arith.select %lt3A_4, %get3A_136, %broadcast_in_dim3A_138 : vector<16xi1>, vector<16xf32>
      %get3A_140 = arith.constant 15 : i32
      %get3A_141 = arith.index_cast %get3A_140 : i32 to index
      %get3A_142 = arith.constant 0 : index
      %get3A_143 = tpu.vector_load %arg13[%get3A_141, %get3A_142] {strides = array<i32>} : memref<16x16xf32, #tpu.memory_space<vmem>>, vector<16xf32>,
      %jit3A_144 = arith.constant 0.000000e+00 : f32
      %broadcast_in_dim3A_145 = vector.broadcast %jit3A_144 : f32 to vector<16xf32>
      %select_n3A_146 = arith.select %lt3A_4, %get3A_143, %broadcast_in_dim3A_145 : vector<16xi1>, vector<16xf32>
      %get3A_147 = arith.constant 0 : i32
      %get3A_148 = arith.index_cast %get3A_147 : i32 to index
      %get3A_149 = arith.constant 0 : index
      %get3A_150 = tpu.vector_load %arg11[%get3A_148, %get3A_149] {strides = array<i32>} : memref<128x264xf32, #tpu.memory_space<vmem>>, vector<16xf32>,
      %sub3A = arith.subf %get3A_150, %select_n3A : vector<16xf32>
      %swap3A = arith.constant 0 : i32
      %swap3A_151 = arith.index_cast %swap3A : i32 to index
      %swap3A_152 = arith.constant 0 : index
      %swap3A_153 = tpu.vector_load %arg11[%swap3A_151, %swap3A_152] {strides = array<i32>} : memref<128x264xf32, #tpu.memory_space<vmem>>, vector<16xf32>,
      tpu.vector_store %arg11[%swap3A_151, %swap3A_152], %sub3A {strides = array<i32>} : memref<128x264xf32, #tpu.memory_space<vmem>>, vector<16xf32>,
      %broadcast_in_dim3A_154 = arith.constant 0 : i32
      %broadcast_in_dim3A_155 = vector.broadcast %broadcast_in_dim3A_154 : i32 to vector<16xi32>
      tpu.vector_store_idx %arg15[%broadcast_in_dim3A_155, %iota3A], %sub3A masked %lt3A_4 : memref<128x8xf32, #tpu.memory_space<vmem>>[vector<16xi32>, vector<16xi32>], vector<16xf32>, vector<16xi1>
      %get3A_156 = arith.constant 1 : i32
      %get3A_157 = arith.index_cast %get3A_156 : i32 to index
      %get3A_158 = arith.constant 0 : index
      %get3A_159 = tpu.vector_load %arg11[%get3A_157, %get3A_158] {strides = array<i32>} : memref<128x264xf32, #tpu.memory_space<vmem>>, vector<16xf32>,
      %sub3A_160 = arith.subf %get3A_159, %select_n3A : vector<16xf32>
      %swap3A_161 = arith.constant 1 : i32
      %swap3A_162 = arith.index_cast %swap3A_161 : i32 to index
      %swap3A_163 = arith.constant 0 : index
      %swap3A_164 = tpu.vector_load %arg11[%swap3A_162, %swap3A_163] {strides = array<i32>} : memref<128x264xf32, #tpu.memory_space<vmem>>, vector<16xf32>,
      tpu.vector_store %arg11[%swap3A_162, %swap3A_163], %sub3A_160 {strides = array<i32>} : memref<128x264xf32, #tpu.memory_space<vmem>>, vector<16xf32>,
      %broadcast_in_dim3A_165 = arith.constant 1 : i32
      %broadcast_in_dim3A_166 = vector.broadcast %broadcast_in_dim3A_165 : i32 to vector<16xi32>
      tpu.vector_store_idx %arg15[%broadcast_in_dim3A_166, %iota3A], %sub3A_160 masked %lt3A_4 : memref<128x8xf32, #tpu.memory_space<vmem>>[vector<16xi32>, vector<16xi32>], vector<16xf32>, vector<16xi1>
      %get3A_167 = arith.constant 2 : i32
      %get3A_168 = arith.index_cast %get3A_167 : i32 to index
      %get3A_169 = arith.constant 0 : index
      %get3A_170 = tpu.vector_load %arg11[%get3A_168, %get3A_169] {strides = array<i32>} : memref<128x264xf32, #tpu.memory_space<vmem>>, vector<16xf32>,
      %sub3A_171 = arith.subf %get3A_170, %select_n3A : vector<16xf32>
      %swap3A_172 = arith.constant 2 : i32
      %swap3A_173 = arith.index_cast %swap3A_172 : i32 to index
      %swap3A_174 = arith.constant 0 : index
      %swap3A_175 = tpu.vector_load %arg11[%swap3A_173, %swap3A_174] {strides = array<i32>} : memref<128x264xf32, #tpu.memory_space<vmem>>, vector<16xf32>,
      tpu.vector_store %arg11[%swap3A_173, %swap3A_174], %sub3A_171 {strides = array<i32>} : memref<128x264xf32, #tpu.memory_space<vmem>>, vector<16xf32>,
      %broadcast_in_dim3A_176 = arith.constant 2 : i32
      %broadcast_in_dim3A_177 = vector.broadcast %broadcast_in_dim3A_176 : i32 to vector<16xi32>
      tpu.vector_store_idx %arg15[%broadcast_in_dim3A_177, %iota3A], %sub3A_171 masked %lt3A_4 : memref<128x8xf32, #tpu.memory_space<vmem>>[vector<16xi32>, vector<16xi32>], vector<16xf32>, vector<16xi1>
      %get3A_178 = arith.constant 3 : i32
      %get3A_179 = arith.index_cast %get3A_178 : i32 to index
      %get3A_180 = arith.constant 0 : index
      %get3A_181 = tpu.vector_load %arg11[%get3A_179, %get3A_180] {strides = array<i32>} : memref<128x264xf32, #tpu.memory_space<vmem>>, vector<16xf32>,
      %sub3A_182 = arith.subf %get3A_181, %select_n3A : vector<16xf32>
      %swap3A_183 = arith.constant 3 : i32
      %swap3A_184 = arith.index_cast %swap3A_183 : i32 to index
      %swap3A_185 = arith.constant 0 : index
      %swap3A_186 = tpu.vector_load %arg11[%swap3A_184, %swap3A_185] {strides = array<i32>} : memref<128x264xf32, #tpu.memory_space<vmem>>, vector<16xf32>,
      tpu.vector_store %arg11[%swap3A_184, %swap3A_185], %sub3A_182 {strides = array<i32>} : memref<128x264xf32, #tpu.memory_space<vmem>>, vector<16xf32>,
      %broadcast_in_dim3A_187 = arith.constant 3 : i32
      %broadcast_in_dim3A_188 = vector.broadcast %broadcast_in_dim3A_187 : i32 to vector<16xi32>
      tpu.vector_store_idx %arg15[%broadcast_in_dim3A_188, %iota3A], %sub3A_182 masked %lt3A_4 : memref<128x8xf32, #tpu.memory_space<vmem>>[vector<16xi32>, vector<16xi32>], vector<16xf32>, vector<16xi1>
      %get3A_189 = arith.constant 4 : i32
      %get3A_190 = arith.index_cast %get3A_189 : i32 to index
      %get3A_191 = arith.constant 0 : index
      %get3A_192 = tpu.vector_load %arg11[%get3A_190, %get3A_191] {strides = array<i32>} : memref<128x264xf32, #tpu.memory_space<vmem>>, vector<16xf32>,
      %sub3A_193 = arith.subf %get3A_192, %select_n3A : vector<16xf32>
      %swap3A_194 = arith.constant 4 : i32
      %swap3A_195 = arith.index_cast %swap3A_194 : i32 to index
      %swap3A_196 = arith.constant 0 : index
      %swap3A_197 = tpu.vector_load %arg11[%swap3A_195, %swap3A_196] {strides = array<i32>} : memref<128x264xf32, #tpu.memory_space<vmem>>, vector<16xf32>,
      tpu.vector_store %arg11[%swap3A_195, %swap3A_196], %sub3A_193 {strides = array<i32>} : memref<128x264xf32, #tpu.memory_space<vmem>>, vector<16xf32>,
      %broadcast_in_dim3A_198 = arith.constant 4 : i32
      %broadcast_in_dim3A_199 = vector.broadcast %broadcast_in_dim3A_198 : i32 to vector<16xi32>
      tpu.vector_store_idx %arg15[%broadcast_in_dim3A_199, %iota3A], %sub3A_193 masked %lt3A_4 : memref<128x8xf32, #tpu.memory_space<vmem>>[vector<16xi32>, vector<16xi32>], vector<16xf32>, vector<16xi1>
      %get3A_200 = arith.constant 5 : i32
      %get3A_201 = arith.index_cast %get3A_200 : i32 to index
      %get3A_202 = arith.constant 0 : index
      %get3A_203 = tpu.vector_load %arg11[%get3A_201, %get3A_202] {strides = array<i32>} : memref<128x264xf32, #tpu.memory_space<vmem>>, vector<16xf32>,
      %sub3A_204 = arith.subf %get3A_203, %select_n3A : vector<16xf32>
      %swap3A_205 = arith.constant 5 : i32
      %swap3A_206 = arith.index_cast %swap3A_205 : i32 to index
      %swap3A_207 = arith.constant 0 : index
      %swap3A_208 = tpu.vector_load %arg11[%swap3A_206, %swap3A_207] {strides = array<i32>} : memref<128x264xf32, #tpu.memory_space<vmem>>, vector<16xf32>,
      tpu.vector_store %arg11[%swap3A_206, %swap3A_207], %sub3A_204 {strides = array<i32>} : memref<128x264xf32, #tpu.memory_space<vmem>>, vector<16xf32>,
      %broadcast_in_dim3A_209 = arith.constant 5 : i32
      %broadcast_in_dim3A_210 = vector.broadcast %broadcast_in_dim3A_209 : i32 to vector<16xi32>
      tpu.vector_store_idx %arg15[%broadcast_in_dim3A_210, %iota3A], %sub3A_204 masked %lt3A_4 : memref<128x8xf32, #tpu.memory_space<vmem>>[vector<16xi32>, vector<16xi32>], vector<16xf32>, vector<16xi1>
      %get3A_211 = arith.constant 6 : i32
      %get3A_212 = arith.index_cast %get3A_211 : i32 to index
      %get3A_213 = arith.constant 0 : index
      %get3A_214 = tpu.vector_load %arg11[%get3A_212, %get3A_213] {strides = array<i32>} : memref<128x264xf32, #tpu.memory_space<vmem>>, vector<16xf32>,
      %sub3A_215 = arith.subf %get3A_214, %select_n3A : vector<16xf32>
      %swap3A_216 = arith.constant 6 : i32
      %swap3A_217 = arith.index_cast %swap3A_216 : i32 to index
      %swap3A_218 = arith.constant 0 : index
      %swap3A_219 = tpu.vector_load %arg11[%swap3A_217, %swap3A_218] {strides = array<i32>} : memref<128x264xf32, #tpu.memory_space<vmem>>, vector<16xf32>,
      tpu.vector_store %arg11[%swap3A_217, %swap3A_218], %sub3A_215 {strides = array<i32>} : memref<128x264xf32, #tpu.memory_space<vmem>>, vector<16xf32>,
      %broadcast_in_dim3A_220 = arith.constant 6 : i32
      %broadcast_in_dim3A_221 = vector.broadcast %broadcast_in_dim3A_220 : i32 to vector<16xi32>
      tpu.vector_store_idx %arg15[%broadcast_in_dim3A_221, %iota3A], %sub3A_215 masked %lt3A_4 : memref<128x8xf32, #tpu.memory_space<vmem>>[vector<16xi32>, vector<16xi32>], vector<16xf32>, vector<16xi1>
      %get3A_222 = arith.constant 7 : i32
      %get3A_223 = arith.index_cast %get3A_222 : i32 to index
      %get3A_224 = arith.constant 0 : index
      %get3A_225 = tpu.vector_load %arg11[%get3A_223, %get3A_224] {strides = array<i32>} : memref<128x264xf32, #tpu.memory_space<vmem>>, vector<16xf32>,
      %sub3A_226 = arith.subf %get3A_225, %select_n3A : vector<16xf32>
      %swap3A_227 = arith.constant 7 : i32
      %swap3A_228 = arith.index_cast %swap3A_227 : i32 to index
      %swap3A_229 = arith.constant 0 : index
      %swap3A_230 = tpu.vector_load %arg11[%swap3A_228, %swap3A_229] {strides = array<i32>} : memref<128x264xf32, #tpu.memory_space<vmem>>, vector<16xf32>,
      tpu.vector_store %arg11[%swap3A_228, %swap3A_229], %sub3A_226 {strides = array<i32>} : memref<128x264xf32, #tpu.memory_space<vmem>>, vector<16xf32>,
      %broadcast_in_dim3A_231 = arith.constant 7 : i32
      %broadcast_in_dim3A_232 = vector.broadcast %broadcast_in_dim3A_231 : i32 to vector<16xi32>
      tpu.vector_store_idx %arg15[%broadcast_in_dim3A_232, %iota3A], %sub3A_226 masked %lt3A_4 : memref<128x8xf32, #tpu.memory_space<vmem>>[vector<16xi32>, vector<16xi32>], vector<16xf32>, vector<16xi1>
      %get3A_233 = arith.constant 8 : i32
      %get3A_234 = arith.index_cast %get3A_233 : i32 to index
      %get3A_235 = arith.constant 0 : index
      %get3A_236 = tpu.vector_load %arg11[%get3A_234, %get3A_235] {strides = array<i32>} : memref<128x264xf32, #tpu.memory_space<vmem>>, vector<16xf32>,
      %sub3A_237 = arith.subf %get3A_236, %select_n3A_48 : vector<16xf32>
      %swap3A_238 = arith.constant 8 : i32
      %swap3A_239 = arith.index_cast %swap3A_238 : i32 to index
      %swap3A_240 = arith.constant 0 : index
      %swap3A_241 = tpu.vector_load %arg11[%swap3A_239, %swap3A_240] {strides = array<i32>} : memref<128x264xf32, #tpu.memory_space<vmem>>, vector<16xf32>,
      tpu.vector_store %arg11[%swap3A_239, %swap3A_240], %sub3A_237 {strides = array<i32>} : memref<128x264xf32, #tpu.memory_space<vmem>>, vector<16xf32>,
      %broadcast_in_dim3A_242 = arith.constant 8 : i32
      %broadcast_in_dim3A_243 = vector.broadcast %broadcast_in_dim3A_242 : i32 to vector<16xi32>
      tpu.vector_store_idx %arg15[%broadcast_in_dim3A_243, %iota3A], %sub3A_237 masked %lt3A_4 : memref<128x8xf32, #tpu.memory_space<vmem>>[vector<16xi32>, vector<16xi32>], vector<16xf32>, vector<16xi1>
      %get3A_244 = arith.constant 9 : i32
      %get3A_245 = arith.index_cast %get3A_244 : i32 to index
      %get3A_246 = arith.constant 0 : index
      %get3A_247 = tpu.vector_load %arg11[%get3A_245, %get3A_246] {strides = array<i32>} : memref<128x264xf32, #tpu.memory_space<vmem>>, vector<16xf32>,
      %sub3A_248 = arith.subf %get3A_247, %select_n3A_48 : vector<16xf32>
      %swap3A_249 = arith.constant 9 : i32
      %swap3A_250 = arith.index_cast %swap3A_249 : i32 to index
      %swap3A_251 = arith.constant 0 : index
      %swap3A_252 = tpu.vector_load %arg11[%swap3A_250, %swap3A_251] {strides = array<i32>} : memref<128x264xf32, #tpu.memory_space<vmem>>, vector<16xf32>,
      tpu.vector_store %arg11[%swap3A_250, %swap3A_251], %sub3A_248 {strides = array<i32>} : memref<128x264xf32, #tpu.memory_space<vmem>>, vector<16xf32>,
      %broadcast_in_dim3A_253 = arith.constant 9 : i32
      %broadcast_in_dim3A_254 = vector.broadcast %broadcast_in_dim3A_253 : i32 to vector<16xi32>
      tpu.vector_store_idx %arg15[%broadcast_in_dim3A_254, %iota3A], %sub3A_248 masked %lt3A_4 : memref<128x8xf32, #tpu.memory_space<vmem>>[vector<16xi32>, vector<16xi32>], vector<16xf32>, vector<16xi1>
      %get3A_255 = arith.constant 10 : i32
      %get3A_256 = arith.index_cast %get3A_255 : i32 to index
      %get3A_257 = arith.constant 0 : index
      %get3A_258 = tpu.vector_load %arg11[%get3A_256, %get3A_257] {strides = array<i32>} : memref<128x264xf32, #tpu.memory_space<vmem>>, vector<16xf32>,
      %sub3A_259 = arith.subf %get3A_258, %select_n3A_48 : vector<16xf32>
      %swap3A_260 = arith.constant 10 : i32
      %swap3A_261 = arith.index_cast %swap3A_260 : i32 to index
      %swap3A_262 = arith.constant 0 : index
      %swap3A_263 = tpu.vector_load %arg11[%swap3A_261, %swap3A_262] {strides = array<i32>} : memref<128x264xf32, #tpu.memory_space<vmem>>, vector<16xf32>,
      tpu.vector_store %arg11[%swap3A_261, %swap3A_262], %sub3A_259 {strides = array<i32>} : memref<128x264xf32, #tpu.memory_space<vmem>>, vector<16xf32>,
      %broadcast_in_dim3A_264 = arith.constant 10 : i32
      %broadcast_in_dim3A_265 = vector.broadcast %broadcast_in_dim3A_264 : i32 to vector<16xi32>
      tpu.vector_store_idx %arg15[%broadcast_in_dim3A_265, %iota3A], %sub3A_259 masked %lt3A_4 : memref<128x8xf32, #tpu.memory_space<vmem>>[vector<16xi32>, vector<16xi32>], vector<16xf32>, vector<16xi1>
      %get3A_266 = arith.constant 11 : i32
      %get3A_267 = arith.index_cast %get3A_266 : i32 to index
      %get3A_268 = arith.constant 0 : index
      %get3A_269 = tpu.vector_load %arg11[%get3A_267, %get3A_268] {strides = array<i32>} : memref<128x264xf32, #tpu.memory_space<vmem>>, vector<16xf32>,
      %sub3A_270 = arith.subf %get3A_269, %select_n3A_48 : vector<16xf32>
      %swap3A_271 = arith.constant 11 : i32
      %swap3A_272 = arith.index_cast %swap3A_271 : i32 to index
      %swap3A_273 = arith.constant 0 : index
      %swap3A_274 = tpu.vector_load %arg11[%swap3A_272, %swap3A_273] {strides = array<i32>} : memref<128x264xf32, #tpu.memory_space<vmem>>, vector<16xf32>,
      tpu.vector_store %arg11[%swap3A_272, %swap3A_273], %sub3A_270 {strides = array<i32>} : memref<128x264xf32, #tpu.memory_space<vmem>>, vector<16xf32>,
      %broadcast_in_dim3A_275 = arith.constant 11 : i32
      %broadcast_in_dim3A_276 = vector.broadcast %broadcast_in_dim3A_275 : i32 to vector<16xi32>
      tpu.vector_store_idx %arg15[%broadcast_in_dim3A_276, %iota3A], %sub3A_270 masked %lt3A_4 : memref<128x8xf32, #tpu.memory_space<vmem>>[vector<16xi32>, vector<16xi32>], vector<16xf32>, vector<16xi1>
      %get3A_277 = arith.constant 12 : i32
      %get3A_278 = arith.index_cast %get3A_277 : i32 to index
      %get3A_279 = arith.constant 0 : index
      %get3A_280 = tpu.vector_load %arg11[%get3A_278, %get3A_279] {strides = array<i32>} : memref<128x264xf32, #tpu.memory_space<vmem>>, vector<16xf32>,
      %sub3A_281 = arith.subf %get3A_280, %select_n3A_48 : vector<16xf32>
      %swap3A_282 = arith.constant 12 : i32
      %swap3A_283 = arith.index_cast %swap3A_282 : i32 to index
      %swap3A_284 = arith.constant 0 : index
      %swap3A_285 = tpu.vector_load %arg11[%swap3A_283, %swap3A_284] {strides = array<i32>} : memref<128x264xf32, #tpu.memory_space<vmem>>, vector<16xf32>,
      tpu.vector_store %arg11[%swap3A_283, %swap3A_284], %sub3A_281 {strides = array<i32>} : memref<128x264xf32, #tpu.memory_space<vmem>>, vector<16xf32>,
      %broadcast_in_dim3A_286 = arith.constant 12 : i32
      %broadcast_in_dim3A_287 = vector.broadcast %broadcast_in_dim3A_286 : i32 to vector<16xi32>
      tpu.vector_store_idx %arg15[%broadcast_in_dim3A_287, %iota3A], %sub3A_281 masked %lt3A_4 : memref<128x8xf32, #tpu.memory_space<vmem>>[vector<16xi32>, vector<16xi32>], vector<16xf32>, vector<16xi1>
      %get3A_288 = arith.constant 13 : i32
      %get3A_289 = arith.index_cast %get3A_288 : i32 to index
      %get3A_290 = arith.constant 0 : index
      %get3A_291 = tpu.vector_load %arg11[%get3A_289, %get3A_290] {strides = array<i32>} : memref<128x264xf32, #tpu.memory_space<vmem>>, vector<16xf32>,
      %sub3A_292 = arith.subf %get3A_291, %select_n3A_48 : vector<16xf32>
      %swap3A_293 = arith.constant 13 : i32
      %swap3A_294 = arith.index_cast %swap3A_293 : i32 to index
      %swap3A_295 = arith.constant 0 : index
      %swap3A_296 = tpu.vector_load %arg11[%swap3A_294, %swap3A_295] {strides = array<i32>} : memref<128x264xf32, #tpu.memory_space<vmem>>, vector<16xf32>,
      tpu.vector_store %arg11[%swap3A_294, %swap3A_295], %sub3A_292 {strides = array<i32>} : memref<128x264xf32, #tpu.memory_space<vmem>>, vector<16xf32>,
      %broadcast_in_dim3A_297 = arith.constant 13 : i32
      %broadcast_in_dim3A_298 = vector.broadcast %broadcast_in_dim3A_297 : i32 to vector<16xi32>
      tpu.vector_store_idx %arg15[%broadcast_in_dim3A_298, %iota3A], %sub3A_292 masked %lt3A_4 : memref<128x8xf32, #tpu.memory_space<vmem>>[vector<16xi32>, vector<16xi32>], vector<16xf32>, vector<16xi1>
      %get3A_299 = arith.constant 14 : i32
      %get3A_300 = arith.index_cast %get3A_299 : i32 to index
      %get3A_301 = arith.constant 0 : index
      %get3A_302 = tpu.vector_load %arg11[%get3A_300, %get3A_301] {strides = array<i32>} : memref<128x264xf32, #tpu.memory_space<vmem>>, vector<16xf32>,
      %sub3A_303 = arith.subf %get3A_302, %select_n3A_48 : vector<16xf32>
      %swap3A_304 = arith.constant 14 : i32
      %swap3A_305 = arith.index_cast %swap3A_304 : i32 to index
      %swap3A_306 = arith.constant 0 : index
      %swap3A_307 = tpu.vector_load %arg11[%swap3A_305, %swap3A_306] {strides = array<i32>} : memref<128x264xf32, #tpu.memory_space<vmem>>, vector<16xf32>,
      tpu.vector_store %arg11[%swap3A_305, %swap3A_306], %sub3A_303 {strides = array<i32>} : memref<128x264xf32, #tpu.memory_space<vmem>>, vector<16xf32>,
      %broadcast_in_dim3A_308 = arith.constant 14 : i32
      %broadcast_in_dim3A_309 = vector.broadcast %broadcast_in_dim3A_308 : i32 to vector<16xi32>
      tpu.vector_store_idx %arg15[%broadcast_in_dim3A_309, %iota3A], %sub3A_303 masked %lt3A_4 : memref<128x8xf32, #tpu.memory_space<vmem>>[vector<16xi32>, vector<16xi32>], vector<16xf32>, vector<16xi1>
      %get3A_310 = arith.constant 15 : i32
      %get3A_311 = arith.index_cast %get3A_310 : i32 to index
      %get3A_312 = arith.constant 0 : index
      %get3A_313 = tpu.vector_load %arg11[%get3A_311, %get3A_312] {strides = array<i32>} : memref<128x264xf32, #tpu.memory_space<vmem>>, vector<16xf32>,
      %sub3A_314 = arith.subf %get3A_313, %select_n3A_48 : vector<16xf32>
      %swap3A_315 = arith.constant 15 : i32
      %swap3A_316 = arith.index_cast %swap3A_315 : i32 to index
      %swap3A_317 = arith.constant 0 : index
      %swap3A_318 = tpu.vector_load %arg11[%swap3A_316, %swap3A_317] {strides = array<i32>} : memref<128x264xf32, #tpu.memory_space<vmem>>, vector<16xf32>,
      tpu.vector_store %arg11[%swap3A_316, %swap3A_317], %sub3A_314 {strides = array<i32>} : memref<128x264xf32, #tpu.memory_space<vmem>>, vector<16xf32>,
      %broadcast_in_dim3A_319 = arith.constant 15 : i32
      %broadcast_in_dim3A_320 = vector.broadcast %broadcast_in_dim3A_319 : i32 to vector<16xi32>
      tpu.vector_store_idx %arg15[%broadcast_in_dim3A_320, %iota3A], %sub3A_314 masked %lt3A_4 : memref<128x8xf32, #tpu.memory_space<vmem>>[vector<16xi32>, vector<16xi32>], vector<16xf32>, vector<16xi1>
      %get3A_321 = arith.constant 16 : i32
      %get3A_322 = arith.index_cast %get3A_321 : i32 to index
      %get3A_323 = arith.constant 0 : index
      %get3A_324 = tpu.vector_load %arg11[%get3A_322, %get3A_323] {strides = array<i32>} : memref<128x264xf32, #tpu.memory_space<vmem>>, vector<16xf32>,
      %sub3A_325 = arith.subf %get3A_324, %select_n3A_55 : vector<16xf32>
      %swap3A_326 = arith.constant 16 : i32
      %swap3A_327 = arith.index_cast %swap3A_326 : i32 to index
      %swap3A_328 = arith.constant 0 : index
      %swap3A_329 = tpu.vector_load %arg11[%swap3A_327, %swap3A_328] {strides = array<i32>} : memref<128x264xf32, #tpu.memory_space<vmem>>, vector<16xf32>,
      tpu.vector_store %arg11[%swap3A_327, %swap3A_328], %sub3A_325 {strides = array<i32>} : memref<128x264xf32, #tpu.memory_space<vmem>>, vector<16xf32>,
      %broadcast_in_dim3A_330 = arith.constant 16 : i32
      %broadcast_in_dim3A_331 = vector.broadcast %broadcast_in_dim3A_330 : i32 to vector<16xi32>
      tpu.vector_store_idx %arg15[%broadcast_in_dim3A_331, %iota3A], %sub3A_325 masked %lt3A_4 : memref<128x8xf32, #tpu.memory_space<vmem>>[vector<16xi32>, vector<16xi32>], vector<16xf32>, vector<16xi1>
      %get3A_332 = arith.constant 17 : i32
      %get3A_333 = arith.index_cast %get3A_332 : i32 to index
      %get3A_334 = arith.constant 0 : index
      %get3A_335 = tpu.vector_load %arg11[%get3A_333, %get3A_334] {strides = array<i32>} : memref<128x264xf32, #tpu.memory_space<vmem>>, vector<16xf32>,
      %sub3A_336 = arith.subf %get3A_335, %select_n3A_55 : vector<16xf32>
      %swap3A_337 = arith.constant 17 : i32
      %swap3A_338 = arith.index_cast %swap3A_337 : i32 to index
      %swap3A_339 = arith.constant 0 : index
      %swap3A_340 = tpu.vector_load %arg11[%swap3A_338, %swap3A_339] {strides = array<i32>} : memref<128x264xf32, #tpu.memory_space<vmem>>, vector<16xf32>,
      tpu.vector_store %arg11[%swap3A_338, %swap3A_339], %sub3A_336 {strides = array<i32>} : memref<128x264xf32, #tpu.memory_space<vmem>>, vector<16xf32>,
      %broadcast_in_dim3A_341 = arith.constant 17 : i32
      %broadcast_in_dim3A_342 = vector.broadcast %broadcast_in_dim3A_341 : i32 to vector<16xi32>
      tpu.vector_store_idx %arg15[%broadcast_in_dim3A_342, %iota3A], %sub3A_336 masked %lt3A_4 : memref<128x8xf32, #tpu.memory_space<vmem>>[vector<16xi32>, vector<16xi32>], vector<16xf32>, vector<16xi1>
      %get3A_343 = arith.constant 18 : i32
      %get3A_344 = arith.index_cast %get3A_343 : i32 to index
      %get3A_345 = arith.constant 0 : index
      %get3A_346 = tpu.vector_load %arg11[%get3A_344, %get3A_345] {strides = array<i32>} : memref<128x264xf32, #tpu.memory_space<vmem>>, vector<16xf32>,
      %sub3A_347 = arith.subf %get3A_346, %select_n3A_55 : vector<16xf32>
      %swap3A_348 = arith.constant 18 : i32
      %swap3A_349 = arith.index_cast %swap3A_348 : i32 to index
      %swap3A_350 = arith.constant 0 : index
      %swap3A_351 = tpu.vector_load %arg11[%swap3A_349, %swap3A_350] {strides = array<i32>} : memref<128x264xf32, #tpu.memory_space<vmem>>, vector<16xf32>,
      tpu.vector_store %arg11[%swap3A_349, %swap3A_350], %sub3A_347 {strides = array<i32>} : memref<128x264xf32, #tpu.memory_space<vmem>>, vector<16xf32>,
      %broadcast_in_dim3A_352 = arith.constant 18 : i32
      %broadcast_in_dim3A_353 = vector.broadcast %broadcast_in_dim3A_352 : i32 to vector<16xi32>
      tpu.vector_store_idx %arg15[%broadcast_in_dim3A_353, %iota3A], %sub3A_347 masked %lt3A_4 : memref<128x8xf32, #tpu.memory_space<vmem>>[vector<16xi32>, vector<16xi32>], vector<16xf32>, vector<16xi1>
      %get3A_354 = arith.constant 19 : i32
      %get3A_355 = arith.index_cast %get3A_354 : i32 to index
      %get3A_356 = arith.constant 0 : index
      %get3A_357 = tpu.vector_load %arg11[%get3A_355, %get3A_356] {strides = array<i32>} : memref<128x264xf32, #tpu.memory_space<vmem>>, vector<16xf32>,
      %sub3A_358 = arith.subf %get3A_357, %select_n3A_55 : vector<16xf32>
      %swap3A_359 = arith.constant 19 : i32
      %swap3A_360 = arith.index_cast %swap3A_359 : i32 to index
      %swap3A_361 = arith.constant 0 : index
      %swap3A_362 = tpu.vector_load %arg11[%swap3A_360, %swap3A_361] {strides = array<i32>} : memref<128x264xf32, #tpu.memory_space<vmem>>, vector<16xf32>,
      tpu.vector_store %arg11[%swap3A_360, %swap3A_361], %sub3A_358 {strides = array<i32>} : memref<128x264xf32, #tpu.memory_space<vmem>>, vector<16xf32>,
      %broadcast_in_dim3A_363 = arith.constant 19 : i32
      %broadcast_in_dim3A_364 = vector.broadcast %broadcast_in_dim3A_363 : i32 to vector<16xi32>
      tpu.vector_store_idx %arg15[%broadcast_in_dim3A_364, %iota3A], %sub3A_358 masked %lt3A_4 : memref<128x8xf32, #tpu.memory_space<vmem>>[vector<16xi32>, vector<16xi32>], vector<16xf32>, vector<16xi1>
      %get3A_365 = arith.constant 20 : i32
      %get3A_366 = arith.index_cast %get3A_365 : i32 to index
      %get3A_367 = arith.constant 0 : index
      %get3A_368 = tpu.vector_load %arg11[%get3A_366, %get3A_367] {strides = array<i32>} : memref<128x264xf32, #tpu.memory_space<vmem>>, vector<16xf32>,
      %sub3A_369 = arith.subf %get3A_368, %select_n3A_55 : vector<16xf32>
      %swap3A_370 = arith.constant 20 : i32
      %swap3A_371 = arith.index_cast %swap3A_370 : i32 to index
      %swap3A_372 = arith.constant 0 : index
      %swap3A_373 = tpu.vector_load %arg11[%swap3A_371, %swap3A_372] {strides = array<i32>} : memref<128x264xf32, #tpu.memory_space<vmem>>, vector<16xf32>,
      tpu.vector_store %arg11[%swap3A_371, %swap3A_372], %sub3A_369 {strides = array<i32>} : memref<128x264xf32, #tpu.memory_space<vmem>>, vector<16xf32>,
      %broadcast_in_dim3A_374 = arith.constant 20 : i32
      %broadcast_in_dim3A_375 = vector.broadcast %broadcast_in_dim3A_374 : i32 to vector<16xi32>
      tpu.vector_store_idx %arg15[%broadcast_in_dim3A_375, %iota3A], %sub3A_369 masked %lt3A_4 : memref<128x8xf32, #tpu.memory_space<vmem>>[vector<16xi32>, vector<16xi32>], vector<16xf32>, vector<16xi1>
      %get3A_376 = arith.constant 21 : i32
      %get3A_377 = arith.index_cast %get3A_376 : i32 to index
      %get3A_378 = arith.constant 0 : index
      %get3A_379 = tpu.vector_load %arg11[%get3A_377, %get3A_378] {strides = array<i32>} : memref<128x264xf32, #tpu.memory_space<vmem>>, vector<16xf32>,
      %sub3A_380 = arith.subf %get3A_379, %select_n3A_55 : vector<16xf32>
      %swap3A_381 = arith.constant 21 : i32
      %swap3A_382 = arith.index_cast %swap3A_381 : i32 to index
      %swap3A_383 = arith.constant 0 : index
      %swap3A_384 = tpu.vector_load %arg11[%swap3A_382, %swap3A_383] {strides = array<i32>} : memref<128x264xf32, #tpu.memory_space<vmem>>, vector<16xf32>,
      tpu.vector_store %arg11[%swap3A_382, %swap3A_383], %sub3A_380 {strides = array<i32>} : memref<128x264xf32, #tpu.memory_space<vmem>>, vector<16xf32>,
      %broadcast_in_dim3A_385 = arith.constant 21 : i32
      %broadcast_in_dim3A_386 = vector.broadcast %broadcast_in_dim3A_385 : i32 to vector<16xi32>
      tpu.vector_store_idx %arg15[%broadcast_in_dim3A_386, %iota3A], %sub3A_380 masked %lt3A_4 : memref<128x8xf32, #tpu.memory_space<vmem>>[vector<16xi32>, vector<16xi32>], vector<16xf32>, vector<16xi1>
      %get3A_387 = arith.constant 22 : i32
      %get3A_388 = arith.index_cast %get3A_387 : i32 to index
      %get3A_389 = arith.constant 0 : index
      %get3A_390 = tpu.vector_load %arg11[%get3A_388, %get3A_389] {strides = array<i32>} : memref<128x264xf32, #tpu.memory_space<vmem>>, vector<16xf32>,
      %sub3A_391 = arith.subf %get3A_390, %select_n3A_55 : vector<16xf32>
      %swap3A_392 = arith.constant 22 : i32
      %swap3A_393 = arith.index_cast %swap3A_392 : i32 to index
      %swap3A_394 = arith.constant 0 : index
      %swap3A_395 = tpu.vector_load %arg11[%swap3A_393, %swap3A_394] {strides = array<i32>} : memref<128x264xf32, #tpu.memory_space<vmem>>, vector<16xf32>,
      tpu.vector_store %arg11[%swap3A_393, %swap3A_394], %sub3A_391 {strides = array<i32>} : memref<128x264xf32, #tpu.memory_space<vmem>>, vector<16xf32>,
      %broadcast_in_dim3A_396 = arith.constant 22 : i32
      %broadcast_in_dim3A_397 = vector.broadcast %broadcast_in_dim3A_396 : i32 to vector<16xi32>
      tpu.vector_store_idx %arg15[%broadcast_in_dim3A_397, %iota3A], %sub3A_391 masked %lt3A_4 : memref<128x8xf32, #tpu.memory_space<vmem>>[vector<16xi32>, vector<16xi32>], vector<16xf32>, vector<16xi1>
      %get3A_398 = arith.constant 23 : i32
      %get3A_399 = arith.index_cast %get3A_398 : i32 to index
      %get3A_400 = arith.constant 0 : index
      %get3A_401 = tpu.vector_load %arg11[%get3A_399, %get3A_400] {strides = array<i32>} : memref<128x264xf32, #tpu.memory_space<vmem>>, vector<16xf32>,
      %sub3A_402 = arith.subf %get3A_401, %select_n3A_55 : vector<16xf32>
      %swap3A_403 = arith.constant 23 : i32
      %swap3A_404 = arith.index_cast %swap3A_403 : i32 to index
      %swap3A_405 = arith.constant 0 : index
      %swap3A_406 = tpu.vector_load %arg11[%swap3A_404, %swap3A_405] {strides = array<i32>} : memref<128x264xf32, #tpu.memory_space<vmem>>, vector<16xf32>,
      tpu.vector_store %arg11[%swap3A_404, %swap3A_405], %sub3A_402 {strides = array<i32>} : memref<128x264xf32, #tpu.memory_space<vmem>>, vector<16xf32>,
      %broadcast_in_dim3A_407 = arith.constant 23 : i32
      %broadcast_in_dim3A_408 = vector.broadcast %broadcast_in_dim3A_407 : i32 to vector<16xi32>
      tpu.vector_store_idx %arg15[%broadcast_in_dim3A_408, %iota3A], %sub3A_402 masked %lt3A_4 : memref<128x8xf32, #tpu.memory_space<vmem>>[vector<16xi32>, vector<16xi32>], vector<16xf32>, vector<16xi1>
      %get3A_409 = arith.constant 24 : i32
      %get3A_410 = arith.index_cast %get3A_409 : i32 to index
      %get3A_411 = arith.constant 0 : index
      %get3A_412 = tpu.vector_load %arg11[%get3A_410, %get3A_411] {strides = array<i32>} : memref<128x264xf32, #tpu.memory_space<vmem>>, vector<16xf32>,
      %sub3A_413 = arith.subf %get3A_412, %select_n3A_62 : vector<16xf32>
      %swap3A_414 = arith.constant 24 : i32
      %swap3A_415 = arith.index_cast %swap3A_414 : i32 to index
      %swap3A_416 = arith.constant 0 : index
      %swap3A_417 = tpu.vector_load %arg11[%swap3A_415, %swap3A_416] {strides = array<i32>} : memref<128x264xf32, #tpu.memory_space<vmem>>, vector<16xf32>,
      tpu.vector_store %arg11[%swap3A_415, %swap3A_416], %sub3A_413 {strides = array<i32>} : memref<128x264xf32, #tpu.memory_space<vmem>>, vector<16xf32>,
      %broadcast_in_dim3A_418 = arith.constant 24 : i32
      %broadcast_in_dim3A_419 = vector.broadcast %broadcast_in_dim3A_418 : i32 to vector<16xi32>
      tpu.vector_store_idx %arg15[%broadcast_in_dim3A_419, %iota3A], %sub3A_413 masked %lt3A_4 : memref<128x8xf32, #tpu.memory_space<vmem>>[vector<16xi32>, vector<16xi32>], vector<16xf32>, vector<16xi1>
      %get3A_420 = arith.constant 25 : i32
      %get3A_421 = arith.index_cast %get3A_420 : i32 to index
      %get3A_422 = arith.constant 0 : index
      %get3A_423 = tpu.vector_load %arg11[%get3A_421, %get3A_422] {strides = array<i32>} : memref<128x264xf32, #tpu.memory_space<vmem>>, vector<16xf32>,
      %sub3A_424 = arith.subf %get3A_423, %select_n3A_62 : vector<16xf32>
      %swap3A_425 = arith.constant 25 : i32
      %swap3A_426 = arith.index_cast %swap3A_425 : i32 to index
      %swap3A_427 = arith.constant 0 : index
      %swap3A_428 = tpu.vector_load %arg11[%swap3A_426, %swap3A_427] {strides = array<i32>} : memref<128x264xf32, #tpu.memory_space<vmem>>, vector<16xf32>,
      tpu.vector_store %arg11[%swap3A_426, %swap3A_427], %sub3A_424 {strides = array<i32>} : memref<128x264xf32, #tpu.memory_space<vmem>>, vector<16xf32>,
      %broadcast_in_dim3A_429 = arith.constant 25 : i32
      %broadcast_in_dim3A_430 = vector.broadcast %broadcast_in_dim3A_429 : i32 to vector<16xi32>
      tpu.vector_store_idx %arg15[%broadcast_in_dim3A_430, %iota3A], %sub3A_424 masked %lt3A_4 : memref<128x8xf32, #tpu.memory_space<vmem>>[vector<16xi32>, vector<16xi32>], vector<16xf32>, vector<16xi1>
      %get3A_431 = arith.constant 26 : i32
      %get3A_432 = arith.index_cast %get3A_431 : i32 to index
      %get3A_433 = arith.constant 0 : index
      %get3A_434 = tpu.vector_load %arg11[%get3A_432, %get3A_433] {strides = array<i32>} : memref<128x264xf32, #tpu.memory_space<vmem>>, vector<16xf32>,
      %sub3A_435 = arith.subf %get3A_434, %select_n3A_62 : vector<16xf32>
      %swap3A_436 = arith.constant 26 : i32
      %swap3A_437 = arith.index_cast %swap3A_436 : i32 to index
      %swap3A_438 = arith.constant 0 : index
      %swap3A_439 = tpu.vector_load %arg11[%swap3A_437, %swap3A_438] {strides = array<i32>} : memref<128x264xf32, #tpu.memory_space<vmem>>, vector<16xf32>,
      tpu.vector_store %arg11[%swap3A_437, %swap3A_438], %sub3A_435 {strides = array<i32>} : memref<128x264xf32, #tpu.memory_space<vmem>>, vector<16xf32>,
      %broadcast_in_dim3A_440 = arith.constant 26 : i32
      %broadcast_in_dim3A_441 = vector.broadcast %broadcast_in_dim3A_440 : i32 to vector<16xi32>
      tpu.vector_store_idx %arg15[%broadcast_in_dim3A_441, %iota3A], %sub3A_435 masked %lt3A_4 : memref<128x8xf32, #tpu.memory_space<vmem>>[vector<16xi32>, vector<16xi32>], vector<16xf32>, vector<16xi1>
      %get3A_442 = arith.constant 27 : i32
      %get3A_443 = arith.index_cast %get3A_442 : i32 to index
      %get3A_444 = arith.constant 0 : index
      %get3A_445 = tpu.vector_load %arg11[%get3A_443, %get3A_444] {strides = array<i32>} : memref<128x264xf32, #tpu.memory_space<vmem>>, vector<16xf32>,
      %sub3A_446 = arith.subf %get3A_445, %select_n3A_62 : vector<16xf32>
      %swap3A_447 = arith.constant 27 : i32
      %swap3A_448 = arith.index_cast %swap3A_447 : i32 to index
      %swap3A_449 = arith.constant 0 : index
      %swap3A_450 = tpu.vector_load %arg11[%swap3A_448, %swap3A_449] {strides = array<i32>} : memref<128x264xf32, #tpu.memory_space<vmem>>, vector<16xf32>,
      tpu.vector_store %arg11[%swap3A_448, %swap3A_449], %sub3A_446 {strides = array<i32>} : memref<128x264xf32, #tpu.memory_space<vmem>>, vector<16xf32>,
      %broadcast_in_dim3A_451 = arith.constant 27 : i32
      %broadcast_in_dim3A_452 = vector.broadcast %broadcast_in_dim3A_451 : i32 to vector<16xi32>
      tpu.vector_store_idx %arg15[%broadcast_in_dim3A_452, %iota3A], %sub3A_446 masked %lt3A_4 : memref<128x8xf32, #tpu.memory_space<vmem>>[vector<16xi32>, vector<16xi32>], vector<16xf32>, vector<16xi1>
      %get3A_453 = arith.constant 28 : i32
      %get3A_454 = arith.index_cast %get3A_453 : i32 to index
      %get3A_455 = arith.constant 0 : index
      %get3A_456 = tpu.vector_load %arg11[%get3A_454, %get3A_455] {strides = array<i32>} : memref<128x264xf32, #tpu.memory_space<vmem>>, vector<16xf32>,
      %sub3A_457 = arith.subf %get3A_456, %select_n3A_62 : vector<16xf32>
      %swap3A_458 = arith.constant 28 : i32
      %swap3A_459 = arith.index_cast %swap3A_458 : i32 to index
      %swap3A_460 = arith.constant 0 : index
      %swap3A_461 = tpu.vector_load %arg11[%swap3A_459, %swap3A_460] {strides = array<i32>} : memref<128x264xf32, #tpu.memory_space<vmem>>, vector<16xf32>,
      tpu.vector_store %arg11[%swap3A_459, %swap3A_460], %sub3A_457 {strides = array<i32>} : memref<128x264xf32, #tpu.memory_space<vmem>>, vector<16xf32>,
      %broadcast_in_dim3A_462 = arith.constant 28 : i32
      %broadcast_in_dim3A_463 = vector.broadcast %broadcast_in_dim3A_462 : i32 to vector<16xi32>
      tpu.vector_store_idx %arg15[%broadcast_in_dim3A_463, %iota3A], %sub3A_457 masked %lt3A_4 : memref<128x8xf32, #tpu.memory_space<vmem>>[vector<16xi32>, vector<16xi32>], vector<16xf32>, vector<16xi1>
      %get3A_464 = arith.constant 29 : i32
      %get3A_465 = arith.index_cast %get3A_464 : i32 to index
      %get3A_466 = arith.constant 0 : index
      %get3A_467 = tpu.vector_load %arg11[%get3A_465, %get3A_466] {strides = array<i32>} : memref<128x264xf32, #tpu.memory_space<vmem>>, vector<16xf32>,
      %sub3A_468 = arith.subf %get3A_467, %select_n3A_62 : vector<16xf32>
      %swap3A_469 = arith.constant 29 : i32
      %swap3A_470 = arith.index_cast %swap3A_469 : i32 to index
      %swap3A_471 = arith.constant 0 : index
      %swap3A_472 = tpu.vector_load %arg11[%swap3A_470, %swap3A_471] {strides = array<i32>} : memref<128x264xf32, #tpu.memory_space<vmem>>, vector<16xf32>,
      tpu.vector_store %arg11[%swap3A_470, %swap3A_471], %sub3A_468 {strides = array<i32>} : memref<128x264xf32, #tpu.memory_space<vmem>>, vector<16xf32>,
      %broadcast_in_dim3A_473 = arith.constant 29 : i32
      %broadcast_in_dim3A_474 = vector.broadcast %broadcast_in_dim3A_473 : i32 to vector<16xi32>
      tpu.vector_store_idx %arg15[%broadcast_in_dim3A_474, %iota3A], %sub3A_468 masked %lt3A_4 : memref<128x8xf32, #tpu.memory_space<vmem>>[vector<16xi32>, vector<16xi32>], vector<16xf32>, vector<16xi1>
      %get3A_475 = arith.constant 30 : i32
      %get3A_476 = arith.index_cast %get3A_475 : i32 to index
      %get3A_477 = arith.constant 0 : index
      %get3A_478 = tpu.vector_load %arg11[%get3A_476, %get3A_477] {strides = array<i32>} : memref<128x264xf32, #tpu.memory_space<vmem>>, vector<16xf32>,
      %sub3A_479 = arith.subf %get3A_478, %select_n3A_62 : vector<16xf32>
      %swap3A_480 = arith.constant 30 : i32
      %swap3A_481 = arith.index_cast %swap3A_480 : i32 to index
      %swap3A_482 = arith.constant 0 : index
      %swap3A_483 = tpu.vector_load %arg11[%swap3A_481, %swap3A_482] {strides = array<i32>} : memref<128x264xf32, #tpu.memory_space<vmem>>, vector<16xf32>,
      tpu.vector_store %arg11[%swap3A_481, %swap3A_482], %sub3A_479 {strides = array<i32>} : memref<128x264xf32, #tpu.memory_space<vmem>>, vector<16xf32>,
      %broadcast_in_dim3A_484 = arith.constant 30 : i32
      %broadcast_in_dim3A_485 = vector.broadcast %broadcast_in_dim3A_484 : i32 to vector<16xi32>
      tpu.vector_store_idx %arg15[%broadcast_in_dim3A_485, %iota3A], %sub3A_479 masked %lt3A_4 : memref<128x8xf32, #tpu.memory_space<vmem>>[vector<16xi32>, vector<16xi32>], vector<16xf32>, vector<16xi1>
      %get3A_486 = arith.constant 31 : i32
      %get3A_487 = arith.index_cast %get3A_486 : i32 to index
      %get3A_488 = arith.constant 0 : index
      %get3A_489 = tpu.vector_load %arg11[%get3A_487, %get3A_488] {strides = array<i32>} : memref<128x264xf32, #tpu.memory_space<vmem>>, vector<16xf32>,
      %sub3A_490 = arith.subf %get3A_489, %select_n3A_62 : vector<16xf32>
      %swap3A_491 = arith.constant 31 : i32
      %swap3A_492 = arith.index_cast %swap3A_491 : i32 to index
      %swap3A_493 = arith.constant 0 : index
      %swap3A_494 = tpu.vector_load %arg11[%swap3A_492, %swap3A_493] {strides = array<i32>} : memref<128x264xf32, #tpu.memory_space<vmem>>, vector<16xf32>,
      tpu.vector_store %arg11[%swap3A_492, %swap3A_493], %sub3A_490 {strides = array<i32>} : memref<128x264xf32, #tpu.memory_space<vmem>>, vector<16xf32>,
      %broadcast_in_dim3A_495 = arith.constant 31 : i32
      %broadcast_in_dim3A_496 = vector.broadcast %broadcast_in_dim3A_495 : i32 to vector<16xi32>
      tpu.vector_store_idx %arg15[%broadcast_in_dim3A_496, %iota3A], %sub3A_490 masked %lt3A_4 : memref<128x8xf32, #tpu.memory_space<vmem>>[vector<16xi32>, vector<16xi32>], vector<16xf32>, vector<16xi1>
      %get3A_497 = arith.constant 32 : i32
      %get3A_498 = arith.index_cast %get3A_497 : i32 to index
      %get3A_499 = arith.constant 0 : index
      %get3A_500 = tpu.vector_load %arg11[%get3A_498, %get3A_499] {strides = array<i32>} : memref<128x264xf32, #tpu.memory_space<vmem>>, vector<16xf32>,
      %sub3A_501 = arith.subf %get3A_500, %select_n3A_69 : vector<16xf32>
      %swap3A_502 = arith.constant 32 : i32
      %swap3A_503 = arith.index_cast %swap3A_502 : i32 to index
      %swap3A_504 = arith.constant 0 : index
      %swap3A_505 = tpu.vector_load %arg11[%swap3A_503, %swap3A_504] {strides = array<i32>} : memref<128x264xf32, #tpu.memory_space<vmem>>, vector<16xf32>,
      tpu.vector_store %arg11[%swap3A_503, %swap3A_504], %sub3A_501 {strides = array<i32>} : memref<128x264xf32, #tpu.memory_space<vmem>>, vector<16xf32>,
      %broadcast_in_dim3A_506 = arith.constant 32 : i32
      %broadcast_in_dim3A_507 = vector.broadcast %broadcast_in_dim3A_506 : i32 to vector<16xi32>
      tpu.vector_store_idx %arg15[%broadcast_in_dim3A_507, %iota3A], %sub3A_501 masked %lt3A_4 : memref<128x8xf32, #tpu.memory_space<vmem>>[vector<16xi32>, vector<16xi32>], vector<16xf32>, vector<16xi1>
      %get3A_508 = arith.constant 33 : i32
      %get3A_509 = arith.index_cast %get3A_508 : i32 to index
      %get3A_510 = arith.constant 0 : index
      %get3A_511 = tpu.vector_load %arg11[%get3A_509, %get3A_510] {strides = array<i32>} : memref<128x264xf32, #tpu.memory_space<vmem>>, vector<16xf32>,
      %sub3A_512 = arith.subf %get3A_511, %select_n3A_69 : vector<16xf32>
      %swap3A_513 = arith.constant 33 : i32
      %swap3A_514 = arith.index_cast %swap3A_513 : i32 to index
      %swap3A_515 = arith.constant 0 : index
      %swap3A_516 = tpu.vector_load %arg11[%swap3A_514, %swap3A_515] {strides = array<i32>} : memref<128x264xf32, #tpu.memory_space<vmem>>, vector<16xf32>,
      tpu.vector_store %arg11[%swap3A_514, %swap3A_515], %sub3A_512 {strides = array<i32>} : memref<128x264xf32, #tpu.memory_space<vmem>>, vector<16xf32>,
      %broadcast_in_dim3A_517 = arith.constant 33 : i32
      %broadcast_in_dim3A_518 = vector.broadcast %broadcast_in_dim3A_517 : i32 to vector<16xi32>
      tpu.vector_store_idx %arg15[%broadcast_in_dim3A_518, %iota3A], %sub3A_512 masked %lt3A_4 : memref<128x8xf32, #tpu.memory_space<vmem>>[vector<16xi32>, vector<16xi32>], vector<16xf32>, vector<16xi1>
      %get3A_519 = arith.constant 34 : i32
      %get3A_520 = arith.index_cast %get3A_519 : i32 to index
      %get3A_521 = arith.constant 0 : index
      %get3A_522 = tpu.vector_load %arg11[%get3A_520, %get3A_521] {strides = array<i32>} : memref<128x264xf32, #tpu.memory_space<vmem>>, vector<16xf32>,
      %sub3A_523 = arith.subf %get3A_522, %select_n3A_69 : vector<16xf32>
      %swap3A_524 = arith.constant 34 : i32
      %swap3A_525 = arith.index_cast %swap3A_524 : i32 to index
      %swap3A_526 = arith.constant 0 : index
      %swap3A_527 = tpu.vector_load %arg11[%swap3A_525, %swap3A_526] {strides = array<i32>} : memref<128x264xf32, #tpu.memory_space<vmem>>, vector<16xf32>,
      tpu.vector_store %arg11[%swap3A_525, %swap3A_526], %sub3A_523 {strides = array<i32>} : memref<128x264xf32, #tpu.memory_space<vmem>>, vector<16xf32>,
      %broadcast_in_dim3A_528 = arith.constant 34 : i32
      %broadcast_in_dim3A_529 = vector.broadcast %broadcast_in_dim3A_528 : i32 to vector<16xi32>
      tpu.vector_store_idx %arg15[%broadcast_in_dim3A_529, %iota3A], %sub3A_523 masked %lt3A_4 : memref<128x8xf32, #tpu.memory_space<vmem>>[vector<16xi32>, vector<16xi32>], vector<16xf32>, vector<16xi1>
      %get3A_530 = arith.constant 35 : i32
      %get3A_531 = arith.index_cast %get3A_530 : i32 to index
      %get3A_532 = arith.constant 0 : index
      %get3A_533 = tpu.vector_load %arg11[%get3A_531, %get3A_532] {strides = array<i32>} : memref<128x264xf32, #tpu.memory_space<vmem>>, vector<16xf32>,
      %sub3A_534 = arith.subf %get3A_533, %select_n3A_69 : vector<16xf32>
      %swap3A_535 = arith.constant 35 : i32
      %swap3A_536 = arith.index_cast %swap3A_535 : i32 to index
      %swap3A_537 = arith.constant 0 : index
      %swap3A_538 = tpu.vector_load %arg11[%swap3A_536, %swap3A_537] {strides = array<i32>} : memref<128x264xf32, #tpu.memory_space<vmem>>, vector<16xf32>,
      tpu.vector_store %arg11[%swap3A_536, %swap3A_537], %sub3A_534 {strides = array<i32>} : memref<128x264xf32, #tpu.memory_space<vmem>>, vector<16xf32>,
      %broadcast_in_dim3A_539 = arith.constant 35 : i32
      %broadcast_in_dim3A_540 = vector.broadcast %broadcast_in_dim3A_539 : i32 to vector<16xi32>
      tpu.vector_store_idx %arg15[%broadcast_in_dim3A_540, %iota3A], %sub3A_534 masked %lt3A_4 : memref<128x8xf32, #tpu.memory_space<vmem>>[vector<16xi32>, vector<16xi32>], vector<16xf32>, vector<16xi1>
      %get3A_541 = arith.constant 36 : i32
      %get3A_542 = arith.index_cast %get3A_541 : i32 to index
      %get3A_543 = arith.constant 0 : index
      %get3A_544 = tpu.vector_load %arg11[%get3A_542, %get3A_543] {strides = array<i32>} : memref<128x264xf32, #tpu.memory_space<vmem>>, vector<16xf32>,
      %sub3A_545 = arith.subf %get3A_544, %select_n3A_69 : vector<16xf32>
      %swap3A_546 = arith.constant 36 : i32
      %swap3A_547 = arith.index_cast %swap3A_546 : i32 to index
      %swap3A_548 = arith.constant 0 : index
      %swap3A_549 = tpu.vector_load %arg11[%swap3A_547, %swap3A_548] {strides = array<i32>} : memref<128x264xf32, #tpu.memory_space<vmem>>, vector<16xf32>,
      tpu.vector_store %arg11[%swap3A_547, %swap3A_548], %sub3A_545 {strides = array<i32>} : memref<128x264xf32, #tpu.memory_space<vmem>>, vector<16xf32>,
      %broadcast_in_dim3A_550 = arith.constant 36 : i32
      %broadcast_in_dim3A_551 = vector.broadcast %broadcast_in_dim3A_550 : i32 to vector<16xi32>
      tpu.vector_store_idx %arg15[%broadcast_in_dim3A_551, %iota3A], %sub3A_545 masked %lt3A_4 : memref<128x8xf32, #tpu.memory_space<vmem>>[vector<16xi32>, vector<16xi32>], vector<16xf32>, vector<16xi1>
      %get3A_552 = arith.constant 37 : i32
      %get3A_553 = arith.index_cast %get3A_552 : i32 to index
      %get3A_554 = arith.constant 0 : index
      %get3A_555 = tpu.vector_load %arg11[%get3A_553, %get3A_554] {strides = array<i32>} : memref<128x264xf32, #tpu.memory_space<vmem>>, vector<16xf32>,
      %sub3A_556 = arith.subf %get3A_555, %select_n3A_69 : vector<16xf32>
      %swap3A_557 = arith.constant 37 : i32
      %swap3A_558 = arith.index_cast %swap3A_557 : i32 to index
      %swap3A_559 = arith.constant 0 : index
      %swap3A_560 = tpu.vector_load %arg11[%swap3A_558, %swap3A_559] {strides = array<i32>} : memref<128x264xf32, #tpu.memory_space<vmem>>, vector<16xf32>,
      tpu.vector_store %arg11[%swap3A_558, %swap3A_559], %sub3A_556 {strides = array<i32>} : memref<128x264xf32, #tpu.memory_space<vmem>>, vector<16xf32>,
      %broadcast_in_dim3A_561 = arith.constant 37 : i32
      %broadcast_in_dim3A_562 = vector.broadcast %broadcast_in_dim3A_561 : i32 to vector<16xi32>
      tpu.vector_store_idx %arg15[%broadcast_in_dim3A_562, %iota3A], %sub3A_556 masked %lt3A_4 : memref<128x8xf32, #tpu.memory_space<vmem>>[vector<16xi32>, vector<16xi32>], vector<16xf32>, vector<16xi1>
      %get3A_563 = arith.constant 38 : i32
      %get3A_564 = arith.index_cast %get3A_563 : i32 to index
      %get3A_565 = arith.constant 0 : index
      %get3A_566 = tpu.vector_load %arg11[%get3A_564, %get3A_565] {strides = array<i32>} : memref<128x264xf32, #tpu.memory_space<vmem>>, vector<16xf32>,
      %sub3A_567 = arith.subf %get3A_566, %select_n3A_69 : vector<16xf32>
      %swap3A_568 = arith.constant 38 : i32
      %swap3A_569 = arith.index_cast %swap3A_568 : i32 to index
      %swap3A_570 = arith.constant 0 : index
      %swap3A_571 = tpu.vector_load %arg11[%swap3A_569, %swap3A_570] {strides = array<i32>} : memref<128x264xf32, #tpu.memory_space<vmem>>, vector<16xf32>,
      tpu.vector_store %arg11[%swap3A_569, %swap3A_570], %sub3A_567 {strides = array<i32>} : memref<128x264xf32, #tpu.memory_space<vmem>>, vector<16xf32>,
      %broadcast_in_dim3A_572 = arith.constant 38 : i32
      %broadcast_in_dim3A_573 = vector.broadcast %broadcast_in_dim3A_572 : i32 to vector<16xi32>
      tpu.vector_store_idx %arg15[%broadcast_in_dim3A_573, %iota3A], %sub3A_567 masked %lt3A_4 : memref<128x8xf32, #tpu.memory_space<vmem>>[vector<16xi32>, vector<16xi32>], vector<16xf32>, vector<16xi1>
      %get3A_574 = arith.constant 39 : i32
      %get3A_575 = arith.index_cast %get3A_574 : i32 to index
      %get3A_576 = arith.constant 0 : index
      %get3A_577 = tpu.vector_load %arg11[%get3A_575, %get3A_576] {strides = array<i32>} : memref<128x264xf32, #tpu.memory_space<vmem>>, vector<16xf32>,
      %sub3A_578 = arith.subf %get3A_577, %select_n3A_69 : vector<16xf32>
      %swap3A_579 = arith.constant 39 : i32
      %swap3A_580 = arith.index_cast %swap3A_579 : i32 to index
      %swap3A_581 = arith.constant 0 : index
      %swap3A_582 = tpu.vector_load %arg11[%swap3A_580, %swap3A_581] {strides = array<i32>} : memref<128x264xf32, #tpu.memory_space<vmem>>, vector<16xf32>,
      tpu.vector_store %arg11[%swap3A_580, %swap3A_581], %sub3A_578 {strides = array<i32>} : memref<128x264xf32, #tpu.memory_space<vmem>>, vector<16xf32>,
      %broadcast_in_dim3A_583 = arith.constant 39 : i32
      %broadcast_in_dim3A_584 = vector.broadcast %broadcast_in_dim3A_583 : i32 to vector<16xi32>
      tpu.vector_store_idx %arg15[%broadcast_in_dim3A_584, %iota3A], %sub3A_578 masked %lt3A_4 : memref<128x8xf32, #tpu.memory_space<vmem>>[vector<16xi32>, vector<16xi32>], vector<16xf32>, vector<16xi1>
      %get3A_585 = arith.constant 40 : i32
      %get3A_586 = arith.index_cast %get3A_585 : i32 to index
      %get3A_587 = arith.constant 0 : index
      %get3A_588 = tpu.vector_load %arg11[%get3A_586, %get3A_587] {strides = array<i32>} : memref<128x264xf32, #tpu.memory_space<vmem>>, vector<16xf32>,
      %sub3A_589 = arith.subf %get3A_588, %select_n3A_76 : vector<16xf32>
      %swap3A_590 = arith.constant 40 : i32
      %swap3A_591 = arith.index_cast %swap3A_590 : i32 to index
      %swap3A_592 = arith.constant 0 : index
      %swap3A_593 = tpu.vector_load %arg11[%swap3A_591, %swap3A_592] {strides = array<i32>} : memref<128x264xf32, #tpu.memory_space<vmem>>, vector<16xf32>,
      tpu.vector_store %arg11[%swap3A_591, %swap3A_592], %sub3A_589 {strides = array<i32>} : memref<128x264xf32, #tpu.memory_space<vmem>>, vector<16xf32>,
      %broadcast_in_dim3A_594 = arith.constant 40 : i32
      %broadcast_in_dim3A_595 = vector.broadcast %broadcast_in_dim3A_594 : i32 to vector<16xi32>
      tpu.vector_store_idx %arg15[%broadcast_in_dim3A_595, %iota3A], %sub3A_589 masked %lt3A_4 : memref<128x8xf32, #tpu.memory_space<vmem>>[vector<16xi32>, vector<16xi32>], vector<16xf32>, vector<16xi1>
      %get3A_596 = arith.constant 41 : i32
      %get3A_597 = arith.index_cast %get3A_596 : i32 to index
      %get3A_598 = arith.constant 0 : index
      %get3A_599 = tpu.vector_load %arg11[%get3A_597, %get3A_598] {strides = array<i32>} : memref<128x264xf32, #tpu.memory_space<vmem>>, vector<16xf32>,
      %sub3A_600 = arith.subf %get3A_599, %select_n3A_76 : vector<16xf32>
      %swap3A_601 = arith.constant 41 : i32
      %swap3A_602 = arith.index_cast %swap3A_601 : i32 to index
      %swap3A_603 = arith.constant 0 : index
      %swap3A_604 = tpu.vector_load %arg11[%swap3A_602, %swap3A_603] {strides = array<i32>} : memref<128x264xf32, #tpu.memory_space<vmem>>, vector<16xf32>,
      tpu.vector_store %arg11[%swap3A_602, %swap3A_603], %sub3A_600 {strides = array<i32>} : memref<128x264xf32, #tpu.memory_space<vmem>>, vector<16xf32>,
      %broadcast_in_dim3A_605 = arith.constant 41 : i32
      %broadcast_in_dim3A_606 = vector.broadcast %broadcast_in_dim3A_605 : i32 to vector<16xi32>
      tpu.vector_store_idx %arg15[%broadcast_in_dim3A_606, %iota3A], %sub3A_600 masked %lt3A_4 : memref<128x8xf32, #tpu.memory_space<vmem>>[vector<16xi32>, vector<16xi32>], vector<16xf32>, vector<16xi1>
      %get3A_607 = arith.constant 42 : i32
      %get3A_608 = arith.index_cast %get3A_607 : i32 to index
      %get3A_609 = arith.constant 0 : index
      %get3A_610 = tpu.vector_load %arg11[%get3A_608, %get3A_609] {strides = array<i32>} : memref<128x264xf32, #tpu.memory_space<vmem>>, vector<16xf32>,
      %sub3A_611 = arith.subf %get3A_610, %select_n3A_76 : vector<16xf32>
      %swap3A_612 = arith.constant 42 : i32
      %swap3A_613 = arith.index_cast %swap3A_612 : i32 to index
      %swap3A_614 = arith.constant 0 : index
      %swap3A_615 = tpu.vector_load %arg11[%swap3A_613, %swap3A_614] {strides = array<i32>} : memref<128x264xf32, #tpu.memory_space<vmem>>, vector<16xf32>,
      tpu.vector_store %arg11[%swap3A_613, %swap3A_614], %sub3A_611 {strides = array<i32>} : memref<128x264xf32, #tpu.memory_space<vmem>>, vector<16xf32>,
      %broadcast_in_dim3A_616 = arith.constant 42 : i32
      %broadcast_in_dim3A_617 = vector.broadcast %broadcast_in_dim3A_616 : i32 to vector<16xi32>
      tpu.vector_store_idx %arg15[%broadcast_in_dim3A_617, %iota3A], %sub3A_611 masked %lt3A_4 : memref<128x8xf32, #tpu.memory_space<vmem>>[vector<16xi32>, vector<16xi32>], vector<16xf32>, vector<16xi1>
      %get3A_618 = arith.constant 43 : i32
      %get3A_619 = arith.index_cast %get3A_618 : i32 to index
      %get3A_620 = arith.constant 0 : index
      %get3A_621 = tpu.vector_load %arg11[%get3A_619, %get3A_620] {strides = array<i32>} : memref<128x264xf32, #tpu.memory_space<vmem>>, vector<16xf32>,
      %sub3A_622 = arith.subf %get3A_621, %select_n3A_76 : vector<16xf32>
      %swap3A_623 = arith.constant 43 : i32
      %swap3A_624 = arith.index_cast %swap3A_623 : i32 to index
      %swap3A_625 = arith.constant 0 : index
      %swap3A_626 = tpu.vector_load %arg11[%swap3A_624, %swap3A_625] {strides = array<i32>} : memref<128x264xf32, #tpu.memory_space<vmem>>, vector<16xf32>,
      tpu.vector_store %arg11[%swap3A_624, %swap3A_625], %sub3A_622 {strides = array<i32>} : memref<128x264xf32, #tpu.memory_space<vmem>>, vector<16xf32>,
      %broadcast_in_dim3A_627 = arith.constant 43 : i32
      %broadcast_in_dim3A_628 = vector.broadcast %broadcast_in_dim3A_627 : i32 to vector<16xi32>
      tpu.vector_store_idx %arg15[%broadcast_in_dim3A_628, %iota3A], %sub3A_622 masked %lt3A_4 : memref<128x8xf32, #tpu.memory_space<vmem>>[vector<16xi32>, vector<16xi32>], vector<16xf32>, vector<16xi1>
      %get3A_629 = arith.constant 44 : i32
      %get3A_630 = arith.index_cast %get3A_629 : i32 to index
      %get3A_631 = arith.constant 0 : index
      %get3A_632 = tpu.vector_load %arg11[%get3A_630, %get3A_631] {strides = array<i32>} : memref<128x264xf32, #tpu.memory_space<vmem>>, vector<16xf32>,
      %sub3A_633 = arith.subf %get3A_632, %select_n3A_76 : vector<16xf32>
      %swap3A_634 = arith.constant 44 : i32
      %swap3A_635 = arith.index_cast %swap3A_634 : i32 to index
      %swap3A_636 = arith.constant 0 : index
      %swap3A_637 = tpu.vector_load %arg11[%swap3A_635, %swap3A_636] {strides = array<i32>} : memref<128x264xf32, #tpu.memory_space<vmem>>, vector<16xf32>,
      tpu.vector_store %arg11[%swap3A_635, %swap3A_636], %sub3A_633 {strides = array<i32>} : memref<128x264xf32, #tpu.memory_space<vmem>>, vector<16xf32>,
      %broadcast_in_dim3A_638 = arith.constant 44 : i32
      %broadcast_in_dim3A_639 = vector.broadcast %broadcast_in_dim3A_638 : i32 to vector<16xi32>
      tpu.vector_store_idx %arg15[%broadcast_in_dim3A_639, %iota3A], %sub3A_633 masked %lt3A_4 : memref<128x8xf32, #tpu.memory_space<vmem>>[vector<16xi32>, vector<16xi32>], vector<16xf32>, vector<16xi1>
      %get3A_640 = arith.constant 45 : i32
      %get3A_641 = arith.index_cast %get3A_640 : i32 to index
      %get3A_642 = arith.constant 0 : index
      %get3A_643 = tpu.vector_load %arg11[%get3A_641, %get3A_642] {strides = array<i32>} : memref<128x264xf32, #tpu.memory_space<vmem>>, vector<16xf32>,
      %sub3A_644 = arith.subf %get3A_643, %select_n3A_76 : vector<16xf32>
      %swap3A_645 = arith.constant 45 : i32
      %swap3A_646 = arith.index_cast %swap3A_645 : i32 to index
      %swap3A_647 = arith.constant 0 : index
      %swap3A_648 = tpu.vector_load %arg11[%swap3A_646, %swap3A_647] {strides = array<i32>} : memref<128x264xf32, #tpu.memory_space<vmem>>, vector<16xf32>,
      tpu.vector_store %arg11[%swap3A_646, %swap3A_647], %sub3A_644 {strides = array<i32>} : memref<128x264xf32, #tpu.memory_space<vmem>>, vector<16xf32>,
      %broadcast_in_dim3A_649 = arith.constant 45 : i32
      %broadcast_in_dim3A_650 = vector.broadcast %broadcast_in_dim3A_649 : i32 to vector<16xi32>
      tpu.vector_store_idx %arg15[%broadcast_in_dim3A_650, %iota3A], %sub3A_644 masked %lt3A_4 : memref<128x8xf32, #tpu.memory_space<vmem>>[vector<16xi32>, vector<16xi32>], vector<16xf32>, vector<16xi1>
      %get3A_651 = arith.constant 46 : i32
      %get3A_652 = arith.index_cast %get3A_651 : i32 to index
      %get3A_653 = arith.constant 0 : index
      %get3A_654 = tpu.vector_load %arg11[%get3A_652, %get3A_653] {strides = array<i32>} : memref<128x264xf32, #tpu.memory_space<vmem>>, vector<16xf32>,
      %sub3A_655 = arith.subf %get3A_654, %select_n3A_76 : vector<16xf32>
      %swap3A_656 = arith.constant 46 : i32
      %swap3A_657 = arith.index_cast %swap3A_656 : i32 to index
      %swap3A_658 = arith.constant 0 : index
      %swap3A_659 = tpu.vector_load %arg11[%swap3A_657, %swap3A_658] {strides = array<i32>} : memref<128x264xf32, #tpu.memory_space<vmem>>, vector<16xf32>,
      tpu.vector_store %arg11[%swap3A_657, %swap3A_658], %sub3A_655 {strides = array<i32>} : memref<128x264xf32, #tpu.memory_space<vmem>>, vector<16xf32>,
      %broadcast_in_dim3A_660 = arith.constant 46 : i32
      %broadcast_in_dim3A_661 = vector.broadcast %broadcast_in_dim3A_660 : i32 to vector<16xi32>
      tpu.vector_store_idx %arg15[%broadcast_in_dim3A_661, %iota3A], %sub3A_655 masked %lt3A_4 : memref<128x8xf32, #tpu.memory_space<vmem>>[vector<16xi32>, vector<16xi32>], vector<16xf32>, vector<16xi1>
      %get3A_662 = arith.constant 47 : i32
      %get3A_663 = arith.index_cast %get3A_662 : i32 to index
      %get3A_664 = arith.constant 0 : index
      %get3A_665 = tpu.vector_load %arg11[%get3A_663, %get3A_664] {strides = array<i32>} : memref<128x264xf32, #tpu.memory_space<vmem>>, vector<16xf32>,
      %sub3A_666 = arith.subf %get3A_665, %select_n3A_76 : vector<16xf32>
      %swap3A_667 = arith.constant 47 : i32
      %swap3A_668 = arith.index_cast %swap3A_667 : i32 to index
      %swap3A_669 = arith.constant 0 : index
      %swap3A_670 = tpu.vector_load %arg11[%swap3A_668, %swap3A_669] {strides = array<i32>} : memref<128x264xf32, #tpu.memory_space<vmem>>, vector<16xf32>,
      tpu.vector_store %arg11[%swap3A_668, %swap3A_669], %sub3A_666 {strides = array<i32>} : memref<128x264xf32, #tpu.memory_space<vmem>>, vector<16xf32>,
      %broadcast_in_dim3A_671 = arith.constant 47 : i32
      %broadcast_in_dim3A_672 = vector.broadcast %broadcast_in_dim3A_671 : i32 to vector<16xi32>
      tpu.vector_store_idx %arg15[%broadcast_in_dim3A_672, %iota3A], %sub3A_666 masked %lt3A_4 : memref<128x8xf32, #tpu.memory_space<vmem>>[vector<16xi32>, vector<16xi32>], vector<16xf32>, vector<16xi1>
      %get3A_673 = arith.constant 48 : i32
      %get3A_674 = arith.index_cast %get3A_673 : i32 to index
      %get3A_675 = arith.constant 0 : index
      %get3A_676 = tpu.vector_load %arg11[%get3A_674, %get3A_675] {strides = array<i32>} : memref<128x264xf32, #tpu.memory_space<vmem>>, vector<16xf32>,
      %sub3A_677 = arith.subf %get3A_676, %select_n3A_83 : vector<16xf32>
      %swap3A_678 = arith.constant 48 : i32
      %swap3A_679 = arith.index_cast %swap3A_678 : i32 to index
      %swap3A_680 = arith.constant 0 : index
      %swap3A_681 = tpu.vector_load %arg11[%swap3A_679, %swap3A_680] {strides = array<i32>} : memref<128x264xf32, #tpu.memory_space<vmem>>, vector<16xf32>,
      tpu.vector_store %arg11[%swap3A_679, %swap3A_680], %sub3A_677 {strides = array<i32>} : memref<128x264xf32, #tpu.memory_space<vmem>>, vector<16xf32>,
      %broadcast_in_dim3A_682 = arith.constant 48 : i32
      %broadcast_in_dim3A_683 = vector.broadcast %broadcast_in_dim3A_682 : i32 to vector<16xi32>
      tpu.vector_store_idx %arg15[%broadcast_in_dim3A_683, %iota3A], %sub3A_677 masked %lt3A_4 : memref<128x8xf32, #tpu.memory_space<vmem>>[vector<16xi32>, vector<16xi32>], vector<16xf32>, vector<16xi1>
      %get3A_684 = arith.constant 49 : i32
      %get3A_685 = arith.index_cast %get3A_684 : i32 to index
      %get3A_686 = arith.constant 0 : index
      %get3A_687 = tpu.vector_load %arg11[%get3A_685, %get3A_686] {strides = array<i32>} : memref<128x264xf32, #tpu.memory_space<vmem>>, vector<16xf32>,
      %sub3A_688 = arith.subf %get3A_687, %select_n3A_83 : vector<16xf32>
      %swap3A_689 = arith.constant 49 : i32
      %swap3A_690 = arith.index_cast %swap3A_689 : i32 to index
      %swap3A_691 = arith.constant 0 : index
      %swap3A_692 = tpu.vector_load %arg11[%swap3A_690, %swap3A_691] {strides = array<i32>} : memref<128x264xf32, #tpu.memory_space<vmem>>, vector<16xf32>,
      tpu.vector_store %arg11[%swap3A_690, %swap3A_691], %sub3A_688 {strides = array<i32>} : memref<128x264xf32, #tpu.memory_space<vmem>>, vector<16xf32>,
      %broadcast_in_dim3A_693 = arith.constant 49 : i32
      %broadcast_in_dim3A_694 = vector.broadcast %broadcast_in_dim3A_693 : i32 to vector<16xi32>
      tpu.vector_store_idx %arg15[%broadcast_in_dim3A_694, %iota3A], %sub3A_688 masked %lt3A_4 : memref<128x8xf32, #tpu.memory_space<vmem>>[vector<16xi32>, vector<16xi32>], vector<16xf32>, vector<16xi1>
      %get3A_695 = arith.constant 50 : i32
      %get3A_696 = arith.index_cast %get3A_695 : i32 to index
      %get3A_697 = arith.constant 0 : index
      %get3A_698 = tpu.vector_load %arg11[%get3A_696, %get3A_697] {strides = array<i32>} : memref<128x264xf32, #tpu.memory_space<vmem>>, vector<16xf32>,
      %sub3A_699 = arith.subf %get3A_698, %select_n3A_83 : vector<16xf32>
      %swap3A_700 = arith.constant 50 : i32
      %swap3A_701 = arith.index_cast %swap3A_700 : i32 to index
      %swap3A_702 = arith.constant 0 : index
      %swap3A_703 = tpu.vector_load %arg11[%swap3A_701, %swap3A_702] {strides = array<i32>} : memref<128x264xf32, #tpu.memory_space<vmem>>, vector<16xf32>,
      tpu.vector_store %arg11[%swap3A_701, %swap3A_702], %sub3A_699 {strides = array<i32>} : memref<128x264xf32, #tpu.memory_space<vmem>>, vector<16xf32>,
      %broadcast_in_dim3A_704 = arith.constant 50 : i32
      %broadcast_in_dim3A_705 = vector.broadcast %broadcast_in_dim3A_704 : i32 to vector<16xi32>
      tpu.vector_store_idx %arg15[%broadcast_in_dim3A_705, %iota3A], %sub3A_699 masked %lt3A_4 : memref<128x8xf32, #tpu.memory_space<vmem>>[vector<16xi32>, vector<16xi32>], vector<16xf32>, vector<16xi1>
      %get3A_706 = arith.constant 51 : i32
      %get3A_707 = arith.index_cast %get3A_706 : i32 to index
      %get3A_708 = arith.constant 0 : index
      %get3A_709 = tpu.vector_load %arg11[%get3A_707, %get3A_708] {strides = array<i32>} : memref<128x264xf32, #tpu.memory_space<vmem>>, vector<16xf32>,
      %sub3A_710 = arith.subf %get3A_709, %select_n3A_83 : vector<16xf32>
      %swap3A_711 = arith.constant 51 : i32
      %swap3A_712 = arith.index_cast %swap3A_711 : i32 to index
      %swap3A_713 = arith.constant 0 : index
      %swap3A_714 = tpu.vector_load %arg11[%swap3A_712, %swap3A_713] {strides = array<i32>} : memref<128x264xf32, #tpu.memory_space<vmem>>, vector<16xf32>,
      tpu.vector_store %arg11[%swap3A_712, %swap3A_713], %sub3A_710 {strides = array<i32>} : memref<128x264xf32, #tpu.memory_space<vmem>>, vector<16xf32>,
      %broadcast_in_dim3A_715 = arith.constant 51 : i32
      %broadcast_in_dim3A_716 = vector.broadcast %broadcast_in_dim3A_715 : i32 to vector<16xi32>
      tpu.vector_store_idx %arg15[%broadcast_in_dim3A_716, %iota3A], %sub3A_710 masked %lt3A_4 : memref<128x8xf32, #tpu.memory_space<vmem>>[vector<16xi32>, vector<16xi32>], vector<16xf32>, vector<16xi1>
      %get3A_717 = arith.constant 52 : i32
      %get3A_718 = arith.index_cast %get3A_717 : i32 to index
      %get3A_719 = arith.constant 0 : index
      %get3A_720 = tpu.vector_load %arg11[%get3A_718, %get3A_719] {strides = array<i32>} : memref<128x264xf32, #tpu.memory_space<vmem>>, vector<16xf32>,
      %sub3A_721 = arith.subf %get3A_720, %select_n3A_83 : vector<16xf32>
      %swap3A_722 = arith.constant 52 : i32
      %swap3A_723 = arith.index_cast %swap3A_722 : i32 to index
      %swap3A_724 = arith.constant 0 : index
      %swap3A_725 = tpu.vector_load %arg11[%swap3A_723, %swap3A_724] {strides = array<i32>} : memref<128x264xf32, #tpu.memory_space<vmem>>, vector<16xf32>,
      tpu.vector_store %arg11[%swap3A_723, %swap3A_724], %sub3A_721 {strides = array<i32>} : memref<128x264xf32, #tpu.memory_space<vmem>>, vector<16xf32>,
      %broadcast_in_dim3A_726 = arith.constant 52 : i32
      %broadcast_in_dim3A_727 = vector.broadcast %broadcast_in_dim3A_726 : i32 to vector<16xi32>
      tpu.vector_store_idx %arg15[%broadcast_in_dim3A_727, %iota3A], %sub3A_721 masked %lt3A_4 : memref<128x8xf32, #tpu.memory_space<vmem>>[vector<16xi32>, vector<16xi32>], vector<16xf32>, vector<16xi1>
      %get3A_728 = arith.constant 53 : i32
      %get3A_729 = arith.index_cast %get3A_728 : i32 to index
      %get3A_730 = arith.constant 0 : index
      %get3A_731 = tpu.vector_load %arg11[%get3A_729, %get3A_730] {strides = array<i32>} : memref<128x264xf32, #tpu.memory_space<vmem>>, vector<16xf32>,
      %sub3A_732 = arith.subf %get3A_731, %select_n3A_83 : vector<16xf32>
      %swap3A_733 = arith.constant 53 : i32
      %swap3A_734 = arith.index_cast %swap3A_733 : i32 to index
      %swap3A_735 = arith.constant 0 : index
      %swap3A_736 = tpu.vector_load %arg11[%swap3A_734, %swap3A_735] {strides = array<i32>} : memref<128x264xf32, #tpu.memory_space<vmem>>, vector<16xf32>,
      tpu.vector_store %arg11[%swap3A_734, %swap3A_735], %sub3A_732 {strides = array<i32>} : memref<128x264xf32, #tpu.memory_space<vmem>>, vector<16xf32>,
      %broadcast_in_dim3A_737 = arith.constant 53 : i32
      %broadcast_in_dim3A_738 = vector.broadcast %broadcast_in_dim3A_737 : i32 to vector<16xi32>
      tpu.vector_store_idx %arg15[%broadcast_in_dim3A_738, %iota3A], %sub3A_732 masked %lt3A_4 : memref<128x8xf32, #tpu.memory_space<vmem>>[vector<16xi32>, vector<16xi32>], vector<16xf32>, vector<16xi1>
      %get3A_739 = arith.constant 54 : i32
      %get3A_740 = arith.index_cast %get3A_739 : i32 to index
      %get3A_741 = arith.constant 0 : index
      %get3A_742 = tpu.vector_load %arg11[%get3A_740, %get3A_741] {strides = array<i32>} : memref<128x264xf32, #tpu.memory_space<vmem>>, vector<16xf32>,
      %sub3A_743 = arith.subf %get3A_742, %select_n3A_83 : vector<16xf32>
      %swap3A_744 = arith.constant 54 : i32
      %swap3A_745 = arith.index_cast %swap3A_744 : i32 to index
      %swap3A_746 = arith.constant 0 : index
      %swap3A_747 = tpu.vector_load %arg11[%swap3A_745, %swap3A_746] {strides = array<i32>} : memref<128x264xf32, #tpu.memory_space<vmem>>, vector<16xf32>,
      tpu.vector_store %arg11[%swap3A_745, %swap3A_746], %sub3A_743 {strides = array<i32>} : memref<128x264xf32, #tpu.memory_space<vmem>>, vector<16xf32>,
      %broadcast_in_dim3A_748 = arith.constant 54 : i32
      %broadcast_in_dim3A_749 = vector.broadcast %broadcast_in_dim3A_748 : i32 to vector<16xi32>
      tpu.vector_store_idx %arg15[%broadcast_in_dim3A_749, %iota3A], %sub3A_743 masked %lt3A_4 : memref<128x8xf32, #tpu.memory_space<vmem>>[vector<16xi32>, vector<16xi32>], vector<16xf32>, vector<16xi1>
      %get3A_750 = arith.constant 55 : i32
      %get3A_751 = arith.index_cast %get3A_750 : i32 to index
      %get3A_752 = arith.constant 0 : index
      %get3A_753 = tpu.vector_load %arg11[%get3A_751, %get3A_752] {strides = array<i32>} : memref<128x264xf32, #tpu.memory_space<vmem>>, vector<16xf32>,
      %sub3A_754 = arith.subf %get3A_753, %select_n3A_83 : vector<16xf32>
      %swap3A_755 = arith.constant 55 : i32
      %swap3A_756 = arith.index_cast %swap3A_755 : i32 to index
      %swap3A_757 = arith.constant 0 : index
      %swap3A_758 = tpu.vector_load %arg11[%swap3A_756, %swap3A_757] {strides = array<i32>} : memref<128x264xf32, #tpu.memory_space<vmem>>, vector<16xf32>,
      tpu.vector_store %arg11[%swap3A_756, %swap3A_757], %sub3A_754 {strides = array<i32>} : memref<128x264xf32, #tpu.memory_space<vmem>>, vector<16xf32>,
      %broadcast_in_dim3A_759 = arith.constant 55 : i32
      %broadcast_in_dim3A_760 = vector.broadcast %broadcast_in_dim3A_759 : i32 to vector<16xi32>
      tpu.vector_store_idx %arg15[%broadcast_in_dim3A_760, %iota3A], %sub3A_754 masked %lt3A_4 : memref<128x8xf32, #tpu.memory_space<vmem>>[vector<16xi32>, vector<16xi32>], vector<16xf32>, vector<16xi1>
      %get3A_761 = arith.constant 56 : i32
      %get3A_762 = arith.index_cast %get3A_761 : i32 to index
      %get3A_763 = arith.constant 0 : index
      %get3A_764 = tpu.vector_load %arg11[%get3A_762, %get3A_763] {strides = array<i32>} : memref<128x264xf32, #tpu.memory_space<vmem>>, vector<16xf32>,
      %sub3A_765 = arith.subf %get3A_764, %select_n3A_90 : vector<16xf32>
      %swap3A_766 = arith.constant 56 : i32
      %swap3A_767 = arith.index_cast %swap3A_766 : i32 to index
      %swap3A_768 = arith.constant 0 : index
      %swap3A_769 = tpu.vector_load %arg11[%swap3A_767, %swap3A_768] {strides = array<i32>} : memref<128x264xf32, #tpu.memory_space<vmem>>, vector<16xf32>,
      tpu.vector_store %arg11[%swap3A_767, %swap3A_768], %sub3A_765 {strides = array<i32>} : memref<128x264xf32, #tpu.memory_space<vmem>>, vector<16xf32>,
      %broadcast_in_dim3A_770 = arith.constant 56 : i32
      %broadcast_in_dim3A_771 = vector.broadcast %broadcast_in_dim3A_770 : i32 to vector<16xi32>
      tpu.vector_store_idx %arg15[%broadcast_in_dim3A_771, %iota3A], %sub3A_765 masked %lt3A_4 : memref<128x8xf32, #tpu.memory_space<vmem>>[vector<16xi32>, vector<16xi32>], vector<16xf32>, vector<16xi1>
      %get3A_772 = arith.constant 57 : i32
      %get3A_773 = arith.index_cast %get3A_772 : i32 to index
      %get3A_774 = arith.constant 0 : index
      %get3A_775 = tpu.vector_load %arg11[%get3A_773, %get3A_774] {strides = array<i32>} : memref<128x264xf32, #tpu.memory_space<vmem>>, vector<16xf32>,
      %sub3A_776 = arith.subf %get3A_775, %select_n3A_90 : vector<16xf32>
      %swap3A_777 = arith.constant 57 : i32
      %swap3A_778 = arith.index_cast %swap3A_777 : i32 to index
      %swap3A_779 = arith.constant 0 : index
      %swap3A_780 = tpu.vector_load %arg11[%swap3A_778, %swap3A_779] {strides = array<i32>} : memref<128x264xf32, #tpu.memory_space<vmem>>, vector<16xf32>,
      tpu.vector_store %arg11[%swap3A_778, %swap3A_779], %sub3A_776 {strides = array<i32>} : memref<128x264xf32, #tpu.memory_space<vmem>>, vector<16xf32>,
      %broadcast_in_dim3A_781 = arith.constant 57 : i32
      %broadcast_in_dim3A_782 = vector.broadcast %broadcast_in_dim3A_781 : i32 to vector<16xi32>
      tpu.vector_store_idx %arg15[%broadcast_in_dim3A_782, %iota3A], %sub3A_776 masked %lt3A_4 : memref<128x8xf32, #tpu.memory_space<vmem>>[vector<16xi32>, vector<16xi32>], vector<16xf32>, vector<16xi1>
      %get3A_783 = arith.constant 58 : i32
      %get3A_784 = arith.index_cast %get3A_783 : i32 to index
      %get3A_785 = arith.constant 0 : index
      %get3A_786 = tpu.vector_load %arg11[%get3A_784, %get3A_785] {strides = array<i32>} : memref<128x264xf32, #tpu.memory_space<vmem>>, vector<16xf32>,
      %sub3A_787 = arith.subf %get3A_786, %select_n3A_90 : vector<16xf32>
      %swap3A_788 = arith.constant 58 : i32
      %swap3A_789 = arith.index_cast %swap3A_788 : i32 to index
      %swap3A_790 = arith.constant 0 : index
      %swap3A_791 = tpu.vector_load %arg11[%swap3A_789, %swap3A_790] {strides = array<i32>} : memref<128x264xf32, #tpu.memory_space<vmem>>, vector<16xf32>,
      tpu.vector_store %arg11[%swap3A_789, %swap3A_790], %sub3A_787 {strides = array<i32>} : memref<128x264xf32, #tpu.memory_space<vmem>>, vector<16xf32>,
      %broadcast_in_dim3A_792 = arith.constant 58 : i32
      %broadcast_in_dim3A_793 = vector.broadcast %broadcast_in_dim3A_792 : i32 to vector<16xi32>
      tpu.vector_store_idx %arg15[%broadcast_in_dim3A_793, %iota3A], %sub3A_787 masked %lt3A_4 : memref<128x8xf32, #tpu.memory_space<vmem>>[vector<16xi32>, vector<16xi32>], vector<16xf32>, vector<16xi1>
      %get3A_794 = arith.constant 59 : i32
      %get3A_795 = arith.index_cast %get3A_794 : i32 to index
      %get3A_796 = arith.constant 0 : index
      %get3A_797 = tpu.vector_load %arg11[%get3A_795, %get3A_796] {strides = array<i32>} : memref<128x264xf32, #tpu.memory_space<vmem>>, vector<16xf32>,
      %sub3A_798 = arith.subf %get3A_797, %select_n3A_90 : vector<16xf32>
      %swap3A_799 = arith.constant 59 : i32
      %swap3A_800 = arith.index_cast %swap3A_799 : i32 to index
      %swap3A_801 = arith.constant 0 : index
      %swap3A_802 = tpu.vector_load %arg11[%swap3A_800, %swap3A_801] {strides = array<i32>} : memref<128x264xf32, #tpu.memory_space<vmem>>, vector<16xf32>,
      tpu.vector_store %arg11[%swap3A_800, %swap3A_801], %sub3A_798 {strides = array<i32>} : memref<128x264xf32, #tpu.memory_space<vmem>>, vector<16xf32>,
      %broadcast_in_dim3A_803 = arith.constant 59 : i32
      %broadcast_in_dim3A_804 = vector.broadcast %broadcast_in_dim3A_803 : i32 to vector<16xi32>
      tpu.vector_store_idx %arg15[%broadcast_in_dim3A_804, %iota3A], %sub3A_798 masked %lt3A_4 : memref<128x8xf32, #tpu.memory_space<vmem>>[vector<16xi32>, vector<16xi32>], vector<16xf32>, vector<16xi1>
      %get3A_805 = arith.constant 60 : i32
      %get3A_806 = arith.index_cast %get3A_805 : i32 to index
      %get3A_807 = arith.constant 0 : index
      %get3A_808 = tpu.vector_load %arg11[%get3A_806, %get3A_807] {strides = array<i32>} : memref<128x264xf32, #tpu.memory_space<vmem>>, vector<16xf32>,
      %sub3A_809 = arith.subf %get3A_808, %select_n3A_90 : vector<16xf32>
      %swap3A_810 = arith.constant 60 : i32
      %swap3A_811 = arith.index_cast %swap3A_810 : i32 to index
      %swap3A_812 = arith.constant 0 : index
      %swap3A_813 = tpu.vector_load %arg11[%swap3A_811, %swap3A_812] {strides = array<i32>} : memref<128x264xf32, #tpu.memory_space<vmem>>, vector<16xf32>,
      tpu.vector_store %arg11[%swap3A_811, %swap3A_812], %sub3A_809 {strides = array<i32>} : memref<128x264xf32, #tpu.memory_space<vmem>>, vector<16xf32>,
      %broadcast_in_dim3A_814 = arith.constant 60 : i32
      %broadcast_in_dim3A_815 = vector.broadcast %broadcast_in_dim3A_814 : i32 to vector<16xi32>
      tpu.vector_store_idx %arg15[%broadcast_in_dim3A_815, %iota3A], %sub3A_809 masked %lt3A_4 : memref<128x8xf32, #tpu.memory_space<vmem>>[vector<16xi32>, vector<16xi32>], vector<16xf32>, vector<16xi1>
      %get3A_816 = arith.constant 61 : i32
      %get3A_817 = arith.index_cast %get3A_816 : i32 to index
      %get3A_818 = arith.constant 0 : index
      %get3A_819 = tpu.vector_load %arg11[%get3A_817, %get3A_818] {strides = array<i32>} : memref<128x264xf32, #tpu.memory_space<vmem>>, vector<16xf32>,
      %sub3A_820 = arith.subf %get3A_819, %select_n3A_90 : vector<16xf32>
      %swap3A_821 = arith.constant 61 : i32
      %swap3A_822 = arith.index_cast %swap3A_821 : i32 to index
      %swap3A_823 = arith.constant 0 : index
      %swap3A_824 = tpu.vector_load %arg11[%swap3A_822, %swap3A_823] {strides = array<i32>} : memref<128x264xf32, #tpu.memory_space<vmem>>, vector<16xf32>,
      tpu.vector_store %arg11[%swap3A_822, %swap3A_823], %sub3A_820 {strides = array<i32>} : memref<128x264xf32, #tpu.memory_space<vmem>>, vector<16xf32>,
      %broadcast_in_dim3A_825 = arith.constant 61 : i32
      %broadcast_in_dim3A_826 = vector.broadcast %broadcast_in_dim3A_825 : i32 to vector<16xi32>
      tpu.vector_store_idx %arg15[%broadcast_in_dim3A_826, %iota3A], %sub3A_820 masked %lt3A_4 : memref<128x8xf32, #tpu.memory_space<vmem>>[vector<16xi32>, vector<16xi32>], vector<16xf32>, vector<16xi1>
      %get3A_827 = arith.constant 62 : i32
      %get3A_828 = arith.index_cast %get3A_827 : i32 to index
      %get3A_829 = arith.constant 0 : index
      %get3A_830 = tpu.vector_load %arg11[%get3A_828, %get3A_829] {strides = array<i32>} : memref<128x264xf32, #tpu.memory_space<vmem>>, vector<16xf32>,
      %sub3A_831 = arith.subf %get3A_830, %select_n3A_90 : vector<16xf32>
      %swap3A_832 = arith.constant 62 : i32
      %swap3A_833 = arith.index_cast %swap3A_832 : i32 to index
      %swap3A_834 = arith.constant 0 : index
      %swap3A_835 = tpu.vector_load %arg11[%swap3A_833, %swap3A_834] {strides = array<i32>} : memref<128x264xf32, #tpu.memory_space<vmem>>, vector<16xf32>,
      tpu.vector_store %arg11[%swap3A_833, %swap3A_834], %sub3A_831 {strides = array<i32>} : memref<128x264xf32, #tpu.memory_space<vmem>>, vector<16xf32>,
      %broadcast_in_dim3A_836 = arith.constant 62 : i32
      %broadcast_in_dim3A_837 = vector.broadcast %broadcast_in_dim3A_836 : i32 to vector<16xi32>
      tpu.vector_store_idx %arg15[%broadcast_in_dim3A_837, %iota3A], %sub3A_831 masked %lt3A_4 : memref<128x8xf32, #tpu.memory_space<vmem>>[vector<16xi32>, vector<16xi32>], vector<16xf32>, vector<16xi1>
      %get3A_838 = arith.constant 63 : i32
      %get3A_839 = arith.index_cast %get3A_838 : i32 to index
      %get3A_840 = arith.constant 0 : index
      %get3A_841 = tpu.vector_load %arg11[%get3A_839, %get3A_840] {strides = array<i32>} : memref<128x264xf32, #tpu.memory_space<vmem>>, vector<16xf32>,
      %sub3A_842 = arith.subf %get3A_841, %select_n3A_90 : vector<16xf32>
      %swap3A_843 = arith.constant 63 : i32
      %swap3A_844 = arith.index_cast %swap3A_843 : i32 to index
      %swap3A_845 = arith.constant 0 : index
      %swap3A_846 = tpu.vector_load %arg11[%swap3A_844, %swap3A_845] {strides = array<i32>} : memref<128x264xf32, #tpu.memory_space<vmem>>, vector<16xf32>,
      tpu.vector_store %arg11[%swap3A_844, %swap3A_845], %sub3A_842 {strides = array<i32>} : memref<128x264xf32, #tpu.memory_space<vmem>>, vector<16xf32>,
      %broadcast_in_dim3A_847 = arith.constant 63 : i32
      %broadcast_in_dim3A_848 = vector.broadcast %broadcast_in_dim3A_847 : i32 to vector<16xi32>
      tpu.vector_store_idx %arg15[%broadcast_in_dim3A_848, %iota3A], %sub3A_842 masked %lt3A_4 : memref<128x8xf32, #tpu.memory_space<vmem>>[vector<16xi32>, vector<16xi32>], vector<16xf32>, vector<16xi1>
      %get3A_849 = arith.constant 64 : i32
      %get3A_850 = arith.index_cast %get3A_849 : i32 to index
      %get3A_851 = arith.constant 0 : index
      %get3A_852 = tpu.vector_load %arg11[%get3A_850, %get3A_851] {strides = array<i32>} : memref<128x264xf32, #tpu.memory_space<vmem>>, vector<16xf32>,
      %sub3A_853 = arith.subf %get3A_852, %select_n3A_97 : vector<16xf32>
      %swap3A_854 = arith.constant 64 : i32
      %swap3A_855 = arith.index_cast %swap3A_854 : i32 to index
      %swap3A_856 = arith.constant 0 : index
      %swap3A_857 = tpu.vector_load %arg11[%swap3A_855, %swap3A_856] {strides = array<i32>} : memref<128x264xf32, #tpu.memory_space<vmem>>, vector<16xf32>,
      tpu.vector_store %arg11[%swap3A_855, %swap3A_856], %sub3A_853 {strides = array<i32>} : memref<128x264xf32, #tpu.memory_space<vmem>>, vector<16xf32>,
      %broadcast_in_dim3A_858 = arith.constant 64 : i32
      %broadcast_in_dim3A_859 = vector.broadcast %broadcast_in_dim3A_858 : i32 to vector<16xi32>
      tpu.vector_store_idx %arg15[%broadcast_in_dim3A_859, %iota3A], %sub3A_853 masked %lt3A_4 : memref<128x8xf32, #tpu.memory_space<vmem>>[vector<16xi32>, vector<16xi32>], vector<16xf32>, vector<16xi1>
      %get3A_860 = arith.constant 65 : i32
      %get3A_861 = arith.index_cast %get3A_860 : i32 to index
      %get3A_862 = arith.constant 0 : index
      %get3A_863 = tpu.vector_load %arg11[%get3A_861, %get3A_862] {strides = array<i32>} : memref<128x264xf32, #tpu.memory_space<vmem>>, vector<16xf32>,
      %sub3A_864 = arith.subf %get3A_863, %select_n3A_97 : vector<16xf32>
      %swap3A_865 = arith.constant 65 : i32
      %swap3A_866 = arith.index_cast %swap3A_865 : i32 to index
      %swap3A_867 = arith.constant 0 : index
      %swap3A_868 = tpu.vector_load %arg11[%swap3A_866, %swap3A_867] {strides = array<i32>} : memref<128x264xf32, #tpu.memory_space<vmem>>, vector<16xf32>,
      tpu.vector_store %arg11[%swap3A_866, %swap3A_867], %sub3A_864 {strides = array<i32>} : memref<128x264xf32, #tpu.memory_space<vmem>>, vector<16xf32>,
      %broadcast_in_dim3A_869 = arith.constant 65 : i32
      %broadcast_in_dim3A_870 = vector.broadcast %broadcast_in_dim3A_869 : i32 to vector<16xi32>
      tpu.vector_store_idx %arg15[%broadcast_in_dim3A_870, %iota3A], %sub3A_864 masked %lt3A_4 : memref<128x8xf32, #tpu.memory_space<vmem>>[vector<16xi32>, vector<16xi32>], vector<16xf32>, vector<16xi1>
      %get3A_871 = arith.constant 66 : i32
      %get3A_872 = arith.index_cast %get3A_871 : i32 to index
      %get3A_873 = arith.constant 0 : index
      %get3A_874 = tpu.vector_load %arg11[%get3A_872, %get3A_873] {strides = array<i32>} : memref<128x264xf32, #tpu.memory_space<vmem>>, vector<16xf32>,
      %sub3A_875 = arith.subf %get3A_874, %select_n3A_97 : vector<16xf32>
      %swap3A_876 = arith.constant 66 : i32
      %swap3A_877 = arith.index_cast %swap3A_876 : i32 to index
      %swap3A_878 = arith.constant 0 : index
      %swap3A_879 = tpu.vector_load %arg11[%swap3A_877, %swap3A_878] {strides = array<i32>} : memref<128x264xf32, #tpu.memory_space<vmem>>, vector<16xf32>,
      tpu.vector_store %arg11[%swap3A_877, %swap3A_878], %sub3A_875 {strides = array<i32>} : memref<128x264xf32, #tpu.memory_space<vmem>>, vector<16xf32>,
      %broadcast_in_dim3A_880 = arith.constant 66 : i32
      %broadcast_in_dim3A_881 = vector.broadcast %broadcast_in_dim3A_880 : i32 to vector<16xi32>
      tpu.vector_store_idx %arg15[%broadcast_in_dim3A_881, %iota3A], %sub3A_875 masked %lt3A_4 : memref<128x8xf32, #tpu.memory_space<vmem>>[vector<16xi32>, vector<16xi32>], vector<16xf32>, vector<16xi1>
      %get3A_882 = arith.constant 67 : i32
      %get3A_883 = arith.index_cast %get3A_882 : i32 to index
      %get3A_884 = arith.constant 0 : index
      %get3A_885 = tpu.vector_load %arg11[%get3A_883, %get3A_884] {strides = array<i32>} : memref<128x264xf32, #tpu.memory_space<vmem>>, vector<16xf32>,
      %sub3A_886 = arith.subf %get3A_885, %select_n3A_97 : vector<16xf32>
      %swap3A_887 = arith.constant 67 : i32
      %swap3A_888 = arith.index_cast %swap3A_887 : i32 to index
      %swap3A_889 = arith.constant 0 : index
      %swap3A_890 = tpu.vector_load %arg11[%swap3A_888, %swap3A_889] {strides = array<i32>} : memref<128x264xf32, #tpu.memory_space<vmem>>, vector<16xf32>,
      tpu.vector_store %arg11[%swap3A_888, %swap3A_889], %sub3A_886 {strides = array<i32>} : memref<128x264xf32, #tpu.memory_space<vmem>>, vector<16xf32>,
      %broadcast_in_dim3A_891 = arith.constant 67 : i32
      %broadcast_in_dim3A_892 = vector.broadcast %broadcast_in_dim3A_891 : i32 to vector<16xi32>
      tpu.vector_store_idx %arg15[%broadcast_in_dim3A_892, %iota3A], %sub3A_886 masked %lt3A_4 : memref<128x8xf32, #tpu.memory_space<vmem>>[vector<16xi32>, vector<16xi32>], vector<16xf32>, vector<16xi1>
      %get3A_893 = arith.constant 68 : i32
      %get3A_894 = arith.index_cast %get3A_893 : i32 to index
      %get3A_895 = arith.constant 0 : index
      %get3A_896 = tpu.vector_load %arg11[%get3A_894, %get3A_895] {strides = array<i32>} : memref<128x264xf32, #tpu.memory_space<vmem>>, vector<16xf32>,
      %sub3A_897 = arith.subf %get3A_896, %select_n3A_97 : vector<16xf32>
      %swap3A_898 = arith.constant 68 : i32
      %swap3A_899 = arith.index_cast %swap3A_898 : i32 to index
      %swap3A_900 = arith.constant 0 : index
      %swap3A_901 = tpu.vector_load %arg11[%swap3A_899, %swap3A_900] {strides = array<i32>} : memref<128x264xf32, #tpu.memory_space<vmem>>, vector<16xf32>,
      tpu.vector_store %arg11[%swap3A_899, %swap3A_900], %sub3A_897 {strides = array<i32>} : memref<128x264xf32, #tpu.memory_space<vmem>>, vector<16xf32>,
      %broadcast_in_dim3A_902 = arith.constant 68 : i32
      %broadcast_in_dim3A_903 = vector.broadcast %broadcast_in_dim3A_902 : i32 to vector<16xi32>
      tpu.vector_store_idx %arg15[%broadcast_in_dim3A_903, %iota3A], %sub3A_897 masked %lt3A_4 : memref<128x8xf32, #tpu.memory_space<vmem>>[vector<16xi32>, vector<16xi32>], vector<16xf32>, vector<16xi1>
      %get3A_904 = arith.constant 69 : i32
      %get3A_905 = arith.index_cast %get3A_904 : i32 to index
      %get3A_906 = arith.constant 0 : index
      %get3A_907 = tpu.vector_load %arg11[%get3A_905, %get3A_906] {strides = array<i32>} : memref<128x264xf32, #tpu.memory_space<vmem>>, vector<16xf32>,
      %sub3A_908 = arith.subf %get3A_907, %select_n3A_97 : vector<16xf32>
      %swap3A_909 = arith.constant 69 : i32
      %swap3A_910 = arith.index_cast %swap3A_909 : i32 to index
      %swap3A_911 = arith.constant 0 : index
      %swap3A_912 = tpu.vector_load %arg11[%swap3A_910, %swap3A_911] {strides = array<i32>} : memref<128x264xf32, #tpu.memory_space<vmem>>, vector<16xf32>,
      tpu.vector_store %arg11[%swap3A_910, %swap3A_911], %sub3A_908 {strides = array<i32>} : memref<128x264xf32, #tpu.memory_space<vmem>>, vector<16xf32>,
      %broadcast_in_dim3A_913 = arith.constant 69 : i32
      %broadcast_in_dim3A_914 = vector.broadcast %broadcast_in_dim3A_913 : i32 to vector<16xi32>
      tpu.vector_store_idx %arg15[%broadcast_in_dim3A_914, %iota3A], %sub3A_908 masked %lt3A_4 : memref<128x8xf32, #tpu.memory_space<vmem>>[vector<16xi32>, vector<16xi32>], vector<16xf32>, vector<16xi1>
      %get3A_915 = arith.constant 70 : i32
      %get3A_916 = arith.index_cast %get3A_915 : i32 to index
      %get3A_917 = arith.constant 0 : index
      %get3A_918 = tpu.vector_load %arg11[%get3A_916, %get3A_917] {strides = array<i32>} : memref<128x264xf32, #tpu.memory_space<vmem>>, vector<16xf32>,
      %sub3A_919 = arith.subf %get3A_918, %select_n3A_97 : vector<16xf32>
      %swap3A_920 = arith.constant 70 : i32
      %swap3A_921 = arith.index_cast %swap3A_920 : i32 to index
      %swap3A_922 = arith.constant 0 : index
      %swap3A_923 = tpu.vector_load %arg11[%swap3A_921, %swap3A_922] {strides = array<i32>} : memref<128x264xf32, #tpu.memory_space<vmem>>, vector<16xf32>,
      tpu.vector_store %arg11[%swap3A_921, %swap3A_922], %sub3A_919 {strides = array<i32>} : memref<128x264xf32, #tpu.memory_space<vmem>>, vector<16xf32>,
      %broadcast_in_dim3A_924 = arith.constant 70 : i32
      %broadcast_in_dim3A_925 = vector.broadcast %broadcast_in_dim3A_924 : i32 to vector<16xi32>
      tpu.vector_store_idx %arg15[%broadcast_in_dim3A_925, %iota3A], %sub3A_919 masked %lt3A_4 : memref<128x8xf32, #tpu.memory_space<vmem>>[vector<16xi32>, vector<16xi32>], vector<16xf32>, vector<16xi1>
      %get3A_926 = arith.constant 71 : i32
      %get3A_927 = arith.index_cast %get3A_926 : i32 to index
      %get3A_928 = arith.constant 0 : index
      %get3A_929 = tpu.vector_load %arg11[%get3A_927, %get3A_928] {strides = array<i32>} : memref<128x264xf32, #tpu.memory_space<vmem>>, vector<16xf32>,
      %sub3A_930 = arith.subf %get3A_929, %select_n3A_97 : vector<16xf32>
      %swap3A_931 = arith.constant 71 : i32
      %swap3A_932 = arith.index_cast %swap3A_931 : i32 to index
      %swap3A_933 = arith.constant 0 : index
      %swap3A_934 = tpu.vector_load %arg11[%swap3A_932, %swap3A_933] {strides = array<i32>} : memref<128x264xf32, #tpu.memory_space<vmem>>, vector<16xf32>,
      tpu.vector_store %arg11[%swap3A_932, %swap3A_933], %sub3A_930 {strides = array<i32>} : memref<128x264xf32, #tpu.memory_space<vmem>>, vector<16xf32>,
      %broadcast_in_dim3A_935 = arith.constant 71 : i32
      %broadcast_in_dim3A_936 = vector.broadcast %broadcast_in_dim3A_935 : i32 to vector<16xi32>
      tpu.vector_store_idx %arg15[%broadcast_in_dim3A_936, %iota3A], %sub3A_930 masked %lt3A_4 : memref<128x8xf32, #tpu.memory_space<vmem>>[vector<16xi32>, vector<16xi32>], vector<16xf32>, vector<16xi1>
      %get3A_937 = arith.constant 72 : i32
      %get3A_938 = arith.index_cast %get3A_937 : i32 to index
      %get3A_939 = arith.constant 0 : index
      %get3A_940 = tpu.vector_load %arg11[%get3A_938, %get3A_939] {strides = array<i32>} : memref<128x264xf32, #tpu.memory_space<vmem>>, vector<16xf32>,
      %sub3A_941 = arith.subf %get3A_940, %select_n3A_104 : vector<16xf32>
      %swap3A_942 = arith.constant 72 : i32
      %swap3A_943 = arith.index_cast %swap3A_942 : i32 to index
      %swap3A_944 = arith.constant 0 : index
      %swap3A_945 = tpu.vector_load %arg11[%swap3A_943, %swap3A_944] {strides = array<i32>} : memref<128x264xf32, #tpu.memory_space<vmem>>, vector<16xf32>,
      tpu.vector_store %arg11[%swap3A_943, %swap3A_944], %sub3A_941 {strides = array<i32>} : memref<128x264xf32, #tpu.memory_space<vmem>>, vector<16xf32>,
      %broadcast_in_dim3A_946 = arith.constant 72 : i32
      %broadcast_in_dim3A_947 = vector.broadcast %broadcast_in_dim3A_946 : i32 to vector<16xi32>
      tpu.vector_store_idx %arg15[%broadcast_in_dim3A_947, %iota3A], %sub3A_941 masked %lt3A_4 : memref<128x8xf32, #tpu.memory_space<vmem>>[vector<16xi32>, vector<16xi32>], vector<16xf32>, vector<16xi1>
      %get3A_948 = arith.constant 73 : i32
      %get3A_949 = arith.index_cast %get3A_948 : i32 to index
      %get3A_950 = arith.constant 0 : index
      %get3A_951 = tpu.vector_load %arg11[%get3A_949, %get3A_950] {strides = array<i32>} : memref<128x264xf32, #tpu.memory_space<vmem>>, vector<16xf32>,
      %sub3A_952 = arith.subf %get3A_951, %select_n3A_104 : vector<16xf32>
      %swap3A_953 = arith.constant 73 : i32
      %swap3A_954 = arith.index_cast %swap3A_953 : i32 to index
      %swap3A_955 = arith.constant 0 : index
      %swap3A_956 = tpu.vector_load %arg11[%swap3A_954, %swap3A_955] {strides = array<i32>} : memref<128x264xf32, #tpu.memory_space<vmem>>, vector<16xf32>,
      tpu.vector_store %arg11[%swap3A_954, %swap3A_955], %sub3A_952 {strides = array<i32>} : memref<128x264xf32, #tpu.memory_space<vmem>>, vector<16xf32>,
      %broadcast_in_dim3A_957 = arith.constant 73 : i32
      %broadcast_in_dim3A_958 = vector.broadcast %broadcast_in_dim3A_957 : i32 to vector<16xi32>
      tpu.vector_store_idx %arg15[%broadcast_in_dim3A_958, %iota3A], %sub3A_952 masked %lt3A_4 : memref<128x8xf32, #tpu.memory_space<vmem>>[vector<16xi32>, vector<16xi32>], vector<16xf32>, vector<16xi1>
      %get3A_959 = arith.constant 74 : i32
      %get3A_960 = arith.index_cast %get3A_959 : i32 to index
      %get3A_961 = arith.constant 0 : index
      %get3A_962 = tpu.vector_load %arg11[%get3A_960, %get3A_961] {strides = array<i32>} : memref<128x264xf32, #tpu.memory_space<vmem>>, vector<16xf32>,
      %sub3A_963 = arith.subf %get3A_962, %select_n3A_104 : vector<16xf32>
      %swap3A_964 = arith.constant 74 : i32
      %swap3A_965 = arith.index_cast %swap3A_964 : i32 to index
      %swap3A_966 = arith.constant 0 : index
      %swap3A_967 = tpu.vector_load %arg11[%swap3A_965, %swap3A_966] {strides = array<i32>} : memref<128x264xf32, #tpu.memory_space<vmem>>, vector<16xf32>,
      tpu.vector_store %arg11[%swap3A_965, %swap3A_966], %sub3A_963 {strides = array<i32>} : memref<128x264xf32, #tpu.memory_space<vmem>>, vector<16xf32>,
      %broadcast_in_dim3A_968 = arith.constant 74 : i32
      %broadcast_in_dim3A_969 = vector.broadcast %broadcast_in_dim3A_968 : i32 to vector<16xi32>
      tpu.vector_store_idx %arg15[%broadcast_in_dim3A_969, %iota3A], %sub3A_963 masked %lt3A_4 : memref<128x8xf32, #tpu.memory_space<vmem>>[vector<16xi32>, vector<16xi32>], vector<16xf32>, vector<16xi1>
      %get3A_970 = arith.constant 75 : i32
      %get3A_971 = arith.index_cast %get3A_970 : i32 to index
      %get3A_972 = arith.constant 0 : index
      %get3A_973 = tpu.vector_load %arg11[%get3A_971, %get3A_972] {strides = array<i32>} : memref<128x264xf32, #tpu.memory_space<vmem>>, vector<16xf32>,
      %sub3A_974 = arith.subf %get3A_973, %select_n3A_104 : vector<16xf32>
      %swap3A_975 = arith.constant 75 : i32
      %swap3A_976 = arith.index_cast %swap3A_975 : i32 to index
      %swap3A_977 = arith.constant 0 : index
      %swap3A_978 = tpu.vector_load %arg11[%swap3A_976, %swap3A_977] {strides = array<i32>} : memref<128x264xf32, #tpu.memory_space<vmem>>, vector<16xf32>,
      tpu.vector_store %arg11[%swap3A_976, %swap3A_977], %sub3A_974 {strides = array<i32>} : memref<128x264xf32, #tpu.memory_space<vmem>>, vector<16xf32>,
      %broadcast_in_dim3A_979 = arith.constant 75 : i32
      %broadcast_in_dim3A_980 = vector.broadcast %broadcast_in_dim3A_979 : i32 to vector<16xi32>
      tpu.vector_store_idx %arg15[%broadcast_in_dim3A_980, %iota3A], %sub3A_974 masked %lt3A_4 : memref<128x8xf32, #tpu.memory_space<vmem>>[vector<16xi32>, vector<16xi32>], vector<16xf32>, vector<16xi1>
      %get3A_981 = arith.constant 76 : i32
      %get3A_982 = arith.index_cast %get3A_981 : i32 to index
      %get3A_983 = arith.constant 0 : index
      %get3A_984 = tpu.vector_load %arg11[%get3A_982, %get3A_983] {strides = array<i32>} : memref<128x264xf32, #tpu.memory_space<vmem>>, vector<16xf32>,
      %sub3A_985 = arith.subf %get3A_984, %select_n3A_104 : vector<16xf32>
      %swap3A_986 = arith.constant 76 : i32
      %swap3A_987 = arith.index_cast %swap3A_986 : i32 to index
      %swap3A_988 = arith.constant 0 : index
      %swap3A_989 = tpu.vector_load %arg11[%swap3A_987, %swap3A_988] {strides = array<i32>} : memref<128x264xf32, #tpu.memory_space<vmem>>, vector<16xf32>,
      tpu.vector_store %arg11[%swap3A_987, %swap3A_988], %sub3A_985 {strides = array<i32>} : memref<128x264xf32, #tpu.memory_space<vmem>>, vector<16xf32>,
      %broadcast_in_dim3A_990 = arith.constant 76 : i32
      %broadcast_in_dim3A_991 = vector.broadcast %broadcast_in_dim3A_990 : i32 to vector<16xi32>
      tpu.vector_store_idx %arg15[%broadcast_in_dim3A_991, %iota3A], %sub3A_985 masked %lt3A_4 : memref<128x8xf32, #tpu.memory_space<vmem>>[vector<16xi32>, vector<16xi32>], vector<16xf32>, vector<16xi1>
      %get3A_992 = arith.constant 77 : i32
      %get3A_993 = arith.index_cast %get3A_992 : i32 to index
      %get3A_994 = arith.constant 0 : index
      %get3A_995 = tpu.vector_load %arg11[%get3A_993, %get3A_994] {strides = array<i32>} : memref<128x264xf32, #tpu.memory_space<vmem>>, vector<16xf32>,
      %sub3A_996 = arith.subf %get3A_995, %select_n3A_104 : vector<16xf32>
      %swap3A_997 = arith.constant 77 : i32
      %swap3A_998 = arith.index_cast %swap3A_997 : i32 to index
      %swap3A_999 = arith.constant 0 : index
      %swap3A_1000 = tpu.vector_load %arg11[%swap3A_998, %swap3A_999] {strides = array<i32>} : memref<128x264xf32, #tpu.memory_space<vmem>>, vector<16xf32>,
      tpu.vector_store %arg11[%swap3A_998, %swap3A_999], %sub3A_996 {strides = array<i32>} : memref<128x264xf32, #tpu.memory_space<vmem>>, vector<16xf32>,
      %broadcast_in_dim3A_1001 = arith.constant 77 : i32
      %broadcast_in_dim3A_1002 = vector.broadcast %broadcast_in_dim3A_1001 : i32 to vector<16xi32>
      tpu.vector_store_idx %arg15[%broadcast_in_dim3A_1002, %iota3A], %sub3A_996 masked %lt3A_4 : memref<128x8xf32, #tpu.memory_space<vmem>>[vector<16xi32>, vector<16xi32>], vector<16xf32>, vector<16xi1>
      %get3A_1003 = arith.constant 78 : i32
      %get3A_1004 = arith.index_cast %get3A_1003 : i32 to index
      %get3A_1005 = arith.constant 0 : index
      %get3A_1006 = tpu.vector_load %arg11[%get3A_1004, %get3A_1005] {strides = array<i32>} : memref<128x264xf32, #tpu.memory_space<vmem>>, vector<16xf32>,
      %sub3A_1007 = arith.subf %get3A_1006, %select_n3A_104 : vector<16xf32>
      %swap3A_1008 = arith.constant 78 : i32
      %swap3A_1009 = arith.index_cast %swap3A_1008 : i32 to index
      %swap3A_1010 = arith.constant 0 : index
      %swap3A_1011 = tpu.vector_load %arg11[%swap3A_1009, %swap3A_1010] {strides = array<i32>} : memref<128x264xf32, #tpu.memory_space<vmem>>, vector<16xf32>,
      tpu.vector_store %arg11[%swap3A_1009, %swap3A_1010], %sub3A_1007 {strides = array<i32>} : memref<128x264xf32, #tpu.memory_space<vmem>>, vector<16xf32>,
      %broadcast_in_dim3A_1012 = arith.constant 78 : i32
      %broadcast_in_dim3A_1013 = vector.broadcast %broadcast_in_dim3A_1012 : i32 to vector<16xi32>
      tpu.vector_store_idx %arg15[%broadcast_in_dim3A_1013, %iota3A], %sub3A_1007 masked %lt3A_4 : memref<128x8xf32, #tpu.memory_space<vmem>>[vector<16xi32>, vector<16xi32>], vector<16xf32>, vector<16xi1>
      %get3A_1014 = arith.constant 79 : i32
      %get3A_1015 = arith.index_cast %get3A_1014 : i32 to index
      %get3A_1016 = arith.constant 0 : index
      %get3A_1017 = tpu.vector_load %arg11[%get3A_1015, %get3A_1016] {strides = array<i32>} : memref<128x264xf32, #tpu.memory_space<vmem>>, vector<16xf32>,
      %sub3A_1018 = arith.subf %get3A_1017, %select_n3A_104 : vector<16xf32>
      %swap3A_1019 = arith.constant 79 : i32
      %swap3A_1020 = arith.index_cast %swap3A_1019 : i32 to index
      %swap3A_1021 = arith.constant 0 : index
      %swap3A_1022 = tpu.vector_load %arg11[%swap3A_1020, %swap3A_1021] {strides = array<i32>} : memref<128x264xf32, #tpu.memory_space<vmem>>, vector<16xf32>,
      tpu.vector_store %arg11[%swap3A_1020, %swap3A_1021], %sub3A_1018 {strides = array<i32>} : memref<128x264xf32, #tpu.memory_space<vmem>>, vector<16xf32>,
      %broadcast_in_dim3A_1023 = arith.constant 79 : i32
      %broadcast_in_dim3A_1024 = vector.broadcast %broadcast_in_dim3A_1023 : i32 to vector<16xi32>
      tpu.vector_store_idx %arg15[%broadcast_in_dim3A_1024, %iota3A], %sub3A_1018 masked %lt3A_4 : memref<128x8xf32, #tpu.memory_space<vmem>>[vector<16xi32>, vector<16xi32>], vector<16xf32>, vector<16xi1>
      %get3A_1025 = arith.constant 80 : i32
      %get3A_1026 = arith.index_cast %get3A_1025 : i32 to index
      %get3A_1027 = arith.constant 0 : index
      %get3A_1028 = tpu.vector_load %arg11[%get3A_1026, %get3A_1027] {strides = array<i32>} : memref<128x264xf32, #tpu.memory_space<vmem>>, vector<16xf32>,
      %sub3A_1029 = arith.subf %get3A_1028, %select_n3A_111 : vector<16xf32>
      %swap3A_1030 = arith.constant 80 : i32
      %swap3A_1031 = arith.index_cast %swap3A_1030 : i32 to index
      %swap3A_1032 = arith.constant 0 : index
      %swap3A_1033 = tpu.vector_load %arg11[%swap3A_1031, %swap3A_1032] {strides = array<i32>} : memref<128x264xf32, #tpu.memory_space<vmem>>, vector<16xf32>,
      tpu.vector_store %arg11[%swap3A_1031, %swap3A_1032], %sub3A_1029 {strides = array<i32>} : memref<128x264xf32, #tpu.memory_space<vmem>>, vector<16xf32>,
      %broadcast_in_dim3A_1034 = arith.constant 80 : i32
      %broadcast_in_dim3A_1035 = vector.broadcast %broadcast_in_dim3A_1034 : i32 to vector<16xi32>
      tpu.vector_store_idx %arg15[%broadcast_in_dim3A_1035, %iota3A], %sub3A_1029 masked %lt3A_4 : memref<128x8xf32, #tpu.memory_space<vmem>>[vector<16xi32>, vector<16xi32>], vector<16xf32>, vector<16xi1>
      %get3A_1036 = arith.constant 81 : i32
      %get3A_1037 = arith.index_cast %get3A_1036 : i32 to index
      %get3A_1038 = arith.constant 0 : index
      %get3A_1039 = tpu.vector_load %arg11[%get3A_1037, %get3A_1038] {strides = array<i32>} : memref<128x264xf32, #tpu.memory_space<vmem>>, vector<16xf32>,
      %sub3A_1040 = arith.subf %get3A_1039, %select_n3A_111 : vector<16xf32>
      %swap3A_1041 = arith.constant 81 : i32
      %swap3A_1042 = arith.index_cast %swap3A_1041 : i32 to index
      %swap3A_1043 = arith.constant 0 : index
      %swap3A_1044 = tpu.vector_load %arg11[%swap3A_1042, %swap3A_1043] {strides = array<i32>} : memref<128x264xf32, #tpu.memory_space<vmem>>, vector<16xf32>,
      tpu.vector_store %arg11[%swap3A_1042, %swap3A_1043], %sub3A_1040 {strides = array<i32>} : memref<128x264xf32, #tpu.memory_space<vmem>>, vector<16xf32>,
      %broadcast_in_dim3A_1045 = arith.constant 81 : i32
      %broadcast_in_dim3A_1046 = vector.broadcast %broadcast_in_dim3A_1045 : i32 to vector<16xi32>
      tpu.vector_store_idx %arg15[%broadcast_in_dim3A_1046, %iota3A], %sub3A_1040 masked %lt3A_4 : memref<128x8xf32, #tpu.memory_space<vmem>>[vector<16xi32>, vector<16xi32>], vector<16xf32>, vector<16xi1>
      %get3A_1047 = arith.constant 82 : i32
      %get3A_1048 = arith.index_cast %get3A_1047 : i32 to index
      %get3A_1049 = arith.constant 0 : index
      %get3A_1050 = tpu.vector_load %arg11[%get3A_1048, %get3A_1049] {strides = array<i32>} : memref<128x264xf32, #tpu.memory_space<vmem>>, vector<16xf32>,
      %sub3A_1051 = arith.subf %get3A_1050, %select_n3A_111 : vector<16xf32>
      %swap3A_1052 = arith.constant 82 : i32
      %swap3A_1053 = arith.index_cast %swap3A_1052 : i32 to index
      %swap3A_1054 = arith.constant 0 : index
      %swap3A_1055 = tpu.vector_load %arg11[%swap3A_1053, %swap3A_1054] {strides = array<i32>} : memref<128x264xf32, #tpu.memory_space<vmem>>, vector<16xf32>,
      tpu.vector_store %arg11[%swap3A_1053, %swap3A_1054], %sub3A_1051 {strides = array<i32>} : memref<128x264xf32, #tpu.memory_space<vmem>>, vector<16xf32>,
      %broadcast_in_dim3A_1056 = arith.constant 82 : i32
      %broadcast_in_dim3A_1057 = vector.broadcast %broadcast_in_dim3A_1056 : i32 to vector<16xi32>
      tpu.vector_store_idx %arg15[%broadcast_in_dim3A_1057, %iota3A], %sub3A_1051 masked %lt3A_4 : memref<128x8xf32, #tpu.memory_space<vmem>>[vector<16xi32>, vector<16xi32>], vector<16xf32>, vector<16xi1>
      %get3A_1058 = arith.constant 83 : i32
      %get3A_1059 = arith.index_cast %get3A_1058 : i32 to index
      %get3A_1060 = arith.constant 0 : index
      %get3A_1061 = tpu.vector_load %arg11[%get3A_1059, %get3A_1060] {strides = array<i32>} : memref<128x264xf32, #tpu.memory_space<vmem>>, vector<16xf32>,
      %sub3A_1062 = arith.subf %get3A_1061, %select_n3A_111 : vector<16xf32>
      %swap3A_1063 = arith.constant 83 : i32
      %swap3A_1064 = arith.index_cast %swap3A_1063 : i32 to index
      %swap3A_1065 = arith.constant 0 : index
      %swap3A_1066 = tpu.vector_load %arg11[%swap3A_1064, %swap3A_1065] {strides = array<i32>} : memref<128x264xf32, #tpu.memory_space<vmem>>, vector<16xf32>,
      tpu.vector_store %arg11[%swap3A_1064, %swap3A_1065], %sub3A_1062 {strides = array<i32>} : memref<128x264xf32, #tpu.memory_space<vmem>>, vector<16xf32>,
      %broadcast_in_dim3A_1067 = arith.constant 83 : i32
      %broadcast_in_dim3A_1068 = vector.broadcast %broadcast_in_dim3A_1067 : i32 to vector<16xi32>
      tpu.vector_store_idx %arg15[%broadcast_in_dim3A_1068, %iota3A], %sub3A_1062 masked %lt3A_4 : memref<128x8xf32, #tpu.memory_space<vmem>>[vector<16xi32>, vector<16xi32>], vector<16xf32>, vector<16xi1>
      %get3A_1069 = arith.constant 84 : i32
      %get3A_1070 = arith.index_cast %get3A_1069 : i32 to index
      %get3A_1071 = arith.constant 0 : index
      %get3A_1072 = tpu.vector_load %arg11[%get3A_1070, %get3A_1071] {strides = array<i32>} : memref<128x264xf32, #tpu.memory_space<vmem>>, vector<16xf32>,
      %sub3A_1073 = arith.subf %get3A_1072, %select_n3A_111 : vector<16xf32>
      %swap3A_1074 = arith.constant 84 : i32
      %swap3A_1075 = arith.index_cast %swap3A_1074 : i32 to index
      %swap3A_1076 = arith.constant 0 : index
      %swap3A_1077 = tpu.vector_load %arg11[%swap3A_1075, %swap3A_1076] {strides = array<i32>} : memref<128x264xf32, #tpu.memory_space<vmem>>, vector<16xf32>,
      tpu.vector_store %arg11[%swap3A_1075, %swap3A_1076], %sub3A_1073 {strides = array<i32>} : memref<128x264xf32, #tpu.memory_space<vmem>>, vector<16xf32>,
      %broadcast_in_dim3A_1078 = arith.constant 84 : i32
      %broadcast_in_dim3A_1079 = vector.broadcast %broadcast_in_dim3A_1078 : i32 to vector<16xi32>
      tpu.vector_store_idx %arg15[%broadcast_in_dim3A_1079, %iota3A], %sub3A_1073 masked %lt3A_4 : memref<128x8xf32, #tpu.memory_space<vmem>>[vector<16xi32>, vector<16xi32>], vector<16xf32>, vector<16xi1>
      %get3A_1080 = arith.constant 85 : i32
      %get3A_1081 = arith.index_cast %get3A_1080 : i32 to index
      %get3A_1082 = arith.constant 0 : index
      %get3A_1083 = tpu.vector_load %arg11[%get3A_1081, %get3A_1082] {strides = array<i32>} : memref<128x264xf32, #tpu.memory_space<vmem>>, vector<16xf32>,
      %sub3A_1084 = arith.subf %get3A_1083, %select_n3A_111 : vector<16xf32>
      %swap3A_1085 = arith.constant 85 : i32
      %swap3A_1086 = arith.index_cast %swap3A_1085 : i32 to index
      %swap3A_1087 = arith.constant 0 : index
      %swap3A_1088 = tpu.vector_load %arg11[%swap3A_1086, %swap3A_1087] {strides = array<i32>} : memref<128x264xf32, #tpu.memory_space<vmem>>, vector<16xf32>,
      tpu.vector_store %arg11[%swap3A_1086, %swap3A_1087], %sub3A_1084 {strides = array<i32>} : memref<128x264xf32, #tpu.memory_space<vmem>>, vector<16xf32>,
      %broadcast_in_dim3A_1089 = arith.constant 85 : i32
      %broadcast_in_dim3A_1090 = vector.broadcast %broadcast_in_dim3A_1089 : i32 to vector<16xi32>
      tpu.vector_store_idx %arg15[%broadcast_in_dim3A_1090, %iota3A], %sub3A_1084 masked %lt3A_4 : memref<128x8xf32, #tpu.memory_space<vmem>>[vector<16xi32>, vector<16xi32>], vector<16xf32>, vector<16xi1>
      %get3A_1091 = arith.constant 86 : i32
      %get3A_1092 = arith.index_cast %get3A_1091 : i32 to index
      %get3A_1093 = arith.constant 0 : index
      %get3A_1094 = tpu.vector_load %arg11[%get3A_1092, %get3A_1093] {strides = array<i32>} : memref<128x264xf32, #tpu.memory_space<vmem>>, vector<16xf32>,
      %sub3A_1095 = arith.subf %get3A_1094, %select_n3A_111 : vector<16xf32>
      %swap3A_1096 = arith.constant 86 : i32
      %swap3A_1097 = arith.index_cast %swap3A_1096 : i32 to index
      %swap3A_1098 = arith.constant 0 : index
      %swap3A_1099 = tpu.vector_load %arg11[%swap3A_1097, %swap3A_1098] {strides = array<i32>} : memref<128x264xf32, #tpu.memory_space<vmem>>, vector<16xf32>,
      tpu.vector_store %arg11[%swap3A_1097, %swap3A_1098], %sub3A_1095 {strides = array<i32>} : memref<128x264xf32, #tpu.memory_space<vmem>>, vector<16xf32>,
      %broadcast_in_dim3A_1100 = arith.constant 86 : i32
      %broadcast_in_dim3A_1101 = vector.broadcast %broadcast_in_dim3A_1100 : i32 to vector<16xi32>
      tpu.vector_store_idx %arg15[%broadcast_in_dim3A_1101, %iota3A], %sub3A_1095 masked %lt3A_4 : memref<128x8xf32, #tpu.memory_space<vmem>>[vector<16xi32>, vector<16xi32>], vector<16xf32>, vector<16xi1>
      %get3A_1102 = arith.constant 87 : i32
      %get3A_1103 = arith.index_cast %get3A_1102 : i32 to index
      %get3A_1104 = arith.constant 0 : index
      %get3A_1105 = tpu.vector_load %arg11[%get3A_1103, %get3A_1104] {strides = array<i32>} : memref<128x264xf32, #tpu.memory_space<vmem>>, vector<16xf32>,
      %sub3A_1106 = arith.subf %get3A_1105, %select_n3A_111 : vector<16xf32>
      %swap3A_1107 = arith.constant 87 : i32
      %swap3A_1108 = arith.index_cast %swap3A_1107 : i32 to index
      %swap3A_1109 = arith.constant 0 : index
      %swap3A_1110 = tpu.vector_load %arg11[%swap3A_1108, %swap3A_1109] {strides = array<i32>} : memref<128x264xf32, #tpu.memory_space<vmem>>, vector<16xf32>,
      tpu.vector_store %arg11[%swap3A_1108, %swap3A_1109], %sub3A_1106 {strides = array<i32>} : memref<128x264xf32, #tpu.memory_space<vmem>>, vector<16xf32>,
      %broadcast_in_dim3A_1111 = arith.constant 87 : i32
      %broadcast_in_dim3A_1112 = vector.broadcast %broadcast_in_dim3A_1111 : i32 to vector<16xi32>
      tpu.vector_store_idx %arg15[%broadcast_in_dim3A_1112, %iota3A], %sub3A_1106 masked %lt3A_4 : memref<128x8xf32, #tpu.memory_space<vmem>>[vector<16xi32>, vector<16xi32>], vector<16xf32>, vector<16xi1>
      %get3A_1113 = arith.constant 88 : i32
      %get3A_1114 = arith.index_cast %get3A_1113 : i32 to index
      %get3A_1115 = arith.constant 0 : index
      %get3A_1116 = tpu.vector_load %arg11[%get3A_1114, %get3A_1115] {strides = array<i32>} : memref<128x264xf32, #tpu.memory_space<vmem>>, vector<16xf32>,
      %sub3A_1117 = arith.subf %get3A_1116, %select_n3A_118 : vector<16xf32>
      %swap3A_1118 = arith.constant 88 : i32
      %swap3A_1119 = arith.index_cast %swap3A_1118 : i32 to index
      %swap3A_1120 = arith.constant 0 : index
      %swap3A_1121 = tpu.vector_load %arg11[%swap3A_1119, %swap3A_1120] {strides = array<i32>} : memref<128x264xf32, #tpu.memory_space<vmem>>, vector<16xf32>,
      tpu.vector_store %arg11[%swap3A_1119, %swap3A_1120], %sub3A_1117 {strides = array<i32>} : memref<128x264xf32, #tpu.memory_space<vmem>>, vector<16xf32>,
      %broadcast_in_dim3A_1122 = arith.constant 88 : i32
      %broadcast_in_dim3A_1123 = vector.broadcast %broadcast_in_dim3A_1122 : i32 to vector<16xi32>
      tpu.vector_store_idx %arg15[%broadcast_in_dim3A_1123, %iota3A], %sub3A_1117 masked %lt3A_4 : memref<128x8xf32, #tpu.memory_space<vmem>>[vector<16xi32>, vector<16xi32>], vector<16xf32>, vector<16xi1>
      %get3A_1124 = arith.constant 89 : i32
      %get3A_1125 = arith.index_cast %get3A_1124 : i32 to index
      %get3A_1126 = arith.constant 0 : index
      %get3A_1127 = tpu.vector_load %arg11[%get3A_1125, %get3A_1126] {strides = array<i32>} : memref<128x264xf32, #tpu.memory_space<vmem>>, vector<16xf32>,
      %sub3A_1128 = arith.subf %get3A_1127, %select_n3A_118 : vector<16xf32>
      %swap3A_1129 = arith.constant 89 : i32
      %swap3A_1130 = arith.index_cast %swap3A_1129 : i32 to index
      %swap3A_1131 = arith.constant 0 : index
      %swap3A_1132 = tpu.vector_load %arg11[%swap3A_1130, %swap3A_1131] {strides = array<i32>} : memref<128x264xf32, #tpu.memory_space<vmem>>, vector<16xf32>,
      tpu.vector_store %arg11[%swap3A_1130, %swap3A_1131], %sub3A_1128 {strides = array<i32>} : memref<128x264xf32, #tpu.memory_space<vmem>>, vector<16xf32>,
      %broadcast_in_dim3A_1133 = arith.constant 89 : i32
      %broadcast_in_dim3A_1134 = vector.broadcast %broadcast_in_dim3A_1133 : i32 to vector<16xi32>
      tpu.vector_store_idx %arg15[%broadcast_in_dim3A_1134, %iota3A], %sub3A_1128 masked %lt3A_4 : memref<128x8xf32, #tpu.memory_space<vmem>>[vector<16xi32>, vector<16xi32>], vector<16xf32>, vector<16xi1>
      %get3A_1135 = arith.constant 90 : i32
      %get3A_1136 = arith.index_cast %get3A_1135 : i32 to index
      %get3A_1137 = arith.constant 0 : index
      %get3A_1138 = tpu.vector_load %arg11[%get3A_1136, %get3A_1137] {strides = array<i32>} : memref<128x264xf32, #tpu.memory_space<vmem>>, vector<16xf32>,
      %sub3A_1139 = arith.subf %get3A_1138, %select_n3A_118 : vector<16xf32>
      %swap3A_1140 = arith.constant 90 : i32
      %swap3A_1141 = arith.index_cast %swap3A_1140 : i32 to index
      %swap3A_1142 = arith.constant 0 : index
      %swap3A_1143 = tpu.vector_load %arg11[%swap3A_1141, %swap3A_1142] {strides = array<i32>} : memref<128x264xf32, #tpu.memory_space<vmem>>, vector<16xf32>,
      tpu.vector_store %arg11[%swap3A_1141, %swap3A_1142], %sub3A_1139 {strides = array<i32>} : memref<128x264xf32, #tpu.memory_space<vmem>>, vector<16xf32>,
      %broadcast_in_dim3A_1144 = arith.constant 90 : i32
      %broadcast_in_dim3A_1145 = vector.broadcast %broadcast_in_dim3A_1144 : i32 to vector<16xi32>
      tpu.vector_store_idx %arg15[%broadcast_in_dim3A_1145, %iota3A], %sub3A_1139 masked %lt3A_4 : memref<128x8xf32, #tpu.memory_space<vmem>>[vector<16xi32>, vector<16xi32>], vector<16xf32>, vector<16xi1>
      %get3A_1146 = arith.constant 91 : i32
      %get3A_1147 = arith.index_cast %get3A_1146 : i32 to index
      %get3A_1148 = arith.constant 0 : index
      %get3A_1149 = tpu.vector_load %arg11[%get3A_1147, %get3A_1148] {strides = array<i32>} : memref<128x264xf32, #tpu.memory_space<vmem>>, vector<16xf32>,
      %sub3A_1150 = arith.subf %get3A_1149, %select_n3A_118 : vector<16xf32>
      %swap3A_1151 = arith.constant 91 : i32
      %swap3A_1152 = arith.index_cast %swap3A_1151 : i32 to index
      %swap3A_1153 = arith.constant 0 : index
      %swap3A_1154 = tpu.vector_load %arg11[%swap3A_1152, %swap3A_1153] {strides = array<i32>} : memref<128x264xf32, #tpu.memory_space<vmem>>, vector<16xf32>,
      tpu.vector_store %arg11[%swap3A_1152, %swap3A_1153], %sub3A_1150 {strides = array<i32>} : memref<128x264xf32, #tpu.memory_space<vmem>>, vector<16xf32>,
      %broadcast_in_dim3A_1155 = arith.constant 91 : i32
      %broadcast_in_dim3A_1156 = vector.broadcast %broadcast_in_dim3A_1155 : i32 to vector<16xi32>
      tpu.vector_store_idx %arg15[%broadcast_in_dim3A_1156, %iota3A], %sub3A_1150 masked %lt3A_4 : memref<128x8xf32, #tpu.memory_space<vmem>>[vector<16xi32>, vector<16xi32>], vector<16xf32>, vector<16xi1>
      %get3A_1157 = arith.constant 92 : i32
      %get3A_1158 = arith.index_cast %get3A_1157 : i32 to index
      %get3A_1159 = arith.constant 0 : index
      %get3A_1160 = tpu.vector_load %arg11[%get3A_1158, %get3A_1159] {strides = array<i32>} : memref<128x264xf32, #tpu.memory_space<vmem>>, vector<16xf32>,
      %sub3A_1161 = arith.subf %get3A_1160, %select_n3A_118 : vector<16xf32>
      %swap3A_1162 = arith.constant 92 : i32
      %swap3A_1163 = arith.index_cast %swap3A_1162 : i32 to index
      %swap3A_1164 = arith.constant 0 : index
      %swap3A_1165 = tpu.vector_load %arg11[%swap3A_1163, %swap3A_1164] {strides = array<i32>} : memref<128x264xf32, #tpu.memory_space<vmem>>, vector<16xf32>,
      tpu.vector_store %arg11[%swap3A_1163, %swap3A_1164], %sub3A_1161 {strides = array<i32>} : memref<128x264xf32, #tpu.memory_space<vmem>>, vector<16xf32>,
      %broadcast_in_dim3A_1166 = arith.constant 92 : i32
      %broadcast_in_dim3A_1167 = vector.broadcast %broadcast_in_dim3A_1166 : i32 to vector<16xi32>
      tpu.vector_store_idx %arg15[%broadcast_in_dim3A_1167, %iota3A], %sub3A_1161 masked %lt3A_4 : memref<128x8xf32, #tpu.memory_space<vmem>>[vector<16xi32>, vector<16xi32>], vector<16xf32>, vector<16xi1>
      %get3A_1168 = arith.constant 93 : i32
      %get3A_1169 = arith.index_cast %get3A_1168 : i32 to index
      %get3A_1170 = arith.constant 0 : index
      %get3A_1171 = tpu.vector_load %arg11[%get3A_1169, %get3A_1170] {strides = array<i32>} : memref<128x264xf32, #tpu.memory_space<vmem>>, vector<16xf32>,
      %sub3A_1172 = arith.subf %get3A_1171, %select_n3A_118 : vector<16xf32>
      %swap3A_1173 = arith.constant 93 : i32
      %swap3A_1174 = arith.index_cast %swap3A_1173 : i32 to index
      %swap3A_1175 = arith.constant 0 : index
      %swap3A_1176 = tpu.vector_load %arg11[%swap3A_1174, %swap3A_1175] {strides = array<i32>} : memref<128x264xf32, #tpu.memory_space<vmem>>, vector<16xf32>,
      tpu.vector_store %arg11[%swap3A_1174, %swap3A_1175], %sub3A_1172 {strides = array<i32>} : memref<128x264xf32, #tpu.memory_space<vmem>>, vector<16xf32>,
      %broadcast_in_dim3A_1177 = arith.constant 93 : i32
      %broadcast_in_dim3A_1178 = vector.broadcast %broadcast_in_dim3A_1177 : i32 to vector<16xi32>
      tpu.vector_store_idx %arg15[%broadcast_in_dim3A_1178, %iota3A], %sub3A_1172 masked %lt3A_4 : memref<128x8xf32, #tpu.memory_space<vmem>>[vector<16xi32>, vector<16xi32>], vector<16xf32>, vector<16xi1>
      %get3A_1179 = arith.constant 94 : i32
      %get3A_1180 = arith.index_cast %get3A_1179 : i32 to index
      %get3A_1181 = arith.constant 0 : index
      %get3A_1182 = tpu.vector_load %arg11[%get3A_1180, %get3A_1181] {strides = array<i32>} : memref<128x264xf32, #tpu.memory_space<vmem>>, vector<16xf32>,
      %sub3A_1183 = arith.subf %get3A_1182, %select_n3A_118 : vector<16xf32>
      %swap3A_1184 = arith.constant 94 : i32
      %swap3A_1185 = arith.index_cast %swap3A_1184 : i32 to index
      %swap3A_1186 = arith.constant 0 : index
      %swap3A_1187 = tpu.vector_load %arg11[%swap3A_1185, %swap3A_1186] {strides = array<i32>} : memref<128x264xf32, #tpu.memory_space<vmem>>, vector<16xf32>,
      tpu.vector_store %arg11[%swap3A_1185, %swap3A_1186], %sub3A_1183 {strides = array<i32>} : memref<128x264xf32, #tpu.memory_space<vmem>>, vector<16xf32>,
      %broadcast_in_dim3A_1188 = arith.constant 94 : i32
      %broadcast_in_dim3A_1189 = vector.broadcast %broadcast_in_dim3A_1188 : i32 to vector<16xi32>
      tpu.vector_store_idx %arg15[%broadcast_in_dim3A_1189, %iota3A], %sub3A_1183 masked %lt3A_4 : memref<128x8xf32, #tpu.memory_space<vmem>>[vector<16xi32>, vector<16xi32>], vector<16xf32>, vector<16xi1>
      %get3A_1190 = arith.constant 95 : i32
      %get3A_1191 = arith.index_cast %get3A_1190 : i32 to index
      %get3A_1192 = arith.constant 0 : index
      %get3A_1193 = tpu.vector_load %arg11[%get3A_1191, %get3A_1192] {strides = array<i32>} : memref<128x264xf32, #tpu.memory_space<vmem>>, vector<16xf32>,
      %sub3A_1194 = arith.subf %get3A_1193, %select_n3A_118 : vector<16xf32>
      %swap3A_1195 = arith.constant 95 : i32
      %swap3A_1196 = arith.index_cast %swap3A_1195 : i32 to index
      %swap3A_1197 = arith.constant 0 : index
      %swap3A_1198 = tpu.vector_load %arg11[%swap3A_1196, %swap3A_1197] {strides = array<i32>} : memref<128x264xf32, #tpu.memory_space<vmem>>, vector<16xf32>,
      tpu.vector_store %arg11[%swap3A_1196, %swap3A_1197], %sub3A_1194 {strides = array<i32>} : memref<128x264xf32, #tpu.memory_space<vmem>>, vector<16xf32>,
      %broadcast_in_dim3A_1199 = arith.constant 95 : i32
      %broadcast_in_dim3A_1200 = vector.broadcast %broadcast_in_dim3A_1199 : i32 to vector<16xi32>
      tpu.vector_store_idx %arg15[%broadcast_in_dim3A_1200, %iota3A], %sub3A_1194 masked %lt3A_4 : memref<128x8xf32, #tpu.memory_space<vmem>>[vector<16xi32>, vector<16xi32>], vector<16xf32>, vector<16xi1>
      %get3A_1201 = arith.constant 96 : i32
      %get3A_1202 = arith.index_cast %get3A_1201 : i32 to index
      %get3A_1203 = arith.constant 0 : index
      %get3A_1204 = tpu.vector_load %arg11[%get3A_1202, %get3A_1203] {strides = array<i32>} : memref<128x264xf32, #tpu.memory_space<vmem>>, vector<16xf32>,
      %sub3A_1205 = arith.subf %get3A_1204, %select_n3A_125 : vector<16xf32>
      %swap3A_1206 = arith.constant 96 : i32
      %swap3A_1207 = arith.index_cast %swap3A_1206 : i32 to index
      %swap3A_1208 = arith.constant 0 : index
      %swap3A_1209 = tpu.vector_load %arg11[%swap3A_1207, %swap3A_1208] {strides = array<i32>} : memref<128x264xf32, #tpu.memory_space<vmem>>, vector<16xf32>,
      tpu.vector_store %arg11[%swap3A_1207, %swap3A_1208], %sub3A_1205 {strides = array<i32>} : memref<128x264xf32, #tpu.memory_space<vmem>>, vector<16xf32>,
      %broadcast_in_dim3A_1210 = arith.constant 96 : i32
      %broadcast_in_dim3A_1211 = vector.broadcast %broadcast_in_dim3A_1210 : i32 to vector<16xi32>
      tpu.vector_store_idx %arg15[%broadcast_in_dim3A_1211, %iota3A], %sub3A_1205 masked %lt3A_4 : memref<128x8xf32, #tpu.memory_space<vmem>>[vector<16xi32>, vector<16xi32>], vector<16xf32>, vector<16xi1>
      %get3A_1212 = arith.constant 97 : i32
      %get3A_1213 = arith.index_cast %get3A_1212 : i32 to index
      %get3A_1214 = arith.constant 0 : index
      %get3A_1215 = tpu.vector_load %arg11[%get3A_1213, %get3A_1214] {strides = array<i32>} : memref<128x264xf32, #tpu.memory_space<vmem>>, vector<16xf32>,
      %sub3A_1216 = arith.subf %get3A_1215, %select_n3A_125 : vector<16xf32>
      %swap3A_1217 = arith.constant 97 : i32
      %swap3A_1218 = arith.index_cast %swap3A_1217 : i32 to index
      %swap3A_1219 = arith.constant 0 : index
      %swap3A_1220 = tpu.vector_load %arg11[%swap3A_1218, %swap3A_1219] {strides = array<i32>} : memref<128x264xf32, #tpu.memory_space<vmem>>, vector<16xf32>,
      tpu.vector_store %arg11[%swap3A_1218, %swap3A_1219], %sub3A_1216 {strides = array<i32>} : memref<128x264xf32, #tpu.memory_space<vmem>>, vector<16xf32>,
      %broadcast_in_dim3A_1221 = arith.constant 97 : i32
      %broadcast_in_dim3A_1222 = vector.broadcast %broadcast_in_dim3A_1221 : i32 to vector<16xi32>
      tpu.vector_store_idx %arg15[%broadcast_in_dim3A_1222, %iota3A], %sub3A_1216 masked %lt3A_4 : memref<128x8xf32, #tpu.memory_space<vmem>>[vector<16xi32>, vector<16xi32>], vector<16xf32>, vector<16xi1>
      %get3A_1223 = arith.constant 98 : i32
      %get3A_1224 = arith.index_cast %get3A_1223 : i32 to index
      %get3A_1225 = arith.constant 0 : index
      %get3A_1226 = tpu.vector_load %arg11[%get3A_1224, %get3A_1225] {strides = array<i32>} : memref<128x264xf32, #tpu.memory_space<vmem>>, vector<16xf32>,
      %sub3A_1227 = arith.subf %get3A_1226, %select_n3A_125 : vector<16xf32>
      %swap3A_1228 = arith.constant 98 : i32
      %swap3A_1229 = arith.index_cast %swap3A_1228 : i32 to index
      %swap3A_1230 = arith.constant 0 : index
      %swap3A_1231 = tpu.vector_load %arg11[%swap3A_1229, %swap3A_1230] {strides = array<i32>} : memref<128x264xf32, #tpu.memory_space<vmem>>, vector<16xf32>,
      tpu.vector_store %arg11[%swap3A_1229, %swap3A_1230], %sub3A_1227 {strides = array<i32>} : memref<128x264xf32, #tpu.memory_space<vmem>>, vector<16xf32>,
      %broadcast_in_dim3A_1232 = arith.constant 98 : i32
      %broadcast_in_dim3A_1233 = vector.broadcast %broadcast_in_dim3A_1232 : i32 to vector<16xi32>
      tpu.vector_store_idx %arg15[%broadcast_in_dim3A_1233, %iota3A], %sub3A_1227 masked %lt3A_4 : memref<128x8xf32, #tpu.memory_space<vmem>>[vector<16xi32>, vector<16xi32>], vector<16xf32>, vector<16xi1>
      %get3A_1234 = arith.constant 99 : i32
      %get3A_1235 = arith.index_cast %get3A_1234 : i32 to index
      %get3A_1236 = arith.constant 0 : index
      %get3A_1237 = tpu.vector_load %arg11[%get3A_1235, %get3A_1236] {strides = array<i32>} : memref<128x264xf32, #tpu.memory_space<vmem>>, vector<16xf32>,
      %sub3A_1238 = arith.subf %get3A_1237, %select_n3A_125 : vector<16xf32>
      %swap3A_1239 = arith.constant 99 : i32
      %swap3A_1240 = arith.index_cast %swap3A_1239 : i32 to index
      %swap3A_1241 = arith.constant 0 : index
      %swap3A_1242 = tpu.vector_load %arg11[%swap3A_1240, %swap3A_1241] {strides = array<i32>} : memref<128x264xf32, #tpu.memory_space<vmem>>, vector<16xf32>,
      tpu.vector_store %arg11[%swap3A_1240, %swap3A_1241], %sub3A_1238 {strides = array<i32>} : memref<128x264xf32, #tpu.memory_space<vmem>>, vector<16xf32>,
      %broadcast_in_dim3A_1243 = arith.constant 99 : i32
      %broadcast_in_dim3A_1244 = vector.broadcast %broadcast_in_dim3A_1243 : i32 to vector<16xi32>
      tpu.vector_store_idx %arg15[%broadcast_in_dim3A_1244, %iota3A], %sub3A_1238 masked %lt3A_4 : memref<128x8xf32, #tpu.memory_space<vmem>>[vector<16xi32>, vector<16xi32>], vector<16xf32>, vector<16xi1>
      %get3A_1245 = arith.constant 100 : i32
      %get3A_1246 = arith.index_cast %get3A_1245 : i32 to index
      %get3A_1247 = arith.constant 0 : index
      %get3A_1248 = tpu.vector_load %arg11[%get3A_1246, %get3A_1247] {strides = array<i32>} : memref<128x264xf32, #tpu.memory_space<vmem>>, vector<16xf32>,
      %sub3A_1249 = arith.subf %get3A_1248, %select_n3A_125 : vector<16xf32>
      %swap3A_1250 = arith.constant 100 : i32
      %swap3A_1251 = arith.index_cast %swap3A_1250 : i32 to index
      %swap3A_1252 = arith.constant 0 : index
      %swap3A_1253 = tpu.vector_load %arg11[%swap3A_1251, %swap3A_1252] {strides = array<i32>} : memref<128x264xf32, #tpu.memory_space<vmem>>, vector<16xf32>,
      tpu.vector_store %arg11[%swap3A_1251, %swap3A_1252], %sub3A_1249 {strides = array<i32>} : memref<128x264xf32, #tpu.memory_space<vmem>>, vector<16xf32>,
      %broadcast_in_dim3A_1254 = arith.constant 100 : i32
      %broadcast_in_dim3A_1255 = vector.broadcast %broadcast_in_dim3A_1254 : i32 to vector<16xi32>
      tpu.vector_store_idx %arg15[%broadcast_in_dim3A_1255, %iota3A], %sub3A_1249 masked %lt3A_4 : memref<128x8xf32, #tpu.memory_space<vmem>>[vector<16xi32>, vector<16xi32>], vector<16xf32>, vector<16xi1>
      %get3A_1256 = arith.constant 101 : i32
      %get3A_1257 = arith.index_cast %get3A_1256 : i32 to index
      %get3A_1258 = arith.constant 0 : index
      %get3A_1259 = tpu.vector_load %arg11[%get3A_1257, %get3A_1258] {strides = array<i32>} : memref<128x264xf32, #tpu.memory_space<vmem>>, vector<16xf32>,
      %sub3A_1260 = arith.subf %get3A_1259, %select_n3A_125 : vector<16xf32>
      %swap3A_1261 = arith.constant 101 : i32
      %swap3A_1262 = arith.index_cast %swap3A_1261 : i32 to index
      %swap3A_1263 = arith.constant 0 : index
      %swap3A_1264 = tpu.vector_load %arg11[%swap3A_1262, %swap3A_1263] {strides = array<i32>} : memref<128x264xf32, #tpu.memory_space<vmem>>, vector<16xf32>,
      tpu.vector_store %arg11[%swap3A_1262, %swap3A_1263], %sub3A_1260 {strides = array<i32>} : memref<128x264xf32, #tpu.memory_space<vmem>>, vector<16xf32>,
      %broadcast_in_dim3A_1265 = arith.constant 101 : i32
      %broadcast_in_dim3A_1266 = vector.broadcast %broadcast_in_dim3A_1265 : i32 to vector<16xi32>
      tpu.vector_store_idx %arg15[%broadcast_in_dim3A_1266, %iota3A], %sub3A_1260 masked %lt3A_4 : memref<128x8xf32, #tpu.memory_space<vmem>>[vector<16xi32>, vector<16xi32>], vector<16xf32>, vector<16xi1>
      %get3A_1267 = arith.constant 102 : i32
      %get3A_1268 = arith.index_cast %get3A_1267 : i32 to index
      %get3A_1269 = arith.constant 0 : index
      %get3A_1270 = tpu.vector_load %arg11[%get3A_1268, %get3A_1269] {strides = array<i32>} : memref<128x264xf32, #tpu.memory_space<vmem>>, vector<16xf32>,
      %sub3A_1271 = arith.subf %get3A_1270, %select_n3A_125 : vector<16xf32>
      %swap3A_1272 = arith.constant 102 : i32
      %swap3A_1273 = arith.index_cast %swap3A_1272 : i32 to index
      %swap3A_1274 = arith.constant 0 : index
      %swap3A_1275 = tpu.vector_load %arg11[%swap3A_1273, %swap3A_1274] {strides = array<i32>} : memref<128x264xf32, #tpu.memory_space<vmem>>, vector<16xf32>,
      tpu.vector_store %arg11[%swap3A_1273, %swap3A_1274], %sub3A_1271 {strides = array<i32>} : memref<128x264xf32, #tpu.memory_space<vmem>>, vector<16xf32>,
      %broadcast_in_dim3A_1276 = arith.constant 102 : i32
      %broadcast_in_dim3A_1277 = vector.broadcast %broadcast_in_dim3A_1276 : i32 to vector<16xi32>
      tpu.vector_store_idx %arg15[%broadcast_in_dim3A_1277, %iota3A], %sub3A_1271 masked %lt3A_4 : memref<128x8xf32, #tpu.memory_space<vmem>>[vector<16xi32>, vector<16xi32>], vector<16xf32>, vector<16xi1>
      %get3A_1278 = arith.constant 103 : i32
      %get3A_1279 = arith.index_cast %get3A_1278 : i32 to index
      %get3A_1280 = arith.constant 0 : index
      %get3A_1281 = tpu.vector_load %arg11[%get3A_1279, %get3A_1280] {strides = array<i32>} : memref<128x264xf32, #tpu.memory_space<vmem>>, vector<16xf32>,
      %sub3A_1282 = arith.subf %get3A_1281, %select_n3A_125 : vector<16xf32>
      %swap3A_1283 = arith.constant 103 : i32
      %swap3A_1284 = arith.index_cast %swap3A_1283 : i32 to index
      %swap3A_1285 = arith.constant 0 : index
      %swap3A_1286 = tpu.vector_load %arg11[%swap3A_1284, %swap3A_1285] {strides = array<i32>} : memref<128x264xf32, #tpu.memory_space<vmem>>, vector<16xf32>,
      tpu.vector_store %arg11[%swap3A_1284, %swap3A_1285], %sub3A_1282 {strides = array<i32>} : memref<128x264xf32, #tpu.memory_space<vmem>>, vector<16xf32>,
      %broadcast_in_dim3A_1287 = arith.constant 103 : i32
      %broadcast_in_dim3A_1288 = vector.broadcast %broadcast_in_dim3A_1287 : i32 to vector<16xi32>
      tpu.vector_store_idx %arg15[%broadcast_in_dim3A_1288, %iota3A], %sub3A_1282 masked %lt3A_4 : memref<128x8xf32, #tpu.memory_space<vmem>>[vector<16xi32>, vector<16xi32>], vector<16xf32>, vector<16xi1>
      %get3A_1289 = arith.constant 104 : i32
      %get3A_1290 = arith.index_cast %get3A_1289 : i32 to index
      %get3A_1291 = arith.constant 0 : index
      %get3A_1292 = tpu.vector_load %arg11[%get3A_1290, %get3A_1291] {strides = array<i32>} : memref<128x264xf32, #tpu.memory_space<vmem>>, vector<16xf32>,
      %sub3A_1293 = arith.subf %get3A_1292, %select_n3A_132 : vector<16xf32>
      %swap3A_1294 = arith.constant 104 : i32
      %swap3A_1295 = arith.index_cast %swap3A_1294 : i32 to index
      %swap3A_1296 = arith.constant 0 : index
      %swap3A_1297 = tpu.vector_load %arg11[%swap3A_1295, %swap3A_1296] {strides = array<i32>} : memref<128x264xf32, #tpu.memory_space<vmem>>, vector<16xf32>,
      tpu.vector_store %arg11[%swap3A_1295, %swap3A_1296], %sub3A_1293 {strides = array<i32>} : memref<128x264xf32, #tpu.memory_space<vmem>>, vector<16xf32>,
      %broadcast_in_dim3A_1298 = arith.constant 104 : i32
      %broadcast_in_dim3A_1299 = vector.broadcast %broadcast_in_dim3A_1298 : i32 to vector<16xi32>
      tpu.vector_store_idx %arg15[%broadcast_in_dim3A_1299, %iota3A], %sub3A_1293 masked %lt3A_4 : memref<128x8xf32, #tpu.memory_space<vmem>>[vector<16xi32>, vector<16xi32>], vector<16xf32>, vector<16xi1>
      %get3A_1300 = arith.constant 105 : i32
      %get3A_1301 = arith.index_cast %get3A_1300 : i32 to index
      %get3A_1302 = arith.constant 0 : index
      %get3A_1303 = tpu.vector_load %arg11[%get3A_1301, %get3A_1302] {strides = array<i32>} : memref<128x264xf32, #tpu.memory_space<vmem>>, vector<16xf32>,
      %sub3A_1304 = arith.subf %get3A_1303, %select_n3A_132 : vector<16xf32>
      %swap3A_1305 = arith.constant 105 : i32
      %swap3A_1306 = arith.index_cast %swap3A_1305 : i32 to index
      %swap3A_1307 = arith.constant 0 : index
      %swap3A_1308 = tpu.vector_load %arg11[%swap3A_1306, %swap3A_1307] {strides = array<i32>} : memref<128x264xf32, #tpu.memory_space<vmem>>, vector<16xf32>,
      tpu.vector_store %arg11[%swap3A_1306, %swap3A_1307], %sub3A_1304 {strides = array<i32>} : memref<128x264xf32, #tpu.memory_space<vmem>>, vector<16xf32>,
      %broadcast_in_dim3A_1309 = arith.constant 105 : i32
      %broadcast_in_dim3A_1310 = vector.broadcast %broadcast_in_dim3A_1309 : i32 to vector<16xi32>
      tpu.vector_store_idx %arg15[%broadcast_in_dim3A_1310, %iota3A], %sub3A_1304 masked %lt3A_4 : memref<128x8xf32, #tpu.memory_space<vmem>>[vector<16xi32>, vector<16xi32>], vector<16xf32>, vector<16xi1>
      %get3A_1311 = arith.constant 106 : i32
      %get3A_1312 = arith.index_cast %get3A_1311 : i32 to index
      %get3A_1313 = arith.constant 0 : index
      %get3A_1314 = tpu.vector_load %arg11[%get3A_1312, %get3A_1313] {strides = array<i32>} : memref<128x264xf32, #tpu.memory_space<vmem>>, vector<16xf32>,
      %sub3A_1315 = arith.subf %get3A_1314, %select_n3A_132 : vector<16xf32>
      %swap3A_1316 = arith.constant 106 : i32
      %swap3A_1317 = arith.index_cast %swap3A_1316 : i32 to index
      %swap3A_1318 = arith.constant 0 : index
      %swap3A_1319 = tpu.vector_load %arg11[%swap3A_1317, %swap3A_1318] {strides = array<i32>} : memref<128x264xf32, #tpu.memory_space<vmem>>, vector<16xf32>,
      tpu.vector_store %arg11[%swap3A_1317, %swap3A_1318], %sub3A_1315 {strides = array<i32>} : memref<128x264xf32, #tpu.memory_space<vmem>>, vector<16xf32>,
      %broadcast_in_dim3A_1320 = arith.constant 106 : i32
      %broadcast_in_dim3A_1321 = vector.broadcast %broadcast_in_dim3A_1320 : i32 to vector<16xi32>
      tpu.vector_store_idx %arg15[%broadcast_in_dim3A_1321, %iota3A], %sub3A_1315 masked %lt3A_4 : memref<128x8xf32, #tpu.memory_space<vmem>>[vector<16xi32>, vector<16xi32>], vector<16xf32>, vector<16xi1>
      %get3A_1322 = arith.constant 107 : i32
      %get3A_1323 = arith.index_cast %get3A_1322 : i32 to index
      %get3A_1324 = arith.constant 0 : index
      %get3A_1325 = tpu.vector_load %arg11[%get3A_1323, %get3A_1324] {strides = array<i32>} : memref<128x264xf32, #tpu.memory_space<vmem>>, vector<16xf32>,
      %sub3A_1326 = arith.subf %get3A_1325, %select_n3A_132 : vector<16xf32>
      %swap3A_1327 = arith.constant 107 : i32
      %swap3A_1328 = arith.index_cast %swap3A_1327 : i32 to index
      %swap3A_1329 = arith.constant 0 : index
      %swap3A_1330 = tpu.vector_load %arg11[%swap3A_1328, %swap3A_1329] {strides = array<i32>} : memref<128x264xf32, #tpu.memory_space<vmem>>, vector<16xf32>,
      tpu.vector_store %arg11[%swap3A_1328, %swap3A_1329], %sub3A_1326 {strides = array<i32>} : memref<128x264xf32, #tpu.memory_space<vmem>>, vector<16xf32>,
      %broadcast_in_dim3A_1331 = arith.constant 107 : i32
      %broadcast_in_dim3A_1332 = vector.broadcast %broadcast_in_dim3A_1331 : i32 to vector<16xi32>
      tpu.vector_store_idx %arg15[%broadcast_in_dim3A_1332, %iota3A], %sub3A_1326 masked %lt3A_4 : memref<128x8xf32, #tpu.memory_space<vmem>>[vector<16xi32>, vector<16xi32>], vector<16xf32>, vector<16xi1>
      %get3A_1333 = arith.constant 108 : i32
      %get3A_1334 = arith.index_cast %get3A_1333 : i32 to index
      %get3A_1335 = arith.constant 0 : index
      %get3A_1336 = tpu.vector_load %arg11[%get3A_1334, %get3A_1335] {strides = array<i32>} : memref<128x264xf32, #tpu.memory_space<vmem>>, vector<16xf32>,
      %sub3A_1337 = arith.subf %get3A_1336, %select_n3A_132 : vector<16xf32>
      %swap3A_1338 = arith.constant 108 : i32
      %swap3A_1339 = arith.index_cast %swap3A_1338 : i32 to index
      %swap3A_1340 = arith.constant 0 : index
      %swap3A_1341 = tpu.vector_load %arg11[%swap3A_1339, %swap3A_1340] {strides = array<i32>} : memref<128x264xf32, #tpu.memory_space<vmem>>, vector<16xf32>,
      tpu.vector_store %arg11[%swap3A_1339, %swap3A_1340], %sub3A_1337 {strides = array<i32>} : memref<128x264xf32, #tpu.memory_space<vmem>>, vector<16xf32>,
      %broadcast_in_dim3A_1342 = arith.constant 108 : i32
      %broadcast_in_dim3A_1343 = vector.broadcast %broadcast_in_dim3A_1342 : i32 to vector<16xi32>
      tpu.vector_store_idx %arg15[%broadcast_in_dim3A_1343, %iota3A], %sub3A_1337 masked %lt3A_4 : memref<128x8xf32, #tpu.memory_space<vmem>>[vector<16xi32>, vector<16xi32>], vector<16xf32>, vector<16xi1>
      %get3A_1344 = arith.constant 109 : i32
      %get3A_1345 = arith.index_cast %get3A_1344 : i32 to index
      %get3A_1346 = arith.constant 0 : index
      %get3A_1347 = tpu.vector_load %arg11[%get3A_1345, %get3A_1346] {strides = array<i32>} : memref<128x264xf32, #tpu.memory_space<vmem>>, vector<16xf32>,
      %sub3A_1348 = arith.subf %get3A_1347, %select_n3A_132 : vector<16xf32>
      %swap3A_1349 = arith.constant 109 : i32
      %swap3A_1350 = arith.index_cast %swap3A_1349 : i32 to index
      %swap3A_1351 = arith.constant 0 : index
      %swap3A_1352 = tpu.vector_load %arg11[%swap3A_1350, %swap3A_1351] {strides = array<i32>} : memref<128x264xf32, #tpu.memory_space<vmem>>, vector<16xf32>,
      tpu.vector_store %arg11[%swap3A_1350, %swap3A_1351], %sub3A_1348 {strides = array<i32>} : memref<128x264xf32, #tpu.memory_space<vmem>>, vector<16xf32>,
      %broadcast_in_dim3A_1353 = arith.constant 109 : i32
      %broadcast_in_dim3A_1354 = vector.broadcast %broadcast_in_dim3A_1353 : i32 to vector<16xi32>
      tpu.vector_store_idx %arg15[%broadcast_in_dim3A_1354, %iota3A], %sub3A_1348 masked %lt3A_4 : memref<128x8xf32, #tpu.memory_space<vmem>>[vector<16xi32>, vector<16xi32>], vector<16xf32>, vector<16xi1>
      %get3A_1355 = arith.constant 110 : i32
      %get3A_1356 = arith.index_cast %get3A_1355 : i32 to index
      %get3A_1357 = arith.constant 0 : index
      %get3A_1358 = tpu.vector_load %arg11[%get3A_1356, %get3A_1357] {strides = array<i32>} : memref<128x264xf32, #tpu.memory_space<vmem>>, vector<16xf32>,
      %sub3A_1359 = arith.subf %get3A_1358, %select_n3A_132 : vector<16xf32>
      %swap3A_1360 = arith.constant 110 : i32
      %swap3A_1361 = arith.index_cast %swap3A_1360 : i32 to index
      %swap3A_1362 = arith.constant 0 : index
      %swap3A_1363 = tpu.vector_load %arg11[%swap3A_1361, %swap3A_1362] {strides = array<i32>} : memref<128x264xf32, #tpu.memory_space<vmem>>, vector<16xf32>,
      tpu.vector_store %arg11[%swap3A_1361, %swap3A_1362], %sub3A_1359 {strides = array<i32>} : memref<128x264xf32, #tpu.memory_space<vmem>>, vector<16xf32>,
      %broadcast_in_dim3A_1364 = arith.constant 110 : i32
      %broadcast_in_dim3A_1365 = vector.broadcast %broadcast_in_dim3A_1364 : i32 to vector<16xi32>
      tpu.vector_store_idx %arg15[%broadcast_in_dim3A_1365, %iota3A], %sub3A_1359 masked %lt3A_4 : memref<128x8xf32, #tpu.memory_space<vmem>>[vector<16xi32>, vector<16xi32>], vector<16xf32>, vector<16xi1>
      %get3A_1366 = arith.constant 111 : i32
      %get3A_1367 = arith.index_cast %get3A_1366 : i32 to index
      %get3A_1368 = arith.constant 0 : index
      %get3A_1369 = tpu.vector_load %arg11[%get3A_1367, %get3A_1368] {strides = array<i32>} : memref<128x264xf32, #tpu.memory_space<vmem>>, vector<16xf32>,
      %sub3A_1370 = arith.subf %get3A_1369, %select_n3A_132 : vector<16xf32>
      %swap3A_1371 = arith.constant 111 : i32
      %swap3A_1372 = arith.index_cast %swap3A_1371 : i32 to index
      %swap3A_1373 = arith.constant 0 : index
      %swap3A_1374 = tpu.vector_load %arg11[%swap3A_1372, %swap3A_1373] {strides = array<i32>} : memref<128x264xf32, #tpu.memory_space<vmem>>, vector<16xf32>,
      tpu.vector_store %arg11[%swap3A_1372, %swap3A_1373], %sub3A_1370 {strides = array<i32>} : memref<128x264xf32, #tpu.memory_space<vmem>>, vector<16xf32>,
      %broadcast_in_dim3A_1375 = arith.constant 111 : i32
      %broadcast_in_dim3A_1376 = vector.broadcast %broadcast_in_dim3A_1375 : i32 to vector<16xi32>
      tpu.vector_store_idx %arg15[%broadcast_in_dim3A_1376, %iota3A], %sub3A_1370 masked %lt3A_4 : memref<128x8xf32, #tpu.memory_space<vmem>>[vector<16xi32>, vector<16xi32>], vector<16xf32>, vector<16xi1>
      %get3A_1377 = arith.constant 112 : i32
      %get3A_1378 = arith.index_cast %get3A_1377 : i32 to index
      %get3A_1379 = arith.constant 0 : index
      %get3A_1380 = tpu.vector_load %arg11[%get3A_1378, %get3A_1379] {strides = array<i32>} : memref<128x264xf32, #tpu.memory_space<vmem>>, vector<16xf32>,
      %sub3A_1381 = arith.subf %get3A_1380, %select_n3A_139 : vector<16xf32>
      %swap3A_1382 = arith.constant 112 : i32
      %swap3A_1383 = arith.index_cast %swap3A_1382 : i32 to index
      %swap3A_1384 = arith.constant 0 : index
      %swap3A_1385 = tpu.vector_load %arg11[%swap3A_1383, %swap3A_1384] {strides = array<i32>} : memref<128x264xf32, #tpu.memory_space<vmem>>, vector<16xf32>,
      tpu.vector_store %arg11[%swap3A_1383, %swap3A_1384], %sub3A_1381 {strides = array<i32>} : memref<128x264xf32, #tpu.memory_space<vmem>>, vector<16xf32>,
      %broadcast_in_dim3A_1386 = arith.constant 112 : i32
      %broadcast_in_dim3A_1387 = vector.broadcast %broadcast_in_dim3A_1386 : i32 to vector<16xi32>
      tpu.vector_store_idx %arg15[%broadcast_in_dim3A_1387, %iota3A], %sub3A_1381 masked %lt3A_4 : memref<128x8xf32, #tpu.memory_space<vmem>>[vector<16xi32>, vector<16xi32>], vector<16xf32>, vector<16xi1>
      %get3A_1388 = arith.constant 113 : i32
      %get3A_1389 = arith.index_cast %get3A_1388 : i32 to index
      %get3A_1390 = arith.constant 0 : index
      %get3A_1391 = tpu.vector_load %arg11[%get3A_1389, %get3A_1390] {strides = array<i32>} : memref<128x264xf32, #tpu.memory_space<vmem>>, vector<16xf32>,
      %sub3A_1392 = arith.subf %get3A_1391, %select_n3A_139 : vector<16xf32>
      %swap3A_1393 = arith.constant 113 : i32
      %swap3A_1394 = arith.index_cast %swap3A_1393 : i32 to index
      %swap3A_1395 = arith.constant 0 : index
      %swap3A_1396 = tpu.vector_load %arg11[%swap3A_1394, %swap3A_1395] {strides = array<i32>} : memref<128x264xf32, #tpu.memory_space<vmem>>, vector<16xf32>,
      tpu.vector_store %arg11[%swap3A_1394, %swap3A_1395], %sub3A_1392 {strides = array<i32>} : memref<128x264xf32, #tpu.memory_space<vmem>>, vector<16xf32>,
      %broadcast_in_dim3A_1397 = arith.constant 113 : i32
      %broadcast_in_dim3A_1398 = vector.broadcast %broadcast_in_dim3A_1397 : i32 to vector<16xi32>
      tpu.vector_store_idx %arg15[%broadcast_in_dim3A_1398, %iota3A], %sub3A_1392 masked %lt3A_4 : memref<128x8xf32, #tpu.memory_space<vmem>>[vector<16xi32>, vector<16xi32>], vector<16xf32>, vector<16xi1>
      %get3A_1399 = arith.constant 114 : i32
      %get3A_1400 = arith.index_cast %get3A_1399 : i32 to index
      %get3A_1401 = arith.constant 0 : index
      %get3A_1402 = tpu.vector_load %arg11[%get3A_1400, %get3A_1401] {strides = array<i32>} : memref<128x264xf32, #tpu.memory_space<vmem>>, vector<16xf32>,
      %sub3A_1403 = arith.subf %get3A_1402, %select_n3A_139 : vector<16xf32>
      %swap3A_1404 = arith.constant 114 : i32
      %swap3A_1405 = arith.index_cast %swap3A_1404 : i32 to index
      %swap3A_1406 = arith.constant 0 : index
      %swap3A_1407 = tpu.vector_load %arg11[%swap3A_1405, %swap3A_1406] {strides = array<i32>} : memref<128x264xf32, #tpu.memory_space<vmem>>, vector<16xf32>,
      tpu.vector_store %arg11[%swap3A_1405, %swap3A_1406], %sub3A_1403 {strides = array<i32>} : memref<128x264xf32, #tpu.memory_space<vmem>>, vector<16xf32>,
      %broadcast_in_dim3A_1408 = arith.constant 114 : i32
      %broadcast_in_dim3A_1409 = vector.broadcast %broadcast_in_dim3A_1408 : i32 to vector<16xi32>
      tpu.vector_store_idx %arg15[%broadcast_in_dim3A_1409, %iota3A], %sub3A_1403 masked %lt3A_4 : memref<128x8xf32, #tpu.memory_space<vmem>>[vector<16xi32>, vector<16xi32>], vector<16xf32>, vector<16xi1>
      %get3A_1410 = arith.constant 115 : i32
      %get3A_1411 = arith.index_cast %get3A_1410 : i32 to index
      %get3A_1412 = arith.constant 0 : index
      %get3A_1413 = tpu.vector_load %arg11[%get3A_1411, %get3A_1412] {strides = array<i32>} : memref<128x264xf32, #tpu.memory_space<vmem>>, vector<16xf32>,
      %sub3A_1414 = arith.subf %get3A_1413, %select_n3A_139 : vector<16xf32>
      %swap3A_1415 = arith.constant 115 : i32
      %swap3A_1416 = arith.index_cast %swap3A_1415 : i32 to index
      %swap3A_1417 = arith.constant 0 : index
      %swap3A_1418 = tpu.vector_load %arg11[%swap3A_1416, %swap3A_1417] {strides = array<i32>} : memref<128x264xf32, #tpu.memory_space<vmem>>, vector<16xf32>,
      tpu.vector_store %arg11[%swap3A_1416, %swap3A_1417], %sub3A_1414 {strides = array<i32>} : memref<128x264xf32, #tpu.memory_space<vmem>>, vector<16xf32>,
      %broadcast_in_dim3A_1419 = arith.constant 115 : i32
      %broadcast_in_dim3A_1420 = vector.broadcast %broadcast_in_dim3A_1419 : i32 to vector<16xi32>
      tpu.vector_store_idx %arg15[%broadcast_in_dim3A_1420, %iota3A], %sub3A_1414 masked %lt3A_4 : memref<128x8xf32, #tpu.memory_space<vmem>>[vector<16xi32>, vector<16xi32>], vector<16xf32>, vector<16xi1>
      %get3A_1421 = arith.constant 116 : i32
      %get3A_1422 = arith.index_cast %get3A_1421 : i32 to index
      %get3A_1423 = arith.constant 0 : index
      %get3A_1424 = tpu.vector_load %arg11[%get3A_1422, %get3A_1423] {strides = array<i32>} : memref<128x264xf32, #tpu.memory_space<vmem>>, vector<16xf32>,
      %sub3A_1425 = arith.subf %get3A_1424, %select_n3A_139 : vector<16xf32>
      %swap3A_1426 = arith.constant 116 : i32
      %swap3A_1427 = arith.index_cast %swap3A_1426 : i32 to index
      %swap3A_1428 = arith.constant 0 : index
      %swap3A_1429 = tpu.vector_load %arg11[%swap3A_1427, %swap3A_1428] {strides = array<i32>} : memref<128x264xf32, #tpu.memory_space<vmem>>, vector<16xf32>,
      tpu.vector_store %arg11[%swap3A_1427, %swap3A_1428], %sub3A_1425 {strides = array<i32>} : memref<128x264xf32, #tpu.memory_space<vmem>>, vector<16xf32>,
      %broadcast_in_dim3A_1430 = arith.constant 116 : i32
      %broadcast_in_dim3A_1431 = vector.broadcast %broadcast_in_dim3A_1430 : i32 to vector<16xi32>
      tpu.vector_store_idx %arg15[%broadcast_in_dim3A_1431, %iota3A], %sub3A_1425 masked %lt3A_4 : memref<128x8xf32, #tpu.memory_space<vmem>>[vector<16xi32>, vector<16xi32>], vector<16xf32>, vector<16xi1>
      %get3A_1432 = arith.constant 117 : i32
      %get3A_1433 = arith.index_cast %get3A_1432 : i32 to index
      %get3A_1434 = arith.constant 0 : index
      %get3A_1435 = tpu.vector_load %arg11[%get3A_1433, %get3A_1434] {strides = array<i32>} : memref<128x264xf32, #tpu.memory_space<vmem>>, vector<16xf32>,
      %sub3A_1436 = arith.subf %get3A_1435, %select_n3A_139 : vector<16xf32>
      %swap3A_1437 = arith.constant 117 : i32
      %swap3A_1438 = arith.index_cast %swap3A_1437 : i32 to index
      %swap3A_1439 = arith.constant 0 : index
      %swap3A_1440 = tpu.vector_load %arg11[%swap3A_1438, %swap3A_1439] {strides = array<i32>} : memref<128x264xf32, #tpu.memory_space<vmem>>, vector<16xf32>,
      tpu.vector_store %arg11[%swap3A_1438, %swap3A_1439], %sub3A_1436 {strides = array<i32>} : memref<128x264xf32, #tpu.memory_space<vmem>>, vector<16xf32>,
      %broadcast_in_dim3A_1441 = arith.constant 117 : i32
      %broadcast_in_dim3A_1442 = vector.broadcast %broadcast_in_dim3A_1441 : i32 to vector<16xi32>
      tpu.vector_store_idx %arg15[%broadcast_in_dim3A_1442, %iota3A], %sub3A_1436 masked %lt3A_4 : memref<128x8xf32, #tpu.memory_space<vmem>>[vector<16xi32>, vector<16xi32>], vector<16xf32>, vector<16xi1>
      %get3A_1443 = arith.constant 118 : i32
      %get3A_1444 = arith.index_cast %get3A_1443 : i32 to index
      %get3A_1445 = arith.constant 0 : index
      %get3A_1446 = tpu.vector_load %arg11[%get3A_1444, %get3A_1445] {strides = array<i32>} : memref<128x264xf32, #tpu.memory_space<vmem>>, vector<16xf32>,
      %sub3A_1447 = arith.subf %get3A_1446, %select_n3A_139 : vector<16xf32>
      %swap3A_1448 = arith.constant 118 : i32
      %swap3A_1449 = arith.index_cast %swap3A_1448 : i32 to index
      %swap3A_1450 = arith.constant 0 : index
      %swap3A_1451 = tpu.vector_load %arg11[%swap3A_1449, %swap3A_1450] {strides = array<i32>} : memref<128x264xf32, #tpu.memory_space<vmem>>, vector<16xf32>,
      tpu.vector_store %arg11[%swap3A_1449, %swap3A_1450], %sub3A_1447 {strides = array<i32>} : memref<128x264xf32, #tpu.memory_space<vmem>>, vector<16xf32>,
      %broadcast_in_dim3A_1452 = arith.constant 118 : i32
      %broadcast_in_dim3A_1453 = vector.broadcast %broadcast_in_dim3A_1452 : i32 to vector<16xi32>
      tpu.vector_store_idx %arg15[%broadcast_in_dim3A_1453, %iota3A], %sub3A_1447 masked %lt3A_4 : memref<128x8xf32, #tpu.memory_space<vmem>>[vector<16xi32>, vector<16xi32>], vector<16xf32>, vector<16xi1>
      %get3A_1454 = arith.constant 119 : i32
      %get3A_1455 = arith.index_cast %get3A_1454 : i32 to index
      %get3A_1456 = arith.constant 0 : index
      %get3A_1457 = tpu.vector_load %arg11[%get3A_1455, %get3A_1456] {strides = array<i32>} : memref<128x264xf32, #tpu.memory_space<vmem>>, vector<16xf32>,
      %sub3A_1458 = arith.subf %get3A_1457, %select_n3A_139 : vector<16xf32>
      %swap3A_1459 = arith.constant 119 : i32
      %swap3A_1460 = arith.index_cast %swap3A_1459 : i32 to index
      %swap3A_1461 = arith.constant 0 : index
      %swap3A_1462 = tpu.vector_load %arg11[%swap3A_1460, %swap3A_1461] {strides = array<i32>} : memref<128x264xf32, #tpu.memory_space<vmem>>, vector<16xf32>,
      tpu.vector_store %arg11[%swap3A_1460, %swap3A_1461], %sub3A_1458 {strides = array<i32>} : memref<128x264xf32, #tpu.memory_space<vmem>>, vector<16xf32>,
      %broadcast_in_dim3A_1463 = arith.constant 119 : i32
      %broadcast_in_dim3A_1464 = vector.broadcast %broadcast_in_dim3A_1463 : i32 to vector<16xi32>
      tpu.vector_store_idx %arg15[%broadcast_in_dim3A_1464, %iota3A], %sub3A_1458 masked %lt3A_4 : memref<128x8xf32, #tpu.memory_space<vmem>>[vector<16xi32>, vector<16xi32>], vector<16xf32>, vector<16xi1>
      %get3A_1465 = arith.constant 120 : i32
      %get3A_1466 = arith.index_cast %get3A_1465 : i32 to index
      %get3A_1467 = arith.constant 0 : index
      %get3A_1468 = tpu.vector_load %arg11[%get3A_1466, %get3A_1467] {strides = array<i32>} : memref<128x264xf32, #tpu.memory_space<vmem>>, vector<16xf32>,
      %sub3A_1469 = arith.subf %get3A_1468, %select_n3A_146 : vector<16xf32>
      %swap3A_1470 = arith.constant 120 : i32
      %swap3A_1471 = arith.index_cast %swap3A_1470 : i32 to index
      %swap3A_1472 = arith.constant 0 : index
      %swap3A_1473 = tpu.vector_load %arg11[%swap3A_1471, %swap3A_1472] {strides = array<i32>} : memref<128x264xf32, #tpu.memory_space<vmem>>, vector<16xf32>,
      tpu.vector_store %arg11[%swap3A_1471, %swap3A_1472], %sub3A_1469 {strides = array<i32>} : memref<128x264xf32, #tpu.memory_space<vmem>>, vector<16xf32>,
      %broadcast_in_dim3A_1474 = arith.constant 120 : i32
      %broadcast_in_dim3A_1475 = vector.broadcast %broadcast_in_dim3A_1474 : i32 to vector<16xi32>
      tpu.vector_store_idx %arg15[%broadcast_in_dim3A_1475, %iota3A], %sub3A_1469 masked %lt3A_4 : memref<128x8xf32, #tpu.memory_space<vmem>>[vector<16xi32>, vector<16xi32>], vector<16xf32>, vector<16xi1>
      %get3A_1476 = arith.constant 121 : i32
      %get3A_1477 = arith.index_cast %get3A_1476 : i32 to index
      %get3A_1478 = arith.constant 0 : index
      %get3A_1479 = tpu.vector_load %arg11[%get3A_1477, %get3A_1478] {strides = array<i32>} : memref<128x264xf32, #tpu.memory_space<vmem>>, vector<16xf32>,
      %sub3A_1480 = arith.subf %get3A_1479, %select_n3A_146 : vector<16xf32>
      %swap3A_1481 = arith.constant 121 : i32
      %swap3A_1482 = arith.index_cast %swap3A_1481 : i32 to index
      %swap3A_1483 = arith.constant 0 : index
      %swap3A_1484 = tpu.vector_load %arg11[%swap3A_1482, %swap3A_1483] {strides = array<i32>} : memref<128x264xf32, #tpu.memory_space<vmem>>, vector<16xf32>,
      tpu.vector_store %arg11[%swap3A_1482, %swap3A_1483], %sub3A_1480 {strides = array<i32>} : memref<128x264xf32, #tpu.memory_space<vmem>>, vector<16xf32>,
      %broadcast_in_dim3A_1485 = arith.constant 121 : i32
      %broadcast_in_dim3A_1486 = vector.broadcast %broadcast_in_dim3A_1485 : i32 to vector<16xi32>
      tpu.vector_store_idx %arg15[%broadcast_in_dim3A_1486, %iota3A], %sub3A_1480 masked %lt3A_4 : memref<128x8xf32, #tpu.memory_space<vmem>>[vector<16xi32>, vector<16xi32>], vector<16xf32>, vector<16xi1>
      %get3A_1487 = arith.constant 122 : i32
      %get3A_1488 = arith.index_cast %get3A_1487 : i32 to index
      %get3A_1489 = arith.constant 0 : index
      %get3A_1490 = tpu.vector_load %arg11[%get3A_1488, %get3A_1489] {strides = array<i32>} : memref<128x264xf32, #tpu.memory_space<vmem>>, vector<16xf32>,
      %sub3A_1491 = arith.subf %get3A_1490, %select_n3A_146 : vector<16xf32>
      %swap3A_1492 = arith.constant 122 : i32
      %swap3A_1493 = arith.index_cast %swap3A_1492 : i32 to index
      %swap3A_1494 = arith.constant 0 : index
      %swap3A_1495 = tpu.vector_load %arg11[%swap3A_1493, %swap3A_1494] {strides = array<i32>} : memref<128x264xf32, #tpu.memory_space<vmem>>, vector<16xf32>,
      tpu.vector_store %arg11[%swap3A_1493, %swap3A_1494], %sub3A_1491 {strides = array<i32>} : memref<128x264xf32, #tpu.memory_space<vmem>>, vector<16xf32>,
      %broadcast_in_dim3A_1496 = arith.constant 122 : i32
      %broadcast_in_dim3A_1497 = vector.broadcast %broadcast_in_dim3A_1496 : i32 to vector<16xi32>
      tpu.vector_store_idx %arg15[%broadcast_in_dim3A_1497, %iota3A], %sub3A_1491 masked %lt3A_4 : memref<128x8xf32, #tpu.memory_space<vmem>>[vector<16xi32>, vector<16xi32>], vector<16xf32>, vector<16xi1>
      %get3A_1498 = arith.constant 123 : i32
      %get3A_1499 = arith.index_cast %get3A_1498 : i32 to index
      %get3A_1500 = arith.constant 0 : index
      %get3A_1501 = tpu.vector_load %arg11[%get3A_1499, %get3A_1500] {strides = array<i32>} : memref<128x264xf32, #tpu.memory_space<vmem>>, vector<16xf32>,
      %sub3A_1502 = arith.subf %get3A_1501, %select_n3A_146 : vector<16xf32>
      %swap3A_1503 = arith.constant 123 : i32
      %swap3A_1504 = arith.index_cast %swap3A_1503 : i32 to index
      %swap3A_1505 = arith.constant 0 : index
      %swap3A_1506 = tpu.vector_load %arg11[%swap3A_1504, %swap3A_1505] {strides = array<i32>} : memref<128x264xf32, #tpu.memory_space<vmem>>, vector<16xf32>,
      tpu.vector_store %arg11[%swap3A_1504, %swap3A_1505], %sub3A_1502 {strides = array<i32>} : memref<128x264xf32, #tpu.memory_space<vmem>>, vector<16xf32>,
      %broadcast_in_dim3A_1507 = arith.constant 123 : i32
      %broadcast_in_dim3A_1508 = vector.broadcast %broadcast_in_dim3A_1507 : i32 to vector<16xi32>
      tpu.vector_store_idx %arg15[%broadcast_in_dim3A_1508, %iota3A], %sub3A_1502 masked %lt3A_4 : memref<128x8xf32, #tpu.memory_space<vmem>>[vector<16xi32>, vector<16xi32>], vector<16xf32>, vector<16xi1>
      %get3A_1509 = arith.constant 124 : i32
      %get3A_1510 = arith.index_cast %get3A_1509 : i32 to index
      %get3A_1511 = arith.constant 0 : index
      %get3A_1512 = tpu.vector_load %arg11[%get3A_1510, %get3A_1511] {strides = array<i32>} : memref<128x264xf32, #tpu.memory_space<vmem>>, vector<16xf32>,
      %sub3A_1513 = arith.subf %get3A_1512, %select_n3A_146 : vector<16xf32>
      %swap3A_1514 = arith.constant 124 : i32
      %swap3A_1515 = arith.index_cast %swap3A_1514 : i32 to index
      %swap3A_1516 = arith.constant 0 : index
      %swap3A_1517 = tpu.vector_load %arg11[%swap3A_1515, %swap3A_1516] {strides = array<i32>} : memref<128x264xf32, #tpu.memory_space<vmem>>, vector<16xf32>,
      tpu.vector_store %arg11[%swap3A_1515, %swap3A_1516], %sub3A_1513 {strides = array<i32>} : memref<128x264xf32, #tpu.memory_space<vmem>>, vector<16xf32>,
      %broadcast_in_dim3A_1518 = arith.constant 124 : i32
      %broadcast_in_dim3A_1519 = vector.broadcast %broadcast_in_dim3A_1518 : i32 to vector<16xi32>
      tpu.vector_store_idx %arg15[%broadcast_in_dim3A_1519, %iota3A], %sub3A_1513 masked %lt3A_4 : memref<128x8xf32, #tpu.memory_space<vmem>>[vector<16xi32>, vector<16xi32>], vector<16xf32>, vector<16xi1>
      %get3A_1520 = arith.constant 125 : i32
      %get3A_1521 = arith.index_cast %get3A_1520 : i32 to index
      %get3A_1522 = arith.constant 0 : index
      %get3A_1523 = tpu.vector_load %arg11[%get3A_1521, %get3A_1522] {strides = array<i32>} : memref<128x264xf32, #tpu.memory_space<vmem>>, vector<16xf32>,
      %sub3A_1524 = arith.subf %get3A_1523, %select_n3A_146 : vector<16xf32>
      %swap3A_1525 = arith.constant 125 : i32
      %swap3A_1526 = arith.index_cast %swap3A_1525 : i32 to index
      %swap3A_1527 = arith.constant 0 : index
      %swap3A_1528 = tpu.vector_load %arg11[%swap3A_1526, %swap3A_1527] {strides = array<i32>} : memref<128x264xf32, #tpu.memory_space<vmem>>, vector<16xf32>,
      tpu.vector_store %arg11[%swap3A_1526, %swap3A_1527], %sub3A_1524 {strides = array<i32>} : memref<128x264xf32, #tpu.memory_space<vmem>>, vector<16xf32>,
      %broadcast_in_dim3A_1529 = arith.constant 125 : i32
      %broadcast_in_dim3A_1530 = vector.broadcast %broadcast_in_dim3A_1529 : i32 to vector<16xi32>
      tpu.vector_store_idx %arg15[%broadcast_in_dim3A_1530, %iota3A], %sub3A_1524 masked %lt3A_4 : memref<128x8xf32, #tpu.memory_space<vmem>>[vector<16xi32>, vector<16xi32>], vector<16xf32>, vector<16xi1>
      %get3A_1531 = arith.constant 126 : i32
      %get3A_1532 = arith.index_cast %get3A_1531 : i32 to index
      %get3A_1533 = arith.constant 0 : index
      %get3A_1534 = tpu.vector_load %arg11[%get3A_1532, %get3A_1533] {strides = array<i32>} : memref<128x264xf32, #tpu.memory_space<vmem>>, vector<16xf32>,
      %sub3A_1535 = arith.subf %get3A_1534, %select_n3A_146 : vector<16xf32>
      %swap3A_1536 = arith.constant 126 : i32
      %swap3A_1537 = arith.index_cast %swap3A_1536 : i32 to index
      %swap3A_1538 = arith.constant 0 : index
      %swap3A_1539 = tpu.vector_load %arg11[%swap3A_1537, %swap3A_1538] {strides = array<i32>} : memref<128x264xf32, #tpu.memory_space<vmem>>, vector<16xf32>,
      tpu.vector_store %arg11[%swap3A_1537, %swap3A_1538], %sub3A_1535 {strides = array<i32>} : memref<128x264xf32, #tpu.memory_space<vmem>>, vector<16xf32>,
      %broadcast_in_dim3A_1540 = arith.constant 126 : i32
      %broadcast_in_dim3A_1541 = vector.broadcast %broadcast_in_dim3A_1540 : i32 to vector<16xi32>
      tpu.vector_store_idx %arg15[%broadcast_in_dim3A_1541, %iota3A], %sub3A_1535 masked %lt3A_4 : memref<128x8xf32, #tpu.memory_space<vmem>>[vector<16xi32>, vector<16xi32>], vector<16xf32>, vector<16xi1>
      %get3A_1542 = arith.constant 127 : i32
      %get3A_1543 = arith.index_cast %get3A_1542 : i32 to index
      %get3A_1544 = arith.constant 0 : index
      %get3A_1545 = tpu.vector_load %arg11[%get3A_1543, %get3A_1544] {strides = array<i32>} : memref<128x264xf32, #tpu.memory_space<vmem>>, vector<16xf32>,
      %sub3A_1546 = arith.subf %get3A_1545, %select_n3A_146 : vector<16xf32>
      %swap3A_1547 = arith.constant 127 : i32
      %swap3A_1548 = arith.index_cast %swap3A_1547 : i32 to index
      %swap3A_1549 = arith.constant 0 : index
      %swap3A_1550 = tpu.vector_load %arg11[%swap3A_1548, %swap3A_1549] {strides = array<i32>} : memref<128x264xf32, #tpu.memory_space<vmem>>, vector<16xf32>,
      tpu.vector_store %arg11[%swap3A_1548, %swap3A_1549], %sub3A_1546 {strides = array<i32>} : memref<128x264xf32, #tpu.memory_space<vmem>>, vector<16xf32>,
      %broadcast_in_dim3A_1551 = arith.constant 127 : i32
      %broadcast_in_dim3A_1552 = vector.broadcast %broadcast_in_dim3A_1551 : i32 to vector<16xi32>
      tpu.vector_store_idx %arg15[%broadcast_in_dim3A_1552, %iota3A], %sub3A_1546 masked %lt3A_4 : memref<128x8xf32, #tpu.memory_space<vmem>>[vector<16xi32>, vector<16xi32>], vector<16xf32>, vector<16xi1>
      %dma_start3A_1553 = arith.constant 0 : i32
      %dma_start3A_1554 = arith.constant 0 : i32
      %dma_start3A_1555 = tpu.memref_slice %arg11[%dma_start3A_1553, %dma_start3A_1554] : memref<128x264xf32, #tpu.memory_space<vmem>> -> memref<128x128xf32, #tpu.memory_space<vmem>>
      %dma_start3A_1556 = arith.constant 0 : i32
      %dma_start3A_1557 = tpu.memref_slice %arg5[%mul3A_36, %dma_start3A_1556] : memref<32768x128xf32, #tpu.memory_space<hbm>> -> memref<128x128xf32, #tpu.memory_space<hbm>>
      %dma_start3A_1558 = arith.constant 0 : i32
      %dma_start3A_1559 = tpu.memref_slice %arg5[%mul3A_36, %dma_start3A_1558] : memref<32768x128xf32, #tpu.memory_space<hbm>> -> memref<128x128xf32, #tpu.memory_space<hbm>>
      %dma_start3A_1560 = arith.constant 0 : i32
      %dma_start3A_1561 = arith.constant 0 : i32
      %dma_start3A_1562 = tpu.memref_slice %arg11[%dma_start3A_1560, %dma_start3A_1561] : memref<128x264xf32, #tpu.memory_space<vmem>> -> memref<128x128xf32, #tpu.memory_space<vmem>>
      tpu.enqueue_dma source(%dma_start3A_1562 : memref<128x128xf32, #tpu.memory_space<vmem>>) target(%dma_start3A_1559 : memref<128x128xf32, #tpu.memory_space<hbm>>) target_semaphore(%arg19 : memref<!tpu.dma_semaphore, #tpu.memory_space<semaphore_mem>>)
      %dma_start3A_1563 = arith.constant 0 : i32
      %dma_start3A_1564 = arith.constant 128 : i32
      %dma_start3A_1565 = tpu.memref_slice %arg11[%dma_start3A_1563, %dma_start3A_1564] : memref<128x264xf32, #tpu.memory_space<vmem>> -> memref<128x128xf32, #tpu.memory_space<vmem>>
      %dma_start3A_1566 = arith.constant 0 : i32
      %dma_start3A_1567 = tpu.memref_slice %arg6[%mul3A_36, %dma_start3A_1566] : memref<32768x128xf32, #tpu.memory_space<hbm>> -> memref<128x128xf32, #tpu.memory_space<hbm>>
      %dma_start3A_1568 = arith.constant 0 : i32
      %dma_start3A_1569 = tpu.memref_slice %arg6[%mul3A_36, %dma_start3A_1568] : memref<32768x128xf32, #tpu.memory_space<hbm>> -> memref<128x128xf32, #tpu.memory_space<hbm>>
      %dma_start3A_1570 = arith.constant 0 : i32
      %dma_start3A_1571 = arith.constant 128 : i32
      %dma_start3A_1572 = tpu.memref_slice %arg11[%dma_start3A_1570, %dma_start3A_1571] : memref<128x264xf32, #tpu.memory_space<vmem>> -> memref<128x128xf32, #tpu.memory_space<vmem>>
      tpu.enqueue_dma source(%dma_start3A_1572 : memref<128x128xf32, #tpu.memory_space<vmem>>) target(%dma_start3A_1569 : memref<128x128xf32, #tpu.memory_space<hbm>>) target_semaphore(%arg19 : memref<!tpu.dma_semaphore, #tpu.memory_space<semaphore_mem>>)
      %dma_start3A_1573 = arith.constant 0 : i32
      %dma_start3A_1574 = arith.constant 256 : i32
      %dma_start3A_1575 = tpu.memref_slice %arg11[%dma_start3A_1573, %dma_start3A_1574] : memref<128x264xf32, #tpu.memory_space<vmem>> -> memref<128x8xf32, #tpu.memory_space<vmem>>
      %dma_start3A_1576 = arith.constant 0 : i32
      %dma_start3A_1577 = tpu.memref_slice %arg7[%mul3A_36, %dma_start3A_1576] : memref<32768x8xf32, #tpu.memory_space<hbm>> -> memref<128x8xf32, #tpu.memory_space<hbm>>
      %dma_start3A_1578 = arith.constant 0 : i32
      %dma_start3A_1579 = tpu.memref_slice %arg7[%mul3A_36, %dma_start3A_1578] : memref<32768x8xf32, #tpu.memory_space<hbm>> -> memref<128x8xf32, #tpu.memory_space<hbm>>
      %dma_start3A_1580 = arith.constant 0 : i32
      %dma_start3A_1581 = arith.constant 256 : i32
      %dma_start3A_1582 = tpu.memref_slice %arg11[%dma_start3A_1580, %dma_start3A_1581] : memref<128x264xf32, #tpu.memory_space<vmem>> -> memref<128x8xf32, #tpu.memory_space<vmem>>
      tpu.enqueue_dma source(%dma_start3A_1582 : memref<128x8xf32, #tpu.memory_space<vmem>>) target(%dma_start3A_1579 : memref<128x8xf32, #tpu.memory_space<hbm>>) target_semaphore(%arg19 : memref<!tpu.dma_semaphore, #tpu.memory_space<semaphore_mem>>)
      %dma_start3A_1583 = arith.constant 0 : i32
      %dma_start3A_1584 = tpu.memref_slice %arg8[%mul3A_36, %dma_start3A_1583] : memref<32768x8xf32, #tpu.memory_space<hbm>> -> memref<128x8xf32, #tpu.memory_space<hbm>>
      %dma_start3A_1585 = arith.constant 0 : i32
      %dma_start3A_1586 = tpu.memref_slice %arg8[%mul3A_36, %dma_start3A_1585] : memref<32768x8xf32, #tpu.memory_space<hbm>> -> memref<128x8xf32, #tpu.memory_space<hbm>>
      tpu.enqueue_dma source(%arg15 : memref<128x8xf32, #tpu.memory_space<vmem>>) target(%dma_start3A_1586 : memref<128x8xf32, #tpu.memory_space<hbm>>) target_semaphore(%arg19 : memref<!tpu.dma_semaphore, #tpu.memory_space<semaphore_mem>>)
      %mul3A_1587 = arith.constant 16 : i32
      %mul3A_1588 = arith.muli %add3A_16, %mul3A_1587 : i32
      %add3A_1589 = arith.addi %mul3A_2, %mul3A_1588 : i32
      %mul3A_1590 = arith.constant 8 : i32
      %mul3A_1591 = arith.muli %add3A_1589, %mul3A_1590 : i32
      %dma_wait3A_1592 = arith.constant 0 : i32
      %dma_wait3A_1593 = arith.constant 0 : i32
      %dma_wait3A_1594 = tpu.memref_slice %arg2[%dma_wait3A_1592, %dma_wait3A_1593] : memref<4096x264xf32, #tpu.memory_space<hbm>> -> memref<4096x264xf32, #tpu.memory_space<hbm>>
      tpu.wait_indirect_dma semaphore(%arg18 : memref<!tpu.dma_semaphore, #tpu.memory_space<semaphore_mem>>) src(%dma_wait3A_1594 : memref<4096x264xf32, #tpu.memory_space<hbm>>) dst(%arg12 : memref<128x264xf32, #tpu.memory_space<vmem>>)
      %get3A_1595 = arith.constant 0 : i32
      %get3A_1596 = arith.index_cast %get3A_1595 : i32 to index
      %get3A_1597 = arith.constant 0 : index
      %get3A_1598 = tpu.vector_load %arg14[%get3A_1596, %get3A_1597] {strides = array<i32>} : memref<16x16xf32, #tpu.memory_space<vmem>>, vector<16xf32>,
      %jit3A_1599 = arith.constant 0.000000e+00 : f32
      %broadcast_in_dim3A_1600 = vector.broadcast %jit3A_1599 : f32 to vector<16xf32>
      %select_n3A_1601 = arith.select %lt3A_4, %get3A_1598, %broadcast_in_dim3A_1600 : vector<16xi1>, vector<16xf32>
      %get3A_1602 = arith.constant 1 : i32
      %get3A_1603 = arith.index_cast %get3A_1602 : i32 to index
      %get3A_1604 = arith.constant 0 : index
      %get3A_1605 = tpu.vector_load %arg14[%get3A_1603, %get3A_1604] {strides = array<i32>} : memref<16x16xf32, #tpu.memory_space<vmem>>, vector<16xf32>,
      %jit3A_1606 = arith.constant 0.000000e+00 : f32
      %broadcast_in_dim3A_1607 = vector.broadcast %jit3A_1606 : f32 to vector<16xf32>
      %select_n3A_1608 = arith.select %lt3A_4, %get3A_1605, %broadcast_in_dim3A_1607 : vector<16xi1>, vector<16xf32>
      %get3A_1609 = arith.constant 2 : i32
      %get3A_1610 = arith.index_cast %get3A_1609 : i32 to index
      %get3A_1611 = arith.constant 0 : index
      %get3A_1612 = tpu.vector_load %arg14[%get3A_1610, %get3A_1611] {strides = array<i32>} : memref<16x16xf32, #tpu.memory_space<vmem>>, vector<16xf32>,
      %jit3A_1613 = arith.constant 0.000000e+00 : f32
      %broadcast_in_dim3A_1614 = vector.broadcast %jit3A_1613 : f32 to vector<16xf32>
      %select_n3A_1615 = arith.select %lt3A_4, %get3A_1612, %broadcast_in_dim3A_1614 : vector<16xi1>, vector<16xf32>
      %get3A_1616 = arith.constant 3 : i32
      %get3A_1617 = arith.index_cast %get3A_1616 : i32 to index
      %get3A_1618 = arith.constant 0 : index
      %get3A_1619 = tpu.vector_load %arg14[%get3A_1617, %get3A_1618] {strides = array<i32>} : memref<16x16xf32, #tpu.memory_space<vmem>>, vector<16xf32>,
      %jit3A_1620 = arith.constant 0.000000e+00 : f32
      %broadcast_in_dim3A_1621 = vector.broadcast %jit3A_1620 : f32 to vector<16xf32>
      %select_n3A_1622 = arith.select %lt3A_4, %get3A_1619, %broadcast_in_dim3A_1621 : vector<16xi1>, vector<16xf32>
      %get3A_1623 = arith.constant 4 : i32
      %get3A_1624 = arith.index_cast %get3A_1623 : i32 to index
      %get3A_1625 = arith.constant 0 : index
      %get3A_1626 = tpu.vector_load %arg14[%get3A_1624, %get3A_1625] {strides = array<i32>} : memref<16x16xf32, #tpu.memory_space<vmem>>, vector<16xf32>,
      %jit3A_1627 = arith.constant 0.000000e+00 : f32
      %broadcast_in_dim3A_1628 = vector.broadcast %jit3A_1627 : f32 to vector<16xf32>
      %select_n3A_1629 = arith.select %lt3A_4, %get3A_1626, %broadcast_in_dim3A_1628 : vector<16xi1>, vector<16xf32>
      %get3A_1630 = arith.constant 5 : i32
      %get3A_1631 = arith.index_cast %get3A_1630 : i32 to index
      %get3A_1632 = arith.constant 0 : index
      %get3A_1633 = tpu.vector_load %arg14[%get3A_1631, %get3A_1632] {strides = array<i32>} : memref<16x16xf32, #tpu.memory_space<vmem>>, vector<16xf32>,
      %jit3A_1634 = arith.constant 0.000000e+00 : f32
      %broadcast_in_dim3A_1635 = vector.broadcast %jit3A_1634 : f32 to vector<16xf32>
      %select_n3A_1636 = arith.select %lt3A_4, %get3A_1633, %broadcast_in_dim3A_1635 : vector<16xi1>, vector<16xf32>
      %get3A_1637 = arith.constant 6 : i32
      %get3A_1638 = arith.index_cast %get3A_1637 : i32 to index
      %get3A_1639 = arith.constant 0 : index
      %get3A_1640 = tpu.vector_load %arg14[%get3A_1638, %get3A_1639] {strides = array<i32>} : memref<16x16xf32, #tpu.memory_space<vmem>>, vector<16xf32>,
      %jit3A_1641 = arith.constant 0.000000e+00 : f32
      %broadcast_in_dim3A_1642 = vector.broadcast %jit3A_1641 : f32 to vector<16xf32>
      %select_n3A_1643 = arith.select %lt3A_4, %get3A_1640, %broadcast_in_dim3A_1642 : vector<16xi1>, vector<16xf32>
      %get3A_1644 = arith.constant 7 : i32
      %get3A_1645 = arith.index_cast %get3A_1644 : i32 to index
      %get3A_1646 = arith.constant 0 : index
      %get3A_1647 = tpu.vector_load %arg14[%get3A_1645, %get3A_1646] {strides = array<i32>} : memref<16x16xf32, #tpu.memory_space<vmem>>, vector<16xf32>,
      %jit3A_1648 = arith.constant 0.000000e+00 : f32
      %broadcast_in_dim3A_1649 = vector.broadcast %jit3A_1648 : f32 to vector<16xf32>
      %select_n3A_1650 = arith.select %lt3A_4, %get3A_1647, %broadcast_in_dim3A_1649 : vector<16xi1>, vector<16xf32>
      %get3A_1651 = arith.constant 8 : i32
      %get3A_1652 = arith.index_cast %get3A_1651 : i32 to index
      %get3A_1653 = arith.constant 0 : index
      %get3A_1654 = tpu.vector_load %arg14[%get3A_1652, %get3A_1653] {strides = array<i32>} : memref<16x16xf32, #tpu.memory_space<vmem>>, vector<16xf32>,
      %jit3A_1655 = arith.constant 0.000000e+00 : f32
      %broadcast_in_dim3A_1656 = vector.broadcast %jit3A_1655 : f32 to vector<16xf32>
      %select_n3A_1657 = arith.select %lt3A_4, %get3A_1654, %broadcast_in_dim3A_1656 : vector<16xi1>, vector<16xf32>
      %get3A_1658 = arith.constant 9 : i32
      %get3A_1659 = arith.index_cast %get3A_1658 : i32 to index
      %get3A_1660 = arith.constant 0 : index
      %get3A_1661 = tpu.vector_load %arg14[%get3A_1659, %get3A_1660] {strides = array<i32>} : memref<16x16xf32, #tpu.memory_space<vmem>>, vector<16xf32>,
      %jit3A_1662 = arith.constant 0.000000e+00 : f32
      %broadcast_in_dim3A_1663 = vector.broadcast %jit3A_1662 : f32 to vector<16xf32>
      %select_n3A_1664 = arith.select %lt3A_4, %get3A_1661, %broadcast_in_dim3A_1663 : vector<16xi1>, vector<16xf32>
      %get3A_1665 = arith.constant 10 : i32
      %get3A_1666 = arith.index_cast %get3A_1665 : i32 to index
      %get3A_1667 = arith.constant 0 : index
      %get3A_1668 = tpu.vector_load %arg14[%get3A_1666, %get3A_1667] {strides = array<i32>} : memref<16x16xf32, #tpu.memory_space<vmem>>, vector<16xf32>,
      %jit3A_1669 = arith.constant 0.000000e+00 : f32
      %broadcast_in_dim3A_1670 = vector.broadcast %jit3A_1669 : f32 to vector<16xf32>
      %select_n3A_1671 = arith.select %lt3A_4, %get3A_1668, %broadcast_in_dim3A_1670 : vector<16xi1>, vector<16xf32>
      %get3A_1672 = arith.constant 11 : i32
      %get3A_1673 = arith.index_cast %get3A_1672 : i32 to index
      %get3A_1674 = arith.constant 0 : index
      %get3A_1675 = tpu.vector_load %arg14[%get3A_1673, %get3A_1674] {strides = array<i32>} : memref<16x16xf32, #tpu.memory_space<vmem>>, vector<16xf32>,
      %jit3A_1676 = arith.constant 0.000000e+00 : f32
      %broadcast_in_dim3A_1677 = vector.broadcast %jit3A_1676 : f32 to vector<16xf32>
      %select_n3A_1678 = arith.select %lt3A_4, %get3A_1675, %broadcast_in_dim3A_1677 : vector<16xi1>, vector<16xf32>
      %get3A_1679 = arith.constant 12 : i32
      %get3A_1680 = arith.index_cast %get3A_1679 : i32 to index
      %get3A_1681 = arith.constant 0 : index
      %get3A_1682 = tpu.vector_load %arg14[%get3A_1680, %get3A_1681] {strides = array<i32>} : memref<16x16xf32, #tpu.memory_space<vmem>>, vector<16xf32>,
      %jit3A_1683 = arith.constant 0.000000e+00 : f32
      %broadcast_in_dim3A_1684 = vector.broadcast %jit3A_1683 : f32 to vector<16xf32>
      %select_n3A_1685 = arith.select %lt3A_4, %get3A_1682, %broadcast_in_dim3A_1684 : vector<16xi1>, vector<16xf32>
      %get3A_1686 = arith.constant 13 : i32
      %get3A_1687 = arith.index_cast %get3A_1686 : i32 to index
      %get3A_1688 = arith.constant 0 : index
      %get3A_1689 = tpu.vector_load %arg14[%get3A_1687, %get3A_1688] {strides = array<i32>} : memref<16x16xf32, #tpu.memory_space<vmem>>, vector<16xf32>,
      %jit3A_1690 = arith.constant 0.000000e+00 : f32
      %broadcast_in_dim3A_1691 = vector.broadcast %jit3A_1690 : f32 to vector<16xf32>
      %select_n3A_1692 = arith.select %lt3A_4, %get3A_1689, %broadcast_in_dim3A_1691 : vector<16xi1>, vector<16xf32>
      %get3A_1693 = arith.constant 14 : i32
      %get3A_1694 = arith.index_cast %get3A_1693 : i32 to index
      %get3A_1695 = arith.constant 0 : index
      %get3A_1696 = tpu.vector_load %arg14[%get3A_1694, %get3A_1695] {strides = array<i32>} : memref<16x16xf32, #tpu.memory_space<vmem>>, vector<16xf32>,
      %jit3A_1697 = arith.constant 0.000000e+00 : f32
      %broadcast_in_dim3A_1698 = vector.broadcast %jit3A_1697 : f32 to vector<16xf32>
      %select_n3A_1699 = arith.select %lt3A_4, %get3A_1696, %broadcast_in_dim3A_1698 : vector<16xi1>, vector<16xf32>
      %get3A_1700 = arith.constant 15 : i32
      %get3A_1701 = arith.index_cast %get3A_1700 : i32 to index
      %get3A_1702 = arith.constant 0 : index
      %get3A_1703 = tpu.vector_load %arg14[%get3A_1701, %get3A_1702] {strides = array<i32>} : memref<16x16xf32, #tpu.memory_space<vmem>>, vector<16xf32>,
      %jit3A_1704 = arith.constant 0.000000e+00 : f32
      %broadcast_in_dim3A_1705 = vector.broadcast %jit3A_1704 : f32 to vector<16xf32>
      %select_n3A_1706 = arith.select %lt3A_4, %get3A_1703, %broadcast_in_dim3A_1705 : vector<16xi1>, vector<16xf32>
      %get3A_1707 = arith.constant 0 : i32
      %get3A_1708 = arith.index_cast %get3A_1707 : i32 to index
      %get3A_1709 = arith.constant 0 : index
      %get3A_1710 = tpu.vector_load %arg12[%get3A_1708, %get3A_1709] {strides = array<i32>} : memref<128x264xf32, #tpu.memory_space<vmem>>, vector<16xf32>,
      %sub3A_1711 = arith.subf %get3A_1710, %select_n3A_1601 : vector<16xf32>
      %swap3A_1712 = arith.constant 0 : i32
      %swap3A_1713 = arith.index_cast %swap3A_1712 : i32 to index
      %swap3A_1714 = arith.constant 0 : index
      %swap3A_1715 = tpu.vector_load %arg12[%swap3A_1713, %swap3A_1714] {strides = array<i32>} : memref<128x264xf32, #tpu.memory_space<vmem>>, vector<16xf32>,
      tpu.vector_store %arg12[%swap3A_1713, %swap3A_1714], %sub3A_1711 {strides = array<i32>} : memref<128x264xf32, #tpu.memory_space<vmem>>, vector<16xf32>,
      %broadcast_in_dim3A_1716 = arith.constant 0 : i32
      %broadcast_in_dim3A_1717 = vector.broadcast %broadcast_in_dim3A_1716 : i32 to vector<16xi32>
      tpu.vector_store_idx %arg16[%broadcast_in_dim3A_1717, %iota3A], %sub3A_1711 masked %lt3A_4 : memref<128x8xf32, #tpu.memory_space<vmem>>[vector<16xi32>, vector<16xi32>], vector<16xf32>, vector<16xi1>
      %get3A_1718 = arith.constant 1 : i32
      %get3A_1719 = arith.index_cast %get3A_1718 : i32 to index
      %get3A_1720 = arith.constant 0 : index
      %get3A_1721 = tpu.vector_load %arg12[%get3A_1719, %get3A_1720] {strides = array<i32>} : memref<128x264xf32, #tpu.memory_space<vmem>>, vector<16xf32>,
      %sub3A_1722 = arith.subf %get3A_1721, %select_n3A_1601 : vector<16xf32>
      %swap3A_1723 = arith.constant 1 : i32
      %swap3A_1724 = arith.index_cast %swap3A_1723 : i32 to index
      %swap3A_1725 = arith.constant 0 : index
      %swap3A_1726 = tpu.vector_load %arg12[%swap3A_1724, %swap3A_1725] {strides = array<i32>} : memref<128x264xf32, #tpu.memory_space<vmem>>, vector<16xf32>,
      tpu.vector_store %arg12[%swap3A_1724, %swap3A_1725], %sub3A_1722 {strides = array<i32>} : memref<128x264xf32, #tpu.memory_space<vmem>>, vector<16xf32>,
      %broadcast_in_dim3A_1727 = arith.constant 1 : i32
      %broadcast_in_dim3A_1728 = vector.broadcast %broadcast_in_dim3A_1727 : i32 to vector<16xi32>
      tpu.vector_store_idx %arg16[%broadcast_in_dim3A_1728, %iota3A], %sub3A_1722 masked %lt3A_4 : memref<128x8xf32, #tpu.memory_space<vmem>>[vector<16xi32>, vector<16xi32>], vector<16xf32>, vector<16xi1>
      %get3A_1729 = arith.constant 2 : i32
      %get3A_1730 = arith.index_cast %get3A_1729 : i32 to index
      %get3A_1731 = arith.constant 0 : index
      %get3A_1732 = tpu.vector_load %arg12[%get3A_1730, %get3A_1731] {strides = array<i32>} : memref<128x264xf32, #tpu.memory_space<vmem>>, vector<16xf32>,
      %sub3A_1733 = arith.subf %get3A_1732, %select_n3A_1601 : vector<16xf32>
      %swap3A_1734 = arith.constant 2 : i32
      %swap3A_1735 = arith.index_cast %swap3A_1734 : i32 to index
      %swap3A_1736 = arith.constant 0 : index
      %swap3A_1737 = tpu.vector_load %arg12[%swap3A_1735, %swap3A_1736] {strides = array<i32>} : memref<128x264xf32, #tpu.memory_space<vmem>>, vector<16xf32>,
      tpu.vector_store %arg12[%swap3A_1735, %swap3A_1736], %sub3A_1733 {strides = array<i32>} : memref<128x264xf32, #tpu.memory_space<vmem>>, vector<16xf32>,
      %broadcast_in_dim3A_1738 = arith.constant 2 : i32
      %broadcast_in_dim3A_1739 = vector.broadcast %broadcast_in_dim3A_1738 : i32 to vector<16xi32>
      tpu.vector_store_idx %arg16[%broadcast_in_dim3A_1739, %iota3A], %sub3A_1733 masked %lt3A_4 : memref<128x8xf32, #tpu.memory_space<vmem>>[vector<16xi32>, vector<16xi32>], vector<16xf32>, vector<16xi1>
      %get3A_1740 = arith.constant 3 : i32
      %get3A_1741 = arith.index_cast %get3A_1740 : i32 to index
      %get3A_1742 = arith.constant 0 : index
      %get3A_1743 = tpu.vector_load %arg12[%get3A_1741, %get3A_1742] {strides = array<i32>} : memref<128x264xf32, #tpu.memory_space<vmem>>, vector<16xf32>,
      %sub3A_1744 = arith.subf %get3A_1743, %select_n3A_1601 : vector<16xf32>
      %swap3A_1745 = arith.constant 3 : i32
      %swap3A_1746 = arith.index_cast %swap3A_1745 : i32 to index
      %swap3A_1747 = arith.constant 0 : index
      %swap3A_1748 = tpu.vector_load %arg12[%swap3A_1746, %swap3A_1747] {strides = array<i32>} : memref<128x264xf32, #tpu.memory_space<vmem>>, vector<16xf32>,
      tpu.vector_store %arg12[%swap3A_1746, %swap3A_1747], %sub3A_1744 {strides = array<i32>} : memref<128x264xf32, #tpu.memory_space<vmem>>, vector<16xf32>,
      %broadcast_in_dim3A_1749 = arith.constant 3 : i32
      %broadcast_in_dim3A_1750 = vector.broadcast %broadcast_in_dim3A_1749 : i32 to vector<16xi32>
      tpu.vector_store_idx %arg16[%broadcast_in_dim3A_1750, %iota3A], %sub3A_1744 masked %lt3A_4 : memref<128x8xf32, #tpu.memory_space<vmem>>[vector<16xi32>, vector<16xi32>], vector<16xf32>, vector<16xi1>
      %get3A_1751 = arith.constant 4 : i32
      %get3A_1752 = arith.index_cast %get3A_1751 : i32 to index
      %get3A_1753 = arith.constant 0 : index
      %get3A_1754 = tpu.vector_load %arg12[%get3A_1752, %get3A_1753] {strides = array<i32>} : memref<128x264xf32, #tpu.memory_space<vmem>>, vector<16xf32>,
      %sub3A_1755 = arith.subf %get3A_1754, %select_n3A_1601 : vector<16xf32>
      %swap3A_1756 = arith.constant 4 : i32
      %swap3A_1757 = arith.index_cast %swap3A_1756 : i32 to index
      %swap3A_1758 = arith.constant 0 : index
      %swap3A_1759 = tpu.vector_load %arg12[%swap3A_1757, %swap3A_1758] {strides = array<i32>} : memref<128x264xf32, #tpu.memory_space<vmem>>, vector<16xf32>,
      tpu.vector_store %arg12[%swap3A_1757, %swap3A_1758], %sub3A_1755 {strides = array<i32>} : memref<128x264xf32, #tpu.memory_space<vmem>>, vector<16xf32>,
      %broadcast_in_dim3A_1760 = arith.constant 4 : i32
      %broadcast_in_dim3A_1761 = vector.broadcast %broadcast_in_dim3A_1760 : i32 to vector<16xi32>
      tpu.vector_store_idx %arg16[%broadcast_in_dim3A_1761, %iota3A], %sub3A_1755 masked %lt3A_4 : memref<128x8xf32, #tpu.memory_space<vmem>>[vector<16xi32>, vector<16xi32>], vector<16xf32>, vector<16xi1>
      %get3A_1762 = arith.constant 5 : i32
      %get3A_1763 = arith.index_cast %get3A_1762 : i32 to index
      %get3A_1764 = arith.constant 0 : index
      %get3A_1765 = tpu.vector_load %arg12[%get3A_1763, %get3A_1764] {strides = array<i32>} : memref<128x264xf32, #tpu.memory_space<vmem>>, vector<16xf32>,
      %sub3A_1766 = arith.subf %get3A_1765, %select_n3A_1601 : vector<16xf32>
      %swap3A_1767 = arith.constant 5 : i32
      %swap3A_1768 = arith.index_cast %swap3A_1767 : i32 to index
      %swap3A_1769 = arith.constant 0 : index
      %swap3A_1770 = tpu.vector_load %arg12[%swap3A_1768, %swap3A_1769] {strides = array<i32>} : memref<128x264xf32, #tpu.memory_space<vmem>>, vector<16xf32>,
      tpu.vector_store %arg12[%swap3A_1768, %swap3A_1769], %sub3A_1766 {strides = array<i32>} : memref<128x264xf32, #tpu.memory_space<vmem>>, vector<16xf32>,
      %broadcast_in_dim3A_1771 = arith.constant 5 : i32
      %broadcast_in_dim3A_1772 = vector.broadcast %broadcast_in_dim3A_1771 : i32 to vector<16xi32>
      tpu.vector_store_idx %arg16[%broadcast_in_dim3A_1772, %iota3A], %sub3A_1766 masked %lt3A_4 : memref<128x8xf32, #tpu.memory_space<vmem>>[vector<16xi32>, vector<16xi32>], vector<16xf32>, vector<16xi1>
      %get3A_1773 = arith.constant 6 : i32
      %get3A_1774 = arith.index_cast %get3A_1773 : i32 to index
      %get3A_1775 = arith.constant 0 : index
      %get3A_1776 = tpu.vector_load %arg12[%get3A_1774, %get3A_1775] {strides = array<i32>} : memref<128x264xf32, #tpu.memory_space<vmem>>, vector<16xf32>,
      %sub3A_1777 = arith.subf %get3A_1776, %select_n3A_1601 : vector<16xf32>
      %swap3A_1778 = arith.constant 6 : i32
      %swap3A_1779 = arith.index_cast %swap3A_1778 : i32 to index
      %swap3A_1780 = arith.constant 0 : index
      %swap3A_1781 = tpu.vector_load %arg12[%swap3A_1779, %swap3A_1780] {strides = array<i32>} : memref<128x264xf32, #tpu.memory_space<vmem>>, vector<16xf32>,
      tpu.vector_store %arg12[%swap3A_1779, %swap3A_1780], %sub3A_1777 {strides = array<i32>} : memref<128x264xf32, #tpu.memory_space<vmem>>, vector<16xf32>,
      %broadcast_in_dim3A_1782 = arith.constant 6 : i32
      %broadcast_in_dim3A_1783 = vector.broadcast %broadcast_in_dim3A_1782 : i32 to vector<16xi32>
      tpu.vector_store_idx %arg16[%broadcast_in_dim3A_1783, %iota3A], %sub3A_1777 masked %lt3A_4 : memref<128x8xf32, #tpu.memory_space<vmem>>[vector<16xi32>, vector<16xi32>], vector<16xf32>, vector<16xi1>
      %get3A_1784 = arith.constant 7 : i32
      %get3A_1785 = arith.index_cast %get3A_1784 : i32 to index
      %get3A_1786 = arith.constant 0 : index
      %get3A_1787 = tpu.vector_load %arg12[%get3A_1785, %get3A_1786] {strides = array<i32>} : memref<128x264xf32, #tpu.memory_space<vmem>>, vector<16xf32>,
      %sub3A_1788 = arith.subf %get3A_1787, %select_n3A_1601 : vector<16xf32>
      %swap3A_1789 = arith.constant 7 : i32
      %swap3A_1790 = arith.index_cast %swap3A_1789 : i32 to index
      %swap3A_1791 = arith.constant 0 : index
      %swap3A_1792 = tpu.vector_load %arg12[%swap3A_1790, %swap3A_1791] {strides = array<i32>} : memref<128x264xf32, #tpu.memory_space<vmem>>, vector<16xf32>,
      tpu.vector_store %arg12[%swap3A_1790, %swap3A_1791], %sub3A_1788 {strides = array<i32>} : memref<128x264xf32, #tpu.memory_space<vmem>>, vector<16xf32>,
      %broadcast_in_dim3A_1793 = arith.constant 7 : i32
      %broadcast_in_dim3A_1794 = vector.broadcast %broadcast_in_dim3A_1793 : i32 to vector<16xi32>
      tpu.vector_store_idx %arg16[%broadcast_in_dim3A_1794, %iota3A], %sub3A_1788 masked %lt3A_4 : memref<128x8xf32, #tpu.memory_space<vmem>>[vector<16xi32>, vector<16xi32>], vector<16xf32>, vector<16xi1>
      %get3A_1795 = arith.constant 8 : i32
      %get3A_1796 = arith.index_cast %get3A_1795 : i32 to index
      %get3A_1797 = arith.constant 0 : index
      %get3A_1798 = tpu.vector_load %arg12[%get3A_1796, %get3A_1797] {strides = array<i32>} : memref<128x264xf32, #tpu.memory_space<vmem>>, vector<16xf32>,
      %sub3A_1799 = arith.subf %get3A_1798, %select_n3A_1608 : vector<16xf32>
      %swap3A_1800 = arith.constant 8 : i32
      %swap3A_1801 = arith.index_cast %swap3A_1800 : i32 to index
      %swap3A_1802 = arith.constant 0 : index
      %swap3A_1803 = tpu.vector_load %arg12[%swap3A_1801, %swap3A_1802] {strides = array<i32>} : memref<128x264xf32, #tpu.memory_space<vmem>>, vector<16xf32>,
      tpu.vector_store %arg12[%swap3A_1801, %swap3A_1802], %sub3A_1799 {strides = array<i32>} : memref<128x264xf32, #tpu.memory_space<vmem>>, vector<16xf32>,
      %broadcast_in_dim3A_1804 = arith.constant 8 : i32
      %broadcast_in_dim3A_1805 = vector.broadcast %broadcast_in_dim3A_1804 : i32 to vector<16xi32>
      tpu.vector_store_idx %arg16[%broadcast_in_dim3A_1805, %iota3A], %sub3A_1799 masked %lt3A_4 : memref<128x8xf32, #tpu.memory_space<vmem>>[vector<16xi32>, vector<16xi32>], vector<16xf32>, vector<16xi1>
      %get3A_1806 = arith.constant 9 : i32
      %get3A_1807 = arith.index_cast %get3A_1806 : i32 to index
      %get3A_1808 = arith.constant 0 : index
      %get3A_1809 = tpu.vector_load %arg12[%get3A_1807, %get3A_1808] {strides = array<i32>} : memref<128x264xf32, #tpu.memory_space<vmem>>, vector<16xf32>,
      %sub3A_1810 = arith.subf %get3A_1809, %select_n3A_1608 : vector<16xf32>
      %swap3A_1811 = arith.constant 9 : i32
      %swap3A_1812 = arith.index_cast %swap3A_1811 : i32 to index
      %swap3A_1813 = arith.constant 0 : index
      %swap3A_1814 = tpu.vector_load %arg12[%swap3A_1812, %swap3A_1813] {strides = array<i32>} : memref<128x264xf32, #tpu.memory_space<vmem>>, vector<16xf32>,
      tpu.vector_store %arg12[%swap3A_1812, %swap3A_1813], %sub3A_1810 {strides = array<i32>} : memref<128x264xf32, #tpu.memory_space<vmem>>, vector<16xf32>,
      %broadcast_in_dim3A_1815 = arith.constant 9 : i32
      %broadcast_in_dim3A_1816 = vector.broadcast %broadcast_in_dim3A_1815 : i32 to vector<16xi32>
      tpu.vector_store_idx %arg16[%broadcast_in_dim3A_1816, %iota3A], %sub3A_1810 masked %lt3A_4 : memref<128x8xf32, #tpu.memory_space<vmem>>[vector<16xi32>, vector<16xi32>], vector<16xf32>, vector<16xi1>
      %get3A_1817 = arith.constant 10 : i32
      %get3A_1818 = arith.index_cast %get3A_1817 : i32 to index
      %get3A_1819 = arith.constant 0 : index
      %get3A_1820 = tpu.vector_load %arg12[%get3A_1818, %get3A_1819] {strides = array<i32>} : memref<128x264xf32, #tpu.memory_space<vmem>>, vector<16xf32>,
      %sub3A_1821 = arith.subf %get3A_1820, %select_n3A_1608 : vector<16xf32>
      %swap3A_1822 = arith.constant 10 : i32
      %swap3A_1823 = arith.index_cast %swap3A_1822 : i32 to index
      %swap3A_1824 = arith.constant 0 : index
      %swap3A_1825 = tpu.vector_load %arg12[%swap3A_1823, %swap3A_1824] {strides = array<i32>} : memref<128x264xf32, #tpu.memory_space<vmem>>, vector<16xf32>,
      tpu.vector_store %arg12[%swap3A_1823, %swap3A_1824], %sub3A_1821 {strides = array<i32>} : memref<128x264xf32, #tpu.memory_space<vmem>>, vector<16xf32>,
      %broadcast_in_dim3A_1826 = arith.constant 10 : i32
      %broadcast_in_dim3A_1827 = vector.broadcast %broadcast_in_dim3A_1826 : i32 to vector<16xi32>
      tpu.vector_store_idx %arg16[%broadcast_in_dim3A_1827, %iota3A], %sub3A_1821 masked %lt3A_4 : memref<128x8xf32, #tpu.memory_space<vmem>>[vector<16xi32>, vector<16xi32>], vector<16xf32>, vector<16xi1>
      %get3A_1828 = arith.constant 11 : i32
      %get3A_1829 = arith.index_cast %get3A_1828 : i32 to index
      %get3A_1830 = arith.constant 0 : index
      %get3A_1831 = tpu.vector_load %arg12[%get3A_1829, %get3A_1830] {strides = array<i32>} : memref<128x264xf32, #tpu.memory_space<vmem>>, vector<16xf32>,
      %sub3A_1832 = arith.subf %get3A_1831, %select_n3A_1608 : vector<16xf32>
      %swap3A_1833 = arith.constant 11 : i32
      %swap3A_1834 = arith.index_cast %swap3A_1833 : i32 to index
      %swap3A_1835 = arith.constant 0 : index
      %swap3A_1836 = tpu.vector_load %arg12[%swap3A_1834, %swap3A_1835] {strides = array<i32>} : memref<128x264xf32, #tpu.memory_space<vmem>>, vector<16xf32>,
      tpu.vector_store %arg12[%swap3A_1834, %swap3A_1835], %sub3A_1832 {strides = array<i32>} : memref<128x264xf32, #tpu.memory_space<vmem>>, vector<16xf32>,
      %broadcast_in_dim3A_1837 = arith.constant 11 : i32
      %broadcast_in_dim3A_1838 = vector.broadcast %broadcast_in_dim3A_1837 : i32 to vector<16xi32>
      tpu.vector_store_idx %arg16[%broadcast_in_dim3A_1838, %iota3A], %sub3A_1832 masked %lt3A_4 : memref<128x8xf32, #tpu.memory_space<vmem>>[vector<16xi32>, vector<16xi32>], vector<16xf32>, vector<16xi1>
      %get3A_1839 = arith.constant 12 : i32
      %get3A_1840 = arith.index_cast %get3A_1839 : i32 to index
      %get3A_1841 = arith.constant 0 : index
      %get3A_1842 = tpu.vector_load %arg12[%get3A_1840, %get3A_1841] {strides = array<i32>} : memref<128x264xf32, #tpu.memory_space<vmem>>, vector<16xf32>,
      %sub3A_1843 = arith.subf %get3A_1842, %select_n3A_1608 : vector<16xf32>
      %swap3A_1844 = arith.constant 12 : i32
      %swap3A_1845 = arith.index_cast %swap3A_1844 : i32 to index
      %swap3A_1846 = arith.constant 0 : index
      %swap3A_1847 = tpu.vector_load %arg12[%swap3A_1845, %swap3A_1846] {strides = array<i32>} : memref<128x264xf32, #tpu.memory_space<vmem>>, vector<16xf32>,
      tpu.vector_store %arg12[%swap3A_1845, %swap3A_1846], %sub3A_1843 {strides = array<i32>} : memref<128x264xf32, #tpu.memory_space<vmem>>, vector<16xf32>,
      %broadcast_in_dim3A_1848 = arith.constant 12 : i32
      %broadcast_in_dim3A_1849 = vector.broadcast %broadcast_in_dim3A_1848 : i32 to vector<16xi32>
      tpu.vector_store_idx %arg16[%broadcast_in_dim3A_1849, %iota3A], %sub3A_1843 masked %lt3A_4 : memref<128x8xf32, #tpu.memory_space<vmem>>[vector<16xi32>, vector<16xi32>], vector<16xf32>, vector<16xi1>
      %get3A_1850 = arith.constant 13 : i32
      %get3A_1851 = arith.index_cast %get3A_1850 : i32 to index
      %get3A_1852 = arith.constant 0 : index
      %get3A_1853 = tpu.vector_load %arg12[%get3A_1851, %get3A_1852] {strides = array<i32>} : memref<128x264xf32, #tpu.memory_space<vmem>>, vector<16xf32>,
      %sub3A_1854 = arith.subf %get3A_1853, %select_n3A_1608 : vector<16xf32>
      %swap3A_1855 = arith.constant 13 : i32
      %swap3A_1856 = arith.index_cast %swap3A_1855 : i32 to index
      %swap3A_1857 = arith.constant 0 : index
      %swap3A_1858 = tpu.vector_load %arg12[%swap3A_1856, %swap3A_1857] {strides = array<i32>} : memref<128x264xf32, #tpu.memory_space<vmem>>, vector<16xf32>,
      tpu.vector_store %arg12[%swap3A_1856, %swap3A_1857], %sub3A_1854 {strides = array<i32>} : memref<128x264xf32, #tpu.memory_space<vmem>>, vector<16xf32>,
      %broadcast_in_dim3A_1859 = arith.constant 13 : i32
      %broadcast_in_dim3A_1860 = vector.broadcast %broadcast_in_dim3A_1859 : i32 to vector<16xi32>
      tpu.vector_store_idx %arg16[%broadcast_in_dim3A_1860, %iota3A], %sub3A_1854 masked %lt3A_4 : memref<128x8xf32, #tpu.memory_space<vmem>>[vector<16xi32>, vector<16xi32>], vector<16xf32>, vector<16xi1>
      %get3A_1861 = arith.constant 14 : i32
      %get3A_1862 = arith.index_cast %get3A_1861 : i32 to index
      %get3A_1863 = arith.constant 0 : index
      %get3A_1864 = tpu.vector_load %arg12[%get3A_1862, %get3A_1863] {strides = array<i32>} : memref<128x264xf32, #tpu.memory_space<vmem>>, vector<16xf32>,
      %sub3A_1865 = arith.subf %get3A_1864, %select_n3A_1608 : vector<16xf32>
      %swap3A_1866 = arith.constant 14 : i32
      %swap3A_1867 = arith.index_cast %swap3A_1866 : i32 to index
      %swap3A_1868 = arith.constant 0 : index
      %swap3A_1869 = tpu.vector_load %arg12[%swap3A_1867, %swap3A_1868] {strides = array<i32>} : memref<128x264xf32, #tpu.memory_space<vmem>>, vector<16xf32>,
      tpu.vector_store %arg12[%swap3A_1867, %swap3A_1868], %sub3A_1865 {strides = array<i32>} : memref<128x264xf32, #tpu.memory_space<vmem>>, vector<16xf32>,
      %broadcast_in_dim3A_1870 = arith.constant 14 : i32
      %broadcast_in_dim3A_1871 = vector.broadcast %broadcast_in_dim3A_1870 : i32 to vector<16xi32>
      tpu.vector_store_idx %arg16[%broadcast_in_dim3A_1871, %iota3A], %sub3A_1865 masked %lt3A_4 : memref<128x8xf32, #tpu.memory_space<vmem>>[vector<16xi32>, vector<16xi32>], vector<16xf32>, vector<16xi1>
      %get3A_1872 = arith.constant 15 : i32
      %get3A_1873 = arith.index_cast %get3A_1872 : i32 to index
      %get3A_1874 = arith.constant 0 : index
      %get3A_1875 = tpu.vector_load %arg12[%get3A_1873, %get3A_1874] {strides = array<i32>} : memref<128x264xf32, #tpu.memory_space<vmem>>, vector<16xf32>,
      %sub3A_1876 = arith.subf %get3A_1875, %select_n3A_1608 : vector<16xf32>
      %swap3A_1877 = arith.constant 15 : i32
      %swap3A_1878 = arith.index_cast %swap3A_1877 : i32 to index
      %swap3A_1879 = arith.constant 0 : index
      %swap3A_1880 = tpu.vector_load %arg12[%swap3A_1878, %swap3A_1879] {strides = array<i32>} : memref<128x264xf32, #tpu.memory_space<vmem>>, vector<16xf32>,
      tpu.vector_store %arg12[%swap3A_1878, %swap3A_1879], %sub3A_1876 {strides = array<i32>} : memref<128x264xf32, #tpu.memory_space<vmem>>, vector<16xf32>,
      %broadcast_in_dim3A_1881 = arith.constant 15 : i32
      %broadcast_in_dim3A_1882 = vector.broadcast %broadcast_in_dim3A_1881 : i32 to vector<16xi32>
      tpu.vector_store_idx %arg16[%broadcast_in_dim3A_1882, %iota3A], %sub3A_1876 masked %lt3A_4 : memref<128x8xf32, #tpu.memory_space<vmem>>[vector<16xi32>, vector<16xi32>], vector<16xf32>, vector<16xi1>
      %get3A_1883 = arith.constant 16 : i32
      %get3A_1884 = arith.index_cast %get3A_1883 : i32 to index
      %get3A_1885 = arith.constant 0 : index
      %get3A_1886 = tpu.vector_load %arg12[%get3A_1884, %get3A_1885] {strides = array<i32>} : memref<128x264xf32, #tpu.memory_space<vmem>>, vector<16xf32>,
      %sub3A_1887 = arith.subf %get3A_1886, %select_n3A_1615 : vector<16xf32>
      %swap3A_1888 = arith.constant 16 : i32
      %swap3A_1889 = arith.index_cast %swap3A_1888 : i32 to index
      %swap3A_1890 = arith.constant 0 : index
      %swap3A_1891 = tpu.vector_load %arg12[%swap3A_1889, %swap3A_1890] {strides = array<i32>} : memref<128x264xf32, #tpu.memory_space<vmem>>, vector<16xf32>,
      tpu.vector_store %arg12[%swap3A_1889, %swap3A_1890], %sub3A_1887 {strides = array<i32>} : memref<128x264xf32, #tpu.memory_space<vmem>>, vector<16xf32>,
      %broadcast_in_dim3A_1892 = arith.constant 16 : i32
      %broadcast_in_dim3A_1893 = vector.broadcast %broadcast_in_dim3A_1892 : i32 to vector<16xi32>
      tpu.vector_store_idx %arg16[%broadcast_in_dim3A_1893, %iota3A], %sub3A_1887 masked %lt3A_4 : memref<128x8xf32, #tpu.memory_space<vmem>>[vector<16xi32>, vector<16xi32>], vector<16xf32>, vector<16xi1>
      %get3A_1894 = arith.constant 17 : i32
      %get3A_1895 = arith.index_cast %get3A_1894 : i32 to index
      %get3A_1896 = arith.constant 0 : index
      %get3A_1897 = tpu.vector_load %arg12[%get3A_1895, %get3A_1896] {strides = array<i32>} : memref<128x264xf32, #tpu.memory_space<vmem>>, vector<16xf32>,
      %sub3A_1898 = arith.subf %get3A_1897, %select_n3A_1615 : vector<16xf32>
      %swap3A_1899 = arith.constant 17 : i32
      %swap3A_1900 = arith.index_cast %swap3A_1899 : i32 to index
      %swap3A_1901 = arith.constant 0 : index
      %swap3A_1902 = tpu.vector_load %arg12[%swap3A_1900, %swap3A_1901] {strides = array<i32>} : memref<128x264xf32, #tpu.memory_space<vmem>>, vector<16xf32>,
      tpu.vector_store %arg12[%swap3A_1900, %swap3A_1901], %sub3A_1898 {strides = array<i32>} : memref<128x264xf32, #tpu.memory_space<vmem>>, vector<16xf32>,
      %broadcast_in_dim3A_1903 = arith.constant 17 : i32
      %broadcast_in_dim3A_1904 = vector.broadcast %broadcast_in_dim3A_1903 : i32 to vector<16xi32>
      tpu.vector_store_idx %arg16[%broadcast_in_dim3A_1904, %iota3A], %sub3A_1898 masked %lt3A_4 : memref<128x8xf32, #tpu.memory_space<vmem>>[vector<16xi32>, vector<16xi32>], vector<16xf32>, vector<16xi1>
      %get3A_1905 = arith.constant 18 : i32
      %get3A_1906 = arith.index_cast %get3A_1905 : i32 to index
      %get3A_1907 = arith.constant 0 : index
      %get3A_1908 = tpu.vector_load %arg12[%get3A_1906, %get3A_1907] {strides = array<i32>} : memref<128x264xf32, #tpu.memory_space<vmem>>, vector<16xf32>,
      %sub3A_1909 = arith.subf %get3A_1908, %select_n3A_1615 : vector<16xf32>
      %swap3A_1910 = arith.constant 18 : i32
      %swap3A_1911 = arith.index_cast %swap3A_1910 : i32 to index
      %swap3A_1912 = arith.constant 0 : index
      %swap3A_1913 = tpu.vector_load %arg12[%swap3A_1911, %swap3A_1912] {strides = array<i32>} : memref<128x264xf32, #tpu.memory_space<vmem>>, vector<16xf32>,
      tpu.vector_store %arg12[%swap3A_1911, %swap3A_1912], %sub3A_1909 {strides = array<i32>} : memref<128x264xf32, #tpu.memory_space<vmem>>, vector<16xf32>,
      %broadcast_in_dim3A_1914 = arith.constant 18 : i32
      %broadcast_in_dim3A_1915 = vector.broadcast %broadcast_in_dim3A_1914 : i32 to vector<16xi32>
      tpu.vector_store_idx %arg16[%broadcast_in_dim3A_1915, %iota3A], %sub3A_1909 masked %lt3A_4 : memref<128x8xf32, #tpu.memory_space<vmem>>[vector<16xi32>, vector<16xi32>], vector<16xf32>, vector<16xi1>
      %get3A_1916 = arith.constant 19 : i32
      %get3A_1917 = arith.index_cast %get3A_1916 : i32 to index
      %get3A_1918 = arith.constant 0 : index
      %get3A_1919 = tpu.vector_load %arg12[%get3A_1917, %get3A_1918] {strides = array<i32>} : memref<128x264xf32, #tpu.memory_space<vmem>>, vector<16xf32>,
      %sub3A_1920 = arith.subf %get3A_1919, %select_n3A_1615 : vector<16xf32>
      %swap3A_1921 = arith.constant 19 : i32
      %swap3A_1922 = arith.index_cast %swap3A_1921 : i32 to index
      %swap3A_1923 = arith.constant 0 : index
      %swap3A_1924 = tpu.vector_load %arg12[%swap3A_1922, %swap3A_1923] {strides = array<i32>} : memref<128x264xf32, #tpu.memory_space<vmem>>, vector<16xf32>,
      tpu.vector_store %arg12[%swap3A_1922, %swap3A_1923], %sub3A_1920 {strides = array<i32>} : memref<128x264xf32, #tpu.memory_space<vmem>>, vector<16xf32>,
      %broadcast_in_dim3A_1925 = arith.constant 19 : i32
      %broadcast_in_dim3A_1926 = vector.broadcast %broadcast_in_dim3A_1925 : i32 to vector<16xi32>
      tpu.vector_store_idx %arg16[%broadcast_in_dim3A_1926, %iota3A], %sub3A_1920 masked %lt3A_4 : memref<128x8xf32, #tpu.memory_space<vmem>>[vector<16xi32>, vector<16xi32>], vector<16xf32>, vector<16xi1>
      %get3A_1927 = arith.constant 20 : i32
      %get3A_1928 = arith.index_cast %get3A_1927 : i32 to index
      %get3A_1929 = arith.constant 0 : index
      %get3A_1930 = tpu.vector_load %arg12[%get3A_1928, %get3A_1929] {strides = array<i32>} : memref<128x264xf32, #tpu.memory_space<vmem>>, vector<16xf32>,
      %sub3A_1931 = arith.subf %get3A_1930, %select_n3A_1615 : vector<16xf32>
      %swap3A_1932 = arith.constant 20 : i32
      %swap3A_1933 = arith.index_cast %swap3A_1932 : i32 to index
      %swap3A_1934 = arith.constant 0 : index
      %swap3A_1935 = tpu.vector_load %arg12[%swap3A_1933, %swap3A_1934] {strides = array<i32>} : memref<128x264xf32, #tpu.memory_space<vmem>>, vector<16xf32>,
      tpu.vector_store %arg12[%swap3A_1933, %swap3A_1934], %sub3A_1931 {strides = array<i32>} : memref<128x264xf32, #tpu.memory_space<vmem>>, vector<16xf32>,
      %broadcast_in_dim3A_1936 = arith.constant 20 : i32
      %broadcast_in_dim3A_1937 = vector.broadcast %broadcast_in_dim3A_1936 : i32 to vector<16xi32>
      tpu.vector_store_idx %arg16[%broadcast_in_dim3A_1937, %iota3A], %sub3A_1931 masked %lt3A_4 : memref<128x8xf32, #tpu.memory_space<vmem>>[vector<16xi32>, vector<16xi32>], vector<16xf32>, vector<16xi1>
      %get3A_1938 = arith.constant 21 : i32
      %get3A_1939 = arith.index_cast %get3A_1938 : i32 to index
      %get3A_1940 = arith.constant 0 : index
      %get3A_1941 = tpu.vector_load %arg12[%get3A_1939, %get3A_1940] {strides = array<i32>} : memref<128x264xf32, #tpu.memory_space<vmem>>, vector<16xf32>,
      %sub3A_1942 = arith.subf %get3A_1941, %select_n3A_1615 : vector<16xf32>
      %swap3A_1943 = arith.constant 21 : i32
      %swap3A_1944 = arith.index_cast %swap3A_1943 : i32 to index
      %swap3A_1945 = arith.constant 0 : index
      %swap3A_1946 = tpu.vector_load %arg12[%swap3A_1944, %swap3A_1945] {strides = array<i32>} : memref<128x264xf32, #tpu.memory_space<vmem>>, vector<16xf32>,
      tpu.vector_store %arg12[%swap3A_1944, %swap3A_1945], %sub3A_1942 {strides = array<i32>} : memref<128x264xf32, #tpu.memory_space<vmem>>, vector<16xf32>,
      %broadcast_in_dim3A_1947 = arith.constant 21 : i32
      %broadcast_in_dim3A_1948 = vector.broadcast %broadcast_in_dim3A_1947 : i32 to vector<16xi32>
      tpu.vector_store_idx %arg16[%broadcast_in_dim3A_1948, %iota3A], %sub3A_1942 masked %lt3A_4 : memref<128x8xf32, #tpu.memory_space<vmem>>[vector<16xi32>, vector<16xi32>], vector<16xf32>, vector<16xi1>
      %get3A_1949 = arith.constant 22 : i32
      %get3A_1950 = arith.index_cast %get3A_1949 : i32 to index
      %get3A_1951 = arith.constant 0 : index
      %get3A_1952 = tpu.vector_load %arg12[%get3A_1950, %get3A_1951] {strides = array<i32>} : memref<128x264xf32, #tpu.memory_space<vmem>>, vector<16xf32>,
      %sub3A_1953 = arith.subf %get3A_1952, %select_n3A_1615 : vector<16xf32>
      %swap3A_1954 = arith.constant 22 : i32
      %swap3A_1955 = arith.index_cast %swap3A_1954 : i32 to index
      %swap3A_1956 = arith.constant 0 : index
      %swap3A_1957 = tpu.vector_load %arg12[%swap3A_1955, %swap3A_1956] {strides = array<i32>} : memref<128x264xf32, #tpu.memory_space<vmem>>, vector<16xf32>,
      tpu.vector_store %arg12[%swap3A_1955, %swap3A_1956], %sub3A_1953 {strides = array<i32>} : memref<128x264xf32, #tpu.memory_space<vmem>>, vector<16xf32>,
      %broadcast_in_dim3A_1958 = arith.constant 22 : i32
      %broadcast_in_dim3A_1959 = vector.broadcast %broadcast_in_dim3A_1958 : i32 to vector<16xi32>
      tpu.vector_store_idx %arg16[%broadcast_in_dim3A_1959, %iota3A], %sub3A_1953 masked %lt3A_4 : memref<128x8xf32, #tpu.memory_space<vmem>>[vector<16xi32>, vector<16xi32>], vector<16xf32>, vector<16xi1>
      %get3A_1960 = arith.constant 23 : i32
      %get3A_1961 = arith.index_cast %get3A_1960 : i32 to index
      %get3A_1962 = arith.constant 0 : index
      %get3A_1963 = tpu.vector_load %arg12[%get3A_1961, %get3A_1962] {strides = array<i32>} : memref<128x264xf32, #tpu.memory_space<vmem>>, vector<16xf32>,
      %sub3A_1964 = arith.subf %get3A_1963, %select_n3A_1615 : vector<16xf32>
      %swap3A_1965 = arith.constant 23 : i32
      %swap3A_1966 = arith.index_cast %swap3A_1965 : i32 to index
      %swap3A_1967 = arith.constant 0 : index
      %swap3A_1968 = tpu.vector_load %arg12[%swap3A_1966, %swap3A_1967] {strides = array<i32>} : memref<128x264xf32, #tpu.memory_space<vmem>>, vector<16xf32>,
      tpu.vector_store %arg12[%swap3A_1966, %swap3A_1967], %sub3A_1964 {strides = array<i32>} : memref<128x264xf32, #tpu.memory_space<vmem>>, vector<16xf32>,
      %broadcast_in_dim3A_1969 = arith.constant 23 : i32
      %broadcast_in_dim3A_1970 = vector.broadcast %broadcast_in_dim3A_1969 : i32 to vector<16xi32>
      tpu.vector_store_idx %arg16[%broadcast_in_dim3A_1970, %iota3A], %sub3A_1964 masked %lt3A_4 : memref<128x8xf32, #tpu.memory_space<vmem>>[vector<16xi32>, vector<16xi32>], vector<16xf32>, vector<16xi1>
      %get3A_1971 = arith.constant 24 : i32
      %get3A_1972 = arith.index_cast %get3A_1971 : i32 to index
      %get3A_1973 = arith.constant 0 : index
      %get3A_1974 = tpu.vector_load %arg12[%get3A_1972, %get3A_1973] {strides = array<i32>} : memref<128x264xf32, #tpu.memory_space<vmem>>, vector<16xf32>,
      %sub3A_1975 = arith.subf %get3A_1974, %select_n3A_1622 : vector<16xf32>
      %swap3A_1976 = arith.constant 24 : i32
      %swap3A_1977 = arith.index_cast %swap3A_1976 : i32 to index
      %swap3A_1978 = arith.constant 0 : index
      %swap3A_1979 = tpu.vector_load %arg12[%swap3A_1977, %swap3A_1978] {strides = array<i32>} : memref<128x264xf32, #tpu.memory_space<vmem>>, vector<16xf32>,
      tpu.vector_store %arg12[%swap3A_1977, %swap3A_1978], %sub3A_1975 {strides = array<i32>} : memref<128x264xf32, #tpu.memory_space<vmem>>, vector<16xf32>,
      %broadcast_in_dim3A_1980 = arith.constant 24 : i32
      %broadcast_in_dim3A_1981 = vector.broadcast %broadcast_in_dim3A_1980 : i32 to vector<16xi32>
      tpu.vector_store_idx %arg16[%broadcast_in_dim3A_1981, %iota3A], %sub3A_1975 masked %lt3A_4 : memref<128x8xf32, #tpu.memory_space<vmem>>[vector<16xi32>, vector<16xi32>], vector<16xf32>, vector<16xi1>
      %get3A_1982 = arith.constant 25 : i32
      %get3A_1983 = arith.index_cast %get3A_1982 : i32 to index
      %get3A_1984 = arith.constant 0 : index
      %get3A_1985 = tpu.vector_load %arg12[%get3A_1983, %get3A_1984] {strides = array<i32>} : memref<128x264xf32, #tpu.memory_space<vmem>>, vector<16xf32>,
      %sub3A_1986 = arith.subf %get3A_1985, %select_n3A_1622 : vector<16xf32>
      %swap3A_1987 = arith.constant 25 : i32
      %swap3A_1988 = arith.index_cast %swap3A_1987 : i32 to index
      %swap3A_1989 = arith.constant 0 : index
      %swap3A_1990 = tpu.vector_load %arg12[%swap3A_1988, %swap3A_1989] {strides = array<i32>} : memref<128x264xf32, #tpu.memory_space<vmem>>, vector<16xf32>,
      tpu.vector_store %arg12[%swap3A_1988, %swap3A_1989], %sub3A_1986 {strides = array<i32>} : memref<128x264xf32, #tpu.memory_space<vmem>>, vector<16xf32>,
      %broadcast_in_dim3A_1991 = arith.constant 25 : i32
      %broadcast_in_dim3A_1992 = vector.broadcast %broadcast_in_dim3A_1991 : i32 to vector<16xi32>
      tpu.vector_store_idx %arg16[%broadcast_in_dim3A_1992, %iota3A], %sub3A_1986 masked %lt3A_4 : memref<128x8xf32, #tpu.memory_space<vmem>>[vector<16xi32>, vector<16xi32>], vector<16xf32>, vector<16xi1>
      %get3A_1993 = arith.constant 26 : i32
      %get3A_1994 = arith.index_cast %get3A_1993 : i32 to index
      %get3A_1995 = arith.constant 0 : index
      %get3A_1996 = tpu.vector_load %arg12[%get3A_1994, %get3A_1995] {strides = array<i32>} : memref<128x264xf32, #tpu.memory_space<vmem>>, vector<16xf32>,
      %sub3A_1997 = arith.subf %get3A_1996, %select_n3A_1622 : vector<16xf32>
      %swap3A_1998 = arith.constant 26 : i32
      %swap3A_1999 = arith.index_cast %swap3A_1998 : i32 to index
      %swap3A_2000 = arith.constant 0 : index
      %swap3A_2001 = tpu.vector_load %arg12[%swap3A_1999, %swap3A_2000] {strides = array<i32>} : memref<128x264xf32, #tpu.memory_space<vmem>>, vector<16xf32>,
      tpu.vector_store %arg12[%swap3A_1999, %swap3A_2000], %sub3A_1997 {strides = array<i32>} : memref<128x264xf32, #tpu.memory_space<vmem>>, vector<16xf32>,
      %broadcast_in_dim3A_2002 = arith.constant 26 : i32
      %broadcast_in_dim3A_2003 = vector.broadcast %broadcast_in_dim3A_2002 : i32 to vector<16xi32>
      tpu.vector_store_idx %arg16[%broadcast_in_dim3A_2003, %iota3A], %sub3A_1997 masked %lt3A_4 : memref<128x8xf32, #tpu.memory_space<vmem>>[vector<16xi32>, vector<16xi32>], vector<16xf32>, vector<16xi1>
      %get3A_2004 = arith.constant 27 : i32
      %get3A_2005 = arith.index_cast %get3A_2004 : i32 to index
      %get3A_2006 = arith.constant 0 : index
      %get3A_2007 = tpu.vector_load %arg12[%get3A_2005, %get3A_2006] {strides = array<i32>} : memref<128x264xf32, #tpu.memory_space<vmem>>, vector<16xf32>,
      %sub3A_2008 = arith.subf %get3A_2007, %select_n3A_1622 : vector<16xf32>
      %swap3A_2009 = arith.constant 27 : i32
      %swap3A_2010 = arith.index_cast %swap3A_2009 : i32 to index
      %swap3A_2011 = arith.constant 0 : index
      %swap3A_2012 = tpu.vector_load %arg12[%swap3A_2010, %swap3A_2011] {strides = array<i32>} : memref<128x264xf32, #tpu.memory_space<vmem>>, vector<16xf32>,
      tpu.vector_store %arg12[%swap3A_2010, %swap3A_2011], %sub3A_2008 {strides = array<i32>} : memref<128x264xf32, #tpu.memory_space<vmem>>, vector<16xf32>,
      %broadcast_in_dim3A_2013 = arith.constant 27 : i32
      %broadcast_in_dim3A_2014 = vector.broadcast %broadcast_in_dim3A_2013 : i32 to vector<16xi32>
      tpu.vector_store_idx %arg16[%broadcast_in_dim3A_2014, %iota3A], %sub3A_2008 masked %lt3A_4 : memref<128x8xf32, #tpu.memory_space<vmem>>[vector<16xi32>, vector<16xi32>], vector<16xf32>, vector<16xi1>
      %get3A_2015 = arith.constant 28 : i32
      %get3A_2016 = arith.index_cast %get3A_2015 : i32 to index
      %get3A_2017 = arith.constant 0 : index
      %get3A_2018 = tpu.vector_load %arg12[%get3A_2016, %get3A_2017] {strides = array<i32>} : memref<128x264xf32, #tpu.memory_space<vmem>>, vector<16xf32>,
      %sub3A_2019 = arith.subf %get3A_2018, %select_n3A_1622 : vector<16xf32>
      %swap3A_2020 = arith.constant 28 : i32
      %swap3A_2021 = arith.index_cast %swap3A_2020 : i32 to index
      %swap3A_2022 = arith.constant 0 : index
      %swap3A_2023 = tpu.vector_load %arg12[%swap3A_2021, %swap3A_2022] {strides = array<i32>} : memref<128x264xf32, #tpu.memory_space<vmem>>, vector<16xf32>,
      tpu.vector_store %arg12[%swap3A_2021, %swap3A_2022], %sub3A_2019 {strides = array<i32>} : memref<128x264xf32, #tpu.memory_space<vmem>>, vector<16xf32>,
      %broadcast_in_dim3A_2024 = arith.constant 28 : i32
      %broadcast_in_dim3A_2025 = vector.broadcast %broadcast_in_dim3A_2024 : i32 to vector<16xi32>
      tpu.vector_store_idx %arg16[%broadcast_in_dim3A_2025, %iota3A], %sub3A_2019 masked %lt3A_4 : memref<128x8xf32, #tpu.memory_space<vmem>>[vector<16xi32>, vector<16xi32>], vector<16xf32>, vector<16xi1>
      %get3A_2026 = arith.constant 29 : i32
      %get3A_2027 = arith.index_cast %get3A_2026 : i32 to index
      %get3A_2028 = arith.constant 0 : index
      %get3A_2029 = tpu.vector_load %arg12[%get3A_2027, %get3A_2028] {strides = array<i32>} : memref<128x264xf32, #tpu.memory_space<vmem>>, vector<16xf32>,
      %sub3A_2030 = arith.subf %get3A_2029, %select_n3A_1622 : vector<16xf32>
      %swap3A_2031 = arith.constant 29 : i32
      %swap3A_2032 = arith.index_cast %swap3A_2031 : i32 to index
      %swap3A_2033 = arith.constant 0 : index
      %swap3A_2034 = tpu.vector_load %arg12[%swap3A_2032, %swap3A_2033] {strides = array<i32>} : memref<128x264xf32, #tpu.memory_space<vmem>>, vector<16xf32>,
      tpu.vector_store %arg12[%swap3A_2032, %swap3A_2033], %sub3A_2030 {strides = array<i32>} : memref<128x264xf32, #tpu.memory_space<vmem>>, vector<16xf32>,
      %broadcast_in_dim3A_2035 = arith.constant 29 : i32
      %broadcast_in_dim3A_2036 = vector.broadcast %broadcast_in_dim3A_2035 : i32 to vector<16xi32>
      tpu.vector_store_idx %arg16[%broadcast_in_dim3A_2036, %iota3A], %sub3A_2030 masked %lt3A_4 : memref<128x8xf32, #tpu.memory_space<vmem>>[vector<16xi32>, vector<16xi32>], vector<16xf32>, vector<16xi1>
      %get3A_2037 = arith.constant 30 : i32
      %get3A_2038 = arith.index_cast %get3A_2037 : i32 to index
      %get3A_2039 = arith.constant 0 : index
      %get3A_2040 = tpu.vector_load %arg12[%get3A_2038, %get3A_2039] {strides = array<i32>} : memref<128x264xf32, #tpu.memory_space<vmem>>, vector<16xf32>,
      %sub3A_2041 = arith.subf %get3A_2040, %select_n3A_1622 : vector<16xf32>
      %swap3A_2042 = arith.constant 30 : i32
      %swap3A_2043 = arith.index_cast %swap3A_2042 : i32 to index
      %swap3A_2044 = arith.constant 0 : index
      %swap3A_2045 = tpu.vector_load %arg12[%swap3A_2043, %swap3A_2044] {strides = array<i32>} : memref<128x264xf32, #tpu.memory_space<vmem>>, vector<16xf32>,
      tpu.vector_store %arg12[%swap3A_2043, %swap3A_2044], %sub3A_2041 {strides = array<i32>} : memref<128x264xf32, #tpu.memory_space<vmem>>, vector<16xf32>,
      %broadcast_in_dim3A_2046 = arith.constant 30 : i32
      %broadcast_in_dim3A_2047 = vector.broadcast %broadcast_in_dim3A_2046 : i32 to vector<16xi32>
      tpu.vector_store_idx %arg16[%broadcast_in_dim3A_2047, %iota3A], %sub3A_2041 masked %lt3A_4 : memref<128x8xf32, #tpu.memory_space<vmem>>[vector<16xi32>, vector<16xi32>], vector<16xf32>, vector<16xi1>
      %get3A_2048 = arith.constant 31 : i32
      %get3A_2049 = arith.index_cast %get3A_2048 : i32 to index
      %get3A_2050 = arith.constant 0 : index
      %get3A_2051 = tpu.vector_load %arg12[%get3A_2049, %get3A_2050] {strides = array<i32>} : memref<128x264xf32, #tpu.memory_space<vmem>>, vector<16xf32>,
      %sub3A_2052 = arith.subf %get3A_2051, %select_n3A_1622 : vector<16xf32>
      %swap3A_2053 = arith.constant 31 : i32
      %swap3A_2054 = arith.index_cast %swap3A_2053 : i32 to index
      %swap3A_2055 = arith.constant 0 : index
      %swap3A_2056 = tpu.vector_load %arg12[%swap3A_2054, %swap3A_2055] {strides = array<i32>} : memref<128x264xf32, #tpu.memory_space<vmem>>, vector<16xf32>,
      tpu.vector_store %arg12[%swap3A_2054, %swap3A_2055], %sub3A_2052 {strides = array<i32>} : memref<128x264xf32, #tpu.memory_space<vmem>>, vector<16xf32>,
      %broadcast_in_dim3A_2057 = arith.constant 31 : i32
      %broadcast_in_dim3A_2058 = vector.broadcast %broadcast_in_dim3A_2057 : i32 to vector<16xi32>
      tpu.vector_store_idx %arg16[%broadcast_in_dim3A_2058, %iota3A], %sub3A_2052 masked %lt3A_4 : memref<128x8xf32, #tpu.memory_space<vmem>>[vector<16xi32>, vector<16xi32>], vector<16xf32>, vector<16xi1>
      %get3A_2059 = arith.constant 32 : i32
      %get3A_2060 = arith.index_cast %get3A_2059 : i32 to index
      %get3A_2061 = arith.constant 0 : index
      %get3A_2062 = tpu.vector_load %arg12[%get3A_2060, %get3A_2061] {strides = array<i32>} : memref<128x264xf32, #tpu.memory_space<vmem>>, vector<16xf32>,
      %sub3A_2063 = arith.subf %get3A_2062, %select_n3A_1629 : vector<16xf32>
      %swap3A_2064 = arith.constant 32 : i32
      %swap3A_2065 = arith.index_cast %swap3A_2064 : i32 to index
      %swap3A_2066 = arith.constant 0 : index
      %swap3A_2067 = tpu.vector_load %arg12[%swap3A_2065, %swap3A_2066] {strides = array<i32>} : memref<128x264xf32, #tpu.memory_space<vmem>>, vector<16xf32>,
      tpu.vector_store %arg12[%swap3A_2065, %swap3A_2066], %sub3A_2063 {strides = array<i32>} : memref<128x264xf32, #tpu.memory_space<vmem>>, vector<16xf32>,
      %broadcast_in_dim3A_2068 = arith.constant 32 : i32
      %broadcast_in_dim3A_2069 = vector.broadcast %broadcast_in_dim3A_2068 : i32 to vector<16xi32>
      tpu.vector_store_idx %arg16[%broadcast_in_dim3A_2069, %iota3A], %sub3A_2063 masked %lt3A_4 : memref<128x8xf32, #tpu.memory_space<vmem>>[vector<16xi32>, vector<16xi32>], vector<16xf32>, vector<16xi1>
      %get3A_2070 = arith.constant 33 : i32
      %get3A_2071 = arith.index_cast %get3A_2070 : i32 to index
      %get3A_2072 = arith.constant 0 : index
      %get3A_2073 = tpu.vector_load %arg12[%get3A_2071, %get3A_2072] {strides = array<i32>} : memref<128x264xf32, #tpu.memory_space<vmem>>, vector<16xf32>,
      %sub3A_2074 = arith.subf %get3A_2073, %select_n3A_1629 : vector<16xf32>
      %swap3A_2075 = arith.constant 33 : i32
      %swap3A_2076 = arith.index_cast %swap3A_2075 : i32 to index
      %swap3A_2077 = arith.constant 0 : index
      %swap3A_2078 = tpu.vector_load %arg12[%swap3A_2076, %swap3A_2077] {strides = array<i32>} : memref<128x264xf32, #tpu.memory_space<vmem>>, vector<16xf32>,
      tpu.vector_store %arg12[%swap3A_2076, %swap3A_2077], %sub3A_2074 {strides = array<i32>} : memref<128x264xf32, #tpu.memory_space<vmem>>, vector<16xf32>,
      %broadcast_in_dim3A_2079 = arith.constant 33 : i32
      %broadcast_in_dim3A_2080 = vector.broadcast %broadcast_in_dim3A_2079 : i32 to vector<16xi32>
      tpu.vector_store_idx %arg16[%broadcast_in_dim3A_2080, %iota3A], %sub3A_2074 masked %lt3A_4 : memref<128x8xf32, #tpu.memory_space<vmem>>[vector<16xi32>, vector<16xi32>], vector<16xf32>, vector<16xi1>
      %get3A_2081 = arith.constant 34 : i32
      %get3A_2082 = arith.index_cast %get3A_2081 : i32 to index
      %get3A_2083 = arith.constant 0 : index
      %get3A_2084 = tpu.vector_load %arg12[%get3A_2082, %get3A_2083] {strides = array<i32>} : memref<128x264xf32, #tpu.memory_space<vmem>>, vector<16xf32>,
      %sub3A_2085 = arith.subf %get3A_2084, %select_n3A_1629 : vector<16xf32>
      %swap3A_2086 = arith.constant 34 : i32
      %swap3A_2087 = arith.index_cast %swap3A_2086 : i32 to index
      %swap3A_2088 = arith.constant 0 : index
      %swap3A_2089 = tpu.vector_load %arg12[%swap3A_2087, %swap3A_2088] {strides = array<i32>} : memref<128x264xf32, #tpu.memory_space<vmem>>, vector<16xf32>,
      tpu.vector_store %arg12[%swap3A_2087, %swap3A_2088], %sub3A_2085 {strides = array<i32>} : memref<128x264xf32, #tpu.memory_space<vmem>>, vector<16xf32>,
      %broadcast_in_dim3A_2090 = arith.constant 34 : i32
      %broadcast_in_dim3A_2091 = vector.broadcast %broadcast_in_dim3A_2090 : i32 to vector<16xi32>
      tpu.vector_store_idx %arg16[%broadcast_in_dim3A_2091, %iota3A], %sub3A_2085 masked %lt3A_4 : memref<128x8xf32, #tpu.memory_space<vmem>>[vector<16xi32>, vector<16xi32>], vector<16xf32>, vector<16xi1>
      %get3A_2092 = arith.constant 35 : i32
      %get3A_2093 = arith.index_cast %get3A_2092 : i32 to index
      %get3A_2094 = arith.constant 0 : index
      %get3A_2095 = tpu.vector_load %arg12[%get3A_2093, %get3A_2094] {strides = array<i32>} : memref<128x264xf32, #tpu.memory_space<vmem>>, vector<16xf32>,
      %sub3A_2096 = arith.subf %get3A_2095, %select_n3A_1629 : vector<16xf32>
      %swap3A_2097 = arith.constant 35 : i32
      %swap3A_2098 = arith.index_cast %swap3A_2097 : i32 to index
      %swap3A_2099 = arith.constant 0 : index
      %swap3A_2100 = tpu.vector_load %arg12[%swap3A_2098, %swap3A_2099] {strides = array<i32>} : memref<128x264xf32, #tpu.memory_space<vmem>>, vector<16xf32>,
      tpu.vector_store %arg12[%swap3A_2098, %swap3A_2099], %sub3A_2096 {strides = array<i32>} : memref<128x264xf32, #tpu.memory_space<vmem>>, vector<16xf32>,
      %broadcast_in_dim3A_2101 = arith.constant 35 : i32
      %broadcast_in_dim3A_2102 = vector.broadcast %broadcast_in_dim3A_2101 : i32 to vector<16xi32>
      tpu.vector_store_idx %arg16[%broadcast_in_dim3A_2102, %iota3A], %sub3A_2096 masked %lt3A_4 : memref<128x8xf32, #tpu.memory_space<vmem>>[vector<16xi32>, vector<16xi32>], vector<16xf32>, vector<16xi1>
      %get3A_2103 = arith.constant 36 : i32
      %get3A_2104 = arith.index_cast %get3A_2103 : i32 to index
      %get3A_2105 = arith.constant 0 : index
      %get3A_2106 = tpu.vector_load %arg12[%get3A_2104, %get3A_2105] {strides = array<i32>} : memref<128x264xf32, #tpu.memory_space<vmem>>, vector<16xf32>,
      %sub3A_2107 = arith.subf %get3A_2106, %select_n3A_1629 : vector<16xf32>
      %swap3A_2108 = arith.constant 36 : i32
      %swap3A_2109 = arith.index_cast %swap3A_2108 : i32 to index
      %swap3A_2110 = arith.constant 0 : index
      %swap3A_2111 = tpu.vector_load %arg12[%swap3A_2109, %swap3A_2110] {strides = array<i32>} : memref<128x264xf32, #tpu.memory_space<vmem>>, vector<16xf32>,
      tpu.vector_store %arg12[%swap3A_2109, %swap3A_2110], %sub3A_2107 {strides = array<i32>} : memref<128x264xf32, #tpu.memory_space<vmem>>, vector<16xf32>,
      %broadcast_in_dim3A_2112 = arith.constant 36 : i32
      %broadcast_in_dim3A_2113 = vector.broadcast %broadcast_in_dim3A_2112 : i32 to vector<16xi32>
      tpu.vector_store_idx %arg16[%broadcast_in_dim3A_2113, %iota3A], %sub3A_2107 masked %lt3A_4 : memref<128x8xf32, #tpu.memory_space<vmem>>[vector<16xi32>, vector<16xi32>], vector<16xf32>, vector<16xi1>
      %get3A_2114 = arith.constant 37 : i32
      %get3A_2115 = arith.index_cast %get3A_2114 : i32 to index
      %get3A_2116 = arith.constant 0 : index
      %get3A_2117 = tpu.vector_load %arg12[%get3A_2115, %get3A_2116] {strides = array<i32>} : memref<128x264xf32, #tpu.memory_space<vmem>>, vector<16xf32>,
      %sub3A_2118 = arith.subf %get3A_2117, %select_n3A_1629 : vector<16xf32>
      %swap3A_2119 = arith.constant 37 : i32
      %swap3A_2120 = arith.index_cast %swap3A_2119 : i32 to index
      %swap3A_2121 = arith.constant 0 : index
      %swap3A_2122 = tpu.vector_load %arg12[%swap3A_2120, %swap3A_2121] {strides = array<i32>} : memref<128x264xf32, #tpu.memory_space<vmem>>, vector<16xf32>,
      tpu.vector_store %arg12[%swap3A_2120, %swap3A_2121], %sub3A_2118 {strides = array<i32>} : memref<128x264xf32, #tpu.memory_space<vmem>>, vector<16xf32>,
      %broadcast_in_dim3A_2123 = arith.constant 37 : i32
      %broadcast_in_dim3A_2124 = vector.broadcast %broadcast_in_dim3A_2123 : i32 to vector<16xi32>
      tpu.vector_store_idx %arg16[%broadcast_in_dim3A_2124, %iota3A], %sub3A_2118 masked %lt3A_4 : memref<128x8xf32, #tpu.memory_space<vmem>>[vector<16xi32>, vector<16xi32>], vector<16xf32>, vector<16xi1>
      %get3A_2125 = arith.constant 38 : i32
      %get3A_2126 = arith.index_cast %get3A_2125 : i32 to index
      %get3A_2127 = arith.constant 0 : index
      %get3A_2128 = tpu.vector_load %arg12[%get3A_2126, %get3A_2127] {strides = array<i32>} : memref<128x264xf32, #tpu.memory_space<vmem>>, vector<16xf32>,
      %sub3A_2129 = arith.subf %get3A_2128, %select_n3A_1629 : vector<16xf32>
      %swap3A_2130 = arith.constant 38 : i32
      %swap3A_2131 = arith.index_cast %swap3A_2130 : i32 to index
      %swap3A_2132 = arith.constant 0 : index
      %swap3A_2133 = tpu.vector_load %arg12[%swap3A_2131, %swap3A_2132] {strides = array<i32>} : memref<128x264xf32, #tpu.memory_space<vmem>>, vector<16xf32>,
      tpu.vector_store %arg12[%swap3A_2131, %swap3A_2132], %sub3A_2129 {strides = array<i32>} : memref<128x264xf32, #tpu.memory_space<vmem>>, vector<16xf32>,
      %broadcast_in_dim3A_2134 = arith.constant 38 : i32
      %broadcast_in_dim3A_2135 = vector.broadcast %broadcast_in_dim3A_2134 : i32 to vector<16xi32>
      tpu.vector_store_idx %arg16[%broadcast_in_dim3A_2135, %iota3A], %sub3A_2129 masked %lt3A_4 : memref<128x8xf32, #tpu.memory_space<vmem>>[vector<16xi32>, vector<16xi32>], vector<16xf32>, vector<16xi1>
      %get3A_2136 = arith.constant 39 : i32
      %get3A_2137 = arith.index_cast %get3A_2136 : i32 to index
      %get3A_2138 = arith.constant 0 : index
      %get3A_2139 = tpu.vector_load %arg12[%get3A_2137, %get3A_2138] {strides = array<i32>} : memref<128x264xf32, #tpu.memory_space<vmem>>, vector<16xf32>,
      %sub3A_2140 = arith.subf %get3A_2139, %select_n3A_1629 : vector<16xf32>
      %swap3A_2141 = arith.constant 39 : i32
      %swap3A_2142 = arith.index_cast %swap3A_2141 : i32 to index
      %swap3A_2143 = arith.constant 0 : index
      %swap3A_2144 = tpu.vector_load %arg12[%swap3A_2142, %swap3A_2143] {strides = array<i32>} : memref<128x264xf32, #tpu.memory_space<vmem>>, vector<16xf32>,
      tpu.vector_store %arg12[%swap3A_2142, %swap3A_2143], %sub3A_2140 {strides = array<i32>} : memref<128x264xf32, #tpu.memory_space<vmem>>, vector<16xf32>,
      %broadcast_in_dim3A_2145 = arith.constant 39 : i32
      %broadcast_in_dim3A_2146 = vector.broadcast %broadcast_in_dim3A_2145 : i32 to vector<16xi32>
      tpu.vector_store_idx %arg16[%broadcast_in_dim3A_2146, %iota3A], %sub3A_2140 masked %lt3A_4 : memref<128x8xf32, #tpu.memory_space<vmem>>[vector<16xi32>, vector<16xi32>], vector<16xf32>, vector<16xi1>
      %get3A_2147 = arith.constant 40 : i32
      %get3A_2148 = arith.index_cast %get3A_2147 : i32 to index
      %get3A_2149 = arith.constant 0 : index
      %get3A_2150 = tpu.vector_load %arg12[%get3A_2148, %get3A_2149] {strides = array<i32>} : memref<128x264xf32, #tpu.memory_space<vmem>>, vector<16xf32>,
      %sub3A_2151 = arith.subf %get3A_2150, %select_n3A_1636 : vector<16xf32>
      %swap3A_2152 = arith.constant 40 : i32
      %swap3A_2153 = arith.index_cast %swap3A_2152 : i32 to index
      %swap3A_2154 = arith.constant 0 : index
      %swap3A_2155 = tpu.vector_load %arg12[%swap3A_2153, %swap3A_2154] {strides = array<i32>} : memref<128x264xf32, #tpu.memory_space<vmem>>, vector<16xf32>,
      tpu.vector_store %arg12[%swap3A_2153, %swap3A_2154], %sub3A_2151 {strides = array<i32>} : memref<128x264xf32, #tpu.memory_space<vmem>>, vector<16xf32>,
      %broadcast_in_dim3A_2156 = arith.constant 40 : i32
      %broadcast_in_dim3A_2157 = vector.broadcast %broadcast_in_dim3A_2156 : i32 to vector<16xi32>
      tpu.vector_store_idx %arg16[%broadcast_in_dim3A_2157, %iota3A], %sub3A_2151 masked %lt3A_4 : memref<128x8xf32, #tpu.memory_space<vmem>>[vector<16xi32>, vector<16xi32>], vector<16xf32>, vector<16xi1>
      %get3A_2158 = arith.constant 41 : i32
      %get3A_2159 = arith.index_cast %get3A_2158 : i32 to index
      %get3A_2160 = arith.constant 0 : index
      %get3A_2161 = tpu.vector_load %arg12[%get3A_2159, %get3A_2160] {strides = array<i32>} : memref<128x264xf32, #tpu.memory_space<vmem>>, vector<16xf32>,
      %sub3A_2162 = arith.subf %get3A_2161, %select_n3A_1636 : vector<16xf32>
      %swap3A_2163 = arith.constant 41 : i32
      %swap3A_2164 = arith.index_cast %swap3A_2163 : i32 to index
      %swap3A_2165 = arith.constant 0 : index
      %swap3A_2166 = tpu.vector_load %arg12[%swap3A_2164, %swap3A_2165] {strides = array<i32>} : memref<128x264xf32, #tpu.memory_space<vmem>>, vector<16xf32>,
      tpu.vector_store %arg12[%swap3A_2164, %swap3A_2165], %sub3A_2162 {strides = array<i32>} : memref<128x264xf32, #tpu.memory_space<vmem>>, vector<16xf32>,
      %broadcast_in_dim3A_2167 = arith.constant 41 : i32
      %broadcast_in_dim3A_2168 = vector.broadcast %broadcast_in_dim3A_2167 : i32 to vector<16xi32>
      tpu.vector_store_idx %arg16[%broadcast_in_dim3A_2168, %iota3A], %sub3A_2162 masked %lt3A_4 : memref<128x8xf32, #tpu.memory_space<vmem>>[vector<16xi32>, vector<16xi32>], vector<16xf32>, vector<16xi1>
      %get3A_2169 = arith.constant 42 : i32
      %get3A_2170 = arith.index_cast %get3A_2169 : i32 to index
      %get3A_2171 = arith.constant 0 : index
      %get3A_2172 = tpu.vector_load %arg12[%get3A_2170, %get3A_2171] {strides = array<i32>} : memref<128x264xf32, #tpu.memory_space<vmem>>, vector<16xf32>,
      %sub3A_2173 = arith.subf %get3A_2172, %select_n3A_1636 : vector<16xf32>
      %swap3A_2174 = arith.constant 42 : i32
      %swap3A_2175 = arith.index_cast %swap3A_2174 : i32 to index
      %swap3A_2176 = arith.constant 0 : index
      %swap3A_2177 = tpu.vector_load %arg12[%swap3A_2175, %swap3A_2176] {strides = array<i32>} : memref<128x264xf32, #tpu.memory_space<vmem>>, vector<16xf32>,
      tpu.vector_store %arg12[%swap3A_2175, %swap3A_2176], %sub3A_2173 {strides = array<i32>} : memref<128x264xf32, #tpu.memory_space<vmem>>, vector<16xf32>,
      %broadcast_in_dim3A_2178 = arith.constant 42 : i32
      %broadcast_in_dim3A_2179 = vector.broadcast %broadcast_in_dim3A_2178 : i32 to vector<16xi32>
      tpu.vector_store_idx %arg16[%broadcast_in_dim3A_2179, %iota3A], %sub3A_2173 masked %lt3A_4 : memref<128x8xf32, #tpu.memory_space<vmem>>[vector<16xi32>, vector<16xi32>], vector<16xf32>, vector<16xi1>
      %get3A_2180 = arith.constant 43 : i32
      %get3A_2181 = arith.index_cast %get3A_2180 : i32 to index
      %get3A_2182 = arith.constant 0 : index
      %get3A_2183 = tpu.vector_load %arg12[%get3A_2181, %get3A_2182] {strides = array<i32>} : memref<128x264xf32, #tpu.memory_space<vmem>>, vector<16xf32>,
      %sub3A_2184 = arith.subf %get3A_2183, %select_n3A_1636 : vector<16xf32>
      %swap3A_2185 = arith.constant 43 : i32
      %swap3A_2186 = arith.index_cast %swap3A_2185 : i32 to index
      %swap3A_2187 = arith.constant 0 : index
      %swap3A_2188 = tpu.vector_load %arg12[%swap3A_2186, %swap3A_2187] {strides = array<i32>} : memref<128x264xf32, #tpu.memory_space<vmem>>, vector<16xf32>,
      tpu.vector_store %arg12[%swap3A_2186, %swap3A_2187], %sub3A_2184 {strides = array<i32>} : memref<128x264xf32, #tpu.memory_space<vmem>>, vector<16xf32>,
      %broadcast_in_dim3A_2189 = arith.constant 43 : i32
      %broadcast_in_dim3A_2190 = vector.broadcast %broadcast_in_dim3A_2189 : i32 to vector<16xi32>
      tpu.vector_store_idx %arg16[%broadcast_in_dim3A_2190, %iota3A], %sub3A_2184 masked %lt3A_4 : memref<128x8xf32, #tpu.memory_space<vmem>>[vector<16xi32>, vector<16xi32>], vector<16xf32>, vector<16xi1>
      %get3A_2191 = arith.constant 44 : i32
      %get3A_2192 = arith.index_cast %get3A_2191 : i32 to index
      %get3A_2193 = arith.constant 0 : index
      %get3A_2194 = tpu.vector_load %arg12[%get3A_2192, %get3A_2193] {strides = array<i32>} : memref<128x264xf32, #tpu.memory_space<vmem>>, vector<16xf32>,
      %sub3A_2195 = arith.subf %get3A_2194, %select_n3A_1636 : vector<16xf32>
      %swap3A_2196 = arith.constant 44 : i32
      %swap3A_2197 = arith.index_cast %swap3A_2196 : i32 to index
      %swap3A_2198 = arith.constant 0 : index
      %swap3A_2199 = tpu.vector_load %arg12[%swap3A_2197, %swap3A_2198] {strides = array<i32>} : memref<128x264xf32, #tpu.memory_space<vmem>>, vector<16xf32>,
      tpu.vector_store %arg12[%swap3A_2197, %swap3A_2198], %sub3A_2195 {strides = array<i32>} : memref<128x264xf32, #tpu.memory_space<vmem>>, vector<16xf32>,
      %broadcast_in_dim3A_2200 = arith.constant 44 : i32
      %broadcast_in_dim3A_2201 = vector.broadcast %broadcast_in_dim3A_2200 : i32 to vector<16xi32>
      tpu.vector_store_idx %arg16[%broadcast_in_dim3A_2201, %iota3A], %sub3A_2195 masked %lt3A_4 : memref<128x8xf32, #tpu.memory_space<vmem>>[vector<16xi32>, vector<16xi32>], vector<16xf32>, vector<16xi1>
      %get3A_2202 = arith.constant 45 : i32
      %get3A_2203 = arith.index_cast %get3A_2202 : i32 to index
      %get3A_2204 = arith.constant 0 : index
      %get3A_2205 = tpu.vector_load %arg12[%get3A_2203, %get3A_2204] {strides = array<i32>} : memref<128x264xf32, #tpu.memory_space<vmem>>, vector<16xf32>,
      %sub3A_2206 = arith.subf %get3A_2205, %select_n3A_1636 : vector<16xf32>
      %swap3A_2207 = arith.constant 45 : i32
      %swap3A_2208 = arith.index_cast %swap3A_2207 : i32 to index
      %swap3A_2209 = arith.constant 0 : index
      %swap3A_2210 = tpu.vector_load %arg12[%swap3A_2208, %swap3A_2209] {strides = array<i32>} : memref<128x264xf32, #tpu.memory_space<vmem>>, vector<16xf32>,
      tpu.vector_store %arg12[%swap3A_2208, %swap3A_2209], %sub3A_2206 {strides = array<i32>} : memref<128x264xf32, #tpu.memory_space<vmem>>, vector<16xf32>,
      %broadcast_in_dim3A_2211 = arith.constant 45 : i32
      %broadcast_in_dim3A_2212 = vector.broadcast %broadcast_in_dim3A_2211 : i32 to vector<16xi32>
      tpu.vector_store_idx %arg16[%broadcast_in_dim3A_2212, %iota3A], %sub3A_2206 masked %lt3A_4 : memref<128x8xf32, #tpu.memory_space<vmem>>[vector<16xi32>, vector<16xi32>], vector<16xf32>, vector<16xi1>
      %get3A_2213 = arith.constant 46 : i32
      %get3A_2214 = arith.index_cast %get3A_2213 : i32 to index
      %get3A_2215 = arith.constant 0 : index
      %get3A_2216 = tpu.vector_load %arg12[%get3A_2214, %get3A_2215] {strides = array<i32>} : memref<128x264xf32, #tpu.memory_space<vmem>>, vector<16xf32>,
      %sub3A_2217 = arith.subf %get3A_2216, %select_n3A_1636 : vector<16xf32>
      %swap3A_2218 = arith.constant 46 : i32
      %swap3A_2219 = arith.index_cast %swap3A_2218 : i32 to index
      %swap3A_2220 = arith.constant 0 : index
      %swap3A_2221 = tpu.vector_load %arg12[%swap3A_2219, %swap3A_2220] {strides = array<i32>} : memref<128x264xf32, #tpu.memory_space<vmem>>, vector<16xf32>,
      tpu.vector_store %arg12[%swap3A_2219, %swap3A_2220], %sub3A_2217 {strides = array<i32>} : memref<128x264xf32, #tpu.memory_space<vmem>>, vector<16xf32>,
      %broadcast_in_dim3A_2222 = arith.constant 46 : i32
      %broadcast_in_dim3A_2223 = vector.broadcast %broadcast_in_dim3A_2222 : i32 to vector<16xi32>
      tpu.vector_store_idx %arg16[%broadcast_in_dim3A_2223, %iota3A], %sub3A_2217 masked %lt3A_4 : memref<128x8xf32, #tpu.memory_space<vmem>>[vector<16xi32>, vector<16xi32>], vector<16xf32>, vector<16xi1>
      %get3A_2224 = arith.constant 47 : i32
      %get3A_2225 = arith.index_cast %get3A_2224 : i32 to index
      %get3A_2226 = arith.constant 0 : index
      %get3A_2227 = tpu.vector_load %arg12[%get3A_2225, %get3A_2226] {strides = array<i32>} : memref<128x264xf32, #tpu.memory_space<vmem>>, vector<16xf32>,
      %sub3A_2228 = arith.subf %get3A_2227, %select_n3A_1636 : vector<16xf32>
      %swap3A_2229 = arith.constant 47 : i32
      %swap3A_2230 = arith.index_cast %swap3A_2229 : i32 to index
      %swap3A_2231 = arith.constant 0 : index
      %swap3A_2232 = tpu.vector_load %arg12[%swap3A_2230, %swap3A_2231] {strides = array<i32>} : memref<128x264xf32, #tpu.memory_space<vmem>>, vector<16xf32>,
      tpu.vector_store %arg12[%swap3A_2230, %swap3A_2231], %sub3A_2228 {strides = array<i32>} : memref<128x264xf32, #tpu.memory_space<vmem>>, vector<16xf32>,
      %broadcast_in_dim3A_2233 = arith.constant 47 : i32
      %broadcast_in_dim3A_2234 = vector.broadcast %broadcast_in_dim3A_2233 : i32 to vector<16xi32>
      tpu.vector_store_idx %arg16[%broadcast_in_dim3A_2234, %iota3A], %sub3A_2228 masked %lt3A_4 : memref<128x8xf32, #tpu.memory_space<vmem>>[vector<16xi32>, vector<16xi32>], vector<16xf32>, vector<16xi1>
      %get3A_2235 = arith.constant 48 : i32
      %get3A_2236 = arith.index_cast %get3A_2235 : i32 to index
      %get3A_2237 = arith.constant 0 : index
      %get3A_2238 = tpu.vector_load %arg12[%get3A_2236, %get3A_2237] {strides = array<i32>} : memref<128x264xf32, #tpu.memory_space<vmem>>, vector<16xf32>,
      %sub3A_2239 = arith.subf %get3A_2238, %select_n3A_1643 : vector<16xf32>
      %swap3A_2240 = arith.constant 48 : i32
      %swap3A_2241 = arith.index_cast %swap3A_2240 : i32 to index
      %swap3A_2242 = arith.constant 0 : index
      %swap3A_2243 = tpu.vector_load %arg12[%swap3A_2241, %swap3A_2242] {strides = array<i32>} : memref<128x264xf32, #tpu.memory_space<vmem>>, vector<16xf32>,
      tpu.vector_store %arg12[%swap3A_2241, %swap3A_2242], %sub3A_2239 {strides = array<i32>} : memref<128x264xf32, #tpu.memory_space<vmem>>, vector<16xf32>,
      %broadcast_in_dim3A_2244 = arith.constant 48 : i32
      %broadcast_in_dim3A_2245 = vector.broadcast %broadcast_in_dim3A_2244 : i32 to vector<16xi32>
      tpu.vector_store_idx %arg16[%broadcast_in_dim3A_2245, %iota3A], %sub3A_2239 masked %lt3A_4 : memref<128x8xf32, #tpu.memory_space<vmem>>[vector<16xi32>, vector<16xi32>], vector<16xf32>, vector<16xi1>
      %get3A_2246 = arith.constant 49 : i32
      %get3A_2247 = arith.index_cast %get3A_2246 : i32 to index
      %get3A_2248 = arith.constant 0 : index
      %get3A_2249 = tpu.vector_load %arg12[%get3A_2247, %get3A_2248] {strides = array<i32>} : memref<128x264xf32, #tpu.memory_space<vmem>>, vector<16xf32>,
      %sub3A_2250 = arith.subf %get3A_2249, %select_n3A_1643 : vector<16xf32>
      %swap3A_2251 = arith.constant 49 : i32
      %swap3A_2252 = arith.index_cast %swap3A_2251 : i32 to index
      %swap3A_2253 = arith.constant 0 : index
      %swap3A_2254 = tpu.vector_load %arg12[%swap3A_2252, %swap3A_2253] {strides = array<i32>} : memref<128x264xf32, #tpu.memory_space<vmem>>, vector<16xf32>,
      tpu.vector_store %arg12[%swap3A_2252, %swap3A_2253], %sub3A_2250 {strides = array<i32>} : memref<128x264xf32, #tpu.memory_space<vmem>>, vector<16xf32>,
      %broadcast_in_dim3A_2255 = arith.constant 49 : i32
      %broadcast_in_dim3A_2256 = vector.broadcast %broadcast_in_dim3A_2255 : i32 to vector<16xi32>
      tpu.vector_store_idx %arg16[%broadcast_in_dim3A_2256, %iota3A], %sub3A_2250 masked %lt3A_4 : memref<128x8xf32, #tpu.memory_space<vmem>>[vector<16xi32>, vector<16xi32>], vector<16xf32>, vector<16xi1>
      %get3A_2257 = arith.constant 50 : i32
      %get3A_2258 = arith.index_cast %get3A_2257 : i32 to index
      %get3A_2259 = arith.constant 0 : index
      %get3A_2260 = tpu.vector_load %arg12[%get3A_2258, %get3A_2259] {strides = array<i32>} : memref<128x264xf32, #tpu.memory_space<vmem>>, vector<16xf32>,
      %sub3A_2261 = arith.subf %get3A_2260, %select_n3A_1643 : vector<16xf32>
      %swap3A_2262 = arith.constant 50 : i32
      %swap3A_2263 = arith.index_cast %swap3A_2262 : i32 to index
      %swap3A_2264 = arith.constant 0 : index
      %swap3A_2265 = tpu.vector_load %arg12[%swap3A_2263, %swap3A_2264] {strides = array<i32>} : memref<128x264xf32, #tpu.memory_space<vmem>>, vector<16xf32>,
      tpu.vector_store %arg12[%swap3A_2263, %swap3A_2264], %sub3A_2261 {strides = array<i32>} : memref<128x264xf32, #tpu.memory_space<vmem>>, vector<16xf32>,
      %broadcast_in_dim3A_2266 = arith.constant 50 : i32
      %broadcast_in_dim3A_2267 = vector.broadcast %broadcast_in_dim3A_2266 : i32 to vector<16xi32>
      tpu.vector_store_idx %arg16[%broadcast_in_dim3A_2267, %iota3A], %sub3A_2261 masked %lt3A_4 : memref<128x8xf32, #tpu.memory_space<vmem>>[vector<16xi32>, vector<16xi32>], vector<16xf32>, vector<16xi1>
      %get3A_2268 = arith.constant 51 : i32
      %get3A_2269 = arith.index_cast %get3A_2268 : i32 to index
      %get3A_2270 = arith.constant 0 : index
      %get3A_2271 = tpu.vector_load %arg12[%get3A_2269, %get3A_2270] {strides = array<i32>} : memref<128x264xf32, #tpu.memory_space<vmem>>, vector<16xf32>,
      %sub3A_2272 = arith.subf %get3A_2271, %select_n3A_1643 : vector<16xf32>
      %swap3A_2273 = arith.constant 51 : i32
      %swap3A_2274 = arith.index_cast %swap3A_2273 : i32 to index
      %swap3A_2275 = arith.constant 0 : index
      %swap3A_2276 = tpu.vector_load %arg12[%swap3A_2274, %swap3A_2275] {strides = array<i32>} : memref<128x264xf32, #tpu.memory_space<vmem>>, vector<16xf32>,
      tpu.vector_store %arg12[%swap3A_2274, %swap3A_2275], %sub3A_2272 {strides = array<i32>} : memref<128x264xf32, #tpu.memory_space<vmem>>, vector<16xf32>,
      %broadcast_in_dim3A_2277 = arith.constant 51 : i32
      %broadcast_in_dim3A_2278 = vector.broadcast %broadcast_in_dim3A_2277 : i32 to vector<16xi32>
      tpu.vector_store_idx %arg16[%broadcast_in_dim3A_2278, %iota3A], %sub3A_2272 masked %lt3A_4 : memref<128x8xf32, #tpu.memory_space<vmem>>[vector<16xi32>, vector<16xi32>], vector<16xf32>, vector<16xi1>
      %get3A_2279 = arith.constant 52 : i32
      %get3A_2280 = arith.index_cast %get3A_2279 : i32 to index
      %get3A_2281 = arith.constant 0 : index
      %get3A_2282 = tpu.vector_load %arg12[%get3A_2280, %get3A_2281] {strides = array<i32>} : memref<128x264xf32, #tpu.memory_space<vmem>>, vector<16xf32>,
      %sub3A_2283 = arith.subf %get3A_2282, %select_n3A_1643 : vector<16xf32>
      %swap3A_2284 = arith.constant 52 : i32
      %swap3A_2285 = arith.index_cast %swap3A_2284 : i32 to index
      %swap3A_2286 = arith.constant 0 : index
      %swap3A_2287 = tpu.vector_load %arg12[%swap3A_2285, %swap3A_2286] {strides = array<i32>} : memref<128x264xf32, #tpu.memory_space<vmem>>, vector<16xf32>,
      tpu.vector_store %arg12[%swap3A_2285, %swap3A_2286], %sub3A_2283 {strides = array<i32>} : memref<128x264xf32, #tpu.memory_space<vmem>>, vector<16xf32>,
      %broadcast_in_dim3A_2288 = arith.constant 52 : i32
      %broadcast_in_dim3A_2289 = vector.broadcast %broadcast_in_dim3A_2288 : i32 to vector<16xi32>
      tpu.vector_store_idx %arg16[%broadcast_in_dim3A_2289, %iota3A], %sub3A_2283 masked %lt3A_4 : memref<128x8xf32, #tpu.memory_space<vmem>>[vector<16xi32>, vector<16xi32>], vector<16xf32>, vector<16xi1>
      %get3A_2290 = arith.constant 53 : i32
      %get3A_2291 = arith.index_cast %get3A_2290 : i32 to index
      %get3A_2292 = arith.constant 0 : index
      %get3A_2293 = tpu.vector_load %arg12[%get3A_2291, %get3A_2292] {strides = array<i32>} : memref<128x264xf32, #tpu.memory_space<vmem>>, vector<16xf32>,
      %sub3A_2294 = arith.subf %get3A_2293, %select_n3A_1643 : vector<16xf32>
      %swap3A_2295 = arith.constant 53 : i32
      %swap3A_2296 = arith.index_cast %swap3A_2295 : i32 to index
      %swap3A_2297 = arith.constant 0 : index
      %swap3A_2298 = tpu.vector_load %arg12[%swap3A_2296, %swap3A_2297] {strides = array<i32>} : memref<128x264xf32, #tpu.memory_space<vmem>>, vector<16xf32>,
      tpu.vector_store %arg12[%swap3A_2296, %swap3A_2297], %sub3A_2294 {strides = array<i32>} : memref<128x264xf32, #tpu.memory_space<vmem>>, vector<16xf32>,
      %broadcast_in_dim3A_2299 = arith.constant 53 : i32
      %broadcast_in_dim3A_2300 = vector.broadcast %broadcast_in_dim3A_2299 : i32 to vector<16xi32>
      tpu.vector_store_idx %arg16[%broadcast_in_dim3A_2300, %iota3A], %sub3A_2294 masked %lt3A_4 : memref<128x8xf32, #tpu.memory_space<vmem>>[vector<16xi32>, vector<16xi32>], vector<16xf32>, vector<16xi1>
      %get3A_2301 = arith.constant 54 : i32
      %get3A_2302 = arith.index_cast %get3A_2301 : i32 to index
      %get3A_2303 = arith.constant 0 : index
      %get3A_2304 = tpu.vector_load %arg12[%get3A_2302, %get3A_2303] {strides = array<i32>} : memref<128x264xf32, #tpu.memory_space<vmem>>, vector<16xf32>,
      %sub3A_2305 = arith.subf %get3A_2304, %select_n3A_1643 : vector<16xf32>
      %swap3A_2306 = arith.constant 54 : i32
      %swap3A_2307 = arith.index_cast %swap3A_2306 : i32 to index
      %swap3A_2308 = arith.constant 0 : index
      %swap3A_2309 = tpu.vector_load %arg12[%swap3A_2307, %swap3A_2308] {strides = array<i32>} : memref<128x264xf32, #tpu.memory_space<vmem>>, vector<16xf32>,
      tpu.vector_store %arg12[%swap3A_2307, %swap3A_2308], %sub3A_2305 {strides = array<i32>} : memref<128x264xf32, #tpu.memory_space<vmem>>, vector<16xf32>,
      %broadcast_in_dim3A_2310 = arith.constant 54 : i32
      %broadcast_in_dim3A_2311 = vector.broadcast %broadcast_in_dim3A_2310 : i32 to vector<16xi32>
      tpu.vector_store_idx %arg16[%broadcast_in_dim3A_2311, %iota3A], %sub3A_2305 masked %lt3A_4 : memref<128x8xf32, #tpu.memory_space<vmem>>[vector<16xi32>, vector<16xi32>], vector<16xf32>, vector<16xi1>
      %get3A_2312 = arith.constant 55 : i32
      %get3A_2313 = arith.index_cast %get3A_2312 : i32 to index
      %get3A_2314 = arith.constant 0 : index
      %get3A_2315 = tpu.vector_load %arg12[%get3A_2313, %get3A_2314] {strides = array<i32>} : memref<128x264xf32, #tpu.memory_space<vmem>>, vector<16xf32>,
      %sub3A_2316 = arith.subf %get3A_2315, %select_n3A_1643 : vector<16xf32>
      %swap3A_2317 = arith.constant 55 : i32
      %swap3A_2318 = arith.index_cast %swap3A_2317 : i32 to index
      %swap3A_2319 = arith.constant 0 : index
      %swap3A_2320 = tpu.vector_load %arg12[%swap3A_2318, %swap3A_2319] {strides = array<i32>} : memref<128x264xf32, #tpu.memory_space<vmem>>, vector<16xf32>,
      tpu.vector_store %arg12[%swap3A_2318, %swap3A_2319], %sub3A_2316 {strides = array<i32>} : memref<128x264xf32, #tpu.memory_space<vmem>>, vector<16xf32>,
      %broadcast_in_dim3A_2321 = arith.constant 55 : i32
      %broadcast_in_dim3A_2322 = vector.broadcast %broadcast_in_dim3A_2321 : i32 to vector<16xi32>
      tpu.vector_store_idx %arg16[%broadcast_in_dim3A_2322, %iota3A], %sub3A_2316 masked %lt3A_4 : memref<128x8xf32, #tpu.memory_space<vmem>>[vector<16xi32>, vector<16xi32>], vector<16xf32>, vector<16xi1>
      %get3A_2323 = arith.constant 56 : i32
      %get3A_2324 = arith.index_cast %get3A_2323 : i32 to index
      %get3A_2325 = arith.constant 0 : index
      %get3A_2326 = tpu.vector_load %arg12[%get3A_2324, %get3A_2325] {strides = array<i32>} : memref<128x264xf32, #tpu.memory_space<vmem>>, vector<16xf32>,
      %sub3A_2327 = arith.subf %get3A_2326, %select_n3A_1650 : vector<16xf32>
      %swap3A_2328 = arith.constant 56 : i32
      %swap3A_2329 = arith.index_cast %swap3A_2328 : i32 to index
      %swap3A_2330 = arith.constant 0 : index
      %swap3A_2331 = tpu.vector_load %arg12[%swap3A_2329, %swap3A_2330] {strides = array<i32>} : memref<128x264xf32, #tpu.memory_space<vmem>>, vector<16xf32>,
      tpu.vector_store %arg12[%swap3A_2329, %swap3A_2330], %sub3A_2327 {strides = array<i32>} : memref<128x264xf32, #tpu.memory_space<vmem>>, vector<16xf32>,
      %broadcast_in_dim3A_2332 = arith.constant 56 : i32
      %broadcast_in_dim3A_2333 = vector.broadcast %broadcast_in_dim3A_2332 : i32 to vector<16xi32>
      tpu.vector_store_idx %arg16[%broadcast_in_dim3A_2333, %iota3A], %sub3A_2327 masked %lt3A_4 : memref<128x8xf32, #tpu.memory_space<vmem>>[vector<16xi32>, vector<16xi32>], vector<16xf32>, vector<16xi1>
      %get3A_2334 = arith.constant 57 : i32
      %get3A_2335 = arith.index_cast %get3A_2334 : i32 to index
      %get3A_2336 = arith.constant 0 : index
      %get3A_2337 = tpu.vector_load %arg12[%get3A_2335, %get3A_2336] {strides = array<i32>} : memref<128x264xf32, #tpu.memory_space<vmem>>, vector<16xf32>,
      %sub3A_2338 = arith.subf %get3A_2337, %select_n3A_1650 : vector<16xf32>
      %swap3A_2339 = arith.constant 57 : i32
      %swap3A_2340 = arith.index_cast %swap3A_2339 : i32 to index
      %swap3A_2341 = arith.constant 0 : index
      %swap3A_2342 = tpu.vector_load %arg12[%swap3A_2340, %swap3A_2341] {strides = array<i32>} : memref<128x264xf32, #tpu.memory_space<vmem>>, vector<16xf32>,
      tpu.vector_store %arg12[%swap3A_2340, %swap3A_2341], %sub3A_2338 {strides = array<i32>} : memref<128x264xf32, #tpu.memory_space<vmem>>, vector<16xf32>,
      %broadcast_in_dim3A_2343 = arith.constant 57 : i32
      %broadcast_in_dim3A_2344 = vector.broadcast %broadcast_in_dim3A_2343 : i32 to vector<16xi32>
      tpu.vector_store_idx %arg16[%broadcast_in_dim3A_2344, %iota3A], %sub3A_2338 masked %lt3A_4 : memref<128x8xf32, #tpu.memory_space<vmem>>[vector<16xi32>, vector<16xi32>], vector<16xf32>, vector<16xi1>
      %get3A_2345 = arith.constant 58 : i32
      %get3A_2346 = arith.index_cast %get3A_2345 : i32 to index
      %get3A_2347 = arith.constant 0 : index
      %get3A_2348 = tpu.vector_load %arg12[%get3A_2346, %get3A_2347] {strides = array<i32>} : memref<128x264xf32, #tpu.memory_space<vmem>>, vector<16xf32>,
      %sub3A_2349 = arith.subf %get3A_2348, %select_n3A_1650 : vector<16xf32>
      %swap3A_2350 = arith.constant 58 : i32
      %swap3A_2351 = arith.index_cast %swap3A_2350 : i32 to index
      %swap3A_2352 = arith.constant 0 : index
      %swap3A_2353 = tpu.vector_load %arg12[%swap3A_2351, %swap3A_2352] {strides = array<i32>} : memref<128x264xf32, #tpu.memory_space<vmem>>, vector<16xf32>,
      tpu.vector_store %arg12[%swap3A_2351, %swap3A_2352], %sub3A_2349 {strides = array<i32>} : memref<128x264xf32, #tpu.memory_space<vmem>>, vector<16xf32>,
      %broadcast_in_dim3A_2354 = arith.constant 58 : i32
      %broadcast_in_dim3A_2355 = vector.broadcast %broadcast_in_dim3A_2354 : i32 to vector<16xi32>
      tpu.vector_store_idx %arg16[%broadcast_in_dim3A_2355, %iota3A], %sub3A_2349 masked %lt3A_4 : memref<128x8xf32, #tpu.memory_space<vmem>>[vector<16xi32>, vector<16xi32>], vector<16xf32>, vector<16xi1>
      %get3A_2356 = arith.constant 59 : i32
      %get3A_2357 = arith.index_cast %get3A_2356 : i32 to index
      %get3A_2358 = arith.constant 0 : index
      %get3A_2359 = tpu.vector_load %arg12[%get3A_2357, %get3A_2358] {strides = array<i32>} : memref<128x264xf32, #tpu.memory_space<vmem>>, vector<16xf32>,
      %sub3A_2360 = arith.subf %get3A_2359, %select_n3A_1650 : vector<16xf32>
      %swap3A_2361 = arith.constant 59 : i32
      %swap3A_2362 = arith.index_cast %swap3A_2361 : i32 to index
      %swap3A_2363 = arith.constant 0 : index
      %swap3A_2364 = tpu.vector_load %arg12[%swap3A_2362, %swap3A_2363] {strides = array<i32>} : memref<128x264xf32, #tpu.memory_space<vmem>>, vector<16xf32>,
      tpu.vector_store %arg12[%swap3A_2362, %swap3A_2363], %sub3A_2360 {strides = array<i32>} : memref<128x264xf32, #tpu.memory_space<vmem>>, vector<16xf32>,
      %broadcast_in_dim3A_2365 = arith.constant 59 : i32
      %broadcast_in_dim3A_2366 = vector.broadcast %broadcast_in_dim3A_2365 : i32 to vector<16xi32>
      tpu.vector_store_idx %arg16[%broadcast_in_dim3A_2366, %iota3A], %sub3A_2360 masked %lt3A_4 : memref<128x8xf32, #tpu.memory_space<vmem>>[vector<16xi32>, vector<16xi32>], vector<16xf32>, vector<16xi1>
      %get3A_2367 = arith.constant 60 : i32
      %get3A_2368 = arith.index_cast %get3A_2367 : i32 to index
      %get3A_2369 = arith.constant 0 : index
      %get3A_2370 = tpu.vector_load %arg12[%get3A_2368, %get3A_2369] {strides = array<i32>} : memref<128x264xf32, #tpu.memory_space<vmem>>, vector<16xf32>,
      %sub3A_2371 = arith.subf %get3A_2370, %select_n3A_1650 : vector<16xf32>
      %swap3A_2372 = arith.constant 60 : i32
      %swap3A_2373 = arith.index_cast %swap3A_2372 : i32 to index
      %swap3A_2374 = arith.constant 0 : index
      %swap3A_2375 = tpu.vector_load %arg12[%swap3A_2373, %swap3A_2374] {strides = array<i32>} : memref<128x264xf32, #tpu.memory_space<vmem>>, vector<16xf32>,
      tpu.vector_store %arg12[%swap3A_2373, %swap3A_2374], %sub3A_2371 {strides = array<i32>} : memref<128x264xf32, #tpu.memory_space<vmem>>, vector<16xf32>,
      %broadcast_in_dim3A_2376 = arith.constant 60 : i32
      %broadcast_in_dim3A_2377 = vector.broadcast %broadcast_in_dim3A_2376 : i32 to vector<16xi32>
      tpu.vector_store_idx %arg16[%broadcast_in_dim3A_2377, %iota3A], %sub3A_2371 masked %lt3A_4 : memref<128x8xf32, #tpu.memory_space<vmem>>[vector<16xi32>, vector<16xi32>], vector<16xf32>, vector<16xi1>
      %get3A_2378 = arith.constant 61 : i32
      %get3A_2379 = arith.index_cast %get3A_2378 : i32 to index
      %get3A_2380 = arith.constant 0 : index
      %get3A_2381 = tpu.vector_load %arg12[%get3A_2379, %get3A_2380] {strides = array<i32>} : memref<128x264xf32, #tpu.memory_space<vmem>>, vector<16xf32>,
      %sub3A_2382 = arith.subf %get3A_2381, %select_n3A_1650 : vector<16xf32>
      %swap3A_2383 = arith.constant 61 : i32
      %swap3A_2384 = arith.index_cast %swap3A_2383 : i32 to index
      %swap3A_2385 = arith.constant 0 : index
      %swap3A_2386 = tpu.vector_load %arg12[%swap3A_2384, %swap3A_2385] {strides = array<i32>} : memref<128x264xf32, #tpu.memory_space<vmem>>, vector<16xf32>,
      tpu.vector_store %arg12[%swap3A_2384, %swap3A_2385], %sub3A_2382 {strides = array<i32>} : memref<128x264xf32, #tpu.memory_space<vmem>>, vector<16xf32>,
      %broadcast_in_dim3A_2387 = arith.constant 61 : i32
      %broadcast_in_dim3A_2388 = vector.broadcast %broadcast_in_dim3A_2387 : i32 to vector<16xi32>
      tpu.vector_store_idx %arg16[%broadcast_in_dim3A_2388, %iota3A], %sub3A_2382 masked %lt3A_4 : memref<128x8xf32, #tpu.memory_space<vmem>>[vector<16xi32>, vector<16xi32>], vector<16xf32>, vector<16xi1>
      %get3A_2389 = arith.constant 62 : i32
      %get3A_2390 = arith.index_cast %get3A_2389 : i32 to index
      %get3A_2391 = arith.constant 0 : index
      %get3A_2392 = tpu.vector_load %arg12[%get3A_2390, %get3A_2391] {strides = array<i32>} : memref<128x264xf32, #tpu.memory_space<vmem>>, vector<16xf32>,
      %sub3A_2393 = arith.subf %get3A_2392, %select_n3A_1650 : vector<16xf32>
      %swap3A_2394 = arith.constant 62 : i32
      %swap3A_2395 = arith.index_cast %swap3A_2394 : i32 to index
      %swap3A_2396 = arith.constant 0 : index
      %swap3A_2397 = tpu.vector_load %arg12[%swap3A_2395, %swap3A_2396] {strides = array<i32>} : memref<128x264xf32, #tpu.memory_space<vmem>>, vector<16xf32>,
      tpu.vector_store %arg12[%swap3A_2395, %swap3A_2396], %sub3A_2393 {strides = array<i32>} : memref<128x264xf32, #tpu.memory_space<vmem>>, vector<16xf32>,
      %broadcast_in_dim3A_2398 = arith.constant 62 : i32
      %broadcast_in_dim3A_2399 = vector.broadcast %broadcast_in_dim3A_2398 : i32 to vector<16xi32>
      tpu.vector_store_idx %arg16[%broadcast_in_dim3A_2399, %iota3A], %sub3A_2393 masked %lt3A_4 : memref<128x8xf32, #tpu.memory_space<vmem>>[vector<16xi32>, vector<16xi32>], vector<16xf32>, vector<16xi1>
      %get3A_2400 = arith.constant 63 : i32
      %get3A_2401 = arith.index_cast %get3A_2400 : i32 to index
      %get3A_2402 = arith.constant 0 : index
      %get3A_2403 = tpu.vector_load %arg12[%get3A_2401, %get3A_2402] {strides = array<i32>} : memref<128x264xf32, #tpu.memory_space<vmem>>, vector<16xf32>,
      %sub3A_2404 = arith.subf %get3A_2403, %select_n3A_1650 : vector<16xf32>
      %swap3A_2405 = arith.constant 63 : i32
      %swap3A_2406 = arith.index_cast %swap3A_2405 : i32 to index
      %swap3A_2407 = arith.constant 0 : index
      %swap3A_2408 = tpu.vector_load %arg12[%swap3A_2406, %swap3A_2407] {strides = array<i32>} : memref<128x264xf32, #tpu.memory_space<vmem>>, vector<16xf32>,
      tpu.vector_store %arg12[%swap3A_2406, %swap3A_2407], %sub3A_2404 {strides = array<i32>} : memref<128x264xf32, #tpu.memory_space<vmem>>, vector<16xf32>,
      %broadcast_in_dim3A_2409 = arith.constant 63 : i32
      %broadcast_in_dim3A_2410 = vector.broadcast %broadcast_in_dim3A_2409 : i32 to vector<16xi32>
      tpu.vector_store_idx %arg16[%broadcast_in_dim3A_2410, %iota3A], %sub3A_2404 masked %lt3A_4 : memref<128x8xf32, #tpu.memory_space<vmem>>[vector<16xi32>, vector<16xi32>], vector<16xf32>, vector<16xi1>
      %get3A_2411 = arith.constant 64 : i32
      %get3A_2412 = arith.index_cast %get3A_2411 : i32 to index
      %get3A_2413 = arith.constant 0 : index
      %get3A_2414 = tpu.vector_load %arg12[%get3A_2412, %get3A_2413] {strides = array<i32>} : memref<128x264xf32, #tpu.memory_space<vmem>>, vector<16xf32>,
      %sub3A_2415 = arith.subf %get3A_2414, %select_n3A_1657 : vector<16xf32>
      %swap3A_2416 = arith.constant 64 : i32
      %swap3A_2417 = arith.index_cast %swap3A_2416 : i32 to index
      %swap3A_2418 = arith.constant 0 : index
      %swap3A_2419 = tpu.vector_load %arg12[%swap3A_2417, %swap3A_2418] {strides = array<i32>} : memref<128x264xf32, #tpu.memory_space<vmem>>, vector<16xf32>,
      tpu.vector_store %arg12[%swap3A_2417, %swap3A_2418], %sub3A_2415 {strides = array<i32>} : memref<128x264xf32, #tpu.memory_space<vmem>>, vector<16xf32>,
      %broadcast_in_dim3A_2420 = arith.constant 64 : i32
      %broadcast_in_dim3A_2421 = vector.broadcast %broadcast_in_dim3A_2420 : i32 to vector<16xi32>
      tpu.vector_store_idx %arg16[%broadcast_in_dim3A_2421, %iota3A], %sub3A_2415 masked %lt3A_4 : memref<128x8xf32, #tpu.memory_space<vmem>>[vector<16xi32>, vector<16xi32>], vector<16xf32>, vector<16xi1>
      %get3A_2422 = arith.constant 65 : i32
      %get3A_2423 = arith.index_cast %get3A_2422 : i32 to index
      %get3A_2424 = arith.constant 0 : index
      %get3A_2425 = tpu.vector_load %arg12[%get3A_2423, %get3A_2424] {strides = array<i32>} : memref<128x264xf32, #tpu.memory_space<vmem>>, vector<16xf32>,
      %sub3A_2426 = arith.subf %get3A_2425, %select_n3A_1657 : vector<16xf32>
      %swap3A_2427 = arith.constant 65 : i32
      %swap3A_2428 = arith.index_cast %swap3A_2427 : i32 to index
      %swap3A_2429 = arith.constant 0 : index
      %swap3A_2430 = tpu.vector_load %arg12[%swap3A_2428, %swap3A_2429] {strides = array<i32>} : memref<128x264xf32, #tpu.memory_space<vmem>>, vector<16xf32>,
      tpu.vector_store %arg12[%swap3A_2428, %swap3A_2429], %sub3A_2426 {strides = array<i32>} : memref<128x264xf32, #tpu.memory_space<vmem>>, vector<16xf32>,
      %broadcast_in_dim3A_2431 = arith.constant 65 : i32
      %broadcast_in_dim3A_2432 = vector.broadcast %broadcast_in_dim3A_2431 : i32 to vector<16xi32>
      tpu.vector_store_idx %arg16[%broadcast_in_dim3A_2432, %iota3A], %sub3A_2426 masked %lt3A_4 : memref<128x8xf32, #tpu.memory_space<vmem>>[vector<16xi32>, vector<16xi32>], vector<16xf32>, vector<16xi1>
      %get3A_2433 = arith.constant 66 : i32
      %get3A_2434 = arith.index_cast %get3A_2433 : i32 to index
      %get3A_2435 = arith.constant 0 : index
      %get3A_2436 = tpu.vector_load %arg12[%get3A_2434, %get3A_2435] {strides = array<i32>} : memref<128x264xf32, #tpu.memory_space<vmem>>, vector<16xf32>,
      %sub3A_2437 = arith.subf %get3A_2436, %select_n3A_1657 : vector<16xf32>
      %swap3A_2438 = arith.constant 66 : i32
      %swap3A_2439 = arith.index_cast %swap3A_2438 : i32 to index
      %swap3A_2440 = arith.constant 0 : index
      %swap3A_2441 = tpu.vector_load %arg12[%swap3A_2439, %swap3A_2440] {strides = array<i32>} : memref<128x264xf32, #tpu.memory_space<vmem>>, vector<16xf32>,
      tpu.vector_store %arg12[%swap3A_2439, %swap3A_2440], %sub3A_2437 {strides = array<i32>} : memref<128x264xf32, #tpu.memory_space<vmem>>, vector<16xf32>,
      %broadcast_in_dim3A_2442 = arith.constant 66 : i32
      %broadcast_in_dim3A_2443 = vector.broadcast %broadcast_in_dim3A_2442 : i32 to vector<16xi32>
      tpu.vector_store_idx %arg16[%broadcast_in_dim3A_2443, %iota3A], %sub3A_2437 masked %lt3A_4 : memref<128x8xf32, #tpu.memory_space<vmem>>[vector<16xi32>, vector<16xi32>], vector<16xf32>, vector<16xi1>
      %get3A_2444 = arith.constant 67 : i32
      %get3A_2445 = arith.index_cast %get3A_2444 : i32 to index
      %get3A_2446 = arith.constant 0 : index
      %get3A_2447 = tpu.vector_load %arg12[%get3A_2445, %get3A_2446] {strides = array<i32>} : memref<128x264xf32, #tpu.memory_space<vmem>>, vector<16xf32>,
      %sub3A_2448 = arith.subf %get3A_2447, %select_n3A_1657 : vector<16xf32>
      %swap3A_2449 = arith.constant 67 : i32
      %swap3A_2450 = arith.index_cast %swap3A_2449 : i32 to index
      %swap3A_2451 = arith.constant 0 : index
      %swap3A_2452 = tpu.vector_load %arg12[%swap3A_2450, %swap3A_2451] {strides = array<i32>} : memref<128x264xf32, #tpu.memory_space<vmem>>, vector<16xf32>,
      tpu.vector_store %arg12[%swap3A_2450, %swap3A_2451], %sub3A_2448 {strides = array<i32>} : memref<128x264xf32, #tpu.memory_space<vmem>>, vector<16xf32>,
      %broadcast_in_dim3A_2453 = arith.constant 67 : i32
      %broadcast_in_dim3A_2454 = vector.broadcast %broadcast_in_dim3A_2453 : i32 to vector<16xi32>
      tpu.vector_store_idx %arg16[%broadcast_in_dim3A_2454, %iota3A], %sub3A_2448 masked %lt3A_4 : memref<128x8xf32, #tpu.memory_space<vmem>>[vector<16xi32>, vector<16xi32>], vector<16xf32>, vector<16xi1>
      %get3A_2455 = arith.constant 68 : i32
      %get3A_2456 = arith.index_cast %get3A_2455 : i32 to index
      %get3A_2457 = arith.constant 0 : index
      %get3A_2458 = tpu.vector_load %arg12[%get3A_2456, %get3A_2457] {strides = array<i32>} : memref<128x264xf32, #tpu.memory_space<vmem>>, vector<16xf32>,
      %sub3A_2459 = arith.subf %get3A_2458, %select_n3A_1657 : vector<16xf32>
      %swap3A_2460 = arith.constant 68 : i32
      %swap3A_2461 = arith.index_cast %swap3A_2460 : i32 to index
      %swap3A_2462 = arith.constant 0 : index
      %swap3A_2463 = tpu.vector_load %arg12[%swap3A_2461, %swap3A_2462] {strides = array<i32>} : memref<128x264xf32, #tpu.memory_space<vmem>>, vector<16xf32>,
      tpu.vector_store %arg12[%swap3A_2461, %swap3A_2462], %sub3A_2459 {strides = array<i32>} : memref<128x264xf32, #tpu.memory_space<vmem>>, vector<16xf32>,
      %broadcast_in_dim3A_2464 = arith.constant 68 : i32
      %broadcast_in_dim3A_2465 = vector.broadcast %broadcast_in_dim3A_2464 : i32 to vector<16xi32>
      tpu.vector_store_idx %arg16[%broadcast_in_dim3A_2465, %iota3A], %sub3A_2459 masked %lt3A_4 : memref<128x8xf32, #tpu.memory_space<vmem>>[vector<16xi32>, vector<16xi32>], vector<16xf32>, vector<16xi1>
      %get3A_2466 = arith.constant 69 : i32
      %get3A_2467 = arith.index_cast %get3A_2466 : i32 to index
      %get3A_2468 = arith.constant 0 : index
      %get3A_2469 = tpu.vector_load %arg12[%get3A_2467, %get3A_2468] {strides = array<i32>} : memref<128x264xf32, #tpu.memory_space<vmem>>, vector<16xf32>,
      %sub3A_2470 = arith.subf %get3A_2469, %select_n3A_1657 : vector<16xf32>
      %swap3A_2471 = arith.constant 69 : i32
      %swap3A_2472 = arith.index_cast %swap3A_2471 : i32 to index
      %swap3A_2473 = arith.constant 0 : index
      %swap3A_2474 = tpu.vector_load %arg12[%swap3A_2472, %swap3A_2473] {strides = array<i32>} : memref<128x264xf32, #tpu.memory_space<vmem>>, vector<16xf32>,
      tpu.vector_store %arg12[%swap3A_2472, %swap3A_2473], %sub3A_2470 {strides = array<i32>} : memref<128x264xf32, #tpu.memory_space<vmem>>, vector<16xf32>,
      %broadcast_in_dim3A_2475 = arith.constant 69 : i32
      %broadcast_in_dim3A_2476 = vector.broadcast %broadcast_in_dim3A_2475 : i32 to vector<16xi32>
      tpu.vector_store_idx %arg16[%broadcast_in_dim3A_2476, %iota3A], %sub3A_2470 masked %lt3A_4 : memref<128x8xf32, #tpu.memory_space<vmem>>[vector<16xi32>, vector<16xi32>], vector<16xf32>, vector<16xi1>
      %get3A_2477 = arith.constant 70 : i32
      %get3A_2478 = arith.index_cast %get3A_2477 : i32 to index
      %get3A_2479 = arith.constant 0 : index
      %get3A_2480 = tpu.vector_load %arg12[%get3A_2478, %get3A_2479] {strides = array<i32>} : memref<128x264xf32, #tpu.memory_space<vmem>>, vector<16xf32>,
      %sub3A_2481 = arith.subf %get3A_2480, %select_n3A_1657 : vector<16xf32>
      %swap3A_2482 = arith.constant 70 : i32
      %swap3A_2483 = arith.index_cast %swap3A_2482 : i32 to index
      %swap3A_2484 = arith.constant 0 : index
      %swap3A_2485 = tpu.vector_load %arg12[%swap3A_2483, %swap3A_2484] {strides = array<i32>} : memref<128x264xf32, #tpu.memory_space<vmem>>, vector<16xf32>,
      tpu.vector_store %arg12[%swap3A_2483, %swap3A_2484], %sub3A_2481 {strides = array<i32>} : memref<128x264xf32, #tpu.memory_space<vmem>>, vector<16xf32>,
      %broadcast_in_dim3A_2486 = arith.constant 70 : i32
      %broadcast_in_dim3A_2487 = vector.broadcast %broadcast_in_dim3A_2486 : i32 to vector<16xi32>
      tpu.vector_store_idx %arg16[%broadcast_in_dim3A_2487, %iota3A], %sub3A_2481 masked %lt3A_4 : memref<128x8xf32, #tpu.memory_space<vmem>>[vector<16xi32>, vector<16xi32>], vector<16xf32>, vector<16xi1>
      %get3A_2488 = arith.constant 71 : i32
      %get3A_2489 = arith.index_cast %get3A_2488 : i32 to index
      %get3A_2490 = arith.constant 0 : index
      %get3A_2491 = tpu.vector_load %arg12[%get3A_2489, %get3A_2490] {strides = array<i32>} : memref<128x264xf32, #tpu.memory_space<vmem>>, vector<16xf32>,
      %sub3A_2492 = arith.subf %get3A_2491, %select_n3A_1657 : vector<16xf32>
      %swap3A_2493 = arith.constant 71 : i32
      %swap3A_2494 = arith.index_cast %swap3A_2493 : i32 to index
      %swap3A_2495 = arith.constant 0 : index
      %swap3A_2496 = tpu.vector_load %arg12[%swap3A_2494, %swap3A_2495] {strides = array<i32>} : memref<128x264xf32, #tpu.memory_space<vmem>>, vector<16xf32>,
      tpu.vector_store %arg12[%swap3A_2494, %swap3A_2495], %sub3A_2492 {strides = array<i32>} : memref<128x264xf32, #tpu.memory_space<vmem>>, vector<16xf32>,
      %broadcast_in_dim3A_2497 = arith.constant 71 : i32
      %broadcast_in_dim3A_2498 = vector.broadcast %broadcast_in_dim3A_2497 : i32 to vector<16xi32>
      tpu.vector_store_idx %arg16[%broadcast_in_dim3A_2498, %iota3A], %sub3A_2492 masked %lt3A_4 : memref<128x8xf32, #tpu.memory_space<vmem>>[vector<16xi32>, vector<16xi32>], vector<16xf32>, vector<16xi1>
      %get3A_2499 = arith.constant 72 : i32
      %get3A_2500 = arith.index_cast %get3A_2499 : i32 to index
      %get3A_2501 = arith.constant 0 : index
      %get3A_2502 = tpu.vector_load %arg12[%get3A_2500, %get3A_2501] {strides = array<i32>} : memref<128x264xf32, #tpu.memory_space<vmem>>, vector<16xf32>,
      %sub3A_2503 = arith.subf %get3A_2502, %select_n3A_1664 : vector<16xf32>
      %swap3A_2504 = arith.constant 72 : i32
      %swap3A_2505 = arith.index_cast %swap3A_2504 : i32 to index
      %swap3A_2506 = arith.constant 0 : index
      %swap3A_2507 = tpu.vector_load %arg12[%swap3A_2505, %swap3A_2506] {strides = array<i32>} : memref<128x264xf32, #tpu.memory_space<vmem>>, vector<16xf32>,
      tpu.vector_store %arg12[%swap3A_2505, %swap3A_2506], %sub3A_2503 {strides = array<i32>} : memref<128x264xf32, #tpu.memory_space<vmem>>, vector<16xf32>,
      %broadcast_in_dim3A_2508 = arith.constant 72 : i32
      %broadcast_in_dim3A_2509 = vector.broadcast %broadcast_in_dim3A_2508 : i32 to vector<16xi32>
      tpu.vector_store_idx %arg16[%broadcast_in_dim3A_2509, %iota3A], %sub3A_2503 masked %lt3A_4 : memref<128x8xf32, #tpu.memory_space<vmem>>[vector<16xi32>, vector<16xi32>], vector<16xf32>, vector<16xi1>
      %get3A_2510 = arith.constant 73 : i32
      %get3A_2511 = arith.index_cast %get3A_2510 : i32 to index
      %get3A_2512 = arith.constant 0 : index
      %get3A_2513 = tpu.vector_load %arg12[%get3A_2511, %get3A_2512] {strides = array<i32>} : memref<128x264xf32, #tpu.memory_space<vmem>>, vector<16xf32>,
      %sub3A_2514 = arith.subf %get3A_2513, %select_n3A_1664 : vector<16xf32>
      %swap3A_2515 = arith.constant 73 : i32
      %swap3A_2516 = arith.index_cast %swap3A_2515 : i32 to index
      %swap3A_2517 = arith.constant 0 : index
      %swap3A_2518 = tpu.vector_load %arg12[%swap3A_2516, %swap3A_2517] {strides = array<i32>} : memref<128x264xf32, #tpu.memory_space<vmem>>, vector<16xf32>,
      tpu.vector_store %arg12[%swap3A_2516, %swap3A_2517], %sub3A_2514 {strides = array<i32>} : memref<128x264xf32, #tpu.memory_space<vmem>>, vector<16xf32>,
      %broadcast_in_dim3A_2519 = arith.constant 73 : i32
      %broadcast_in_dim3A_2520 = vector.broadcast %broadcast_in_dim3A_2519 : i32 to vector<16xi32>
      tpu.vector_store_idx %arg16[%broadcast_in_dim3A_2520, %iota3A], %sub3A_2514 masked %lt3A_4 : memref<128x8xf32, #tpu.memory_space<vmem>>[vector<16xi32>, vector<16xi32>], vector<16xf32>, vector<16xi1>
      %get3A_2521 = arith.constant 74 : i32
      %get3A_2522 = arith.index_cast %get3A_2521 : i32 to index
      %get3A_2523 = arith.constant 0 : index
      %get3A_2524 = tpu.vector_load %arg12[%get3A_2522, %get3A_2523] {strides = array<i32>} : memref<128x264xf32, #tpu.memory_space<vmem>>, vector<16xf32>,
      %sub3A_2525 = arith.subf %get3A_2524, %select_n3A_1664 : vector<16xf32>
      %swap3A_2526 = arith.constant 74 : i32
      %swap3A_2527 = arith.index_cast %swap3A_2526 : i32 to index
      %swap3A_2528 = arith.constant 0 : index
      %swap3A_2529 = tpu.vector_load %arg12[%swap3A_2527, %swap3A_2528] {strides = array<i32>} : memref<128x264xf32, #tpu.memory_space<vmem>>, vector<16xf32>,
      tpu.vector_store %arg12[%swap3A_2527, %swap3A_2528], %sub3A_2525 {strides = array<i32>} : memref<128x264xf32, #tpu.memory_space<vmem>>, vector<16xf32>,
      %broadcast_in_dim3A_2530 = arith.constant 74 : i32
      %broadcast_in_dim3A_2531 = vector.broadcast %broadcast_in_dim3A_2530 : i32 to vector<16xi32>
      tpu.vector_store_idx %arg16[%broadcast_in_dim3A_2531, %iota3A], %sub3A_2525 masked %lt3A_4 : memref<128x8xf32, #tpu.memory_space<vmem>>[vector<16xi32>, vector<16xi32>], vector<16xf32>, vector<16xi1>
      %get3A_2532 = arith.constant 75 : i32
      %get3A_2533 = arith.index_cast %get3A_2532 : i32 to index
      %get3A_2534 = arith.constant 0 : index
      %get3A_2535 = tpu.vector_load %arg12[%get3A_2533, %get3A_2534] {strides = array<i32>} : memref<128x264xf32, #tpu.memory_space<vmem>>, vector<16xf32>,
      %sub3A_2536 = arith.subf %get3A_2535, %select_n3A_1664 : vector<16xf32>
      %swap3A_2537 = arith.constant 75 : i32
      %swap3A_2538 = arith.index_cast %swap3A_2537 : i32 to index
      %swap3A_2539 = arith.constant 0 : index
      %swap3A_2540 = tpu.vector_load %arg12[%swap3A_2538, %swap3A_2539] {strides = array<i32>} : memref<128x264xf32, #tpu.memory_space<vmem>>, vector<16xf32>,
      tpu.vector_store %arg12[%swap3A_2538, %swap3A_2539], %sub3A_2536 {strides = array<i32>} : memref<128x264xf32, #tpu.memory_space<vmem>>, vector<16xf32>,
      %broadcast_in_dim3A_2541 = arith.constant 75 : i32
      %broadcast_in_dim3A_2542 = vector.broadcast %broadcast_in_dim3A_2541 : i32 to vector<16xi32>
      tpu.vector_store_idx %arg16[%broadcast_in_dim3A_2542, %iota3A], %sub3A_2536 masked %lt3A_4 : memref<128x8xf32, #tpu.memory_space<vmem>>[vector<16xi32>, vector<16xi32>], vector<16xf32>, vector<16xi1>
      %get3A_2543 = arith.constant 76 : i32
      %get3A_2544 = arith.index_cast %get3A_2543 : i32 to index
      %get3A_2545 = arith.constant 0 : index
      %get3A_2546 = tpu.vector_load %arg12[%get3A_2544, %get3A_2545] {strides = array<i32>} : memref<128x264xf32, #tpu.memory_space<vmem>>, vector<16xf32>,
      %sub3A_2547 = arith.subf %get3A_2546, %select_n3A_1664 : vector<16xf32>
      %swap3A_2548 = arith.constant 76 : i32
      %swap3A_2549 = arith.index_cast %swap3A_2548 : i32 to index
      %swap3A_2550 = arith.constant 0 : index
      %swap3A_2551 = tpu.vector_load %arg12[%swap3A_2549, %swap3A_2550] {strides = array<i32>} : memref<128x264xf32, #tpu.memory_space<vmem>>, vector<16xf32>,
      tpu.vector_store %arg12[%swap3A_2549, %swap3A_2550], %sub3A_2547 {strides = array<i32>} : memref<128x264xf32, #tpu.memory_space<vmem>>, vector<16xf32>,
      %broadcast_in_dim3A_2552 = arith.constant 76 : i32
      %broadcast_in_dim3A_2553 = vector.broadcast %broadcast_in_dim3A_2552 : i32 to vector<16xi32>
      tpu.vector_store_idx %arg16[%broadcast_in_dim3A_2553, %iota3A], %sub3A_2547 masked %lt3A_4 : memref<128x8xf32, #tpu.memory_space<vmem>>[vector<16xi32>, vector<16xi32>], vector<16xf32>, vector<16xi1>
      %get3A_2554 = arith.constant 77 : i32
      %get3A_2555 = arith.index_cast %get3A_2554 : i32 to index
      %get3A_2556 = arith.constant 0 : index
      %get3A_2557 = tpu.vector_load %arg12[%get3A_2555, %get3A_2556] {strides = array<i32>} : memref<128x264xf32, #tpu.memory_space<vmem>>, vector<16xf32>,
      %sub3A_2558 = arith.subf %get3A_2557, %select_n3A_1664 : vector<16xf32>
      %swap3A_2559 = arith.constant 77 : i32
      %swap3A_2560 = arith.index_cast %swap3A_2559 : i32 to index
      %swap3A_2561 = arith.constant 0 : index
      %swap3A_2562 = tpu.vector_load %arg12[%swap3A_2560, %swap3A_2561] {strides = array<i32>} : memref<128x264xf32, #tpu.memory_space<vmem>>, vector<16xf32>,
      tpu.vector_store %arg12[%swap3A_2560, %swap3A_2561], %sub3A_2558 {strides = array<i32>} : memref<128x264xf32, #tpu.memory_space<vmem>>, vector<16xf32>,
      %broadcast_in_dim3A_2563 = arith.constant 77 : i32
      %broadcast_in_dim3A_2564 = vector.broadcast %broadcast_in_dim3A_2563 : i32 to vector<16xi32>
      tpu.vector_store_idx %arg16[%broadcast_in_dim3A_2564, %iota3A], %sub3A_2558 masked %lt3A_4 : memref<128x8xf32, #tpu.memory_space<vmem>>[vector<16xi32>, vector<16xi32>], vector<16xf32>, vector<16xi1>
      %get3A_2565 = arith.constant 78 : i32
      %get3A_2566 = arith.index_cast %get3A_2565 : i32 to index
      %get3A_2567 = arith.constant 0 : index
      %get3A_2568 = tpu.vector_load %arg12[%get3A_2566, %get3A_2567] {strides = array<i32>} : memref<128x264xf32, #tpu.memory_space<vmem>>, vector<16xf32>,
      %sub3A_2569 = arith.subf %get3A_2568, %select_n3A_1664 : vector<16xf32>
      %swap3A_2570 = arith.constant 78 : i32
      %swap3A_2571 = arith.index_cast %swap3A_2570 : i32 to index
      %swap3A_2572 = arith.constant 0 : index
      %swap3A_2573 = tpu.vector_load %arg12[%swap3A_2571, %swap3A_2572] {strides = array<i32>} : memref<128x264xf32, #tpu.memory_space<vmem>>, vector<16xf32>,
      tpu.vector_store %arg12[%swap3A_2571, %swap3A_2572], %sub3A_2569 {strides = array<i32>} : memref<128x264xf32, #tpu.memory_space<vmem>>, vector<16xf32>,
      %broadcast_in_dim3A_2574 = arith.constant 78 : i32
      %broadcast_in_dim3A_2575 = vector.broadcast %broadcast_in_dim3A_2574 : i32 to vector<16xi32>
      tpu.vector_store_idx %arg16[%broadcast_in_dim3A_2575, %iota3A], %sub3A_2569 masked %lt3A_4 : memref<128x8xf32, #tpu.memory_space<vmem>>[vector<16xi32>, vector<16xi32>], vector<16xf32>, vector<16xi1>
      %get3A_2576 = arith.constant 79 : i32
      %get3A_2577 = arith.index_cast %get3A_2576 : i32 to index
      %get3A_2578 = arith.constant 0 : index
      %get3A_2579 = tpu.vector_load %arg12[%get3A_2577, %get3A_2578] {strides = array<i32>} : memref<128x264xf32, #tpu.memory_space<vmem>>, vector<16xf32>,
      %sub3A_2580 = arith.subf %get3A_2579, %select_n3A_1664 : vector<16xf32>
      %swap3A_2581 = arith.constant 79 : i32
      %swap3A_2582 = arith.index_cast %swap3A_2581 : i32 to index
      %swap3A_2583 = arith.constant 0 : index
      %swap3A_2584 = tpu.vector_load %arg12[%swap3A_2582, %swap3A_2583] {strides = array<i32>} : memref<128x264xf32, #tpu.memory_space<vmem>>, vector<16xf32>,
      tpu.vector_store %arg12[%swap3A_2582, %swap3A_2583], %sub3A_2580 {strides = array<i32>} : memref<128x264xf32, #tpu.memory_space<vmem>>, vector<16xf32>,
      %broadcast_in_dim3A_2585 = arith.constant 79 : i32
      %broadcast_in_dim3A_2586 = vector.broadcast %broadcast_in_dim3A_2585 : i32 to vector<16xi32>
      tpu.vector_store_idx %arg16[%broadcast_in_dim3A_2586, %iota3A], %sub3A_2580 masked %lt3A_4 : memref<128x8xf32, #tpu.memory_space<vmem>>[vector<16xi32>, vector<16xi32>], vector<16xf32>, vector<16xi1>
      %get3A_2587 = arith.constant 80 : i32
      %get3A_2588 = arith.index_cast %get3A_2587 : i32 to index
      %get3A_2589 = arith.constant 0 : index
      %get3A_2590 = tpu.vector_load %arg12[%get3A_2588, %get3A_2589] {strides = array<i32>} : memref<128x264xf32, #tpu.memory_space<vmem>>, vector<16xf32>,
      %sub3A_2591 = arith.subf %get3A_2590, %select_n3A_1671 : vector<16xf32>
      %swap3A_2592 = arith.constant 80 : i32
      %swap3A_2593 = arith.index_cast %swap3A_2592 : i32 to index
      %swap3A_2594 = arith.constant 0 : index
      %swap3A_2595 = tpu.vector_load %arg12[%swap3A_2593, %swap3A_2594] {strides = array<i32>} : memref<128x264xf32, #tpu.memory_space<vmem>>, vector<16xf32>,
      tpu.vector_store %arg12[%swap3A_2593, %swap3A_2594], %sub3A_2591 {strides = array<i32>} : memref<128x264xf32, #tpu.memory_space<vmem>>, vector<16xf32>,
      %broadcast_in_dim3A_2596 = arith.constant 80 : i32
      %broadcast_in_dim3A_2597 = vector.broadcast %broadcast_in_dim3A_2596 : i32 to vector<16xi32>
      tpu.vector_store_idx %arg16[%broadcast_in_dim3A_2597, %iota3A], %sub3A_2591 masked %lt3A_4 : memref<128x8xf32, #tpu.memory_space<vmem>>[vector<16xi32>, vector<16xi32>], vector<16xf32>, vector<16xi1>
      %get3A_2598 = arith.constant 81 : i32
      %get3A_2599 = arith.index_cast %get3A_2598 : i32 to index
      %get3A_2600 = arith.constant 0 : index
      %get3A_2601 = tpu.vector_load %arg12[%get3A_2599, %get3A_2600] {strides = array<i32>} : memref<128x264xf32, #tpu.memory_space<vmem>>, vector<16xf32>,
      %sub3A_2602 = arith.subf %get3A_2601, %select_n3A_1671 : vector<16xf32>
      %swap3A_2603 = arith.constant 81 : i32
      %swap3A_2604 = arith.index_cast %swap3A_2603 : i32 to index
      %swap3A_2605 = arith.constant 0 : index
      %swap3A_2606 = tpu.vector_load %arg12[%swap3A_2604, %swap3A_2605] {strides = array<i32>} : memref<128x264xf32, #tpu.memory_space<vmem>>, vector<16xf32>,
      tpu.vector_store %arg12[%swap3A_2604, %swap3A_2605], %sub3A_2602 {strides = array<i32>} : memref<128x264xf32, #tpu.memory_space<vmem>>, vector<16xf32>,
      %broadcast_in_dim3A_2607 = arith.constant 81 : i32
      %broadcast_in_dim3A_2608 = vector.broadcast %broadcast_in_dim3A_2607 : i32 to vector<16xi32>
      tpu.vector_store_idx %arg16[%broadcast_in_dim3A_2608, %iota3A], %sub3A_2602 masked %lt3A_4 : memref<128x8xf32, #tpu.memory_space<vmem>>[vector<16xi32>, vector<16xi32>], vector<16xf32>, vector<16xi1>
      %get3A_2609 = arith.constant 82 : i32
      %get3A_2610 = arith.index_cast %get3A_2609 : i32 to index
      %get3A_2611 = arith.constant 0 : index
      %get3A_2612 = tpu.vector_load %arg12[%get3A_2610, %get3A_2611] {strides = array<i32>} : memref<128x264xf32, #tpu.memory_space<vmem>>, vector<16xf32>,
      %sub3A_2613 = arith.subf %get3A_2612, %select_n3A_1671 : vector<16xf32>
      %swap3A_2614 = arith.constant 82 : i32
      %swap3A_2615 = arith.index_cast %swap3A_2614 : i32 to index
      %swap3A_2616 = arith.constant 0 : index
      %swap3A_2617 = tpu.vector_load %arg12[%swap3A_2615, %swap3A_2616] {strides = array<i32>} : memref<128x264xf32, #tpu.memory_space<vmem>>, vector<16xf32>,
      tpu.vector_store %arg12[%swap3A_2615, %swap3A_2616], %sub3A_2613 {strides = array<i32>} : memref<128x264xf32, #tpu.memory_space<vmem>>, vector<16xf32>,
      %broadcast_in_dim3A_2618 = arith.constant 82 : i32
      %broadcast_in_dim3A_2619 = vector.broadcast %broadcast_in_dim3A_2618 : i32 to vector<16xi32>
      tpu.vector_store_idx %arg16[%broadcast_in_dim3A_2619, %iota3A], %sub3A_2613 masked %lt3A_4 : memref<128x8xf32, #tpu.memory_space<vmem>>[vector<16xi32>, vector<16xi32>], vector<16xf32>, vector<16xi1>
      %get3A_2620 = arith.constant 83 : i32
      %get3A_2621 = arith.index_cast %get3A_2620 : i32 to index
      %get3A_2622 = arith.constant 0 : index
      %get3A_2623 = tpu.vector_load %arg12[%get3A_2621, %get3A_2622] {strides = array<i32>} : memref<128x264xf32, #tpu.memory_space<vmem>>, vector<16xf32>,
      %sub3A_2624 = arith.subf %get3A_2623, %select_n3A_1671 : vector<16xf32>
      %swap3A_2625 = arith.constant 83 : i32
      %swap3A_2626 = arith.index_cast %swap3A_2625 : i32 to index
      %swap3A_2627 = arith.constant 0 : index
      %swap3A_2628 = tpu.vector_load %arg12[%swap3A_2626, %swap3A_2627] {strides = array<i32>} : memref<128x264xf32, #tpu.memory_space<vmem>>, vector<16xf32>,
      tpu.vector_store %arg12[%swap3A_2626, %swap3A_2627], %sub3A_2624 {strides = array<i32>} : memref<128x264xf32, #tpu.memory_space<vmem>>, vector<16xf32>,
      %broadcast_in_dim3A_2629 = arith.constant 83 : i32
      %broadcast_in_dim3A_2630 = vector.broadcast %broadcast_in_dim3A_2629 : i32 to vector<16xi32>
      tpu.vector_store_idx %arg16[%broadcast_in_dim3A_2630, %iota3A], %sub3A_2624 masked %lt3A_4 : memref<128x8xf32, #tpu.memory_space<vmem>>[vector<16xi32>, vector<16xi32>], vector<16xf32>, vector<16xi1>
      %get3A_2631 = arith.constant 84 : i32
      %get3A_2632 = arith.index_cast %get3A_2631 : i32 to index
      %get3A_2633 = arith.constant 0 : index
      %get3A_2634 = tpu.vector_load %arg12[%get3A_2632, %get3A_2633] {strides = array<i32>} : memref<128x264xf32, #tpu.memory_space<vmem>>, vector<16xf32>,
      %sub3A_2635 = arith.subf %get3A_2634, %select_n3A_1671 : vector<16xf32>
      %swap3A_2636 = arith.constant 84 : i32
      %swap3A_2637 = arith.index_cast %swap3A_2636 : i32 to index
      %swap3A_2638 = arith.constant 0 : index
      %swap3A_2639 = tpu.vector_load %arg12[%swap3A_2637, %swap3A_2638] {strides = array<i32>} : memref<128x264xf32, #tpu.memory_space<vmem>>, vector<16xf32>,
      tpu.vector_store %arg12[%swap3A_2637, %swap3A_2638], %sub3A_2635 {strides = array<i32>} : memref<128x264xf32, #tpu.memory_space<vmem>>, vector<16xf32>,
      %broadcast_in_dim3A_2640 = arith.constant 84 : i32
      %broadcast_in_dim3A_2641 = vector.broadcast %broadcast_in_dim3A_2640 : i32 to vector<16xi32>
      tpu.vector_store_idx %arg16[%broadcast_in_dim3A_2641, %iota3A], %sub3A_2635 masked %lt3A_4 : memref<128x8xf32, #tpu.memory_space<vmem>>[vector<16xi32>, vector<16xi32>], vector<16xf32>, vector<16xi1>
      %get3A_2642 = arith.constant 85 : i32
      %get3A_2643 = arith.index_cast %get3A_2642 : i32 to index
      %get3A_2644 = arith.constant 0 : index
      %get3A_2645 = tpu.vector_load %arg12[%get3A_2643, %get3A_2644] {strides = array<i32>} : memref<128x264xf32, #tpu.memory_space<vmem>>, vector<16xf32>,
      %sub3A_2646 = arith.subf %get3A_2645, %select_n3A_1671 : vector<16xf32>
      %swap3A_2647 = arith.constant 85 : i32
      %swap3A_2648 = arith.index_cast %swap3A_2647 : i32 to index
      %swap3A_2649 = arith.constant 0 : index
      %swap3A_2650 = tpu.vector_load %arg12[%swap3A_2648, %swap3A_2649] {strides = array<i32>} : memref<128x264xf32, #tpu.memory_space<vmem>>, vector<16xf32>,
      tpu.vector_store %arg12[%swap3A_2648, %swap3A_2649], %sub3A_2646 {strides = array<i32>} : memref<128x264xf32, #tpu.memory_space<vmem>>, vector<16xf32>,
      %broadcast_in_dim3A_2651 = arith.constant 85 : i32
      %broadcast_in_dim3A_2652 = vector.broadcast %broadcast_in_dim3A_2651 : i32 to vector<16xi32>
      tpu.vector_store_idx %arg16[%broadcast_in_dim3A_2652, %iota3A], %sub3A_2646 masked %lt3A_4 : memref<128x8xf32, #tpu.memory_space<vmem>>[vector<16xi32>, vector<16xi32>], vector<16xf32>, vector<16xi1>
      %get3A_2653 = arith.constant 86 : i32
      %get3A_2654 = arith.index_cast %get3A_2653 : i32 to index
      %get3A_2655 = arith.constant 0 : index
      %get3A_2656 = tpu.vector_load %arg12[%get3A_2654, %get3A_2655] {strides = array<i32>} : memref<128x264xf32, #tpu.memory_space<vmem>>, vector<16xf32>,
      %sub3A_2657 = arith.subf %get3A_2656, %select_n3A_1671 : vector<16xf32>
      %swap3A_2658 = arith.constant 86 : i32
      %swap3A_2659 = arith.index_cast %swap3A_2658 : i32 to index
      %swap3A_2660 = arith.constant 0 : index
      %swap3A_2661 = tpu.vector_load %arg12[%swap3A_2659, %swap3A_2660] {strides = array<i32>} : memref<128x264xf32, #tpu.memory_space<vmem>>, vector<16xf32>,
      tpu.vector_store %arg12[%swap3A_2659, %swap3A_2660], %sub3A_2657 {strides = array<i32>} : memref<128x264xf32, #tpu.memory_space<vmem>>, vector<16xf32>,
      %broadcast_in_dim3A_2662 = arith.constant 86 : i32
      %broadcast_in_dim3A_2663 = vector.broadcast %broadcast_in_dim3A_2662 : i32 to vector<16xi32>
      tpu.vector_store_idx %arg16[%broadcast_in_dim3A_2663, %iota3A], %sub3A_2657 masked %lt3A_4 : memref<128x8xf32, #tpu.memory_space<vmem>>[vector<16xi32>, vector<16xi32>], vector<16xf32>, vector<16xi1>
      %get3A_2664 = arith.constant 87 : i32
      %get3A_2665 = arith.index_cast %get3A_2664 : i32 to index
      %get3A_2666 = arith.constant 0 : index
      %get3A_2667 = tpu.vector_load %arg12[%get3A_2665, %get3A_2666] {strides = array<i32>} : memref<128x264xf32, #tpu.memory_space<vmem>>, vector<16xf32>,
      %sub3A_2668 = arith.subf %get3A_2667, %select_n3A_1671 : vector<16xf32>
      %swap3A_2669 = arith.constant 87 : i32
      %swap3A_2670 = arith.index_cast %swap3A_2669 : i32 to index
      %swap3A_2671 = arith.constant 0 : index
      %swap3A_2672 = tpu.vector_load %arg12[%swap3A_2670, %swap3A_2671] {strides = array<i32>} : memref<128x264xf32, #tpu.memory_space<vmem>>, vector<16xf32>,
      tpu.vector_store %arg12[%swap3A_2670, %swap3A_2671], %sub3A_2668 {strides = array<i32>} : memref<128x264xf32, #tpu.memory_space<vmem>>, vector<16xf32>,
      %broadcast_in_dim3A_2673 = arith.constant 87 : i32
      %broadcast_in_dim3A_2674 = vector.broadcast %broadcast_in_dim3A_2673 : i32 to vector<16xi32>
      tpu.vector_store_idx %arg16[%broadcast_in_dim3A_2674, %iota3A], %sub3A_2668 masked %lt3A_4 : memref<128x8xf32, #tpu.memory_space<vmem>>[vector<16xi32>, vector<16xi32>], vector<16xf32>, vector<16xi1>
      %get3A_2675 = arith.constant 88 : i32
      %get3A_2676 = arith.index_cast %get3A_2675 : i32 to index
      %get3A_2677 = arith.constant 0 : index
      %get3A_2678 = tpu.vector_load %arg12[%get3A_2676, %get3A_2677] {strides = array<i32>} : memref<128x264xf32, #tpu.memory_space<vmem>>, vector<16xf32>,
      %sub3A_2679 = arith.subf %get3A_2678, %select_n3A_1678 : vector<16xf32>
      %swap3A_2680 = arith.constant 88 : i32
      %swap3A_2681 = arith.index_cast %swap3A_2680 : i32 to index
      %swap3A_2682 = arith.constant 0 : index
      %swap3A_2683 = tpu.vector_load %arg12[%swap3A_2681, %swap3A_2682] {strides = array<i32>} : memref<128x264xf32, #tpu.memory_space<vmem>>, vector<16xf32>,
      tpu.vector_store %arg12[%swap3A_2681, %swap3A_2682], %sub3A_2679 {strides = array<i32>} : memref<128x264xf32, #tpu.memory_space<vmem>>, vector<16xf32>,
      %broadcast_in_dim3A_2684 = arith.constant 88 : i32
      %broadcast_in_dim3A_2685 = vector.broadcast %broadcast_in_dim3A_2684 : i32 to vector<16xi32>
      tpu.vector_store_idx %arg16[%broadcast_in_dim3A_2685, %iota3A], %sub3A_2679 masked %lt3A_4 : memref<128x8xf32, #tpu.memory_space<vmem>>[vector<16xi32>, vector<16xi32>], vector<16xf32>, vector<16xi1>
      %get3A_2686 = arith.constant 89 : i32
      %get3A_2687 = arith.index_cast %get3A_2686 : i32 to index
      %get3A_2688 = arith.constant 0 : index
      %get3A_2689 = tpu.vector_load %arg12[%get3A_2687, %get3A_2688] {strides = array<i32>} : memref<128x264xf32, #tpu.memory_space<vmem>>, vector<16xf32>,
      %sub3A_2690 = arith.subf %get3A_2689, %select_n3A_1678 : vector<16xf32>
      %swap3A_2691 = arith.constant 89 : i32
      %swap3A_2692 = arith.index_cast %swap3A_2691 : i32 to index
      %swap3A_2693 = arith.constant 0 : index
      %swap3A_2694 = tpu.vector_load %arg12[%swap3A_2692, %swap3A_2693] {strides = array<i32>} : memref<128x264xf32, #tpu.memory_space<vmem>>, vector<16xf32>,
      tpu.vector_store %arg12[%swap3A_2692, %swap3A_2693], %sub3A_2690 {strides = array<i32>} : memref<128x264xf32, #tpu.memory_space<vmem>>, vector<16xf32>,
      %broadcast_in_dim3A_2695 = arith.constant 89 : i32
      %broadcast_in_dim3A_2696 = vector.broadcast %broadcast_in_dim3A_2695 : i32 to vector<16xi32>
      tpu.vector_store_idx %arg16[%broadcast_in_dim3A_2696, %iota3A], %sub3A_2690 masked %lt3A_4 : memref<128x8xf32, #tpu.memory_space<vmem>>[vector<16xi32>, vector<16xi32>], vector<16xf32>, vector<16xi1>
      %get3A_2697 = arith.constant 90 : i32
      %get3A_2698 = arith.index_cast %get3A_2697 : i32 to index
      %get3A_2699 = arith.constant 0 : index
      %get3A_2700 = tpu.vector_load %arg12[%get3A_2698, %get3A_2699] {strides = array<i32>} : memref<128x264xf32, #tpu.memory_space<vmem>>, vector<16xf32>,
      %sub3A_2701 = arith.subf %get3A_2700, %select_n3A_1678 : vector<16xf32>
      %swap3A_2702 = arith.constant 90 : i32
      %swap3A_2703 = arith.index_cast %swap3A_2702 : i32 to index
      %swap3A_2704 = arith.constant 0 : index
      %swap3A_2705 = tpu.vector_load %arg12[%swap3A_2703, %swap3A_2704] {strides = array<i32>} : memref<128x264xf32, #tpu.memory_space<vmem>>, vector<16xf32>,
      tpu.vector_store %arg12[%swap3A_2703, %swap3A_2704], %sub3A_2701 {strides = array<i32>} : memref<128x264xf32, #tpu.memory_space<vmem>>, vector<16xf32>,
      %broadcast_in_dim3A_2706 = arith.constant 90 : i32
      %broadcast_in_dim3A_2707 = vector.broadcast %broadcast_in_dim3A_2706 : i32 to vector<16xi32>
      tpu.vector_store_idx %arg16[%broadcast_in_dim3A_2707, %iota3A], %sub3A_2701 masked %lt3A_4 : memref<128x8xf32, #tpu.memory_space<vmem>>[vector<16xi32>, vector<16xi32>], vector<16xf32>, vector<16xi1>
      %get3A_2708 = arith.constant 91 : i32
      %get3A_2709 = arith.index_cast %get3A_2708 : i32 to index
      %get3A_2710 = arith.constant 0 : index
      %get3A_2711 = tpu.vector_load %arg12[%get3A_2709, %get3A_2710] {strides = array<i32>} : memref<128x264xf32, #tpu.memory_space<vmem>>, vector<16xf32>,
      %sub3A_2712 = arith.subf %get3A_2711, %select_n3A_1678 : vector<16xf32>
      %swap3A_2713 = arith.constant 91 : i32
      %swap3A_2714 = arith.index_cast %swap3A_2713 : i32 to index
      %swap3A_2715 = arith.constant 0 : index
      %swap3A_2716 = tpu.vector_load %arg12[%swap3A_2714, %swap3A_2715] {strides = array<i32>} : memref<128x264xf32, #tpu.memory_space<vmem>>, vector<16xf32>,
      tpu.vector_store %arg12[%swap3A_2714, %swap3A_2715], %sub3A_2712 {strides = array<i32>} : memref<128x264xf32, #tpu.memory_space<vmem>>, vector<16xf32>,
      %broadcast_in_dim3A_2717 = arith.constant 91 : i32
      %broadcast_in_dim3A_2718 = vector.broadcast %broadcast_in_dim3A_2717 : i32 to vector<16xi32>
      tpu.vector_store_idx %arg16[%broadcast_in_dim3A_2718, %iota3A], %sub3A_2712 masked %lt3A_4 : memref<128x8xf32, #tpu.memory_space<vmem>>[vector<16xi32>, vector<16xi32>], vector<16xf32>, vector<16xi1>
      %get3A_2719 = arith.constant 92 : i32
      %get3A_2720 = arith.index_cast %get3A_2719 : i32 to index
      %get3A_2721 = arith.constant 0 : index
      %get3A_2722 = tpu.vector_load %arg12[%get3A_2720, %get3A_2721] {strides = array<i32>} : memref<128x264xf32, #tpu.memory_space<vmem>>, vector<16xf32>,
      %sub3A_2723 = arith.subf %get3A_2722, %select_n3A_1678 : vector<16xf32>
      %swap3A_2724 = arith.constant 92 : i32
      %swap3A_2725 = arith.index_cast %swap3A_2724 : i32 to index
      %swap3A_2726 = arith.constant 0 : index
      %swap3A_2727 = tpu.vector_load %arg12[%swap3A_2725, %swap3A_2726] {strides = array<i32>} : memref<128x264xf32, #tpu.memory_space<vmem>>, vector<16xf32>,
      tpu.vector_store %arg12[%swap3A_2725, %swap3A_2726], %sub3A_2723 {strides = array<i32>} : memref<128x264xf32, #tpu.memory_space<vmem>>, vector<16xf32>,
      %broadcast_in_dim3A_2728 = arith.constant 92 : i32
      %broadcast_in_dim3A_2729 = vector.broadcast %broadcast_in_dim3A_2728 : i32 to vector<16xi32>
      tpu.vector_store_idx %arg16[%broadcast_in_dim3A_2729, %iota3A], %sub3A_2723 masked %lt3A_4 : memref<128x8xf32, #tpu.memory_space<vmem>>[vector<16xi32>, vector<16xi32>], vector<16xf32>, vector<16xi1>
      %get3A_2730 = arith.constant 93 : i32
      %get3A_2731 = arith.index_cast %get3A_2730 : i32 to index
      %get3A_2732 = arith.constant 0 : index
      %get3A_2733 = tpu.vector_load %arg12[%get3A_2731, %get3A_2732] {strides = array<i32>} : memref<128x264xf32, #tpu.memory_space<vmem>>, vector<16xf32>,
      %sub3A_2734 = arith.subf %get3A_2733, %select_n3A_1678 : vector<16xf32>
      %swap3A_2735 = arith.constant 93 : i32
      %swap3A_2736 = arith.index_cast %swap3A_2735 : i32 to index
      %swap3A_2737 = arith.constant 0 : index
      %swap3A_2738 = tpu.vector_load %arg12[%swap3A_2736, %swap3A_2737] {strides = array<i32>} : memref<128x264xf32, #tpu.memory_space<vmem>>, vector<16xf32>,
      tpu.vector_store %arg12[%swap3A_2736, %swap3A_2737], %sub3A_2734 {strides = array<i32>} : memref<128x264xf32, #tpu.memory_space<vmem>>, vector<16xf32>,
      %broadcast_in_dim3A_2739 = arith.constant 93 : i32
      %broadcast_in_dim3A_2740 = vector.broadcast %broadcast_in_dim3A_2739 : i32 to vector<16xi32>
      tpu.vector_store_idx %arg16[%broadcast_in_dim3A_2740, %iota3A], %sub3A_2734 masked %lt3A_4 : memref<128x8xf32, #tpu.memory_space<vmem>>[vector<16xi32>, vector<16xi32>], vector<16xf32>, vector<16xi1>
      %get3A_2741 = arith.constant 94 : i32
      %get3A_2742 = arith.index_cast %get3A_2741 : i32 to index
      %get3A_2743 = arith.constant 0 : index
      %get3A_2744 = tpu.vector_load %arg12[%get3A_2742, %get3A_2743] {strides = array<i32>} : memref<128x264xf32, #tpu.memory_space<vmem>>, vector<16xf32>,
      %sub3A_2745 = arith.subf %get3A_2744, %select_n3A_1678 : vector<16xf32>
      %swap3A_2746 = arith.constant 94 : i32
      %swap3A_2747 = arith.index_cast %swap3A_2746 : i32 to index
      %swap3A_2748 = arith.constant 0 : index
      %swap3A_2749 = tpu.vector_load %arg12[%swap3A_2747, %swap3A_2748] {strides = array<i32>} : memref<128x264xf32, #tpu.memory_space<vmem>>, vector<16xf32>,
      tpu.vector_store %arg12[%swap3A_2747, %swap3A_2748], %sub3A_2745 {strides = array<i32>} : memref<128x264xf32, #tpu.memory_space<vmem>>, vector<16xf32>,
      %broadcast_in_dim3A_2750 = arith.constant 94 : i32
      %broadcast_in_dim3A_2751 = vector.broadcast %broadcast_in_dim3A_2750 : i32 to vector<16xi32>
      tpu.vector_store_idx %arg16[%broadcast_in_dim3A_2751, %iota3A], %sub3A_2745 masked %lt3A_4 : memref<128x8xf32, #tpu.memory_space<vmem>>[vector<16xi32>, vector<16xi32>], vector<16xf32>, vector<16xi1>
      %get3A_2752 = arith.constant 95 : i32
      %get3A_2753 = arith.index_cast %get3A_2752 : i32 to index
      %get3A_2754 = arith.constant 0 : index
      %get3A_2755 = tpu.vector_load %arg12[%get3A_2753, %get3A_2754] {strides = array<i32>} : memref<128x264xf32, #tpu.memory_space<vmem>>, vector<16xf32>,
      %sub3A_2756 = arith.subf %get3A_2755, %select_n3A_1678 : vector<16xf32>
      %swap3A_2757 = arith.constant 95 : i32
      %swap3A_2758 = arith.index_cast %swap3A_2757 : i32 to index
      %swap3A_2759 = arith.constant 0 : index
      %swap3A_2760 = tpu.vector_load %arg12[%swap3A_2758, %swap3A_2759] {strides = array<i32>} : memref<128x264xf32, #tpu.memory_space<vmem>>, vector<16xf32>,
      tpu.vector_store %arg12[%swap3A_2758, %swap3A_2759], %sub3A_2756 {strides = array<i32>} : memref<128x264xf32, #tpu.memory_space<vmem>>, vector<16xf32>,
      %broadcast_in_dim3A_2761 = arith.constant 95 : i32
      %broadcast_in_dim3A_2762 = vector.broadcast %broadcast_in_dim3A_2761 : i32 to vector<16xi32>
      tpu.vector_store_idx %arg16[%broadcast_in_dim3A_2762, %iota3A], %sub3A_2756 masked %lt3A_4 : memref<128x8xf32, #tpu.memory_space<vmem>>[vector<16xi32>, vector<16xi32>], vector<16xf32>, vector<16xi1>
      %get3A_2763 = arith.constant 96 : i32
      %get3A_2764 = arith.index_cast %get3A_2763 : i32 to index
      %get3A_2765 = arith.constant 0 : index
      %get3A_2766 = tpu.vector_load %arg12[%get3A_2764, %get3A_2765] {strides = array<i32>} : memref<128x264xf32, #tpu.memory_space<vmem>>, vector<16xf32>,
      %sub3A_2767 = arith.subf %get3A_2766, %select_n3A_1685 : vector<16xf32>
      %swap3A_2768 = arith.constant 96 : i32
      %swap3A_2769 = arith.index_cast %swap3A_2768 : i32 to index
      %swap3A_2770 = arith.constant 0 : index
      %swap3A_2771 = tpu.vector_load %arg12[%swap3A_2769, %swap3A_2770] {strides = array<i32>} : memref<128x264xf32, #tpu.memory_space<vmem>>, vector<16xf32>,
      tpu.vector_store %arg12[%swap3A_2769, %swap3A_2770], %sub3A_2767 {strides = array<i32>} : memref<128x264xf32, #tpu.memory_space<vmem>>, vector<16xf32>,
      %broadcast_in_dim3A_2772 = arith.constant 96 : i32
      %broadcast_in_dim3A_2773 = vector.broadcast %broadcast_in_dim3A_2772 : i32 to vector<16xi32>
      tpu.vector_store_idx %arg16[%broadcast_in_dim3A_2773, %iota3A], %sub3A_2767 masked %lt3A_4 : memref<128x8xf32, #tpu.memory_space<vmem>>[vector<16xi32>, vector<16xi32>], vector<16xf32>, vector<16xi1>
      %get3A_2774 = arith.constant 97 : i32
      %get3A_2775 = arith.index_cast %get3A_2774 : i32 to index
      %get3A_2776 = arith.constant 0 : index
      %get3A_2777 = tpu.vector_load %arg12[%get3A_2775, %get3A_2776] {strides = array<i32>} : memref<128x264xf32, #tpu.memory_space<vmem>>, vector<16xf32>,
      %sub3A_2778 = arith.subf %get3A_2777, %select_n3A_1685 : vector<16xf32>
      %swap3A_2779 = arith.constant 97 : i32
      %swap3A_2780 = arith.index_cast %swap3A_2779 : i32 to index
      %swap3A_2781 = arith.constant 0 : index
      %swap3A_2782 = tpu.vector_load %arg12[%swap3A_2780, %swap3A_2781] {strides = array<i32>} : memref<128x264xf32, #tpu.memory_space<vmem>>, vector<16xf32>,
      tpu.vector_store %arg12[%swap3A_2780, %swap3A_2781], %sub3A_2778 {strides = array<i32>} : memref<128x264xf32, #tpu.memory_space<vmem>>, vector<16xf32>,
      %broadcast_in_dim3A_2783 = arith.constant 97 : i32
      %broadcast_in_dim3A_2784 = vector.broadcast %broadcast_in_dim3A_2783 : i32 to vector<16xi32>
      tpu.vector_store_idx %arg16[%broadcast_in_dim3A_2784, %iota3A], %sub3A_2778 masked %lt3A_4 : memref<128x8xf32, #tpu.memory_space<vmem>>[vector<16xi32>, vector<16xi32>], vector<16xf32>, vector<16xi1>
      %get3A_2785 = arith.constant 98 : i32
      %get3A_2786 = arith.index_cast %get3A_2785 : i32 to index
      %get3A_2787 = arith.constant 0 : index
      %get3A_2788 = tpu.vector_load %arg12[%get3A_2786, %get3A_2787] {strides = array<i32>} : memref<128x264xf32, #tpu.memory_space<vmem>>, vector<16xf32>,
      %sub3A_2789 = arith.subf %get3A_2788, %select_n3A_1685 : vector<16xf32>
      %swap3A_2790 = arith.constant 98 : i32
      %swap3A_2791 = arith.index_cast %swap3A_2790 : i32 to index
      %swap3A_2792 = arith.constant 0 : index
      %swap3A_2793 = tpu.vector_load %arg12[%swap3A_2791, %swap3A_2792] {strides = array<i32>} : memref<128x264xf32, #tpu.memory_space<vmem>>, vector<16xf32>,
      tpu.vector_store %arg12[%swap3A_2791, %swap3A_2792], %sub3A_2789 {strides = array<i32>} : memref<128x264xf32, #tpu.memory_space<vmem>>, vector<16xf32>,
      %broadcast_in_dim3A_2794 = arith.constant 98 : i32
      %broadcast_in_dim3A_2795 = vector.broadcast %broadcast_in_dim3A_2794 : i32 to vector<16xi32>
      tpu.vector_store_idx %arg16[%broadcast_in_dim3A_2795, %iota3A], %sub3A_2789 masked %lt3A_4 : memref<128x8xf32, #tpu.memory_space<vmem>>[vector<16xi32>, vector<16xi32>], vector<16xf32>, vector<16xi1>
      %get3A_2796 = arith.constant 99 : i32
      %get3A_2797 = arith.index_cast %get3A_2796 : i32 to index
      %get3A_2798 = arith.constant 0 : index
      %get3A_2799 = tpu.vector_load %arg12[%get3A_2797, %get3A_2798] {strides = array<i32>} : memref<128x264xf32, #tpu.memory_space<vmem>>, vector<16xf32>,
      %sub3A_2800 = arith.subf %get3A_2799, %select_n3A_1685 : vector<16xf32>
      %swap3A_2801 = arith.constant 99 : i32
      %swap3A_2802 = arith.index_cast %swap3A_2801 : i32 to index
      %swap3A_2803 = arith.constant 0 : index
      %swap3A_2804 = tpu.vector_load %arg12[%swap3A_2802, %swap3A_2803] {strides = array<i32>} : memref<128x264xf32, #tpu.memory_space<vmem>>, vector<16xf32>,
      tpu.vector_store %arg12[%swap3A_2802, %swap3A_2803], %sub3A_2800 {strides = array<i32>} : memref<128x264xf32, #tpu.memory_space<vmem>>, vector<16xf32>,
      %broadcast_in_dim3A_2805 = arith.constant 99 : i32
      %broadcast_in_dim3A_2806 = vector.broadcast %broadcast_in_dim3A_2805 : i32 to vector<16xi32>
      tpu.vector_store_idx %arg16[%broadcast_in_dim3A_2806, %iota3A], %sub3A_2800 masked %lt3A_4 : memref<128x8xf32, #tpu.memory_space<vmem>>[vector<16xi32>, vector<16xi32>], vector<16xf32>, vector<16xi1>
      %get3A_2807 = arith.constant 100 : i32
      %get3A_2808 = arith.index_cast %get3A_2807 : i32 to index
      %get3A_2809 = arith.constant 0 : index
      %get3A_2810 = tpu.vector_load %arg12[%get3A_2808, %get3A_2809] {strides = array<i32>} : memref<128x264xf32, #tpu.memory_space<vmem>>, vector<16xf32>,
      %sub3A_2811 = arith.subf %get3A_2810, %select_n3A_1685 : vector<16xf32>
      %swap3A_2812 = arith.constant 100 : i32
      %swap3A_2813 = arith.index_cast %swap3A_2812 : i32 to index
      %swap3A_2814 = arith.constant 0 : index
      %swap3A_2815 = tpu.vector_load %arg12[%swap3A_2813, %swap3A_2814] {strides = array<i32>} : memref<128x264xf32, #tpu.memory_space<vmem>>, vector<16xf32>,
      tpu.vector_store %arg12[%swap3A_2813, %swap3A_2814], %sub3A_2811 {strides = array<i32>} : memref<128x264xf32, #tpu.memory_space<vmem>>, vector<16xf32>,
      %broadcast_in_dim3A_2816 = arith.constant 100 : i32
      %broadcast_in_dim3A_2817 = vector.broadcast %broadcast_in_dim3A_2816 : i32 to vector<16xi32>
      tpu.vector_store_idx %arg16[%broadcast_in_dim3A_2817, %iota3A], %sub3A_2811 masked %lt3A_4 : memref<128x8xf32, #tpu.memory_space<vmem>>[vector<16xi32>, vector<16xi32>], vector<16xf32>, vector<16xi1>
      %get3A_2818 = arith.constant 101 : i32
      %get3A_2819 = arith.index_cast %get3A_2818 : i32 to index
      %get3A_2820 = arith.constant 0 : index
      %get3A_2821 = tpu.vector_load %arg12[%get3A_2819, %get3A_2820] {strides = array<i32>} : memref<128x264xf32, #tpu.memory_space<vmem>>, vector<16xf32>,
      %sub3A_2822 = arith.subf %get3A_2821, %select_n3A_1685 : vector<16xf32>
      %swap3A_2823 = arith.constant 101 : i32
      %swap3A_2824 = arith.index_cast %swap3A_2823 : i32 to index
      %swap3A_2825 = arith.constant 0 : index
      %swap3A_2826 = tpu.vector_load %arg12[%swap3A_2824, %swap3A_2825] {strides = array<i32>} : memref<128x264xf32, #tpu.memory_space<vmem>>, vector<16xf32>,
      tpu.vector_store %arg12[%swap3A_2824, %swap3A_2825], %sub3A_2822 {strides = array<i32>} : memref<128x264xf32, #tpu.memory_space<vmem>>, vector<16xf32>,
      %broadcast_in_dim3A_2827 = arith.constant 101 : i32
      %broadcast_in_dim3A_2828 = vector.broadcast %broadcast_in_dim3A_2827 : i32 to vector<16xi32>
      tpu.vector_store_idx %arg16[%broadcast_in_dim3A_2828, %iota3A], %sub3A_2822 masked %lt3A_4 : memref<128x8xf32, #tpu.memory_space<vmem>>[vector<16xi32>, vector<16xi32>], vector<16xf32>, vector<16xi1>
      %get3A_2829 = arith.constant 102 : i32
      %get3A_2830 = arith.index_cast %get3A_2829 : i32 to index
      %get3A_2831 = arith.constant 0 : index
      %get3A_2832 = tpu.vector_load %arg12[%get3A_2830, %get3A_2831] {strides = array<i32>} : memref<128x264xf32, #tpu.memory_space<vmem>>, vector<16xf32>,
      %sub3A_2833 = arith.subf %get3A_2832, %select_n3A_1685 : vector<16xf32>
      %swap3A_2834 = arith.constant 102 : i32
      %swap3A_2835 = arith.index_cast %swap3A_2834 : i32 to index
      %swap3A_2836 = arith.constant 0 : index
      %swap3A_2837 = tpu.vector_load %arg12[%swap3A_2835, %swap3A_2836] {strides = array<i32>} : memref<128x264xf32, #tpu.memory_space<vmem>>, vector<16xf32>,
      tpu.vector_store %arg12[%swap3A_2835, %swap3A_2836], %sub3A_2833 {strides = array<i32>} : memref<128x264xf32, #tpu.memory_space<vmem>>, vector<16xf32>,
      %broadcast_in_dim3A_2838 = arith.constant 102 : i32
      %broadcast_in_dim3A_2839 = vector.broadcast %broadcast_in_dim3A_2838 : i32 to vector<16xi32>
      tpu.vector_store_idx %arg16[%broadcast_in_dim3A_2839, %iota3A], %sub3A_2833 masked %lt3A_4 : memref<128x8xf32, #tpu.memory_space<vmem>>[vector<16xi32>, vector<16xi32>], vector<16xf32>, vector<16xi1>
      %get3A_2840 = arith.constant 103 : i32
      %get3A_2841 = arith.index_cast %get3A_2840 : i32 to index
      %get3A_2842 = arith.constant 0 : index
      %get3A_2843 = tpu.vector_load %arg12[%get3A_2841, %get3A_2842] {strides = array<i32>} : memref<128x264xf32, #tpu.memory_space<vmem>>, vector<16xf32>,
      %sub3A_2844 = arith.subf %get3A_2843, %select_n3A_1685 : vector<16xf32>
      %swap3A_2845 = arith.constant 103 : i32
      %swap3A_2846 = arith.index_cast %swap3A_2845 : i32 to index
      %swap3A_2847 = arith.constant 0 : index
      %swap3A_2848 = tpu.vector_load %arg12[%swap3A_2846, %swap3A_2847] {strides = array<i32>} : memref<128x264xf32, #tpu.memory_space<vmem>>, vector<16xf32>,
      tpu.vector_store %arg12[%swap3A_2846, %swap3A_2847], %sub3A_2844 {strides = array<i32>} : memref<128x264xf32, #tpu.memory_space<vmem>>, vector<16xf32>,
      %broadcast_in_dim3A_2849 = arith.constant 103 : i32
      %broadcast_in_dim3A_2850 = vector.broadcast %broadcast_in_dim3A_2849 : i32 to vector<16xi32>
      tpu.vector_store_idx %arg16[%broadcast_in_dim3A_2850, %iota3A], %sub3A_2844 masked %lt3A_4 : memref<128x8xf32, #tpu.memory_space<vmem>>[vector<16xi32>, vector<16xi32>], vector<16xf32>, vector<16xi1>
      %get3A_2851 = arith.constant 104 : i32
      %get3A_2852 = arith.index_cast %get3A_2851 : i32 to index
      %get3A_2853 = arith.constant 0 : index
      %get3A_2854 = tpu.vector_load %arg12[%get3A_2852, %get3A_2853] {strides = array<i32>} : memref<128x264xf32, #tpu.memory_space<vmem>>, vector<16xf32>,
      %sub3A_2855 = arith.subf %get3A_2854, %select_n3A_1692 : vector<16xf32>
      %swap3A_2856 = arith.constant 104 : i32
      %swap3A_2857 = arith.index_cast %swap3A_2856 : i32 to index
      %swap3A_2858 = arith.constant 0 : index
      %swap3A_2859 = tpu.vector_load %arg12[%swap3A_2857, %swap3A_2858] {strides = array<i32>} : memref<128x264xf32, #tpu.memory_space<vmem>>, vector<16xf32>,
      tpu.vector_store %arg12[%swap3A_2857, %swap3A_2858], %sub3A_2855 {strides = array<i32>} : memref<128x264xf32, #tpu.memory_space<vmem>>, vector<16xf32>,
      %broadcast_in_dim3A_2860 = arith.constant 104 : i32
      %broadcast_in_dim3A_2861 = vector.broadcast %broadcast_in_dim3A_2860 : i32 to vector<16xi32>
      tpu.vector_store_idx %arg16[%broadcast_in_dim3A_2861, %iota3A], %sub3A_2855 masked %lt3A_4 : memref<128x8xf32, #tpu.memory_space<vmem>>[vector<16xi32>, vector<16xi32>], vector<16xf32>, vector<16xi1>
      %get3A_2862 = arith.constant 105 : i32
      %get3A_2863 = arith.index_cast %get3A_2862 : i32 to index
      %get3A_2864 = arith.constant 0 : index
      %get3A_2865 = tpu.vector_load %arg12[%get3A_2863, %get3A_2864] {strides = array<i32>} : memref<128x264xf32, #tpu.memory_space<vmem>>, vector<16xf32>,
      %sub3A_2866 = arith.subf %get3A_2865, %select_n3A_1692 : vector<16xf32>
      %swap3A_2867 = arith.constant 105 : i32
      %swap3A_2868 = arith.index_cast %swap3A_2867 : i32 to index
      %swap3A_2869 = arith.constant 0 : index
      %swap3A_2870 = tpu.vector_load %arg12[%swap3A_2868, %swap3A_2869] {strides = array<i32>} : memref<128x264xf32, #tpu.memory_space<vmem>>, vector<16xf32>,
      tpu.vector_store %arg12[%swap3A_2868, %swap3A_2869], %sub3A_2866 {strides = array<i32>} : memref<128x264xf32, #tpu.memory_space<vmem>>, vector<16xf32>,
      %broadcast_in_dim3A_2871 = arith.constant 105 : i32
      %broadcast_in_dim3A_2872 = vector.broadcast %broadcast_in_dim3A_2871 : i32 to vector<16xi32>
      tpu.vector_store_idx %arg16[%broadcast_in_dim3A_2872, %iota3A], %sub3A_2866 masked %lt3A_4 : memref<128x8xf32, #tpu.memory_space<vmem>>[vector<16xi32>, vector<16xi32>], vector<16xf32>, vector<16xi1>
      %get3A_2873 = arith.constant 106 : i32
      %get3A_2874 = arith.index_cast %get3A_2873 : i32 to index
      %get3A_2875 = arith.constant 0 : index
      %get3A_2876 = tpu.vector_load %arg12[%get3A_2874, %get3A_2875] {strides = array<i32>} : memref<128x264xf32, #tpu.memory_space<vmem>>, vector<16xf32>,
      %sub3A_2877 = arith.subf %get3A_2876, %select_n3A_1692 : vector<16xf32>
      %swap3A_2878 = arith.constant 106 : i32
      %swap3A_2879 = arith.index_cast %swap3A_2878 : i32 to index
      %swap3A_2880 = arith.constant 0 : index
      %swap3A_2881 = tpu.vector_load %arg12[%swap3A_2879, %swap3A_2880] {strides = array<i32>} : memref<128x264xf32, #tpu.memory_space<vmem>>, vector<16xf32>,
      tpu.vector_store %arg12[%swap3A_2879, %swap3A_2880], %sub3A_2877 {strides = array<i32>} : memref<128x264xf32, #tpu.memory_space<vmem>>, vector<16xf32>,
      %broadcast_in_dim3A_2882 = arith.constant 106 : i32
      %broadcast_in_dim3A_2883 = vector.broadcast %broadcast_in_dim3A_2882 : i32 to vector<16xi32>
      tpu.vector_store_idx %arg16[%broadcast_in_dim3A_2883, %iota3A], %sub3A_2877 masked %lt3A_4 : memref<128x8xf32, #tpu.memory_space<vmem>>[vector<16xi32>, vector<16xi32>], vector<16xf32>, vector<16xi1>
      %get3A_2884 = arith.constant 107 : i32
      %get3A_2885 = arith.index_cast %get3A_2884 : i32 to index
      %get3A_2886 = arith.constant 0 : index
      %get3A_2887 = tpu.vector_load %arg12[%get3A_2885, %get3A_2886] {strides = array<i32>} : memref<128x264xf32, #tpu.memory_space<vmem>>, vector<16xf32>,
      %sub3A_2888 = arith.subf %get3A_2887, %select_n3A_1692 : vector<16xf32>
      %swap3A_2889 = arith.constant 107 : i32
      %swap3A_2890 = arith.index_cast %swap3A_2889 : i32 to index
      %swap3A_2891 = arith.constant 0 : index
      %swap3A_2892 = tpu.vector_load %arg12[%swap3A_2890, %swap3A_2891] {strides = array<i32>} : memref<128x264xf32, #tpu.memory_space<vmem>>, vector<16xf32>,
      tpu.vector_store %arg12[%swap3A_2890, %swap3A_2891], %sub3A_2888 {strides = array<i32>} : memref<128x264xf32, #tpu.memory_space<vmem>>, vector<16xf32>,
      %broadcast_in_dim3A_2893 = arith.constant 107 : i32
      %broadcast_in_dim3A_2894 = vector.broadcast %broadcast_in_dim3A_2893 : i32 to vector<16xi32>
      tpu.vector_store_idx %arg16[%broadcast_in_dim3A_2894, %iota3A], %sub3A_2888 masked %lt3A_4 : memref<128x8xf32, #tpu.memory_space<vmem>>[vector<16xi32>, vector<16xi32>], vector<16xf32>, vector<16xi1>
      %get3A_2895 = arith.constant 108 : i32
      %get3A_2896 = arith.index_cast %get3A_2895 : i32 to index
      %get3A_2897 = arith.constant 0 : index
      %get3A_2898 = tpu.vector_load %arg12[%get3A_2896, %get3A_2897] {strides = array<i32>} : memref<128x264xf32, #tpu.memory_space<vmem>>, vector<16xf32>,
      %sub3A_2899 = arith.subf %get3A_2898, %select_n3A_1692 : vector<16xf32>
      %swap3A_2900 = arith.constant 108 : i32
      %swap3A_2901 = arith.index_cast %swap3A_2900 : i32 to index
      %swap3A_2902 = arith.constant 0 : index
      %swap3A_2903 = tpu.vector_load %arg12[%swap3A_2901, %swap3A_2902] {strides = array<i32>} : memref<128x264xf32, #tpu.memory_space<vmem>>, vector<16xf32>,
      tpu.vector_store %arg12[%swap3A_2901, %swap3A_2902], %sub3A_2899 {strides = array<i32>} : memref<128x264xf32, #tpu.memory_space<vmem>>, vector<16xf32>,
      %broadcast_in_dim3A_2904 = arith.constant 108 : i32
      %broadcast_in_dim3A_2905 = vector.broadcast %broadcast_in_dim3A_2904 : i32 to vector<16xi32>
      tpu.vector_store_idx %arg16[%broadcast_in_dim3A_2905, %iota3A], %sub3A_2899 masked %lt3A_4 : memref<128x8xf32, #tpu.memory_space<vmem>>[vector<16xi32>, vector<16xi32>], vector<16xf32>, vector<16xi1>
      %get3A_2906 = arith.constant 109 : i32
      %get3A_2907 = arith.index_cast %get3A_2906 : i32 to index
      %get3A_2908 = arith.constant 0 : index
      %get3A_2909 = tpu.vector_load %arg12[%get3A_2907, %get3A_2908] {strides = array<i32>} : memref<128x264xf32, #tpu.memory_space<vmem>>, vector<16xf32>,
      %sub3A_2910 = arith.subf %get3A_2909, %select_n3A_1692 : vector<16xf32>
      %swap3A_2911 = arith.constant 109 : i32
      %swap3A_2912 = arith.index_cast %swap3A_2911 : i32 to index
      %swap3A_2913 = arith.constant 0 : index
      %swap3A_2914 = tpu.vector_load %arg12[%swap3A_2912, %swap3A_2913] {strides = array<i32>} : memref<128x264xf32, #tpu.memory_space<vmem>>, vector<16xf32>,
      tpu.vector_store %arg12[%swap3A_2912, %swap3A_2913], %sub3A_2910 {strides = array<i32>} : memref<128x264xf32, #tpu.memory_space<vmem>>, vector<16xf32>,
      %broadcast_in_dim3A_2915 = arith.constant 109 : i32
      %broadcast_in_dim3A_2916 = vector.broadcast %broadcast_in_dim3A_2915 : i32 to vector<16xi32>
      tpu.vector_store_idx %arg16[%broadcast_in_dim3A_2916, %iota3A], %sub3A_2910 masked %lt3A_4 : memref<128x8xf32, #tpu.memory_space<vmem>>[vector<16xi32>, vector<16xi32>], vector<16xf32>, vector<16xi1>
      %get3A_2917 = arith.constant 110 : i32
      %get3A_2918 = arith.index_cast %get3A_2917 : i32 to index
      %get3A_2919 = arith.constant 0 : index
      %get3A_2920 = tpu.vector_load %arg12[%get3A_2918, %get3A_2919] {strides = array<i32>} : memref<128x264xf32, #tpu.memory_space<vmem>>, vector<16xf32>,
      %sub3A_2921 = arith.subf %get3A_2920, %select_n3A_1692 : vector<16xf32>
      %swap3A_2922 = arith.constant 110 : i32
      %swap3A_2923 = arith.index_cast %swap3A_2922 : i32 to index
      %swap3A_2924 = arith.constant 0 : index
      %swap3A_2925 = tpu.vector_load %arg12[%swap3A_2923, %swap3A_2924] {strides = array<i32>} : memref<128x264xf32, #tpu.memory_space<vmem>>, vector<16xf32>,
      tpu.vector_store %arg12[%swap3A_2923, %swap3A_2924], %sub3A_2921 {strides = array<i32>} : memref<128x264xf32, #tpu.memory_space<vmem>>, vector<16xf32>,
      %broadcast_in_dim3A_2926 = arith.constant 110 : i32
      %broadcast_in_dim3A_2927 = vector.broadcast %broadcast_in_dim3A_2926 : i32 to vector<16xi32>
      tpu.vector_store_idx %arg16[%broadcast_in_dim3A_2927, %iota3A], %sub3A_2921 masked %lt3A_4 : memref<128x8xf32, #tpu.memory_space<vmem>>[vector<16xi32>, vector<16xi32>], vector<16xf32>, vector<16xi1>
      %get3A_2928 = arith.constant 111 : i32
      %get3A_2929 = arith.index_cast %get3A_2928 : i32 to index
      %get3A_2930 = arith.constant 0 : index
      %get3A_2931 = tpu.vector_load %arg12[%get3A_2929, %get3A_2930] {strides = array<i32>} : memref<128x264xf32, #tpu.memory_space<vmem>>, vector<16xf32>,
      %sub3A_2932 = arith.subf %get3A_2931, %select_n3A_1692 : vector<16xf32>
      %swap3A_2933 = arith.constant 111 : i32
      %swap3A_2934 = arith.index_cast %swap3A_2933 : i32 to index
      %swap3A_2935 = arith.constant 0 : index
      %swap3A_2936 = tpu.vector_load %arg12[%swap3A_2934, %swap3A_2935] {strides = array<i32>} : memref<128x264xf32, #tpu.memory_space<vmem>>, vector<16xf32>,
      tpu.vector_store %arg12[%swap3A_2934, %swap3A_2935], %sub3A_2932 {strides = array<i32>} : memref<128x264xf32, #tpu.memory_space<vmem>>, vector<16xf32>,
      %broadcast_in_dim3A_2937 = arith.constant 111 : i32
      %broadcast_in_dim3A_2938 = vector.broadcast %broadcast_in_dim3A_2937 : i32 to vector<16xi32>
      tpu.vector_store_idx %arg16[%broadcast_in_dim3A_2938, %iota3A], %sub3A_2932 masked %lt3A_4 : memref<128x8xf32, #tpu.memory_space<vmem>>[vector<16xi32>, vector<16xi32>], vector<16xf32>, vector<16xi1>
      %get3A_2939 = arith.constant 112 : i32
      %get3A_2940 = arith.index_cast %get3A_2939 : i32 to index
      %get3A_2941 = arith.constant 0 : index
      %get3A_2942 = tpu.vector_load %arg12[%get3A_2940, %get3A_2941] {strides = array<i32>} : memref<128x264xf32, #tpu.memory_space<vmem>>, vector<16xf32>,
      %sub3A_2943 = arith.subf %get3A_2942, %select_n3A_1699 : vector<16xf32>
      %swap3A_2944 = arith.constant 112 : i32
      %swap3A_2945 = arith.index_cast %swap3A_2944 : i32 to index
      %swap3A_2946 = arith.constant 0 : index
      %swap3A_2947 = tpu.vector_load %arg12[%swap3A_2945, %swap3A_2946] {strides = array<i32>} : memref<128x264xf32, #tpu.memory_space<vmem>>, vector<16xf32>,
      tpu.vector_store %arg12[%swap3A_2945, %swap3A_2946], %sub3A_2943 {strides = array<i32>} : memref<128x264xf32, #tpu.memory_space<vmem>>, vector<16xf32>,
      %broadcast_in_dim3A_2948 = arith.constant 112 : i32
      %broadcast_in_dim3A_2949 = vector.broadcast %broadcast_in_dim3A_2948 : i32 to vector<16xi32>
      tpu.vector_store_idx %arg16[%broadcast_in_dim3A_2949, %iota3A], %sub3A_2943 masked %lt3A_4 : memref<128x8xf32, #tpu.memory_space<vmem>>[vector<16xi32>, vector<16xi32>], vector<16xf32>, vector<16xi1>
      %get3A_2950 = arith.constant 113 : i32
      %get3A_2951 = arith.index_cast %get3A_2950 : i32 to index
      %get3A_2952 = arith.constant 0 : index
      %get3A_2953 = tpu.vector_load %arg12[%get3A_2951, %get3A_2952] {strides = array<i32>} : memref<128x264xf32, #tpu.memory_space<vmem>>, vector<16xf32>,
      %sub3A_2954 = arith.subf %get3A_2953, %select_n3A_1699 : vector<16xf32>
      %swap3A_2955 = arith.constant 113 : i32
      %swap3A_2956 = arith.index_cast %swap3A_2955 : i32 to index
      %swap3A_2957 = arith.constant 0 : index
      %swap3A_2958 = tpu.vector_load %arg12[%swap3A_2956, %swap3A_2957] {strides = array<i32>} : memref<128x264xf32, #tpu.memory_space<vmem>>, vector<16xf32>,
      tpu.vector_store %arg12[%swap3A_2956, %swap3A_2957], %sub3A_2954 {strides = array<i32>} : memref<128x264xf32, #tpu.memory_space<vmem>>, vector<16xf32>,
      %broadcast_in_dim3A_2959 = arith.constant 113 : i32
      %broadcast_in_dim3A_2960 = vector.broadcast %broadcast_in_dim3A_2959 : i32 to vector<16xi32>
      tpu.vector_store_idx %arg16[%broadcast_in_dim3A_2960, %iota3A], %sub3A_2954 masked %lt3A_4 : memref<128x8xf32, #tpu.memory_space<vmem>>[vector<16xi32>, vector<16xi32>], vector<16xf32>, vector<16xi1>
      %get3A_2961 = arith.constant 114 : i32
      %get3A_2962 = arith.index_cast %get3A_2961 : i32 to index
      %get3A_2963 = arith.constant 0 : index
      %get3A_2964 = tpu.vector_load %arg12[%get3A_2962, %get3A_2963] {strides = array<i32>} : memref<128x264xf32, #tpu.memory_space<vmem>>, vector<16xf32>,
      %sub3A_2965 = arith.subf %get3A_2964, %select_n3A_1699 : vector<16xf32>
      %swap3A_2966 = arith.constant 114 : i32
      %swap3A_2967 = arith.index_cast %swap3A_2966 : i32 to index
      %swap3A_2968 = arith.constant 0 : index
      %swap3A_2969 = tpu.vector_load %arg12[%swap3A_2967, %swap3A_2968] {strides = array<i32>} : memref<128x264xf32, #tpu.memory_space<vmem>>, vector<16xf32>,
      tpu.vector_store %arg12[%swap3A_2967, %swap3A_2968], %sub3A_2965 {strides = array<i32>} : memref<128x264xf32, #tpu.memory_space<vmem>>, vector<16xf32>,
      %broadcast_in_dim3A_2970 = arith.constant 114 : i32
      %broadcast_in_dim3A_2971 = vector.broadcast %broadcast_in_dim3A_2970 : i32 to vector<16xi32>
      tpu.vector_store_idx %arg16[%broadcast_in_dim3A_2971, %iota3A], %sub3A_2965 masked %lt3A_4 : memref<128x8xf32, #tpu.memory_space<vmem>>[vector<16xi32>, vector<16xi32>], vector<16xf32>, vector<16xi1>
      %get3A_2972 = arith.constant 115 : i32
      %get3A_2973 = arith.index_cast %get3A_2972 : i32 to index
      %get3A_2974 = arith.constant 0 : index
      %get3A_2975 = tpu.vector_load %arg12[%get3A_2973, %get3A_2974] {strides = array<i32>} : memref<128x264xf32, #tpu.memory_space<vmem>>, vector<16xf32>,
      %sub3A_2976 = arith.subf %get3A_2975, %select_n3A_1699 : vector<16xf32>
      %swap3A_2977 = arith.constant 115 : i32
      %swap3A_2978 = arith.index_cast %swap3A_2977 : i32 to index
      %swap3A_2979 = arith.constant 0 : index
      %swap3A_2980 = tpu.vector_load %arg12[%swap3A_2978, %swap3A_2979] {strides = array<i32>} : memref<128x264xf32, #tpu.memory_space<vmem>>, vector<16xf32>,
      tpu.vector_store %arg12[%swap3A_2978, %swap3A_2979], %sub3A_2976 {strides = array<i32>} : memref<128x264xf32, #tpu.memory_space<vmem>>, vector<16xf32>,
      %broadcast_in_dim3A_2981 = arith.constant 115 : i32
      %broadcast_in_dim3A_2982 = vector.broadcast %broadcast_in_dim3A_2981 : i32 to vector<16xi32>
      tpu.vector_store_idx %arg16[%broadcast_in_dim3A_2982, %iota3A], %sub3A_2976 masked %lt3A_4 : memref<128x8xf32, #tpu.memory_space<vmem>>[vector<16xi32>, vector<16xi32>], vector<16xf32>, vector<16xi1>
      %get3A_2983 = arith.constant 116 : i32
      %get3A_2984 = arith.index_cast %get3A_2983 : i32 to index
      %get3A_2985 = arith.constant 0 : index
      %get3A_2986 = tpu.vector_load %arg12[%get3A_2984, %get3A_2985] {strides = array<i32>} : memref<128x264xf32, #tpu.memory_space<vmem>>, vector<16xf32>,
      %sub3A_2987 = arith.subf %get3A_2986, %select_n3A_1699 : vector<16xf32>
      %swap3A_2988 = arith.constant 116 : i32
      %swap3A_2989 = arith.index_cast %swap3A_2988 : i32 to index
      %swap3A_2990 = arith.constant 0 : index
      %swap3A_2991 = tpu.vector_load %arg12[%swap3A_2989, %swap3A_2990] {strides = array<i32>} : memref<128x264xf32, #tpu.memory_space<vmem>>, vector<16xf32>,
      tpu.vector_store %arg12[%swap3A_2989, %swap3A_2990], %sub3A_2987 {strides = array<i32>} : memref<128x264xf32, #tpu.memory_space<vmem>>, vector<16xf32>,
      %broadcast_in_dim3A_2992 = arith.constant 116 : i32
      %broadcast_in_dim3A_2993 = vector.broadcast %broadcast_in_dim3A_2992 : i32 to vector<16xi32>
      tpu.vector_store_idx %arg16[%broadcast_in_dim3A_2993, %iota3A], %sub3A_2987 masked %lt3A_4 : memref<128x8xf32, #tpu.memory_space<vmem>>[vector<16xi32>, vector<16xi32>], vector<16xf32>, vector<16xi1>
      %get3A_2994 = arith.constant 117 : i32
      %get3A_2995 = arith.index_cast %get3A_2994 : i32 to index
      %get3A_2996 = arith.constant 0 : index
      %get3A_2997 = tpu.vector_load %arg12[%get3A_2995, %get3A_2996] {strides = array<i32>} : memref<128x264xf32, #tpu.memory_space<vmem>>, vector<16xf32>,
      %sub3A_2998 = arith.subf %get3A_2997, %select_n3A_1699 : vector<16xf32>
      %swap3A_2999 = arith.constant 117 : i32
      %swap3A_3000 = arith.index_cast %swap3A_2999 : i32 to index
      %swap3A_3001 = arith.constant 0 : index
      %swap3A_3002 = tpu.vector_load %arg12[%swap3A_3000, %swap3A_3001] {strides = array<i32>} : memref<128x264xf32, #tpu.memory_space<vmem>>, vector<16xf32>,
      tpu.vector_store %arg12[%swap3A_3000, %swap3A_3001], %sub3A_2998 {strides = array<i32>} : memref<128x264xf32, #tpu.memory_space<vmem>>, vector<16xf32>,
      %broadcast_in_dim3A_3003 = arith.constant 117 : i32
      %broadcast_in_dim3A_3004 = vector.broadcast %broadcast_in_dim3A_3003 : i32 to vector<16xi32>
      tpu.vector_store_idx %arg16[%broadcast_in_dim3A_3004, %iota3A], %sub3A_2998 masked %lt3A_4 : memref<128x8xf32, #tpu.memory_space<vmem>>[vector<16xi32>, vector<16xi32>], vector<16xf32>, vector<16xi1>
      %get3A_3005 = arith.constant 118 : i32
      %get3A_3006 = arith.index_cast %get3A_3005 : i32 to index
      %get3A_3007 = arith.constant 0 : index
      %get3A_3008 = tpu.vector_load %arg12[%get3A_3006, %get3A_3007] {strides = array<i32>} : memref<128x264xf32, #tpu.memory_space<vmem>>, vector<16xf32>,
      %sub3A_3009 = arith.subf %get3A_3008, %select_n3A_1699 : vector<16xf32>
      %swap3A_3010 = arith.constant 118 : i32
      %swap3A_3011 = arith.index_cast %swap3A_3010 : i32 to index
      %swap3A_3012 = arith.constant 0 : index
      %swap3A_3013 = tpu.vector_load %arg12[%swap3A_3011, %swap3A_3012] {strides = array<i32>} : memref<128x264xf32, #tpu.memory_space<vmem>>, vector<16xf32>,
      tpu.vector_store %arg12[%swap3A_3011, %swap3A_3012], %sub3A_3009 {strides = array<i32>} : memref<128x264xf32, #tpu.memory_space<vmem>>, vector<16xf32>,
      %broadcast_in_dim3A_3014 = arith.constant 118 : i32
      %broadcast_in_dim3A_3015 = vector.broadcast %broadcast_in_dim3A_3014 : i32 to vector<16xi32>
      tpu.vector_store_idx %arg16[%broadcast_in_dim3A_3015, %iota3A], %sub3A_3009 masked %lt3A_4 : memref<128x8xf32, #tpu.memory_space<vmem>>[vector<16xi32>, vector<16xi32>], vector<16xf32>, vector<16xi1>
      %get3A_3016 = arith.constant 119 : i32
      %get3A_3017 = arith.index_cast %get3A_3016 : i32 to index
      %get3A_3018 = arith.constant 0 : index
      %get3A_3019 = tpu.vector_load %arg12[%get3A_3017, %get3A_3018] {strides = array<i32>} : memref<128x264xf32, #tpu.memory_space<vmem>>, vector<16xf32>,
      %sub3A_3020 = arith.subf %get3A_3019, %select_n3A_1699 : vector<16xf32>
      %swap3A_3021 = arith.constant 119 : i32
      %swap3A_3022 = arith.index_cast %swap3A_3021 : i32 to index
      %swap3A_3023 = arith.constant 0 : index
      %swap3A_3024 = tpu.vector_load %arg12[%swap3A_3022, %swap3A_3023] {strides = array<i32>} : memref<128x264xf32, #tpu.memory_space<vmem>>, vector<16xf32>,
      tpu.vector_store %arg12[%swap3A_3022, %swap3A_3023], %sub3A_3020 {strides = array<i32>} : memref<128x264xf32, #tpu.memory_space<vmem>>, vector<16xf32>,
      %broadcast_in_dim3A_3025 = arith.constant 119 : i32
      %broadcast_in_dim3A_3026 = vector.broadcast %broadcast_in_dim3A_3025 : i32 to vector<16xi32>
      tpu.vector_store_idx %arg16[%broadcast_in_dim3A_3026, %iota3A], %sub3A_3020 masked %lt3A_4 : memref<128x8xf32, #tpu.memory_space<vmem>>[vector<16xi32>, vector<16xi32>], vector<16xf32>, vector<16xi1>
      %get3A_3027 = arith.constant 120 : i32
      %get3A_3028 = arith.index_cast %get3A_3027 : i32 to index
      %get3A_3029 = arith.constant 0 : index
      %get3A_3030 = tpu.vector_load %arg12[%get3A_3028, %get3A_3029] {strides = array<i32>} : memref<128x264xf32, #tpu.memory_space<vmem>>, vector<16xf32>,
      %sub3A_3031 = arith.subf %get3A_3030, %select_n3A_1706 : vector<16xf32>
      %swap3A_3032 = arith.constant 120 : i32
      %swap3A_3033 = arith.index_cast %swap3A_3032 : i32 to index
      %swap3A_3034 = arith.constant 0 : index
      %swap3A_3035 = tpu.vector_load %arg12[%swap3A_3033, %swap3A_3034] {strides = array<i32>} : memref<128x264xf32, #tpu.memory_space<vmem>>, vector<16xf32>,
      tpu.vector_store %arg12[%swap3A_3033, %swap3A_3034], %sub3A_3031 {strides = array<i32>} : memref<128x264xf32, #tpu.memory_space<vmem>>, vector<16xf32>,
      %broadcast_in_dim3A_3036 = arith.constant 120 : i32
      %broadcast_in_dim3A_3037 = vector.broadcast %broadcast_in_dim3A_3036 : i32 to vector<16xi32>
      tpu.vector_store_idx %arg16[%broadcast_in_dim3A_3037, %iota3A], %sub3A_3031 masked %lt3A_4 : memref<128x8xf32, #tpu.memory_space<vmem>>[vector<16xi32>, vector<16xi32>], vector<16xf32>, vector<16xi1>
      %get3A_3038 = arith.constant 121 : i32
      %get3A_3039 = arith.index_cast %get3A_3038 : i32 to index
      %get3A_3040 = arith.constant 0 : index
      %get3A_3041 = tpu.vector_load %arg12[%get3A_3039, %get3A_3040] {strides = array<i32>} : memref<128x264xf32, #tpu.memory_space<vmem>>, vector<16xf32>,
      %sub3A_3042 = arith.subf %get3A_3041, %select_n3A_1706 : vector<16xf32>
      %swap3A_3043 = arith.constant 121 : i32
      %swap3A_3044 = arith.index_cast %swap3A_3043 : i32 to index
      %swap3A_3045 = arith.constant 0 : index
      %swap3A_3046 = tpu.vector_load %arg12[%swap3A_3044, %swap3A_3045] {strides = array<i32>} : memref<128x264xf32, #tpu.memory_space<vmem>>, vector<16xf32>,
      tpu.vector_store %arg12[%swap3A_3044, %swap3A_3045], %sub3A_3042 {strides = array<i32>} : memref<128x264xf32, #tpu.memory_space<vmem>>, vector<16xf32>,
      %broadcast_in_dim3A_3047 = arith.constant 121 : i32
      %broadcast_in_dim3A_3048 = vector.broadcast %broadcast_in_dim3A_3047 : i32 to vector<16xi32>
      tpu.vector_store_idx %arg16[%broadcast_in_dim3A_3048, %iota3A], %sub3A_3042 masked %lt3A_4 : memref<128x8xf32, #tpu.memory_space<vmem>>[vector<16xi32>, vector<16xi32>], vector<16xf32>, vector<16xi1>
      %get3A_3049 = arith.constant 122 : i32
      %get3A_3050 = arith.index_cast %get3A_3049 : i32 to index
      %get3A_3051 = arith.constant 0 : index
      %get3A_3052 = tpu.vector_load %arg12[%get3A_3050, %get3A_3051] {strides = array<i32>} : memref<128x264xf32, #tpu.memory_space<vmem>>, vector<16xf32>,
      %sub3A_3053 = arith.subf %get3A_3052, %select_n3A_1706 : vector<16xf32>
      %swap3A_3054 = arith.constant 122 : i32
      %swap3A_3055 = arith.index_cast %swap3A_3054 : i32 to index
      %swap3A_3056 = arith.constant 0 : index
      %swap3A_3057 = tpu.vector_load %arg12[%swap3A_3055, %swap3A_3056] {strides = array<i32>} : memref<128x264xf32, #tpu.memory_space<vmem>>, vector<16xf32>,
      tpu.vector_store %arg12[%swap3A_3055, %swap3A_3056], %sub3A_3053 {strides = array<i32>} : memref<128x264xf32, #tpu.memory_space<vmem>>, vector<16xf32>,
      %broadcast_in_dim3A_3058 = arith.constant 122 : i32
      %broadcast_in_dim3A_3059 = vector.broadcast %broadcast_in_dim3A_3058 : i32 to vector<16xi32>
      tpu.vector_store_idx %arg16[%broadcast_in_dim3A_3059, %iota3A], %sub3A_3053 masked %lt3A_4 : memref<128x8xf32, #tpu.memory_space<vmem>>[vector<16xi32>, vector<16xi32>], vector<16xf32>, vector<16xi1>
      %get3A_3060 = arith.constant 123 : i32
      %get3A_3061 = arith.index_cast %get3A_3060 : i32 to index
      %get3A_3062 = arith.constant 0 : index
      %get3A_3063 = tpu.vector_load %arg12[%get3A_3061, %get3A_3062] {strides = array<i32>} : memref<128x264xf32, #tpu.memory_space<vmem>>, vector<16xf32>,
      %sub3A_3064 = arith.subf %get3A_3063, %select_n3A_1706 : vector<16xf32>
      %swap3A_3065 = arith.constant 123 : i32
      %swap3A_3066 = arith.index_cast %swap3A_3065 : i32 to index
      %swap3A_3067 = arith.constant 0 : index
      %swap3A_3068 = tpu.vector_load %arg12[%swap3A_3066, %swap3A_3067] {strides = array<i32>} : memref<128x264xf32, #tpu.memory_space<vmem>>, vector<16xf32>,
      tpu.vector_store %arg12[%swap3A_3066, %swap3A_3067], %sub3A_3064 {strides = array<i32>} : memref<128x264xf32, #tpu.memory_space<vmem>>, vector<16xf32>,
      %broadcast_in_dim3A_3069 = arith.constant 123 : i32
      %broadcast_in_dim3A_3070 = vector.broadcast %broadcast_in_dim3A_3069 : i32 to vector<16xi32>
      tpu.vector_store_idx %arg16[%broadcast_in_dim3A_3070, %iota3A], %sub3A_3064 masked %lt3A_4 : memref<128x8xf32, #tpu.memory_space<vmem>>[vector<16xi32>, vector<16xi32>], vector<16xf32>, vector<16xi1>
      %get3A_3071 = arith.constant 124 : i32
      %get3A_3072 = arith.index_cast %get3A_3071 : i32 to index
      %get3A_3073 = arith.constant 0 : index
      %get3A_3074 = tpu.vector_load %arg12[%get3A_3072, %get3A_3073] {strides = array<i32>} : memref<128x264xf32, #tpu.memory_space<vmem>>, vector<16xf32>,
      %sub3A_3075 = arith.subf %get3A_3074, %select_n3A_1706 : vector<16xf32>
      %swap3A_3076 = arith.constant 124 : i32
      %swap3A_3077 = arith.index_cast %swap3A_3076 : i32 to index
      %swap3A_3078 = arith.constant 0 : index
      %swap3A_3079 = tpu.vector_load %arg12[%swap3A_3077, %swap3A_3078] {strides = array<i32>} : memref<128x264xf32, #tpu.memory_space<vmem>>, vector<16xf32>,
      tpu.vector_store %arg12[%swap3A_3077, %swap3A_3078], %sub3A_3075 {strides = array<i32>} : memref<128x264xf32, #tpu.memory_space<vmem>>, vector<16xf32>,
      %broadcast_in_dim3A_3080 = arith.constant 124 : i32
      %broadcast_in_dim3A_3081 = vector.broadcast %broadcast_in_dim3A_3080 : i32 to vector<16xi32>
      tpu.vector_store_idx %arg16[%broadcast_in_dim3A_3081, %iota3A], %sub3A_3075 masked %lt3A_4 : memref<128x8xf32, #tpu.memory_space<vmem>>[vector<16xi32>, vector<16xi32>], vector<16xf32>, vector<16xi1>
      %get3A_3082 = arith.constant 125 : i32
      %get3A_3083 = arith.index_cast %get3A_3082 : i32 to index
      %get3A_3084 = arith.constant 0 : index
      %get3A_3085 = tpu.vector_load %arg12[%get3A_3083, %get3A_3084] {strides = array<i32>} : memref<128x264xf32, #tpu.memory_space<vmem>>, vector<16xf32>,
      %sub3A_3086 = arith.subf %get3A_3085, %select_n3A_1706 : vector<16xf32>
      %swap3A_3087 = arith.constant 125 : i32
      %swap3A_3088 = arith.index_cast %swap3A_3087 : i32 to index
      %swap3A_3089 = arith.constant 0 : index
      %swap3A_3090 = tpu.vector_load %arg12[%swap3A_3088, %swap3A_3089] {strides = array<i32>} : memref<128x264xf32, #tpu.memory_space<vmem>>, vector<16xf32>,
      tpu.vector_store %arg12[%swap3A_3088, %swap3A_3089], %sub3A_3086 {strides = array<i32>} : memref<128x264xf32, #tpu.memory_space<vmem>>, vector<16xf32>,
      %broadcast_in_dim3A_3091 = arith.constant 125 : i32
      %broadcast_in_dim3A_3092 = vector.broadcast %broadcast_in_dim3A_3091 : i32 to vector<16xi32>
      tpu.vector_store_idx %arg16[%broadcast_in_dim3A_3092, %iota3A], %sub3A_3086 masked %lt3A_4 : memref<128x8xf32, #tpu.memory_space<vmem>>[vector<16xi32>, vector<16xi32>], vector<16xf32>, vector<16xi1>
      %get3A_3093 = arith.constant 126 : i32
      %get3A_3094 = arith.index_cast %get3A_3093 : i32 to index
      %get3A_3095 = arith.constant 0 : index
      %get3A_3096 = tpu.vector_load %arg12[%get3A_3094, %get3A_3095] {strides = array<i32>} : memref<128x264xf32, #tpu.memory_space<vmem>>, vector<16xf32>,
      %sub3A_3097 = arith.subf %get3A_3096, %select_n3A_1706 : vector<16xf32>
      %swap3A_3098 = arith.constant 126 : i32
      %swap3A_3099 = arith.index_cast %swap3A_3098 : i32 to index
      %swap3A_3100 = arith.constant 0 : index
      %swap3A_3101 = tpu.vector_load %arg12[%swap3A_3099, %swap3A_3100] {strides = array<i32>} : memref<128x264xf32, #tpu.memory_space<vmem>>, vector<16xf32>,
      tpu.vector_store %arg12[%swap3A_3099, %swap3A_3100], %sub3A_3097 {strides = array<i32>} : memref<128x264xf32, #tpu.memory_space<vmem>>, vector<16xf32>,
      %broadcast_in_dim3A_3102 = arith.constant 126 : i32
      %broadcast_in_dim3A_3103 = vector.broadcast %broadcast_in_dim3A_3102 : i32 to vector<16xi32>
      tpu.vector_store_idx %arg16[%broadcast_in_dim3A_3103, %iota3A], %sub3A_3097 masked %lt3A_4 : memref<128x8xf32, #tpu.memory_space<vmem>>[vector<16xi32>, vector<16xi32>], vector<16xf32>, vector<16xi1>
      %get3A_3104 = arith.constant 127 : i32
      %get3A_3105 = arith.index_cast %get3A_3104 : i32 to index
      %get3A_3106 = arith.constant 0 : index
      %get3A_3107 = tpu.vector_load %arg12[%get3A_3105, %get3A_3106] {strides = array<i32>} : memref<128x264xf32, #tpu.memory_space<vmem>>, vector<16xf32>,
      %sub3A_3108 = arith.subf %get3A_3107, %select_n3A_1706 : vector<16xf32>
      %swap3A_3109 = arith.constant 127 : i32
      %swap3A_3110 = arith.index_cast %swap3A_3109 : i32 to index
      %swap3A_3111 = arith.constant 0 : index
      %swap3A_3112 = tpu.vector_load %arg12[%swap3A_3110, %swap3A_3111] {strides = array<i32>} : memref<128x264xf32, #tpu.memory_space<vmem>>, vector<16xf32>,
      tpu.vector_store %arg12[%swap3A_3110, %swap3A_3111], %sub3A_3108 {strides = array<i32>} : memref<128x264xf32, #tpu.memory_space<vmem>>, vector<16xf32>,
      %broadcast_in_dim3A_3113 = arith.constant 127 : i32
      %broadcast_in_dim3A_3114 = vector.broadcast %broadcast_in_dim3A_3113 : i32 to vector<16xi32>
      tpu.vector_store_idx %arg16[%broadcast_in_dim3A_3114, %iota3A], %sub3A_3108 masked %lt3A_4 : memref<128x8xf32, #tpu.memory_space<vmem>>[vector<16xi32>, vector<16xi32>], vector<16xf32>, vector<16xi1>
      %dma_start3A_3115 = arith.constant 0 : i32
      %dma_start3A_3116 = arith.constant 0 : i32
      %dma_start3A_3117 = tpu.memref_slice %arg12[%dma_start3A_3115, %dma_start3A_3116] : memref<128x264xf32, #tpu.memory_space<vmem>> -> memref<128x128xf32, #tpu.memory_space<vmem>>
      %dma_start3A_3118 = arith.constant 0 : i32
      %dma_start3A_3119 = tpu.memref_slice %arg5[%mul3A_1591, %dma_start3A_3118] : memref<32768x128xf32, #tpu.memory_space<hbm>> -> memref<128x128xf32, #tpu.memory_space<hbm>>
      %dma_start3A_3120 = arith.constant 0 : i32
      %dma_start3A_3121 = tpu.memref_slice %arg5[%mul3A_1591, %dma_start3A_3120] : memref<32768x128xf32, #tpu.memory_space<hbm>> -> memref<128x128xf32, #tpu.memory_space<hbm>>
      %dma_start3A_3122 = arith.constant 0 : i32
      %dma_start3A_3123 = arith.constant 0 : i32
      %dma_start3A_3124 = tpu.memref_slice %arg12[%dma_start3A_3122, %dma_start3A_3123] : memref<128x264xf32, #tpu.memory_space<vmem>> -> memref<128x128xf32, #tpu.memory_space<vmem>>
      tpu.enqueue_dma source(%dma_start3A_3124 : memref<128x128xf32, #tpu.memory_space<vmem>>) target(%dma_start3A_3121 : memref<128x128xf32, #tpu.memory_space<hbm>>) target_semaphore(%arg20 : memref<!tpu.dma_semaphore, #tpu.memory_space<semaphore_mem>>)
      %dma_start3A_3125 = arith.constant 0 : i32
      %dma_start3A_3126 = arith.constant 128 : i32
      %dma_start3A_3127 = tpu.memref_slice %arg12[%dma_start3A_3125, %dma_start3A_3126] : memref<128x264xf32, #tpu.memory_space<vmem>> -> memref<128x128xf32, #tpu.memory_space<vmem>>
      %dma_start3A_3128 = arith.constant 0 : i32
      %dma_start3A_3129 = tpu.memref_slice %arg6[%mul3A_1591, %dma_start3A_3128] : memref<32768x128xf32, #tpu.memory_space<hbm>> -> memref<128x128xf32, #tpu.memory_space<hbm>>
      %dma_start3A_3130 = arith.constant 0 : i32
      %dma_start3A_3131 = tpu.memref_slice %arg6[%mul3A_1591, %dma_start3A_3130] : memref<32768x128xf32, #tpu.memory_space<hbm>> -> memref<128x128xf32, #tpu.memory_space<hbm>>
      %dma_start3A_3132 = arith.constant 0 : i32
      %dma_start3A_3133 = arith.constant 128 : i32
      %dma_start3A_3134 = tpu.memref_slice %arg12[%dma_start3A_3132, %dma_start3A_3133] : memref<128x264xf32, #tpu.memory_space<vmem>> -> memref<128x128xf32, #tpu.memory_space<vmem>>
      tpu.enqueue_dma source(%dma_start3A_3134 : memref<128x128xf32, #tpu.memory_space<vmem>>) target(%dma_start3A_3131 : memref<128x128xf32, #tpu.memory_space<hbm>>) target_semaphore(%arg20 : memref<!tpu.dma_semaphore, #tpu.memory_space<semaphore_mem>>)
      %dma_start3A_3135 = arith.constant 0 : i32
      %dma_start3A_3136 = arith.constant 256 : i32
      %dma_start3A_3137 = tpu.memref_slice %arg12[%dma_start3A_3135, %dma_start3A_3136] : memref<128x264xf32, #tpu.memory_space<vmem>> -> memref<128x8xf32, #tpu.memory_space<vmem>>
      %dma_start3A_3138 = arith.constant 0 : i32
      %dma_start3A_3139 = tpu.memref_slice %arg7[%mul3A_1591, %dma_start3A_3138] : memref<32768x8xf32, #tpu.memory_space<hbm>> -> memref<128x8xf32, #tpu.memory_space<hbm>>
      %dma_start3A_3140 = arith.constant 0 : i32
      %dma_start3A_3141 = tpu.memref_slice %arg7[%mul3A_1591, %dma_start3A_3140] : memref<32768x8xf32, #tpu.memory_space<hbm>> -> memref<128x8xf32, #tpu.memory_space<hbm>>
      %dma_start3A_3142 = arith.constant 0 : i32
      %dma_start3A_3143 = arith.constant 256 : i32
      %dma_start3A_3144 = tpu.memref_slice %arg12[%dma_start3A_3142, %dma_start3A_3143] : memref<128x264xf32, #tpu.memory_space<vmem>> -> memref<128x8xf32, #tpu.memory_space<vmem>>
      tpu.enqueue_dma source(%dma_start3A_3144 : memref<128x8xf32, #tpu.memory_space<vmem>>) target(%dma_start3A_3141 : memref<128x8xf32, #tpu.memory_space<hbm>>) target_semaphore(%arg20 : memref<!tpu.dma_semaphore, #tpu.memory_space<semaphore_mem>>)
      %dma_start3A_3145 = arith.constant 0 : i32
      %dma_start3A_3146 = tpu.memref_slice %arg8[%mul3A_1591, %dma_start3A_3145] : memref<32768x8xf32, #tpu.memory_space<hbm>> -> memref<128x8xf32, #tpu.memory_space<hbm>>
      %dma_start3A_3147 = arith.constant 0 : i32
      %dma_start3A_3148 = tpu.memref_slice %arg8[%mul3A_1591, %dma_start3A_3147] : memref<32768x8xf32, #tpu.memory_space<hbm>> -> memref<128x8xf32, #tpu.memory_space<hbm>>
      tpu.enqueue_dma source(%arg16 : memref<128x8xf32, #tpu.memory_space<vmem>>) target(%dma_start3A_3148 : memref<128x8xf32, #tpu.memory_space<hbm>>) target_semaphore(%arg20 : memref<!tpu.dma_semaphore, #tpu.memory_space<semaphore_mem>>)
      %dma_wait3A_3149 = arith.constant 0 : i32
      %dma_wait3A_3150 = arith.constant 0 : i32
      %dma_wait3A_3151 = tpu.memref_slice %arg11[%dma_wait3A_3149, %dma_wait3A_3150] : memref<128x264xf32, #tpu.memory_space<vmem>> -> memref<128x128xf32, #tpu.memory_space<vmem>>
      %dma_wait3A_3152 = arith.constant 0 : i32
      %dma_wait3A_3153 = tpu.memref_slice %arg5[%mul3A_36, %dma_wait3A_3152] : memref<32768x128xf32, #tpu.memory_space<hbm>> -> memref<128x128xf32, #tpu.memory_space<hbm>>
      %dma_wait3A_3154 = arith.constant 0 : i32
      %dma_wait3A_3155 = tpu.memref_slice %arg5[%mul3A_36, %dma_wait3A_3154] : memref<32768x128xf32, #tpu.memory_space<hbm>> -> memref<128x128xf32, #tpu.memory_space<hbm>>
      %dma_wait3A_3156 = arith.constant 0 : i32
      %dma_wait3A_3157 = arith.constant 0 : i32
      %dma_wait3A_3158 = tpu.memref_slice %arg11[%dma_wait3A_3156, %dma_wait3A_3157] : memref<128x264xf32, #tpu.memory_space<vmem>> -> memref<128x128xf32, #tpu.memory_space<vmem>>
      tpu.wait_dma2 semaphore(%arg19 : memref<!tpu.dma_semaphore, #tpu.memory_space<semaphore_mem>>) src(%dma_wait3A_3158 : memref<128x128xf32, #tpu.memory_space<vmem>>) dst(%dma_wait3A_3155 : memref<128x128xf32, #tpu.memory_space<hbm>>)
      %dma_wait3A_3159 = arith.constant 0 : i32
      %dma_wait3A_3160 = arith.constant 128 : i32
      %dma_wait3A_3161 = tpu.memref_slice %arg11[%dma_wait3A_3159, %dma_wait3A_3160] : memref<128x264xf32, #tpu.memory_space<vmem>> -> memref<128x128xf32, #tpu.memory_space<vmem>>
      %dma_wait3A_3162 = arith.constant 0 : i32
      %dma_wait3A_3163 = tpu.memref_slice %arg6[%mul3A_36, %dma_wait3A_3162] : memref<32768x128xf32, #tpu.memory_space<hbm>> -> memref<128x128xf32, #tpu.memory_space<hbm>>
      %dma_wait3A_3164 = arith.constant 0 : i32
      %dma_wait3A_3165 = tpu.memref_slice %arg6[%mul3A_36, %dma_wait3A_3164] : memref<32768x128xf32, #tpu.memory_space<hbm>> -> memref<128x128xf32, #tpu.memory_space<hbm>>
      %dma_wait3A_3166 = arith.constant 0 : i32
      %dma_wait3A_3167 = arith.constant 128 : i32
      %dma_wait3A_3168 = tpu.memref_slice %arg11[%dma_wait3A_3166, %dma_wait3A_3167] : memref<128x264xf32, #tpu.memory_space<vmem>> -> memref<128x128xf32, #tpu.memory_space<vmem>>
      tpu.wait_dma2 semaphore(%arg19 : memref<!tpu.dma_semaphore, #tpu.memory_space<semaphore_mem>>) src(%dma_wait3A_3168 : memref<128x128xf32, #tpu.memory_space<vmem>>) dst(%dma_wait3A_3165 : memref<128x128xf32, #tpu.memory_space<hbm>>)
      %dma_wait3A_3169 = arith.constant 0 : i32
      %dma_wait3A_3170 = arith.constant 256 : i32
      %dma_wait3A_3171 = tpu.memref_slice %arg11[%dma_wait3A_3169, %dma_wait3A_3170] : memref<128x264xf32, #tpu.memory_space<vmem>> -> memref<128x8xf32, #tpu.memory_space<vmem>>
      %dma_wait3A_3172 = arith.constant 0 : i32
      %dma_wait3A_3173 = tpu.memref_slice %arg7[%mul3A_36, %dma_wait3A_3172] : memref<32768x8xf32, #tpu.memory_space<hbm>> -> memref<128x8xf32, #tpu.memory_space<hbm>>
      %dma_wait3A_3174 = arith.constant 0 : i32
      %dma_wait3A_3175 = tpu.memref_slice %arg7[%mul3A_36, %dma_wait3A_3174] : memref<32768x8xf32, #tpu.memory_space<hbm>> -> memref<128x8xf32, #tpu.memory_space<hbm>>
      %dma_wait3A_3176 = arith.constant 0 : i32
      %dma_wait3A_3177 = arith.constant 256 : i32
      %dma_wait3A_3178 = tpu.memref_slice %arg11[%dma_wait3A_3176, %dma_wait3A_3177] : memref<128x264xf32, #tpu.memory_space<vmem>> -> memref<128x8xf32, #tpu.memory_space<vmem>>
      tpu.wait_dma2 semaphore(%arg19 : memref<!tpu.dma_semaphore, #tpu.memory_space<semaphore_mem>>) src(%dma_wait3A_3178 : memref<128x8xf32, #tpu.memory_space<vmem>>) dst(%dma_wait3A_3175 : memref<128x8xf32, #tpu.memory_space<hbm>>)
      %dma_wait3A_3179 = arith.constant 0 : i32
      %dma_wait3A_3180 = tpu.memref_slice %arg8[%mul3A_36, %dma_wait3A_3179] : memref<32768x8xf32, #tpu.memory_space<hbm>> -> memref<128x8xf32, #tpu.memory_space<hbm>>
      %dma_wait3A_3181 = arith.constant 0 : i32
      %dma_wait3A_3182 = tpu.memref_slice %arg8[%mul3A_36, %dma_wait3A_3181] : memref<32768x8xf32, #tpu.memory_space<hbm>> -> memref<128x8xf32, #tpu.memory_space<hbm>>
      tpu.wait_dma2 semaphore(%arg19 : memref<!tpu.dma_semaphore, #tpu.memory_space<semaphore_mem>>) src(%arg15 : memref<128x8xf32, #tpu.memory_space<vmem>>) dst(%dma_wait3A_3182 : memref<128x8xf32, #tpu.memory_space<hbm>>)
      %dma_wait3A_3183 = arith.constant 0 : i32
      %dma_wait3A_3184 = arith.constant 0 : i32
      %dma_wait3A_3185 = tpu.memref_slice %arg12[%dma_wait3A_3183, %dma_wait3A_3184] : memref<128x264xf32, #tpu.memory_space<vmem>> -> memref<128x128xf32, #tpu.memory_space<vmem>>
      %dma_wait3A_3186 = arith.constant 0 : i32
      %dma_wait3A_3187 = tpu.memref_slice %arg5[%mul3A_1591, %dma_wait3A_3186] : memref<32768x128xf32, #tpu.memory_space<hbm>> -> memref<128x128xf32, #tpu.memory_space<hbm>>
      %dma_wait3A_3188 = arith.constant 0 : i32
      %dma_wait3A_3189 = tpu.memref_slice %arg5[%mul3A_1591, %dma_wait3A_3188] : memref<32768x128xf32, #tpu.memory_space<hbm>> -> memref<128x128xf32, #tpu.memory_space<hbm>>
      %dma_wait3A_3190 = arith.constant 0 : i32
      %dma_wait3A_3191 = arith.constant 0 : i32
      %dma_wait3A_3192 = tpu.memref_slice %arg12[%dma_wait3A_3190, %dma_wait3A_3191] : memref<128x264xf32, #tpu.memory_space<vmem>> -> memref<128x128xf32, #tpu.memory_space<vmem>>
      tpu.wait_dma2 semaphore(%arg20 : memref<!tpu.dma_semaphore, #tpu.memory_space<semaphore_mem>>) src(%dma_wait3A_3192 : memref<128x128xf32, #tpu.memory_space<vmem>>) dst(%dma_wait3A_3189 : memref<128x128xf32, #tpu.memory_space<hbm>>)
      %dma_wait3A_3193 = arith.constant 0 : i32
      %dma_wait3A_3194 = arith.constant 128 : i32
      %dma_wait3A_3195 = tpu.memref_slice %arg12[%dma_wait3A_3193, %dma_wait3A_3194] : memref<128x264xf32, #tpu.memory_space<vmem>> -> memref<128x128xf32, #tpu.memory_space<vmem>>
      %dma_wait3A_3196 = arith.constant 0 : i32
      %dma_wait3A_3197 = tpu.memref_slice %arg6[%mul3A_1591, %dma_wait3A_3196] : memref<32768x128xf32, #tpu.memory_space<hbm>> -> memref<128x128xf32, #tpu.memory_space<hbm>>
      %dma_wait3A_3198 = arith.constant 0 : i32
      %dma_wait3A_3199 = tpu.memref_slice %arg6[%mul3A_1591, %dma_wait3A_3198] : memref<32768x128xf32, #tpu.memory_space<hbm>> -> memref<128x128xf32, #tpu.memory_space<hbm>>
      %dma_wait3A_3200 = arith.constant 0 : i32
      %dma_wait3A_3201 = arith.constant 128 : i32
      %dma_wait3A_3202 = tpu.memref_slice %arg12[%dma_wait3A_3200, %dma_wait3A_3201] : memref<128x264xf32, #tpu.memory_space<vmem>> -> memref<128x128xf32, #tpu.memory_space<vmem>>
      tpu.wait_dma2 semaphore(%arg20 : memref<!tpu.dma_semaphore, #tpu.memory_space<semaphore_mem>>) src(%dma_wait3A_3202 : memref<128x128xf32, #tpu.memory_space<vmem>>) dst(%dma_wait3A_3199 : memref<128x128xf32, #tpu.memory_space<hbm>>)
      %dma_wait3A_3203 = arith.constant 0 : i32
      %dma_wait3A_3204 = arith.constant 256 : i32
      %dma_wait3A_3205 = tpu.memref_slice %arg12[%dma_wait3A_3203, %dma_wait3A_3204] : memref<128x264xf32, #tpu.memory_space<vmem>> -> memref<128x8xf32, #tpu.memory_space<vmem>>
      %dma_wait3A_3206 = arith.constant 0 : i32
      %dma_wait3A_3207 = tpu.memref_slice %arg7[%mul3A_1591, %dma_wait3A_3206] : memref<32768x8xf32, #tpu.memory_space<hbm>> -> memref<128x8xf32, #tpu.memory_space<hbm>>
      %dma_wait3A_3208 = arith.constant 0 : i32
      %dma_wait3A_3209 = tpu.memref_slice %arg7[%mul3A_1591, %dma_wait3A_3208] : memref<32768x8xf32, #tpu.memory_space<hbm>> -> memref<128x8xf32, #tpu.memory_space<hbm>>
      %dma_wait3A_3210 = arith.constant 0 : i32
      %dma_wait3A_3211 = arith.constant 256 : i32
      %dma_wait3A_3212 = tpu.memref_slice %arg12[%dma_wait3A_3210, %dma_wait3A_3211] : memref<128x264xf32, #tpu.memory_space<vmem>> -> memref<128x8xf32, #tpu.memory_space<vmem>>
      tpu.wait_dma2 semaphore(%arg20 : memref<!tpu.dma_semaphore, #tpu.memory_space<semaphore_mem>>) src(%dma_wait3A_3212 : memref<128x8xf32, #tpu.memory_space<vmem>>) dst(%dma_wait3A_3209 : memref<128x8xf32, #tpu.memory_space<hbm>>)
      %dma_wait3A_3213 = arith.constant 0 : i32
      %dma_wait3A_3214 = tpu.memref_slice %arg8[%mul3A_1591, %dma_wait3A_3213] : memref<32768x8xf32, #tpu.memory_space<hbm>> -> memref<128x8xf32, #tpu.memory_space<hbm>>
      %dma_wait3A_3215 = arith.constant 0 : i32
      %dma_wait3A_3216 = tpu.memref_slice %arg8[%mul3A_1591, %dma_wait3A_3215] : memref<32768x8xf32, #tpu.memory_space<hbm>> -> memref<128x8xf32, #tpu.memory_space<hbm>>
      tpu.wait_dma2 semaphore(%arg20 : memref<!tpu.dma_semaphore, #tpu.memory_space<semaphore_mem>>) src(%arg16 : memref<128x8xf32, #tpu.memory_space<vmem>>) dst(%dma_wait3A_3216 : memref<128x8xf32, #tpu.memory_space<hbm>>)
    }
    %scan3A_9 = arith.constant 4 : i32
    return
  }
}

module attributes {stable_mosaic.version = 14 : i64} {
  func.func @_select_body(%arg0: i32, %arg1: i32, %arg2: memref<1x1xf32, #tpu.memory_space<vmem>>, %arg3: memref<1x3x1024xf32, #tpu.memory_space<vmem>>, %arg4: memref<1x256x3xf32, #tpu.memory_space<vmem>>, %arg5: memref<1x256x8xi32, #tpu.memory_space<vmem>>, %arg6: memref<1x256x8xi32, #tpu.memory_space<vmem>>) attributes {dimension_semantics = [#tpu.dimension_semantics<parallel>, #tpu.dimension_semantics<parallel>], iteration_bounds = array<i64: 4, 4>, scalar_prefetch = 0 : i64, scratch_operands = 0 : i64, tpu.core_type = #tpu.core_type<tc>, window_params = [{pipeline_mode = #tpu.pipeline_mode<synchronous>, transform_indices = @transform_0, window_bounds = array<i64: 1, 1>}, {transform_indices = @transform_1, window_bounds = array<i64: 1, 3, 1024>}, {transform_indices = @transform_2, window_bounds = array<i64: 1, 256, 3>}, {transform_indices = @transform_3, window_bounds = array<i64: 1, 256, 8>}, {transform_indices = @transform_4, window_bounds = array<i64: 1, 256, 8>}]} {
    %get3A = arith.constant 0 : index
    %get3A_0 = arith.constant 0 : index
    %get3A_1 = vector.load %arg2[%get3A, %get3A_0] : memref<1x1xf32, #tpu.memory_space<vmem>>, vector<1x1xf32>
    %get3A_2 = arith.constant 0 : index
    %get3A_3 = arith.constant 0 : index
    %get3A_4 = arith.constant 0 : index
    %get3A_5 = vector.load %arg3[%get3A_2, %get3A_3, %get3A_4] : memref<1x3x1024xf32, #tpu.memory_space<vmem>>, vector<1x1x1024xf32>
    %get3A_6 = vector.shape_cast %get3A_5 : vector<1x1x1024xf32> to vector<1x1024xf32>
    %get3A_7 = arith.constant 0 : index
    %get3A_8 = arith.constant 1 : index
    %get3A_9 = arith.constant 0 : index
    %get3A_10 = vector.load %arg3[%get3A_7, %get3A_8, %get3A_9] : memref<1x3x1024xf32, #tpu.memory_space<vmem>>, vector<1x1x1024xf32>
    %get3A_11 = vector.shape_cast %get3A_10 : vector<1x1x1024xf32> to vector<1x1024xf32>
    %get3A_12 = arith.constant 0 : index
    %get3A_13 = arith.constant 2 : index
    %get3A_14 = arith.constant 0 : index
    %get3A_15 = vector.load %arg3[%get3A_12, %get3A_13, %get3A_14] : memref<1x3x1024xf32, #tpu.memory_space<vmem>>, vector<1x1x1024xf32>
    %get3A_16 = vector.shape_cast %get3A_15 : vector<1x1x1024xf32> to vector<1x1024xf32>
    %get3A_17 = arith.constant 0 : index
    %get3A_18 = arith.constant 0 : index
    %get3A_19 = arith.constant 0 : index
    %get3A_20 = vector.load %arg4[%get3A_17, %get3A_18, %get3A_19] : memref<1x256x3xf32, #tpu.memory_space<vmem>>, vector<1x256x3xf32>
    %get3A_21 = vector.shape_cast %get3A_20 : vector<1x256x3xf32> to vector<256x3xf32>
    %slice3A = vector.extract_strided_slice %get3A_21 {offsets = [0, 0], sizes = [256, 1], strides = [1, 1]} : vector<256x3xf32> to vector<256x1xf32>
    %sub3A = vector.broadcast %get3A_6 : vector<1x1024xf32> to vector<256x1024xf32>
    %sub3A_22 = vector.broadcast %slice3A : vector<256x1xf32> to vector<256x1024xf32>
    %sub3A_23 = arith.subf %sub3A, %sub3A_22 : vector<256x1024xf32>
    %slice3A_24 = vector.extract_strided_slice %get3A_21 {offsets = [0, 1], sizes = [256, 1], strides = [1, 1]} : vector<256x3xf32> to vector<256x1xf32>
    %sub3A_25 = vector.broadcast %get3A_11 : vector<1x1024xf32> to vector<256x1024xf32>
    %sub3A_26 = vector.broadcast %slice3A_24 : vector<256x1xf32> to vector<256x1024xf32>
    %sub3A_27 = arith.subf %sub3A_25, %sub3A_26 : vector<256x1024xf32>
    %slice3A_28 = vector.extract_strided_slice %get3A_21 {offsets = [0, 2], sizes = [256, 1], strides = [1, 1]} : vector<256x3xf32> to vector<256x1xf32>
    %sub3A_29 = vector.broadcast %get3A_16 : vector<1x1024xf32> to vector<256x1024xf32>
    %sub3A_30 = vector.broadcast %slice3A_28 : vector<256x1xf32> to vector<256x1024xf32>
    %sub3A_31 = arith.subf %sub3A_29, %sub3A_30 : vector<256x1024xf32>
    %mul3A = arith.mulf %sub3A_23, %sub3A_23 : vector<256x1024xf32>
    %mul3A_32 = arith.mulf %sub3A_27, %sub3A_27 : vector<256x1024xf32>
    %add3A = arith.addf %mul3A, %mul3A_32 : vector<256x1024xf32>
    %mul3A_33 = arith.mulf %sub3A_31, %sub3A_31 : vector<256x1024xf32>
    %add3A_34 = arith.addf %add3A, %mul3A_33 : vector<256x1024xf32>
    %iota3A = tpu.iota {dimensions = array<i32: 1>} : vector<256x1024xi32>
    %mul3A_35 = arith.constant 256 : i32
    %mul3A_36 = arith.muli %arg1, %mul3A_35 : i32
    %iota3A_37 = tpu.iota {dimensions = array<i32: 0>} : vector<256x1024xi32>
    %add3A_38 = vector.broadcast %mul3A_36 : i32 to vector<256x1024xi32>
    %add3A_39 = arith.addi %add3A_38, %iota3A_37 : vector<256x1024xi32>
    %eq3A = arith.cmpi eq, %iota3A, %add3A_39 : vector<256x1024xi32>
    %jit3A = arith.constant 1.000000e+10 : f32
    %broadcast_in_dim3A = vector.shape_cast %get3A_1 : vector<1x1xf32> to vector<1x1xf32>
    %broadcast_in_dim3A_40 = vector.broadcast %broadcast_in_dim3A : vector<1x1xf32> to vector<256x1024xf32>
    %broadcast_in_dim3A_41 = vector.broadcast %jit3A : f32 to vector<256x1024xf32>
    %select_n3A = arith.select %eq3A, %broadcast_in_dim3A_40, %broadcast_in_dim3A_41 : vector<256x1024xi1>, vector<256x1024xf32>
    %gt3A = arith.constant 1.000000e-10 : f32
    %gt3A_42 = vector.broadcast %gt3A : f32 to vector<256x1024xf32>
    %gt3A_43 = arith.cmpf ogt, %add3A_34, %gt3A_42 : vector<256x1024xf32>
    %lt3A = vector.broadcast %get3A_1 : vector<1x1xf32> to vector<256x1024xf32>
    %lt3A_44 = arith.cmpf olt, %add3A_34, %lt3A : vector<256x1024xf32>
    %and3A = arith.andi %gt3A_43, %lt3A_44 : vector<256x1024xi1>
    %ge3A = arith.constant 0.000000e+00 : f32
    %ge3A_45 = vector.broadcast %ge3A : f32 to vector<256x1024xf32>
    %ge3A_46 = arith.cmpf oge, %sub3A_23, %ge3A_45 : vector<256x1024xf32>
    %ge3A_47 = arith.constant 0.000000e+00 : f32
    %ge3A_48 = vector.broadcast %ge3A_47 : f32 to vector<256x1024xf32>
    %ge3A_49 = arith.cmpf oge, %sub3A_27, %ge3A_48 : vector<256x1024xf32>
    %ge3A_50 = arith.constant 0.000000e+00 : f32
    %ge3A_51 = vector.broadcast %ge3A_50 : f32 to vector<256x1024xf32>
    %ge3A_52 = arith.cmpf oge, %sub3A_31, %ge3A_51 : vector<256x1024xf32>
    %not3A = arith.constant dense<true> : vector<256x1024xi1>
    %not3A_53 = arith.xori %ge3A_46, %not3A : vector<256x1024xi1>
    %not3A_54 = arith.constant dense<true> : vector<256x1024xi1>
    %not3A_55 = arith.xori %ge3A_49, %not3A_54 : vector<256x1024xi1>
    %not3A_56 = arith.constant dense<true> : vector<256x1024xi1>
    %not3A_57 = arith.xori %ge3A_52, %not3A_56 : vector<256x1024xi1>
    %and3A_58 = arith.andi %and3A, %not3A_53 : vector<256x1024xi1>
    %and3A_59 = arith.andi %and3A, %ge3A_46 : vector<256x1024xi1>
    %and3A_60 = arith.andi %and3A_58, %not3A_55 : vector<256x1024xi1>
    %and3A_61 = arith.andi %and3A_58, %ge3A_49 : vector<256x1024xi1>
    %and3A_62 = arith.andi %and3A_59, %not3A_55 : vector<256x1024xi1>
    %and3A_63 = arith.andi %and3A_59, %ge3A_49 : vector<256x1024xi1>
    %and3A_64 = arith.andi %and3A_60, %not3A_57 : vector<256x1024xi1>
    %and3A_65 = arith.andi %and3A_60, %ge3A_52 : vector<256x1024xi1>
    %and3A_66 = arith.andi %and3A_61, %not3A_57 : vector<256x1024xi1>
    %and3A_67 = arith.andi %and3A_61, %ge3A_52 : vector<256x1024xi1>
    %and3A_68 = arith.andi %and3A_62, %not3A_57 : vector<256x1024xi1>
    %and3A_69 = arith.andi %and3A_62, %ge3A_52 : vector<256x1024xi1>
    %and3A_70 = arith.andi %and3A_63, %not3A_57 : vector<256x1024xi1>
    %and3A_71 = arith.andi %and3A_63, %ge3A_52 : vector<256x1024xi1>
    %select_n3A_72 = arith.select %and3A_64, %add3A_34, %select_n3A : vector<256x1024xi1>, vector<256x1024xf32>
    %reduce_min3A = arith.constant dense<0x7F800000> : vector<256xf32>
    %reduce_min3A_73 = vector.multi_reduction <minimumf>, %select_n3A_72, %reduce_min3A [1] : vector<256x1024xf32> to vector<256xf32>
    %broadcast_in_dim3A_74 = vector.shape_cast %reduce_min3A_73 : vector<256xf32> to vector<256x1xf32>
    %eq3A_75 = vector.broadcast %broadcast_in_dim3A_74 : vector<256x1xf32> to vector<256x1024xf32>
    %eq3A_76 = arith.cmpf oeq, %select_n3A_72, %eq3A_75 : vector<256x1024xf32>
    %jit3A_77 = arith.constant 1024 : i32
    %broadcast_in_dim3A_78 = vector.broadcast %jit3A_77 : i32 to vector<256x1024xi32>
    %select_n3A_79 = arith.select %eq3A_76, %iota3A, %broadcast_in_dim3A_78 : vector<256x1024xi1>, vector<256x1024xi32>
    %reduce_min3A_80 = arith.constant dense<2147483647> : vector<256xi32>
    %reduce_min3A_81 = vector.multi_reduction <minsi>, %select_n3A_79, %reduce_min3A_80 [1] : vector<256x1024xi32> to vector<256xi32>
    %broadcast_in_dim3A_82 = vector.shape_cast %reduce_min3A_81 : vector<256xi32> to vector<256x1xi32>
    %select_n3A_83 = arith.select %and3A_65, %add3A_34, %select_n3A : vector<256x1024xi1>, vector<256x1024xf32>
    %reduce_min3A_84 = arith.constant dense<0x7F800000> : vector<256xf32>
    %reduce_min3A_85 = vector.multi_reduction <minimumf>, %select_n3A_83, %reduce_min3A_84 [1] : vector<256x1024xf32> to vector<256xf32>
    %broadcast_in_dim3A_86 = vector.shape_cast %reduce_min3A_85 : vector<256xf32> to vector<256x1xf32>
    %eq3A_87 = vector.broadcast %broadcast_in_dim3A_86 : vector<256x1xf32> to vector<256x1024xf32>
    %eq3A_88 = arith.cmpf oeq, %select_n3A_83, %eq3A_87 : vector<256x1024xf32>
    %jit3A_89 = arith.constant 1024 : i32
    %broadcast_in_dim3A_90 = vector.broadcast %jit3A_89 : i32 to vector<256x1024xi32>
    %select_n3A_91 = arith.select %eq3A_88, %iota3A, %broadcast_in_dim3A_90 : vector<256x1024xi1>, vector<256x1024xi32>
    %reduce_min3A_92 = arith.constant dense<2147483647> : vector<256xi32>
    %reduce_min3A_93 = vector.multi_reduction <minsi>, %select_n3A_91, %reduce_min3A_92 [1] : vector<256x1024xi32> to vector<256xi32>
    %broadcast_in_dim3A_94 = vector.shape_cast %reduce_min3A_93 : vector<256xi32> to vector<256x1xi32>
    %select_n3A_95 = arith.select %and3A_66, %add3A_34, %select_n3A : vector<256x1024xi1>, vector<256x1024xf32>
    %reduce_min3A_96 = arith.constant dense<0x7F800000> : vector<256xf32>
    %reduce_min3A_97 = vector.multi_reduction <minimumf>, %select_n3A_95, %reduce_min3A_96 [1] : vector<256x1024xf32> to vector<256xf32>
    %broadcast_in_dim3A_98 = vector.shape_cast %reduce_min3A_97 : vector<256xf32> to vector<256x1xf32>
    %eq3A_99 = vector.broadcast %broadcast_in_dim3A_98 : vector<256x1xf32> to vector<256x1024xf32>
    %eq3A_100 = arith.cmpf oeq, %select_n3A_95, %eq3A_99 : vector<256x1024xf32>
    %jit3A_101 = arith.constant 1024 : i32
    %broadcast_in_dim3A_102 = vector.broadcast %jit3A_101 : i32 to vector<256x1024xi32>
    %select_n3A_103 = arith.select %eq3A_100, %iota3A, %broadcast_in_dim3A_102 : vector<256x1024xi1>, vector<256x1024xi32>
    %reduce_min3A_104 = arith.constant dense<2147483647> : vector<256xi32>
    %reduce_min3A_105 = vector.multi_reduction <minsi>, %select_n3A_103, %reduce_min3A_104 [1] : vector<256x1024xi32> to vector<256xi32>
    %broadcast_in_dim3A_106 = vector.shape_cast %reduce_min3A_105 : vector<256xi32> to vector<256x1xi32>
    %select_n3A_107 = arith.select %and3A_67, %add3A_34, %select_n3A : vector<256x1024xi1>, vector<256x1024xf32>
    %reduce_min3A_108 = arith.constant dense<0x7F800000> : vector<256xf32>
    %reduce_min3A_109 = vector.multi_reduction <minimumf>, %select_n3A_107, %reduce_min3A_108 [1] : vector<256x1024xf32> to vector<256xf32>
    %broadcast_in_dim3A_110 = vector.shape_cast %reduce_min3A_109 : vector<256xf32> to vector<256x1xf32>
    %eq3A_111 = vector.broadcast %broadcast_in_dim3A_110 : vector<256x1xf32> to vector<256x1024xf32>
    %eq3A_112 = arith.cmpf oeq, %select_n3A_107, %eq3A_111 : vector<256x1024xf32>
    %jit3A_113 = arith.constant 1024 : i32
    %broadcast_in_dim3A_114 = vector.broadcast %jit3A_113 : i32 to vector<256x1024xi32>
    %select_n3A_115 = arith.select %eq3A_112, %iota3A, %broadcast_in_dim3A_114 : vector<256x1024xi1>, vector<256x1024xi32>
    %reduce_min3A_116 = arith.constant dense<2147483647> : vector<256xi32>
    %reduce_min3A_117 = vector.multi_reduction <minsi>, %select_n3A_115, %reduce_min3A_116 [1] : vector<256x1024xi32> to vector<256xi32>
    %broadcast_in_dim3A_118 = vector.shape_cast %reduce_min3A_117 : vector<256xi32> to vector<256x1xi32>
    %select_n3A_119 = arith.select %and3A_68, %add3A_34, %select_n3A : vector<256x1024xi1>, vector<256x1024xf32>
    %reduce_min3A_120 = arith.constant dense<0x7F800000> : vector<256xf32>
    %reduce_min3A_121 = vector.multi_reduction <minimumf>, %select_n3A_119, %reduce_min3A_120 [1] : vector<256x1024xf32> to vector<256xf32>
    %broadcast_in_dim3A_122 = vector.shape_cast %reduce_min3A_121 : vector<256xf32> to vector<256x1xf32>
    %eq3A_123 = vector.broadcast %broadcast_in_dim3A_122 : vector<256x1xf32> to vector<256x1024xf32>
    %eq3A_124 = arith.cmpf oeq, %select_n3A_119, %eq3A_123 : vector<256x1024xf32>
    %jit3A_125 = arith.constant 1024 : i32
    %broadcast_in_dim3A_126 = vector.broadcast %jit3A_125 : i32 to vector<256x1024xi32>
    %select_n3A_127 = arith.select %eq3A_124, %iota3A, %broadcast_in_dim3A_126 : vector<256x1024xi1>, vector<256x1024xi32>
    %reduce_min3A_128 = arith.constant dense<2147483647> : vector<256xi32>
    %reduce_min3A_129 = vector.multi_reduction <minsi>, %select_n3A_127, %reduce_min3A_128 [1] : vector<256x1024xi32> to vector<256xi32>
    %broadcast_in_dim3A_130 = vector.shape_cast %reduce_min3A_129 : vector<256xi32> to vector<256x1xi32>
    %select_n3A_131 = arith.select %and3A_69, %add3A_34, %select_n3A : vector<256x1024xi1>, vector<256x1024xf32>
    %reduce_min3A_132 = arith.constant dense<0x7F800000> : vector<256xf32>
    %reduce_min3A_133 = vector.multi_reduction <minimumf>, %select_n3A_131, %reduce_min3A_132 [1] : vector<256x1024xf32> to vector<256xf32>
    %broadcast_in_dim3A_134 = vector.shape_cast %reduce_min3A_133 : vector<256xf32> to vector<256x1xf32>
    %eq3A_135 = vector.broadcast %broadcast_in_dim3A_134 : vector<256x1xf32> to vector<256x1024xf32>
    %eq3A_136 = arith.cmpf oeq, %select_n3A_131, %eq3A_135 : vector<256x1024xf32>
    %jit3A_137 = arith.constant 1024 : i32
    %broadcast_in_dim3A_138 = vector.broadcast %jit3A_137 : i32 to vector<256x1024xi32>
    %select_n3A_139 = arith.select %eq3A_136, %iota3A, %broadcast_in_dim3A_138 : vector<256x1024xi1>, vector<256x1024xi32>
    %reduce_min3A_140 = arith.constant dense<2147483647> : vector<256xi32>
    %reduce_min3A_141 = vector.multi_reduction <minsi>, %select_n3A_139, %reduce_min3A_140 [1] : vector<256x1024xi32> to vector<256xi32>
    %broadcast_in_dim3A_142 = vector.shape_cast %reduce_min3A_141 : vector<256xi32> to vector<256x1xi32>
    %select_n3A_143 = arith.select %and3A_70, %add3A_34, %select_n3A : vector<256x1024xi1>, vector<256x1024xf32>
    %reduce_min3A_144 = arith.constant dense<0x7F800000> : vector<256xf32>
    %reduce_min3A_145 = vector.multi_reduction <minimumf>, %select_n3A_143, %reduce_min3A_144 [1] : vector<256x1024xf32> to vector<256xf32>
    %broadcast_in_dim3A_146 = vector.shape_cast %reduce_min3A_145 : vector<256xf32> to vector<256x1xf32>
    %eq3A_147 = vector.broadcast %broadcast_in_dim3A_146 : vector<256x1xf32> to vector<256x1024xf32>
    %eq3A_148 = arith.cmpf oeq, %select_n3A_143, %eq3A_147 : vector<256x1024xf32>
    %jit3A_149 = arith.constant 1024 : i32
    %broadcast_in_dim3A_150 = vector.broadcast %jit3A_149 : i32 to vector<256x1024xi32>
    %select_n3A_151 = arith.select %eq3A_148, %iota3A, %broadcast_in_dim3A_150 : vector<256x1024xi1>, vector<256x1024xi32>
    %reduce_min3A_152 = arith.constant dense<2147483647> : vector<256xi32>
    %reduce_min3A_153 = vector.multi_reduction <minsi>, %select_n3A_151, %reduce_min3A_152 [1] : vector<256x1024xi32> to vector<256xi32>
    %broadcast_in_dim3A_154 = vector.shape_cast %reduce_min3A_153 : vector<256xi32> to vector<256x1xi32>
    %select_n3A_155 = arith.select %and3A_71, %add3A_34, %select_n3A : vector<256x1024xi1>, vector<256x1024xf32>
    %reduce_min3A_156 = arith.constant dense<0x7F800000> : vector<256xf32>
    %reduce_min3A_157 = vector.multi_reduction <minimumf>, %select_n3A_155, %reduce_min3A_156 [1] : vector<256x1024xf32> to vector<256xf32>
    %broadcast_in_dim3A_158 = vector.shape_cast %reduce_min3A_157 : vector<256xf32> to vector<256x1xf32>
    %eq3A_159 = vector.broadcast %broadcast_in_dim3A_158 : vector<256x1xf32> to vector<256x1024xf32>
    %eq3A_160 = arith.cmpf oeq, %select_n3A_155, %eq3A_159 : vector<256x1024xf32>
    %jit3A_161 = arith.constant 1024 : i32
    %broadcast_in_dim3A_162 = vector.broadcast %jit3A_161 : i32 to vector<256x1024xi32>
    %select_n3A_163 = arith.select %eq3A_160, %iota3A, %broadcast_in_dim3A_162 : vector<256x1024xi1>, vector<256x1024xi32>
    %reduce_min3A_164 = arith.constant dense<2147483647> : vector<256xi32>
    %reduce_min3A_165 = vector.multi_reduction <minsi>, %select_n3A_163, %reduce_min3A_164 [1] : vector<256x1024xi32> to vector<256xi32>
    %broadcast_in_dim3A_166 = vector.shape_cast %reduce_min3A_165 : vector<256xi32> to vector<256x1xi32>
    %concatenate3A = tpu.concatenate %broadcast_in_dim3A_82, %broadcast_in_dim3A_94, %broadcast_in_dim3A_106, %broadcast_in_dim3A_118, %broadcast_in_dim3A_130, %broadcast_in_dim3A_142, %broadcast_in_dim3A_154, %broadcast_in_dim3A_166 in 1 : vector<256x1xi32>, vector<256x1xi32>, vector<256x1xi32>, vector<256x1xi32>, vector<256x1xi32>, vector<256x1xi32>, vector<256x1xi32>, vector<256x1xi32> -> vector<256x8xi32>
    %swap3A = arith.constant 0 : index
    %swap3A_167 = arith.constant 0 : index
    %swap3A_168 = arith.constant 0 : index
    %swap3A_169 = vector.load %arg5[%swap3A, %swap3A_167, %swap3A_168] : memref<1x256x8xi32, #tpu.memory_space<vmem>>, vector<1x256x8xi32>
    %swap3A_170 = vector.shape_cast %swap3A_169 : vector<1x256x8xi32> to vector<256x8xi32>
    %swap3A_171 = vector.shape_cast %concatenate3A : vector<256x8xi32> to vector<1x256x8xi32>
    tpu.vector_store %arg5[%swap3A, %swap3A_167, %swap3A_168], %swap3A_171 {strides = array<i32>} : memref<1x256x8xi32, #tpu.memory_space<vmem>>, vector<1x256x8xi32>,
    %mul3A_172 = arith.constant 1024 : i32
    %mul3A_173 = arith.muli %arg0, %mul3A_172 : i32
    %add3A_174 = vector.broadcast %mul3A_173 : i32 to vector<256x8xi32>
    %add3A_175 = arith.addi %concatenate3A, %add3A_174 : vector<256x8xi32>
    %swap3A_176 = arith.constant 0 : index
    %swap3A_177 = arith.constant 0 : index
    %swap3A_178 = arith.constant 0 : index
    %swap3A_179 = vector.load %arg6[%swap3A_176, %swap3A_177, %swap3A_178] : memref<1x256x8xi32, #tpu.memory_space<vmem>>, vector<1x256x8xi32>
    %swap3A_180 = vector.shape_cast %swap3A_179 : vector<1x256x8xi32> to vector<256x8xi32>
    %swap3A_181 = vector.shape_cast %add3A_175 : vector<256x8xi32> to vector<1x256x8xi32>
    tpu.vector_store %arg6[%swap3A_176, %swap3A_177, %swap3A_178], %swap3A_181 {strides = array<i32>} : memref<1x256x8xi32, #tpu.memory_space<vmem>>, vector<1x256x8xi32>,
    return
  }
  func.func @transform_0(%arg0: i32, %arg1: i32) -> (i32, i32) {
    %c0_i32 = arith.constant 0 : i32
    %c0_i32_0 = arith.constant 0 : i32
    %c0_i32_1 = arith.constant 0 : i32
    return %c0_i32, %c0_i32_0 : i32, i32
  }
  func.func @transform_1(%arg0: i32, %arg1: i32) -> (i32, i32, i32) {
    %c0_i32 = arith.constant 0 : i32
    %c0_i32_0 = arith.constant 0 : i32
    %c0_i32_1 = arith.constant 0 : i32
    return %arg0, %c0_i32, %c0_i32_0 : i32, i32, i32
  }
  func.func @transform_2(%arg0: i32, %arg1: i32) -> (i32, i32, i32) {
    %c0_i32 = arith.constant 0 : i32
    %c0_i32_0 = arith.constant 0 : i32
    return %arg0, %arg1, %c0_i32 : i32, i32, i32
  }
  func.func @transform_3(%arg0: i32, %arg1: i32) -> (i32, i32, i32) {
    %c0_i32 = arith.constant 0 : i32
    %c0_i32_0 = arith.constant 0 : i32
    return %arg0, %arg1, %c0_i32 : i32, i32, i32
  }
  func.func @transform_4(%arg0: i32, %arg1: i32) -> (i32, i32, i32) {
    %c0_i32 = arith.constant 0 : i32
    %c0_i32_0 = arith.constant 0 : i32
    return %arg0, %arg1, %c0_i32 : i32, i32, i32
  }
}

</mosaic_0001>

<sc_bundles>
// kernel: kernel.4.cloned.1.call-start
scs
__scs_entry_jumppad:
0x0: {  	(pc) =	sbr.rel $0x88, $3  }
0x1: {  	(tag) =	ssettag $0x0;
	lr =	simm.s32 $0x1  }
0x2: {  	[smem:$0x3F9E] =	sst lr;
	_ =	strace $0xD0000000  }
0x3: {  	_ = 	snop  }
0x4: {  	_ = 	snop  }
0x5: {  	_ = 	snop  }
0x6: {  	_ = 	snop  }
0x7: {  	_ = 	snop  }
__scs_overlays_trampoline_lowered:
0x8: {  	[smem:$0x3FAD] =	sst s0  }
0x9: {  	[smem:$0x3FAE] =	sst s1  }
0xa: {  	[smem:$0x3FAF] =	sst s2  }
0xb: {  	[smem:$0x3FB0] =	sst s3  }
0xc: {  	[smem:$0x3FB1] =	sst s4  }
0xd: {  	[smem:$0x3FB2] =	sst s5  }
0xe: {  	[smem:$0x3FB3] =	sst s6  }
0xf: {  	[smem:$0x3FB4] =	sst s7  }
0x10: {  	[smem:$0x3FB5] =	sst s8  }
0x11: {  	[smem:$0x3FB6] =	sst s9;
	s0 =	simm.s32 @!p0 $0x0  }
0x12: {  	s1 =	sld [smem:$0x3F9C];
	s0 =	simm.s32 @p0 $0x1  }
0x13: {  	[smem:$0x3FB7] =	sst s0;
	s0 =	simm.s32 @!p1 $0x0  }
0x14: {  	s2 =	sld [smem:$0x3F9B];
	s0 =	simm.s32 @p1 $0x1  }
0x15: {  	[smem:$0x3FB8] =	sst s0;
	s0 =	simm.s32 @!p2 $0x0  }
0x16: {  	s3 =	sld [smem:$0x3FDB];
	s0 =	simm.s32 @p2 $0x1  }
0x17: {  	s4 =	simm.s32 $0x1BF5;
	[smem:$0x3FBA] =	sst s0  }
0x18: {  	s0 =	sld [smem:$0x3F9D];
	_ =	swait.ge [sflag:s4], $0x0  }
0x19: {  	s7 =	sld [smem:$0x3F9E]  }
0x1a: {  	s8 =	sadd.s32 $0xFFFFE003, lr  }
0x1b: {  	s9 =	sadd.s32 $0xFFFFFEF7, lr;
	s5 =	simm.s32 $0xFFFFFFFF;
	p2 =	slt.u32 s8, $0xFFFFF086  }
0x1c: {  	p1 =	slt.u32 s9, $0xF7A;
	s5 =	simm.s32 @!p2 $0x0  }
0x1d: {  	s5 =	simm.s32 @p1 $0x1;
	p0 =	seq.s32 s7, s2  }
0x1e: {  	s7 =	smul.u32 @!p0 $0xF7A, s2;
	p2 =	seq.s32 @!p0 s5, $0x0  }
0x1f: {  	s9 =	smul.u32 $0xF7A, s1;
	s8 =	simm.s32 @!p0 $0x1BF5;
	p2 =	por !p2, p0  }
0x20: {  	[sflag:s8] =	ssyncset.s32 @!p0 $0xFFFFF086;
	s6 =	sadd.s32 @!p0 s3, s7;
	s7 =	simm.s32 @!p0 $0x108  }
0x21: {  	s3 =	sadd.s32 s3, s9;
	s6 =	sadd.s32 @!p0 $0x88, s6;
	s7 =	simm.s32 @p2 $0x1082  }
0x22: {  	[simem:s7], [sflag:s8] =	dma.local @!p0 [hbm:s6], $0xF7A  }
0x23: {  	s9 =	sor.u32 $0xD0000000, s2;
	s6 =	simm.s32 $0x108;
	_ =	swait.ge @!p0 [sflag:s8], $0x0  }
0x24: {  	s3 =	sadd.s32 $0x88, s3;
	s6 =	simm.s32 @!p1 $0x1082;
	[sflag:s4] =	ssyncset.s32 $0xFFFFF086  }
0x25: {  	[simem:s6], [sflag:s4] =	dma.local [hbm:s3], $0xF7A  }
0x26: {  	[smem:$0x3F9E] =	sst s1;
	(tag) =	ssettag s2;
	_ =	strace s9  }
0x27: {  	s1 =	sld [smem:$0x3FAE]  }
0x28: {  	s2 =	sld [smem:$0x3FAF]  }
0x29: {  	s4 =	sld [smem:$0x3FB1]  }
0x2a: {  	p0 =	seq.s32 s5, $0x0;
	s5 =	sld [smem:$0x3FB2]  }
0x2b: {  	s6 =	sld [smem:$0x3FB3]  }
0x2c: {  	s7 =	sld [smem:$0x3FB4]  }
0x2d: {  	s3 =	simm.s32 $0x108;
	s8 =	sld [smem:$0x3FB5]  }
0x2e: {  	s3 =	simm.s32 @!p0 $0x1082;
	s9 =	sld [smem:$0x3FB6]  }
0x2f: {  	lr =	sadd.s32 s0, s3;
	s0 =	sld [smem:$0x3FAD]  }
0x30: {  	s3 =	sld [smem:$0x3FB0]  }
0x31: {  	[smem:$0x3FB9] =	sst s10  }
0x32: {  	s10 =	sld [smem:$0x3FB7];
	_ =	sdelay $0x3  }
0x33: {  	p0 =	seq.s32 s10, $0x1;
	s10 =	sld [smem:$0x3FB9];
	_ =	sdelay $0x3  }
0x34: {  	[smem:$0x3FB9] =	sst s10  }
0x35: {  	s10 =	sld [smem:$0x3FB8];
	_ =	sdelay $0x3  }
0x36: {  	p1 =	seq.s32 s10, $0x1;
	s10 =	sld [smem:$0x3FB9];
	_ =	sdelay $0x3  }
0x37: {  	[smem:$0x3FB9] =	sst s10  }
0x38: {  	s10 =	sld [smem:$0x3FBA]  }
0x39: {  	_ = 	snop;
	(pc) =	sbr.ind lr, $3  }
0x3a: {  	_ = 	snop  }
0x3b: {  	_ = 	snop  }
0x3c: {  	p2 =	seq.s32 s10, $0x1;
	s10 =	sld [smem:$0x3FB9]  }
0x3d: {  	_ =	shalt  }
0x3e: {  	_ =	shalt  }
0x3f: {  	_ =	shalt  }
0x40: {  	_ =	shalt  }
0x41: {  	_ =	shalt  }
0x42: {  	_ =	shalt  }
0x43: {  	_ =	shalt  }
0x44: {  	_ =	shalt  }
0x45: {  	_ =	shalt  }
0x46: {  	_ =	shalt  }
0x47: {  	_ =	shalt  }
0x48: {  	_ =	shalt  }
0x49: {  	_ =	shalt  }
0x4a: {  	_ =	shalt  }
0x4b: {  	_ =	shalt  }
0x4c: {  	_ =	shalt  }
0x4d: {  	_ =	shalt  }
0x4e: {  	_ =	shalt  }
0x4f: {  	_ =	shalt  }
0x50: {  	_ =	shalt  }
0x51: {  	_ =	shalt  }
0x52: {  	_ =	shalt  }
0x53: {  	_ =	shalt  }
0x54: {  	_ =	shalt  }
0x55: {  	_ =	shalt  }
0x56: {  	_ =	shalt  }
0x57: {  	_ =	shalt  }
0x58: {  	_ =	shalt  }
0x59: {  	_ =	shalt  }
0x5a: {  	_ =	shalt  }
0x5b: {  	_ =	shalt  }
0x5c: {  	_ =	shalt  }
0x5d: {  	_ =	shalt  }
0x5e: {  	_ =	shalt  }
0x5f: {  	_ =	shalt  }
0x60: {  	_ =	shalt  }
0x61: {  	_ =	shalt  }
0x62: {  	_ =	shalt  }
0x63: {  	_ =	shalt  }
0x64: {  	_ =	shalt  }
0x65: {  	_ =	shalt  }
0x66: {  	_ =	shalt  }
0x67: {  	_ =	shalt  }
0x68: {  	_ =	shalt  }
0x69: {  	_ =	shalt  }
0x6a: {  	_ =	shalt  }
0x6b: {  	_ =	shalt  }
0x6c: {  	_ =	shalt  }
0x6d: {  	_ =	shalt  }
0x6e: {  	_ =	shalt  }
0x6f: {  	_ =	shalt  }
0x70: {  	_ =	shalt  }
0x71: {  	_ =	shalt  }
0x72: {  	_ =	shalt  }
0x73: {  	_ =	shalt  }
0x74: {  	_ =	shalt  }
0x75: {  	_ =	shalt  }
0x76: {  	_ =	shalt  }
0x77: {  	_ =	shalt  }
0x78: {  	_ =	shalt  }
0x79: {  	_ =	shalt  }
0x7a: {  	_ =	shalt  }
0x7b: {  	_ =	shalt  }
0x7c: {  	_ =	shalt  }
0x7d: {  	_ =	shalt  }
0x7e: {  	_ =	shalt  }
0x7f: {  	_ =	shalt  }
0x80: {  	_ =	shalt  }
0x81: {  	_ =	shalt  }
0x82: {  	_ =	shalt  }
0x83: {  	_ =	shalt  }
0x84: {  	_ =	shalt  }
0x85: {  	_ =	shalt  }
0x86: {  	_ =	shalt  }
0x87: {  	_ =	shalt  }
.Lfunc_end0:
.L_simem_size_0:
called_computation_lowered:
.L_overlay_start_0:
0x88: {  	s2 =	sld [smem:$0x3FD9]  }
0x89: {  	s3 =	sld [smem:$0x3FFE];
	_ =	sdelay $0x1  }
0x8a: {  	s1 =	srdreg.scid  }
0x8b: {  	s0 =	sand.u32 $0x1, s1  }
0x8c: {  	s14 =	sshll.u32 s0, $0xA;
	s2 =	sadd.s32 s3, s2  }
0x8d: {  	s2 =	sadd.s32 s2, s14  }
0x8e: {  	[smem:$0x3FC5] =	sst s2  }
0x8f: {  	_ = 	snop  }
0x90: {  	s2 =	sld [smem:$0x3FD0];
	_ =	sdelay $0x2  }
0x91: {  	s15 =	simm.s32 $0xA;
	s4 =	simm.s32 $0x10  }
0x92: {  	[smem:s4], [sflag:s15] =	dma.local [hbm:s2], $0x1  }
0x93: {  	_ =	swait.eq [sflag:s15], $0x1  }
0x94: {  	[sflag:s15] =	ssyncset.done $0x0  }
0x95: {  	s16 =	sld [smem:$0x10];
	[sflag:s15] =	ssyncadd.s32 $0xFFFFFFFF  }
0x96: {  	s17 =	sld [smem:$0x11];
	(tm) =	ssettm $0x1  }
0x97: {  	s18 =	sld [smem:$0x3FFB];
	_ =	sdelay $0x3  }
0x98: {  	_ =	strace s18  }
0x99: {  	s4 =	sld [smem:$0x3FFC];
	_ =	sdelay $0x3  }
0x9a: {  	_ =	strace s4  }
0x9b: {  	s4 =	sld [smem:$0x3FFD];
	_ =	sdelay $0x3  }
0x9c: {  	_ =	strace s4  }
0x9d: {  	_ =	strace $0x8FFFFFFF  }
0x9e: {  	s19 =	sld [smem:$0x3FDB];
	_ =	sdelay $0x1  }
0x9f: {  	s5 =	simm.s32 $_scs_section_size  }
0xa0: {  	s6 =	simm.s32 $_size__tile_overlayer_lowered;
	s7 =	simm.s32 $_tile_overlayer_lowered  }
0xa1: {  	s22 =	simm.s32 $0x1BFF;
	s21 =	sshll.u32 s7, $0x1;
	s4 =	sadd.s32 s5, s19  }
0xa2: {  	s8 =	simm.s32 $0x0;
	s20 =	sshll.u32 s6, $0x1;
	s6 =	sadd.s32 s21, s4  }
0xa3: {  	[timem:s8], [sflag:s22] =	dma.local [hbm:s6], s20  }
0xa4: {  	_ =	swait.ge [sflag:s22], s20  }
0xa5: {  	s5 =	ssub.s32 $0x0, s20;
	[sflag:s22] =	ssyncset.done $0x0  }
0xa6: {  	[sflag:s22] =	ssyncadd.s32 s5;
	_ =	sdelay $0x1  }
0xa7: {  	s23 =	simm.s32 $0x1B8B  }
0xa8: {  	_ =	swait.ge [sflag:s23], $0x1  }
0xa9: {  	[sflag:s23] =	ssyncset.done $0x0  }
0xaa: {  	s25 =	simm.s32 $0x1B8E;
	s24 =	sld [smem:$0x3FFE];
	[sflag:s23] =	ssyncadd.s32 $0xFFFFFFFF  }
0xab: {  	s26 =	simm.s32 $execute0_lowered;
	[smem:$0x3FD2] =	sst s25  }
0xac: {  	s6 =	sshll.u32 s26, $0x1;
	_ =	strace $0x80000046;
	[dreg:$0x1] =	wrdreg $0xFFFFFFFF  }
0xad: {  	s28 =	simm.s32 $_size_execute0_lowered;
	s4 =	sadd.s32 s4, s6;
	[dreg:$0x0] =	wrdreg $0x0  }
0xae: {  	s6 =	sshll.u32 s28, $0x1;
	[dreg:$0x2] =	wrdreg s4  }
0xaf: {  	[dreg:$0x3] =	wrdreg s6  }
0xb0: {  	[dreg:$0x4] =	wrdreg $0xC0  }
0xb1: {  	_ =	task [dreg:s8], $0x5FFFF  }
0xb2: {  	[dreg:$0x1] =	wrdreg $0xFFFFFFFF  }
0xb3: {  	[dreg:$0x0] =	wrdreg $0x60  }
0xb4: {  	[dreg:$0x2] =	wrdreg s24  }
0xb5: {  	[dreg:$0x3] =	wrdreg s16  }
0xb6: {  	[dreg:$0x4] =	wrdreg s17  }
0xb7: {  	[dreg:$0x5] =	wrdreg $0x9  }
0xb8: {  	_ =	task.clear_ibuf [dreg:s8], $0x6FFFF;
	_ =	strace $0x90000046  }
0xb9: {  	s29 =	simm.s32 $0x9;
	_ =	strace $0x80000048  }
0xba: {  	_ =	swait.ge [sflag:s29], $0x1  }
0xbb: {  	[sflag:s29] =	ssyncadd.s32 $0xFFFFFFFF  }
0xbc: {  	_ =	strace $0x90000048  }
0xbd: {  	_ =	sfence  }
0xbe: {  	s30 =	sld [smem:$0x0];
	_ =	sdelay $0x2  }
0xbf: {  	s31 =	sshll.u32 s1, $0xD;
	s1 =	sshrl.u32 s1, $0x2  }
0xc0: {  	s3 =	sand.u32 $0x4000, s31;
	s1 =	sadd.s32 s1, s30  }
0xc1: {  	s0 =	sor.u32 s3, s0;
	s1 =	sshll.u32 s1, $0x11  }
0xc2: {  	s0 =	sor.u32 s1, s0  }
0xc3: {  	s0 =	sadd.s32 $0x8F2B, s0  }
0xc4: {  	[sflag:s0] =	ssyncadd.remote.s32 $0x1  }
0xc5: {  	_ =	sfence.sel $0xFFFF  }
0xc6: {  	[dreg:$0x0] =	wrdreg $0xFFFFFFFF;
	(pc) =	sbr.abs _section_cstart, $3  }
0xc7: {  	[dreg:$0x1] =	wrdreg $0xFFFFFFFF  }
0xc8: {  	_ =	task.clear_ibuf [dreg:s8], $0x2FFFF;
	_ =	strace $0x9FFFFFFF  }
0xc9: {  	(tm) =	ssettm $0x7FFFFFFF  }
tec
execute0_lowered:
.L_overlay_start_1:
0x0: {  	(tag) =	ssettag $0x1  }
0x1: {  	v0 =	vlaneseq.u32  }
0x2: {  	v1 =	vadd.s32 $0x8, v0  }
0x3: {  	[tilespmem:$0x1FC70] =	vst v1;
	v1 =	vor.u32 $0x10, v0  }
0x4: {  	[tilespmem:$0x1FC80] =	vst v1;
	v1 =	vadd.s32 $0x28, v0  }
0x5: {  	[tilespmem:$0x1FC90] =	vst v1;
	v1 =	vor.u32 $0x30, v0  }
0x6: {  	[tilespmem:$0x1FCA0] =	vst v1;
	v1 =	vor.u32 $0x60, v0  }
0x7: {  	[tilespmem:$0x1FCB0] =	vst v1;
	v1 =	vor.u32 $0x80, v0  }
0x8: {  	[tilespmem:$0x1FCC0] =	vst v1;
	v1 =	vadd.s32 $0x88, v0  }
0x9: {  	[tilespmem:$0x1FCD0] =	vst v1;
	v1 =	vor.u32 $0x90, v0  }
0xa: {  	[tilespmem:$0x1FCE0] =	vst v1;
	v1 =	vadd.s32 $0x98, v0  }
0xb: {  	[tilespmem:$0x1FCF0] =	vst v1;
	v1 =	vor.u32 $0xA0, v0  }
0xc: {  	[tilespmem:$0x1FD00] =	vst v1;
	v1 =	vadd.s32 $0xA8, v0  }
0xd: {  	[tilespmem:$0x1FD10] =	vst v1;
	v1 =	vor.u32 $0xB0, v0  }
0xe: {  	[tilespmem:$0x1FD20] =	vst v1;
	v1 =	vadd.s32 $0xB8, v0  }
0xf: {  	[tilespmem:$0x1FD30] =	vst v1;
	v1 =	vor.u32 $0xC0, v0  }
0x10: {  	[tilespmem:$0x1FD40] =	vst v1;
	v1 =	vadd.s32 $0xC8, v0  }
0x11: {  	[tilespmem:$0x1FD50] =	vst v1;
	v1 =	vor.u32 $0xD0, v0  }
0x12: {  	[tilespmem:$0x1FD60] =	vst v1;
	v1 =	vadd.s32 $0xD8, v0  }
0x13: {  	[tilespmem:$0x1FD70] =	vst v1;
	v1 =	vor.u32 $0xE0, v0  }
0x14: {  	[tilespmem:$0x1FD80] =	vst v1;
	v1 =	vadd.s32 $0xE8, v0  }
0x15: {  	[tilespmem:$0x1FD90] =	vst v1;
	v1 =	vor.u32 $0xF0, v0  }
0x16: {  	[tilespmem:$0x1FDA0] =	vst v1;
	v1 =	vadd.s32 $0xF8, v0  }
0x17: {  	[tilespmem:$0x1FDB0] =	vst v1;
	v1 =	vor.u32 $0x100, v0  }
0x18: {  	[tilespmem:$0x1FDC0] =	vst v1;
	v1 =	vadd.s32 $0x108, v0  }
0x19: {  	[tilespmem:$0x1FDD0] =	vst v1;
	v1 =	vor.u32 $0x110, v0  }
0x1a: {  	s1 =	rddreg [dreg:$0x0];
	[tilespmem:$0x1FDE0] =	vst v1;
	v1 =	vadd.s32 $0x118, v0  }
0x1b: {  	s0 =	rddreg [dreg:$0x1];
	s3 =	simm.s32 $0x0;
	[tilespmem:$0x1FDF0] =	vst v1;
	v1 =	vor.u32 $0x120, v0  }
0x1c: {  	[smem:$0x7FF] =	sst s3;
	[tilespmem:$0x1FE00] =	vst v1;
	v1 =	vadd.s32 $0x128, v0  }
0x1d: {  	s2 =	rddreg [dreg:$0x2];
	v19 =	vor.u32 $0x20, v0;
	_ =	strace $0x80000047;
	[tilespmem:$0x1FE10] =	vst v1  }
0x1e: {  	v22 =	vor.u32 $0x50, v0;
	[tilespmem:$0x1FFC0] =	vst v19  }
0x1f: {  	v23 =	vadd.s32 $0x58, v0;
	[tilespmem:$0x1FFD0] =	vst v22  }
0x20: {  	v25 =	vadd.s32 $0x78, v0;
	[tilespmem:$0x1FFE0] =	vst v23  }
0x21: {  	v1 =	vor.u32 $0x130, v0;
	[tilespmem:$0x1FFF0] =	vst v25  }
0x22: {  	[tilespmem:$0x1FE20] =	vst v1;
	v1 =	vadd.s32 $0x138, v0  }
0x23: {  	[tilespmem:$0x1FE30] =	vst v1;
	v1 =	vor.u32 $0x140, v0  }
0x24: {  	[tilespmem:$0x1FE40] =	vst v1;
	v1 =	vadd.s32 $0x148, v0  }
0x25: {  	[tilespmem:$0x1FE50] =	vst v1;
	v1 =	vor.u32 $0x150, v0  }
0x26: {  	[tilespmem:$0x1FE60] =	vst v1;
	v1 =	vadd.s32 $0x158, v0  }
0x27: {  	[tilespmem:$0x1FE70] =	vst v1;
	v1 =	vor.u32 $0x160, v0  }
0x28: {  	[tilespmem:$0x1FE80] =	vst v1;
	v1 =	vadd.s32 $0x168, v0  }
0x29: {  	[tilespmem:$0x1FE90] =	vst v1;
	v1 =	vor.u32 $0x170, v0  }
0x2a: {  	[tilespmem:$0x1FEA0] =	vst v1;
	v1 =	vadd.s32 $0x178, v0  }
0x2b: {  	[tilespmem:$0x1FEB0] =	vst v1;
	v1 =	vor.u32 $0x180, v0  }
0x2c: {  	[tilespmem:$0x1FEC0] =	vst v1;
	v1 =	vadd.s32 $0x188, v0  }
0x2d: {  	[tilespmem:$0x1FED0] =	vst v1;
	v1 =	vor.u32 $0x190, v0  }
0x2e: {  	[tilespmem:$0x1FEE0] =	vst v1;
	v1 =	vadd.s32 $0x198, v0  }
0x2f: {  	[tilespmem:$0x1FEF0] =	vst v1;
	v1 =	vor.u32 $0x1A0, v0  }
0x30: {  	[tilespmem:$0x1FF00] =	vst v1;
	v1 =	vadd.s32 $0x1A8, v0  }
0x31: {  	[tilespmem:$0x1FF10] =	vst v1;
	v1 =	vor.u32 $0x1B0, v0  }
0x32: {  	[tilespmem:$0x1FF20] =	vst v1;
	v1 =	vadd.s32 $0x1B8, v0  }
0x33: {  	s5 =	srdreg.scid;
	s12 =	stileid.u32;
	s13 =	simm.s32 $0x10900;
	[tilespmem:$0x1FF30] =	vst v1;
	v1 =	vor.u32 $0x1C0, v0  }
0x34: {  	s14 =	simm.s32 $0x80;
	s15 =	simm.s32 $0x10A00;
	s16 =	simm.s32 $0x8500;
	[tilespmem:$0x1FF40] =	vst v1;
	v1 =	vadd.s32 $0x1C8, v0  }
0x35: {  	s17 =	simm.s32 $0x1;
	s18 =	simm.s32 $0x10B00;
	s19 =	simm.s32 $0x2;
	[tilespmem:$0x1FF50] =	vst v1;
	v1 =	vor.u32 $0x1D0, v0  }
0x36: {  	s20 =	simm.s32 $0x10F00;
	s21 =	simm.s32 $0x3;
	s22 =	simm.s32 $0x4;
	[tilespmem:$0x1FF60] =	vst v1;
	v1 =	vadd.s32 $0x1D8, v0  }
0x37: {  	s23 =	simm.s32 $0x0;
	s4 =	sadd.s32 $0x2000, s1;
	s7 =	sand.u32 $0x1, s5;
	[tilespmem:$0x1FF70] =	vst v1;
	v1 =	vor.u32 $0x1E0, v0  }
0x38: {  	s5 =	sadd.s32 $0x1000, s1;
	s6 =	sadd.s32 $0x2B000, s1;
	s9 =	ssub.s32 $0x2, s7;
	[tilespmem:$0x1FF80] =	vst v1;
	v1 =	vadd.s32 $0x1E8, v0  }
0x39: {  	vm0 =	vmmov $0x7;
	v18 =	vadd.s32 $0x18, v0;
	s8 =	sadd.s32 $0xAB000, s1;
	s31 =	sshll.u32 s12, $0x8;
	s10 =	sshrl.u32 s9, $0x1;
	[tilespmem:$0x1FF90] =	vst v1;
	v1 =	vor.u32 $0x1F0, v0  }
0x3a: {  	v16 =	vadd.s32 $0x38, v0;
	v20 =	vor.u32 $0x40, v0;
	s12 =	simm.s32 $0x5;
	s7 =	sshll.u32 s7, $0x7;
	s11 =	ssub.s32 s9, s10;
	[tilespmem:$0x1FFA0] =	vst v1;
	v1 =	vadd.s32 $0x1F8, v0  }
0x3b: {  	v21 =	vadd.s32 $0x48, v0;
	v17 =	vadd.s32 $0x68, v0;
	v24 =	vor.u32 $0x70, v0;
	s9 =	sadd.s32 $0x23000, s1;
	s10 =	sor.u32 s7, s31;
	s11 =	smax.u32 s11, $0x1;
	[tilespmem:$0x1FFB0] =	vst v1  }
.LBB2_1:
0x3c: {  	s24 =	simm.s32 $0x0  }
.LBB2_2:
0x3d: {  	s1 =	sshll.u32 s24, $0x5  }
0x3e: {  	s26 =	sor.u32 s10, s1  }
0x3f: {  	s7 =	simm.s32 $0x0;
	s1 =	sadd.s32 s5, s26  }
0x40: {  	[tilespmem:s7], [sflag:$0x5] =	stream.linear.gather [hbm4b:s1+s7], $0x80, $0x38;
	[tilespmem:$0x11300] =	vst v63  }
0x41: {  	_ =	swait.ge [sflag:s12], $0x80  }
0x42: {  	s25 =	sshll.u32 s26, $0x1;
	[sflag:s12] =	ssyncset.done $0x0  }
0x43: {  	s1 =	sadd.s32 s0, s25;
	[sflag:s12] =	ssyncadd.s32 $0xFFFFFF80  }
0x44: {  	[tilespmem:s13], [sflag:$0x5] =	stream.linear.gather [hbm4b:s1+s7], $0x100, $0x38;
	[tilespmem:$0x11300] =	vst v63  }
0x45: {  	_ =	swait.ge [sflag:s12], $0x100  }
0x46: {  	[sflag:s12] =	ssyncset.done $0x0  }
0x47: {  	s28 =	simm.s32 $0x100;
	s25 =	sor.u32 $0x10, s26;
	[sflag:s12] =	ssyncadd.s32 $0xFFFFFF00  }
0x48: {  	[tilespmem:s28], [sflag:$0x1] =	stream.indirect.gather [hbm4b:s4+s14], $0x108, s7, s14, $0xb8;
	[tilespmem:$0x11300] =	vst v63  }
0x49: {  	s1 =	sadd.s32 s5, s25  }
0x4a: {  	[tilespmem:s14], [sflag:$0x5] =	stream.linear.gather [hbm4b:s1+s7], $0x80, $0x38;
	[tilespmem:$0x11300] =	vst v63  }
0x4b: {  	_ =	swait.ge [sflag:s12], $0x80  }
0x4c: {  	s1 =	sshll.u32 s25, $0x1;
	[sflag:s12] =	ssyncset.done $0x0  }
0x4d: {  	s1 =	sadd.s32 s0, s1;
	[sflag:s12] =	ssyncadd.s32 $0xFFFFFF80  }
0x4e: {  	[tilespmem:s15], [sflag:$0x5] =	stream.linear.gather [hbm4b:s1+s7], $0x100, $0x38;
	[tilespmem:$0x11300] =	vst v63  }
0x4f: {  	_ =	swait.ge [sflag:s12], $0x100  }
0x50: {  	[sflag:s12] =	ssyncset.done $0x0  }
0x51: {  	[sflag:s12] =	ssyncadd.s32 $0xFFFFFF00  }
0x52: {  	[tilespmem:s16], [sflag:$0x2] =	stream.indirect.gather [hbm4b:s4+s14], $0x108, s14, s14, $0xb8;
	[tilespmem:$0x11300] =	vst v63  }
0x53: {  	_ =	swait.ge [sflag:s17], $0x8400  }
0x54: {  	[sflag:s17] =	ssyncset.done $0x0  }
0x55: {  	v15 =	vld [tilespmem:$0x1FC70];
	[sflag:s17] =	ssyncadd.s32 $0xFFFF7C00  }
0x56: {  	v1 =	vld [tilespmem:$0x10900]  }
0x57: {  	v10 =	vld [tilespmem:$0x10910]  }
0x58: {  	v11 =	vld [tilespmem:$0x10920]  }
0x59: {  	v12 =	vld [tilespmem:$0x10930]  }
0x5a: {  	v9 =	vld [tilespmem:$0x10940]  }
0x5b: {  	v8 =	vld [tilespmem:$0x10950]  }
0x5c: {  	v7 =	vld [tilespmem:$0x10960]  }
0x5d: {  	v6 =	vld [tilespmem:$0x10970]  }
0x5e: {  	v13 =	vld [tilespmem:$0x100]  }
0x5f: {  	v5 =	vld [tilespmem:$0x10980]  }
0x60: {  	v4 =	vld [tilespmem:$0x10990]  }
0x61: {  	v3 =	vld [tilespmem:$0x109A0]  }
0x62: {  	v2 =	vld [tilespmem:$0x109B0];
	v14 =	vnsel vm0, $0x0, v1  }
0x63: {  	v34 =	vld [tilespmem:$0x109C0];
	v13 =	vsub.f32 v13, v14  }
0x64: {  	v42 =	vld [tilespmem:$0x109D0]  }
0x65: {  	v50 =	vld [tilespmem:$0x109E0];
	[tilespmem:$0x100] =	vst v13  }
0x66: {  	v1 =	vld [tilespmem:$0x109F0];
	[tilespmem:v0+s18+$0x0] =	vst.idx.msk $0x7, v13  }
0x67: {  	v13 =	vld [tilespmem:$0x208];
	_ =	sdelay $0x4  }
0x68: {  	v13 =	vsub.f32 v13, v14;
	_ =	sdelay $0x1  }
0x69: {  	[tilespmem:$0x208] =	vst v13  }
0x6a: {  	[tilespmem:v15+s18+$0x0] =	vst.idx.msk $0x7, v13;
	v15 =	vld [tilespmem:$0x1FC80]  }
0x6b: {  	v13 =	vld [tilespmem:$0x310];
	_ =	sdelay $0x4  }
0x6c: {  	v13 =	vsub.f32 v13, v14;
	_ =	sdelay $0x1  }
0x6d: {  	[tilespmem:$0x310] =	vst v13  }
0x6e: {  	[tilespmem:v15+s18+$0x0] =	vst.idx.msk $0x7, v13  }
0x6f: {  	v13 =	vld [tilespmem:$0x418];
	_ =	sdelay $0x4  }
0x70: {  	v13 =	vsub.f32 v13, v14;
	_ =	sdelay $0x1  }
0x71: {  	[tilespmem:$0x418] =	vst v13  }
0x72: {  	[tilespmem:v18+s18+$0x0] =	vst.idx.msk $0x7, v13  }
0x73: {  	v13 =	vld [tilespmem:$0x520];
	_ =	sdelay $0x4  }
0x74: {  	v13 =	vsub.f32 v13, v14;
	_ =	sdelay $0x1  }
0x75: {  	[tilespmem:$0x520] =	vst v13  }
0x76: {  	v15 =	vld [tilespmem:$0x1FC90];
	[tilespmem:v19+s18+$0x0] =	vst.idx.msk $0x7, v13  }
0x77: {  	v13 =	vld [tilespmem:$0x628];
	_ =	sdelay $0x4  }
0x78: {  	v13 =	vsub.f32 v13, v14;
	_ =	sdelay $0x1  }
0x79: {  	[tilespmem:$0x628] =	vst v13  }
0x7a: {  	[tilespmem:v15+s18+$0x0] =	vst.idx.msk $0x7, v13;
	v15 =	vld [tilespmem:$0x1FCA0]  }
0x7b: {  	v13 =	vld [tilespmem:$0x730];
	_ =	sdelay $0x4  }
0x7c: {  	v13 =	vsub.f32 v13, v14;
	_ =	sdelay $0x1  }
0x7d: {  	[tilespmem:$0x730] =	vst v13  }
0x7e: {  	[tilespmem:v15+s18+$0x0] =	vst.idx.msk $0x7, v13  }
0x7f: {  	v13 =	vld [tilespmem:$0x838];
	_ =	sdelay $0x4  }
0x80: {  	v13 =	vsub.f32 v13, v14;
	_ =	sdelay $0x1  }
0x81: {  	[tilespmem:$0x838] =	vst v13  }
0x82: {  	[tilespmem:v16+s18+$0x0] =	vst.idx.msk $0x7, v13  }
0x83: {  	v13 =	vld [tilespmem:$0x940];
	_ =	sdelay $0x3  }
0x84: {  	v10 =	vnsel vm0, $0x0, v10  }
0x85: {  	v13 =	vsub.f32 v13, v10;
	_ =	sdelay $0x1  }
0x86: {  	[tilespmem:$0x940] =	vst v13  }
0x87: {  	[tilespmem:v20+s18+$0x0] =	vst.idx.msk $0x7, v13  }
0x88: {  	v13 =	vld [tilespmem:$0xA48];
	_ =	sdelay $0x4  }
0x89: {  	v13 =	vsub.f32 v13, v10;
	_ =	sdelay $0x1  }
0x8a: {  	[tilespmem:$0xA48] =	vst v13  }
0x8b: {  	[tilespmem:v21+s18+$0x0] =	vst.idx.msk $0x7, v13  }
0x8c: {  	v13 =	vld [tilespmem:$0xB50];
	_ =	sdelay $0x4  }
0x8d: {  	v13 =	vsub.f32 v13, v10;
	_ =	sdelay $0x1  }
0x8e: {  	[tilespmem:$0xB50] =	vst v13  }
0x8f: {  	[tilespmem:v22+s18+$0x0] =	vst.idx.msk $0x7, v13  }
0x90: {  	v13 =	vld [tilespmem:$0xC58];
	_ =	sdelay $0x4  }
0x91: {  	v13 =	vsub.f32 v13, v10;
	_ =	sdelay $0x1  }
0x92: {  	[tilespmem:$0xC58] =	vst v13  }
0x93: {  	v14 =	vld [tilespmem:$0x1FCB0];
	[tilespmem:v23+s18+$0x0] =	vst.idx.msk $0x7, v13  }
0x94: {  	v13 =	vld [tilespmem:$0xD60];
	_ =	sdelay $0x4  }
0x95: {  	v13 =	vsub.f32 v13, v10;
	_ =	sdelay $0x1  }
0x96: {  	[tilespmem:$0xD60] =	vst v13  }
0x97: {  	[tilespmem:v14+s18+$0x0] =	vst.idx.msk $0x7, v13  }
0x98: {  	v13 =	vld [tilespmem:$0xE68];
	_ =	sdelay $0x4  }
0x99: {  	v13 =	vsub.f32 v13, v10;
	_ =	sdelay $0x1  }
0x9a: {  	[tilespmem:$0xE68] =	vst v13  }
0x9b: {  	[tilespmem:v17+s18+$0x0] =	vst.idx.msk $0x7, v13  }
0x9c: {  	v13 =	vld [tilespmem:$0xF70];
	_ =	sdelay $0x4  }
0x9d: {  	v13 =	vsub.f32 v13, v10;
	_ =	sdelay $0x1  }
0x9e: {  	[tilespmem:$0xF70] =	vst v13  }
0x9f: {  	[tilespmem:v24+s18+$0x0] =	vst.idx.msk $0x7, v13  }
0xa0: {  	v13 =	vld [tilespmem:$0x1078];
	_ =	sdelay $0x4  }
0xa1: {  	v10 =	vsub.f32 v13, v10;
	_ =	sdelay $0x1  }
0xa2: {  	[tilespmem:$0x1078] =	vst v10  }
0xa3: {  	v13 =	vld [tilespmem:$0x1FCC0];
	[tilespmem:v25+s18+$0x0] =	vst.idx.msk $0x7, v10  }
0xa4: {  	v10 =	vld [tilespmem:$0x1180];
	_ =	sdelay $0x3  }
0xa5: {  	v11 =	vnsel vm0, $0x0, v11  }
0xa6: {  	v10 =	vsub.f32 v10, v11;
	_ =	sdelay $0x1  }
0xa7: {  	[tilespmem:$0x1180] =	vst v10  }
0xa8: {  	[tilespmem:v13+s18+$0x0] =	vst.idx.msk $0x7, v10;
	v13 =	vld [tilespmem:$0x1FCD0]  }
0xa9: {  	v10 =	vld [tilespmem:$0x1288];
	_ =	sdelay $0x4  }
0xaa: {  	v10 =	vsub.f32 v10, v11;
	_ =	sdelay $0x1  }
0xab: {  	[tilespmem:$0x1288] =	vst v10  }
0xac: {  	[tilespmem:v13+s18+$0x0] =	vst.idx.msk $0x7, v10;
	v13 =	vld [tilespmem:$0x1FCE0]  }
0xad: {  	v10 =	vld [tilespmem:$0x1390];
	_ =	sdelay $0x4  }
0xae: {  	v10 =	vsub.f32 v10, v11;
	_ =	sdelay $0x1  }
0xaf: {  	[tilespmem:$0x1390] =	vst v10  }
0xb0: {  	[tilespmem:v13+s18+$0x0] =	vst.idx.msk $0x7, v10;
	v13 =	vld [tilespmem:$0x1FCF0]  }
0xb1: {  	v10 =	vld [tilespmem:$0x1498];
	_ =	sdelay $0x4  }
0xb2: {  	v10 =	vsub.f32 v10, v11;
	_ =	sdelay $0x1  }
0xb3: {  	[tilespmem:$0x1498] =	vst v10  }
0xb4: {  	[tilespmem:v13+s18+$0x0] =	vst.idx.msk $0x7, v10;
	v13 =	vld [tilespmem:$0x1FD00]  }
0xb5: {  	v10 =	vld [tilespmem:$0x15A0];
	_ =	sdelay $0x4  }
0xb6: {  	v10 =	vsub.f32 v10, v11;
	_ =	sdelay $0x1  }
0xb7: {  	[tilespmem:$0x15A0] =	vst v10  }
0xb8: {  	[tilespmem:v13+s18+$0x0] =	vst.idx.msk $0x7, v10;
	v13 =	vld [tilespmem:$0x1FD10]  }
0xb9: {  	v10 =	vld [tilespmem:$0x16A8];
	_ =	sdelay $0x4  }
0xba: {  	v10 =	vsub.f32 v10, v11;
	_ =	sdelay $0x1  }
0xbb: {  	[tilespmem:$0x16A8] =	vst v10  }
0xbc: {  	[tilespmem:v13+s18+$0x0] =	vst.idx.msk $0x7, v10;
	v13 =	vld [tilespmem:$0x1FD20]  }
0xbd: {  	v10 =	vld [tilespmem:$0x17B0];
	_ =	sdelay $0x4  }
0xbe: {  	v10 =	vsub.f32 v10, v11;
	_ =	sdelay $0x1  }
0xbf: {  	[tilespmem:$0x17B0] =	vst v10  }
0xc0: {  	v62 =	vld [tilespmem:$0x1FD30];
	[tilespmem:v13+s18+$0x0] =	vst.idx.msk $0x7, v10  }
0xc1: {  	v10 =	vld [tilespmem:$0x18B8];
	_ =	sdelay $0x4  }
0xc2: {  	v10 =	vsub.f32 v10, v11;
	_ =	sdelay $0x1  }
0xc3: {  	[tilespmem:$0x18B8] =	vst v10  }
0xc4: {  	v63 =	vnsel vm0, $0x0, v12;
	v12 =	vld [tilespmem:$0x1FD40];
	[tilespmem:v62+s18+$0x0] =	vst.idx.msk $0x7, v10  }
0xc5: {  	v10 =	vld [tilespmem:$0x19C0];
	_ =	sdelay $0x4  }
0xc6: {  	v10 =	vsub.f32 v10, v63;
	_ =	sdelay $0x1  }
0xc7: {  	[tilespmem:$0x19C0] =	vst v10  }
0xc8: {  	[tilespmem:v12+s18+$0x0] =	vst.idx.msk $0x7, v10;
	v12 =	vld [tilespmem:$0x1FD50]  }
0xc9: {  	v10 =	vld [tilespmem:$0x1AC8];
	_ =	sdelay $0x4  }
0xca: {  	v10 =	vsub.f32 v10, v63;
	_ =	sdelay $0x1  }
0xcb: {  	[tilespmem:$0x1AC8] =	vst v10  }
0xcc: {  	[tilespmem:v12+s18+$0x0] =	vst.idx.msk $0x7, v10;
	v12 =	vld [tilespmem:$0x1FD60]  }
0xcd: {  	v10 =	vld [tilespmem:$0x1BD0];
	_ =	sdelay $0x4  }
0xce: {  	v10 =	vsub.f32 v10, v63;
	_ =	sdelay $0x1  }
0xcf: {  	[tilespmem:$0x1BD0] =	vst v10  }
0xd0: {  	[tilespmem:v12+s18+$0x0] =	vst.idx.msk $0x7, v10;
	v12 =	vld [tilespmem:$0x1FD70]  }
0xd1: {  	v10 =	vld [tilespmem:$0x1CD8];
	_ =	sdelay $0x4  }
0xd2: {  	v10 =	vsub.f32 v10, v63;
	_ =	sdelay $0x1  }
0xd3: {  	[tilespmem:$0x1CD8] =	vst v10  }
0xd4: {  	[tilespmem:v12+s18+$0x0] =	vst.idx.msk $0x7, v10;
	v12 =	vld [tilespmem:$0x1FD80]  }
0xd5: {  	v10 =	vld [tilespmem:$0x1DE0];
	_ =	sdelay $0x4  }
0xd6: {  	v10 =	vsub.f32 v10, v63;
	_ =	sdelay $0x1  }
0xd7: {  	[tilespmem:$0x1DE0] =	vst v10  }
0xd8: {  	[tilespmem:v12+s18+$0x0] =	vst.idx.msk $0x7, v10;
	v12 =	vld [tilespmem:$0x1FD90]  }
0xd9: {  	v10 =	vld [tilespmem:$0x1EE8];
	_ =	sdelay $0x4  }
0xda: {  	v10 =	vsub.f32 v10, v63;
	_ =	sdelay $0x1  }
0xdb: {  	[tilespmem:$0x1EE8] =	vst v10  }
0xdc: {  	[tilespmem:v12+s18+$0x0] =	vst.idx.msk $0x7, v10;
	v12 =	vld [tilespmem:$0x1FDA0]  }
0xdd: {  	v10 =	vld [tilespmem:$0x1FF0];
	_ =	sdelay $0x4  }
0xde: {  	v10 =	vsub.f32 v10, v63;
	_ =	sdelay $0x1  }
0xdf: {  	[tilespmem:$0x1FF0] =	vst v10  }
0xe0: {  	v32 =	vld [tilespmem:$0x1FDB0];
	[tilespmem:v12+s18+$0x0] =	vst.idx.msk $0x7, v10  }
0xe1: {  	v10 =	vld [tilespmem:$0x20F8];
	_ =	sdelay $0x4  }
0xe2: {  	v10 =	vsub.f32 v10, v63;
	_ =	sdelay $0x1  }
0xe3: {  	[tilespmem:$0x20F8] =	vst v10  }
0xe4: {  	v33 =	vld [tilespmem:$0x1FDC0];
	[tilespmem:v32+s18+$0x0] =	vst.idx.msk $0x7, v10  }
0xe5: {  	v10 =	vld [tilespmem:$0x2200];
	_ =	sdelay $0x3  }
0xe6: {  	v9 =	vnsel vm0, $0x0, v9  }
0xe7: {  	v10 =	vsub.f32 v10, v9;
	_ =	sdelay $0x1  }
0xe8: {  	[tilespmem:$0x2200] =	vst v10  }
0xe9: {  	v35 =	vld [tilespmem:$0x1FDD0];
	[tilespmem:v33+s18+$0x0] =	vst.idx.msk $0x7, v10  }
0xea: {  	v10 =	vld [tilespmem:$0x2308];
	_ =	sdelay $0x4  }
0xeb: {  	v10 =	vsub.f32 v10, v9;
	_ =	sdelay $0x1  }
0xec: {  	[tilespmem:$0x2308] =	vst v10  }
0xed: {  	v36 =	vld [tilespmem:$0x1FDE0];
	[tilespmem:v35+s18+$0x0] =	vst.idx.msk $0x7, v10  }
0xee: {  	v10 =	vld [tilespmem:$0x2410];
	_ =	sdelay $0x4  }
0xef: {  	v10 =	vsub.f32 v10, v9;
	_ =	sdelay $0x1  }
0xf0: {  	[tilespmem:$0x2410] =	vst v10  }
0xf1: {  	v37 =	vld [tilespmem:$0x1FDF0];
	[tilespmem:v36+s18+$0x0] =	vst.idx.msk $0x7, v10  }
0xf2: {  	v10 =	vld [tilespmem:$0x2518];
	_ =	sdelay $0x4  }
0xf3: {  	v10 =	vsub.f32 v10, v9;
	_ =	sdelay $0x1  }
0xf4: {  	[tilespmem:$0x2518] =	vst v10  }
0xf5: {  	v38 =	vld [tilespmem:$0x1FE00];
	[tilespmem:v37+s18+$0x0] =	vst.idx.msk $0x7, v10  }
0xf6: {  	v10 =	vld [tilespmem:$0x2620];
	_ =	sdelay $0x4  }
0xf7: {  	v10 =	vsub.f32 v10, v9;
	_ =	sdelay $0x1  }
0xf8: {  	[tilespmem:$0x2620] =	vst v10  }
0xf9: {  	v39 =	vld [tilespmem:$0x1FE10];
	[tilespmem:v38+s18+$0x0] =	vst.idx.msk $0x7, v10  }
0xfa: {  	v10 =	vld [tilespmem:$0x2728];
	_ =	sdelay $0x4  }
0xfb: {  	v10 =	vsub.f32 v10, v9;
	_ =	sdelay $0x1  }
0xfc: {  	[tilespmem:$0x2728] =	vst v10  }
0xfd: {  	v40 =	vld [tilespmem:$0x1FE20];
	[tilespmem:v39+s18+$0x0] =	vst.idx.msk $0x7, v10  }
0xfe: {  	v10 =	vld [tilespmem:$0x2830];
	_ =	sdelay $0x4  }
0xff: {  	v10 =	vsub.f32 v10, v9;
	_ =	sdelay $0x1  }
0x100: {  	[tilespmem:$0x2830] =	vst v10  }
0x101: {  	v41 =	vld [tilespmem:$0x1FE30];
	[tilespmem:v40+s18+$0x0] =	vst.idx.msk $0x7, v10  }
0x102: {  	v10 =	vld [tilespmem:$0x2938];
	_ =	sdelay $0x4  }
0x103: {  	v9 =	vsub.f32 v10, v9;
	_ =	sdelay $0x1  }
0x104: {  	[tilespmem:$0x2938] =	vst v9  }
0x105: {  	v43 =	vld [tilespmem:$0x1FE40];
	[tilespmem:v41+s18+$0x0] =	vst.idx.msk $0x7, v9  }
0x106: {  	v9 =	vld [tilespmem:$0x2A40];
	_ =	sdelay $0x3  }
0x107: {  	v8 =	vnsel vm0, $0x0, v8  }
0x108: {  	v9 =	vsub.f32 v9, v8;
	_ =	sdelay $0x1  }
0x109: {  	[tilespmem:$0x2A40] =	vst v9  }
0x10a: {  	v44 =	vld [tilespmem:$0x1FE50];
	[tilespmem:v43+s18+$0x0] =	vst.idx.msk $0x7, v9  }
0x10b: {  	v9 =	vld [tilespmem:$0x2B48];
	_ =	sdelay $0x4  }
0x10c: {  	v9 =	vsub.f32 v9, v8;
	_ =	sdelay $0x1  }
0x10d: {  	[tilespmem:$0x2B48] =	vst v9  }
0x10e: {  	v45 =	vld [tilespmem:$0x1FE60];
	[tilespmem:v44+s18+$0x0] =	vst.idx.msk $0x7, v9  }
0x10f: {  	v9 =	vld [tilespmem:$0x2C50];
	_ =	sdelay $0x4  }
0x110: {  	v9 =	vsub.f32 v9, v8;
	_ =	sdelay $0x1  }
0x111: {  	[tilespmem:$0x2C50] =	vst v9  }
0x112: {  	v46 =	vld [tilespmem:$0x1FE70];
	[tilespmem:v45+s18+$0x0] =	vst.idx.msk $0x7, v9  }
0x113: {  	v9 =	vld [tilespmem:$0x2D58];
	_ =	sdelay $0x4  }
0x114: {  	v9 =	vsub.f32 v9, v8;
	_ =	sdelay $0x1  }
0x115: {  	[tilespmem:$0x2D58] =	vst v9  }
0x116: {  	v47 =	vld [tilespmem:$0x1FE80];
	[tilespmem:v46+s18+$0x0] =	vst.idx.msk $0x7, v9  }
0x117: {  	v9 =	vld [tilespmem:$0x2E60];
	_ =	sdelay $0x4  }
0x118: {  	v9 =	vsub.f32 v9, v8;
	_ =	sdelay $0x1  }
0x119: {  	[tilespmem:$0x2E60] =	vst v9  }
0x11a: {  	v48 =	vld [tilespmem:$0x1FE90];
	[tilespmem:v47+s18+$0x0] =	vst.idx.msk $0x7, v9  }
0x11b: {  	v9 =	vld [tilespmem:$0x2F68];
	_ =	sdelay $0x4  }
0x11c: {  	v9 =	vsub.f32 v9, v8;
	_ =	sdelay $0x1  }
0x11d: {  	[tilespmem:$0x2F68] =	vst v9  }
0x11e: {  	v49 =	vld [tilespmem:$0x1FEA0];
	[tilespmem:v48+s18+$0x0] =	vst.idx.msk $0x7, v9  }
0x11f: {  	v9 =	vld [tilespmem:$0x3070];
	_ =	sdelay $0x4  }
0x120: {  	v9 =	vsub.f32 v9, v8;
	_ =	sdelay $0x1  }
0x121: {  	[tilespmem:$0x3070] =	vst v9  }
0x122: {  	v51 =	vld [tilespmem:$0x1FEB0];
	[tilespmem:v49+s18+$0x0] =	vst.idx.msk $0x7, v9  }
0x123: {  	v9 =	vld [tilespmem:$0x3178];
	_ =	sdelay $0x4  }
0x124: {  	v8 =	vsub.f32 v9, v8;
	_ =	sdelay $0x1  }
0x125: {  	[tilespmem:$0x3178] =	vst v8  }
0x126: {  	v52 =	vld [tilespmem:$0x1FEC0];
	[tilespmem:v51+s18+$0x0] =	vst.idx.msk $0x7, v8  }
0x127: {  	v8 =	vld [tilespmem:$0x3280];
	_ =	sdelay $0x3  }
0x128: {  	v7 =	vnsel vm0, $0x0, v7  }
0x129: {  	v8 =	vsub.f32 v8, v7;
	_ =	sdelay $0x1  }
0x12a: {  	[tilespmem:$0x3280] =	vst v8  }
0x12b: {  	v53 =	vld [tilespmem:$0x1FED0];
	[tilespmem:v52+s18+$0x0] =	vst.idx.msk $0x7, v8  }
0x12c: {  	v8 =	vld [tilespmem:$0x3388];
	_ =	sdelay $0x4  }
0x12d: {  	v8 =	vsub.f32 v8, v7;
	_ =	sdelay $0x1  }
0x12e: {  	[tilespmem:$0x3388] =	vst v8  }
0x12f: {  	v54 =	vld [tilespmem:$0x1FEE0];
	[tilespmem:v53+s18+$0x0] =	vst.idx.msk $0x7, v8  }
0x130: {  	v8 =	vld [tilespmem:$0x3490];
	_ =	sdelay $0x4  }
0x131: {  	v8 =	vsub.f32 v8, v7;
	_ =	sdelay $0x1  }
0x132: {  	[tilespmem:$0x3490] =	vst v8  }
0x133: {  	v55 =	vld [tilespmem:$0x1FEF0];
	[tilespmem:v54+s18+$0x0] =	vst.idx.msk $0x7, v8  }
0x134: {  	v8 =	vld [tilespmem:$0x3598];
	_ =	sdelay $0x4  }
0x135: {  	v8 =	vsub.f32 v8, v7;
	_ =	sdelay $0x1  }
0x136: {  	[tilespmem:$0x3598] =	vst v8  }
0x137: {  	v56 =	vld [tilespmem:$0x1FF00];
	[tilespmem:v55+s18+$0x0] =	vst.idx.msk $0x7, v8  }
0x138: {  	v8 =	vld [tilespmem:$0x36A0];
	_ =	sdelay $0x4  }
0x139: {  	v8 =	vsub.f32 v8, v7;
	_ =	sdelay $0x1  }
0x13a: {  	[tilespmem:$0x36A0] =	vst v8  }
0x13b: {  	v57 =	vld [tilespmem:$0x1FF10];
	[tilespmem:v56+s18+$0x0] =	vst.idx.msk $0x7, v8  }
0x13c: {  	v8 =	vld [tilespmem:$0x37A8];
	_ =	sdelay $0x4  }
0x13d: {  	v8 =	vsub.f32 v8, v7;
	_ =	sdelay $0x1  }
0x13e: {  	[tilespmem:$0x37A8] =	vst v8  }
0x13f: {  	v58 =	vld [tilespmem:$0x1FF20];
	[tilespmem:v57+s18+$0x0] =	vst.idx.msk $0x7, v8  }
0x140: {  	v8 =	vld [tilespmem:$0x38B0];
	_ =	sdelay $0x4  }
0x141: {  	v8 =	vsub.f32 v8, v7;
	_ =	sdelay $0x1  }
0x142: {  	[tilespmem:$0x38B0] =	vst v8  }
0x143: {  	v59 =	vld [tilespmem:$0x1FF30];
	[tilespmem:v58+s18+$0x0] =	vst.idx.msk $0x7, v8  }
0x144: {  	v8 =	vld [tilespmem:$0x39B8];
	_ =	sdelay $0x4  }
0x145: {  	v7 =	vsub.f32 v8, v7;
	_ =	sdelay $0x1  }
0x146: {  	[tilespmem:$0x39B8] =	vst v7  }
0x147: {  	v60 =	vld [tilespmem:$0x1FF40];
	[tilespmem:v59+s18+$0x0] =	vst.idx.msk $0x7, v7  }
0x148: {  	v7 =	vld [tilespmem:$0x3AC0];
	_ =	sdelay $0x3  }
0x149: {  	v6 =	vnsel vm0, $0x0, v6  }
0x14a: {  	v7 =	vsub.f32 v7, v6;
	_ =	sdelay $0x1  }
0x14b: {  	[tilespmem:$0x3AC0] =	vst v7  }
0x14c: {  	v61 =	vld [tilespmem:$0x1FF50];
	[tilespmem:v60+s18+$0x0] =	vst.idx.msk $0x7, v7  }
0x14d: {  	v7 =	vld [tilespmem:$0x3BC8];
	_ =	sdelay $0x4  }
0x14e: {  	v7 =	vsub.f32 v7, v6;
	_ =	sdelay $0x1  }
0x14f: {  	[tilespmem:$0x3BC8] =	vst v7  }
0x150: {  	v62 =	vld [tilespmem:$0x1FF60];
	[tilespmem:v61+s18+$0x0] =	vst.idx.msk $0x7, v7  }
0x151: {  	v7 =	vld [tilespmem:$0x3CD0];
	_ =	sdelay $0x4  }
0x152: {  	v7 =	vsub.f32 v7, v6;
	_ =	sdelay $0x1  }
0x153: {  	[tilespmem:$0x3CD0] =	vst v7  }
0x154: {  	v63 =	vld [tilespmem:$0x1FF70];
	[tilespmem:v62+s18+$0x0] =	vst.idx.msk $0x7, v7  }
0x155: {  	v7 =	vld [tilespmem:$0x3DD8];
	_ =	sdelay $0x4  }
0x156: {  	v7 =	vsub.f32 v7, v6;
	_ =	sdelay $0x1  }
0x157: {  	[tilespmem:$0x3DD8] =	vst v7  }
0x158: {  	v32 =	vld [tilespmem:$0x1FF80];
	[tilespmem:v63+s18+$0x0] =	vst.idx.msk $0x7, v7  }
0x159: {  	v7 =	vld [tilespmem:$0x3EE0];
	_ =	sdelay $0x4  }
0x15a: {  	v7 =	vsub.f32 v7, v6;
	_ =	sdelay $0x1  }
0x15b: {  	[tilespmem:$0x3EE0] =	vst v7  }
0x15c: {  	v33 =	vld [tilespmem:$0x1FF90];
	[tilespmem:v32+s18+$0x0] =	vst.idx.msk $0x7, v7  }
0x15d: {  	v7 =	vld [tilespmem:$0x3FE8];
	_ =	sdelay $0x4  }
0x15e: {  	v7 =	vsub.f32 v7, v6;
	_ =	sdelay $0x1  }
0x15f: {  	[tilespmem:$0x3FE8] =	vst v7  }
0x160: {  	v35 =	vld [tilespmem:$0x1FFA0];
	[tilespmem:v33+s18+$0x0] =	vst.idx.msk $0x7, v7  }
0x161: {  	v7 =	vld [tilespmem:$0x40F0];
	_ =	sdelay $0x4  }
0x162: {  	v7 =	vsub.f32 v7, v6;
	_ =	sdelay $0x1  }
0x163: {  	[tilespmem:$0x40F0] =	vst v7  }
0x164: {  	v36 =	vld [tilespmem:$0x1FFB0];
	[tilespmem:v35+s18+$0x0] =	vst.idx.msk $0x7, v7  }
0x165: {  	v7 =	vld [tilespmem:$0x41F8];
	_ =	sdelay $0x4  }
0x166: {  	v6 =	vsub.f32 v7, v6;
	_ =	sdelay $0x1  }
0x167: {  	[tilespmem:$0x41F8] =	vst v6  }
0x168: {  	[tilespmem:v36+s18+$0x0] =	vst.idx.msk $0x7, v6  }
0x169: {  	v6 =	vld [tilespmem:$0x4300];
	_ =	sdelay $0x2  }
0x16a: {  	v37 =	vor.u32 $0x200, v0  }
0x16b: {  	v5 =	vnsel vm0, $0x0, v5  }
0x16c: {  	v6 =	vsub.f32 v6, v5;
	_ =	sdelay $0x1  }
0x16d: {  	[tilespmem:$0x4300] =	vst v6  }
0x16e: {  	[tilespmem:v37+s18+$0x0] =	vst.idx.msk $0x7, v6  }
0x16f: {  	v6 =	vld [tilespmem:$0x4408];
	_ =	sdelay $0x2  }
0x170: {  	v38 =	vadd.s32 $0x208, v0;
	_ =	sdelay $0x1  }
0x171: {  	v6 =	vsub.f32 v6, v5;
	_ =	sdelay $0x1  }
0x172: {  	[tilespmem:$0x4408] =	vst v6  }
0x173: {  	[tilespmem:v38+s18+$0x0] =	vst.idx.msk $0x7, v6  }
0x174: {  	v6 =	vld [tilespmem:$0x4510];
	_ =	sdelay $0x2  }
0x175: {  	v39 =	vor.u32 $0x210, v0;
	_ =	sdelay $0x1  }
0x176: {  	v6 =	vsub.f32 v6, v5;
	_ =	sdelay $0x1  }
0x177: {  	[tilespmem:$0x4510] =	vst v6  }
0x178: {  	[tilespmem:v39+s18+$0x0] =	vst.idx.msk $0x7, v6  }
0x179: {  	v6 =	vld [tilespmem:$0x4618];
	_ =	sdelay $0x2  }
0x17a: {  	v40 =	vadd.s32 $0x218, v0;
	_ =	sdelay $0x1  }
0x17b: {  	v6 =	vsub.f32 v6, v5;
	_ =	sdelay $0x1  }
0x17c: {  	[tilespmem:$0x4618] =	vst v6  }
0x17d: {  	[tilespmem:v40+s18+$0x0] =	vst.idx.msk $0x7, v6  }
0x17e: {  	v6 =	vld [tilespmem:$0x4720];
	_ =	sdelay $0x2  }
0x17f: {  	v41 =	vor.u32 $0x220, v0;
	_ =	sdelay $0x1  }
0x180: {  	v6 =	vsub.f32 v6, v5;
	_ =	sdelay $0x1  }
0x181: {  	[tilespmem:$0x4720] =	vst v6  }
0x182: {  	[tilespmem:v41+s18+$0x0] =	vst.idx.msk $0x7, v6  }
0x183: {  	v6 =	vld [tilespmem:$0x4828];
	_ =	sdelay $0x2  }
0x184: {  	v43 =	vadd.s32 $0x228, v0;
	_ =	sdelay $0x1  }
0x185: {  	v6 =	vsub.f32 v6, v5;
	_ =	sdelay $0x1  }
0x186: {  	[tilespmem:$0x4828] =	vst v6  }
0x187: {  	[tilespmem:v43+s18+$0x0] =	vst.idx.msk $0x7, v6  }
0x188: {  	v6 =	vld [tilespmem:$0x4930];
	_ =	sdelay $0x2  }
0x189: {  	v44 =	vor.u32 $0x230, v0;
	_ =	sdelay $0x1  }
0x18a: {  	v6 =	vsub.f32 v6, v5;
	_ =	sdelay $0x1  }
0x18b: {  	[tilespmem:$0x4930] =	vst v6  }
0x18c: {  	[tilespmem:v44+s18+$0x0] =	vst.idx.msk $0x7, v6  }
0x18d: {  	v6 =	vld [tilespmem:$0x4A38];
	_ =	sdelay $0x2  }
0x18e: {  	v45 =	vadd.s32 $0x238, v0;
	_ =	sdelay $0x1  }
0x18f: {  	v5 =	vsub.f32 v6, v5;
	_ =	sdelay $0x1  }
0x190: {  	[tilespmem:$0x4A38] =	vst v5  }
0x191: {  	[tilespmem:v45+s18+$0x0] =	vst.idx.msk $0x7, v5  }
0x192: {  	v5 =	vld [tilespmem:$0x4B40];
	_ =	sdelay $0x2  }
0x193: {  	v46 =	vor.u32 $0x240, v0  }
0x194: {  	v4 =	vnsel vm0, $0x0, v4  }
0x195: {  	v5 =	vsub.f32 v5, v4;
	_ =	sdelay $0x1  }
0x196: {  	[tilespmem:$0x4B40] =	vst v5  }
0x197: {  	[tilespmem:v46+s18+$0x0] =	vst.idx.msk $0x7, v5  }
0x198: {  	v5 =	vld [tilespmem:$0x4C48];
	_ =	sdelay $0x2  }
0x199: {  	v47 =	vadd.s32 $0x248, v0;
	_ =	sdelay $0x1  }
0x19a: {  	v5 =	vsub.f32 v5, v4;
	_ =	sdelay $0x1  }
0x19b: {  	[tilespmem:$0x4C48] =	vst v5  }
0x19c: {  	[tilespmem:v47+s18+$0x0] =	vst.idx.msk $0x7, v5  }
0x19d: {  	v5 =	vld [tilespmem:$0x4D50];
	_ =	sdelay $0x2  }
0x19e: {  	v48 =	vor.u32 $0x250, v0;
	_ =	sdelay $0x1  }
0x19f: {  	v5 =	vsub.f32 v5, v4;
	_ =	sdelay $0x1  }
0x1a0: {  	[tilespmem:$0x4D50] =	vst v5  }
0x1a1: {  	[tilespmem:v48+s18+$0x0] =	vst.idx.msk $0x7, v5  }
0x1a2: {  	v5 =	vld [tilespmem:$0x4E58];
	_ =	sdelay $0x2  }
0x1a3: {  	v49 =	vadd.s32 $0x258, v0;
	_ =	sdelay $0x1  }
0x1a4: {  	v5 =	vsub.f32 v5, v4;
	_ =	sdelay $0x1  }
0x1a5: {  	[tilespmem:$0x4E58] =	vst v5  }
0x1a6: {  	[tilespmem:v49+s18+$0x0] =	vst.idx.msk $0x7, v5  }
0x1a7: {  	v5 =	vld [tilespmem:$0x4F60];
	_ =	sdelay $0x2  }
0x1a8: {  	v51 =	vor.u32 $0x260, v0;
	_ =	sdelay $0x1  }
0x1a9: {  	v5 =	vsub.f32 v5, v4;
	_ =	sdelay $0x1  }
0x1aa: {  	[tilespmem:$0x4F60] =	vst v5  }
0x1ab: {  	[tilespmem:v51+s18+$0x0] =	vst.idx.msk $0x7, v5  }
0x1ac: {  	v5 =	vld [tilespmem:$0x5068];
	_ =	sdelay $0x2  }
0x1ad: {  	v52 =	vadd.s32 $0x268, v0;
	_ =	sdelay $0x1  }
0x1ae: {  	v5 =	vsub.f32 v5, v4;
	_ =	sdelay $0x1  }
0x1af: {  	[tilespmem:$0x5068] =	vst v5  }
0x1b0: {  	[tilespmem:v52+s18+$0x0] =	vst.idx.msk $0x7, v5  }
0x1b1: {  	v5 =	vld [tilespmem:$0x5170];
	_ =	sdelay $0x2  }
0x1b2: {  	v53 =	vor.u32 $0x270, v0;
	_ =	sdelay $0x1  }
0x1b3: {  	v5 =	vsub.f32 v5, v4;
	_ =	sdelay $0x1  }
0x1b4: {  	[tilespmem:$0x5170] =	vst v5  }
0x1b5: {  	[tilespmem:v53+s18+$0x0] =	vst.idx.msk $0x7, v5  }
0x1b6: {  	v5 =	vld [tilespmem:$0x5278];
	_ =	sdelay $0x2  }
0x1b7: {  	v54 =	vadd.s32 $0x278, v0;
	_ =	sdelay $0x1  }
0x1b8: {  	v4 =	vsub.f32 v5, v4;
	_ =	sdelay $0x1  }
0x1b9: {  	[tilespmem:$0x5278] =	vst v4  }
0x1ba: {  	[tilespmem:v54+s18+$0x0] =	vst.idx.msk $0x7, v4  }
0x1bb: {  	v4 =	vld [tilespmem:$0x5380];
	_ =	sdelay $0x2  }
0x1bc: {  	v55 =	vor.u32 $0x280, v0  }
0x1bd: {  	v3 =	vnsel vm0, $0x0, v3  }
0x1be: {  	v4 =	vsub.f32 v4, v3;
	_ =	sdelay $0x1  }
0x1bf: {  	[tilespmem:$0x5380] =	vst v4  }
0x1c0: {  	[tilespmem:v55+s18+$0x0] =	vst.idx.msk $0x7, v4  }
0x1c1: {  	v4 =	vld [tilespmem:$0x5488];
	_ =	sdelay $0x2  }
0x1c2: {  	v56 =	vadd.s32 $0x288, v0;
	_ =	sdelay $0x1  }
0x1c3: {  	v4 =	vsub.f32 v4, v3;
	_ =	sdelay $0x1  }
0x1c4: {  	[tilespmem:$0x5488] =	vst v4  }
0x1c5: {  	[tilespmem:v56+s18+$0x0] =	vst.idx.msk $0x7, v4  }
0x1c6: {  	v4 =	vld [tilespmem:$0x5590];
	_ =	sdelay $0x2  }
0x1c7: {  	v57 =	vor.u32 $0x290, v0;
	_ =	sdelay $0x1  }
0x1c8: {  	v4 =	vsub.f32 v4, v3;
	_ =	sdelay $0x1  }
0x1c9: {  	[tilespmem:$0x5590] =	vst v4  }
0x1ca: {  	[tilespmem:v57+s18+$0x0] =	vst.idx.msk $0x7, v4  }
0x1cb: {  	v4 =	vld [tilespmem:$0x5698];
	_ =	sdelay $0x2  }
0x1cc: {  	v58 =	vadd.s32 $0x298, v0;
	_ =	sdelay $0x1  }
0x1cd: {  	v4 =	vsub.f32 v4, v3;
	_ =	sdelay $0x1  }
0x1ce: {  	[tilespmem:$0x5698] =	vst v4  }
0x1cf: {  	[tilespmem:v58+s18+$0x0] =	vst.idx.msk $0x7, v4  }
0x1d0: {  	v4 =	vld [tilespmem:$0x57A0];
	_ =	sdelay $0x2  }
0x1d1: {  	v59 =	vor.u32 $0x2A0, v0;
	_ =	sdelay $0x1  }
0x1d2: {  	v4 =	vsub.f32 v4, v3;
	_ =	sdelay $0x1  }
0x1d3: {  	[tilespmem:$0x57A0] =	vst v4  }
0x1d4: {  	[tilespmem:v59+s18+$0x0] =	vst.idx.msk $0x7, v4  }
0x1d5: {  	v4 =	vld [tilespmem:$0x58A8];
	_ =	sdelay $0x2  }
0x1d6: {  	v60 =	vadd.s32 $0x2A8, v0;
	_ =	sdelay $0x1  }
0x1d7: {  	v4 =	vsub.f32 v4, v3;
	_ =	sdelay $0x1  }
0x1d8: {  	[tilespmem:$0x58A8] =	vst v4  }
0x1d9: {  	[tilespmem:v60+s18+$0x0] =	vst.idx.msk $0x7, v4  }
0x1da: {  	v4 =	vld [tilespmem:$0x59B0];
	_ =	sdelay $0x2  }
0x1db: {  	v61 =	vor.u32 $0x2B0, v0;
	_ =	sdelay $0x1  }
0x1dc: {  	v4 =	vsub.f32 v4, v3;
	_ =	sdelay $0x1  }
0x1dd: {  	[tilespmem:$0x59B0] =	vst v4  }
0x1de: {  	[tilespmem:v61+s18+$0x0] =	vst.idx.msk $0x7, v4  }
0x1df: {  	v4 =	vld [tilespmem:$0x5AB8];
	_ =	sdelay $0x2  }
0x1e0: {  	v62 =	vadd.s32 $0x2B8, v0;
	_ =	sdelay $0x1  }
0x1e1: {  	v3 =	vsub.f32 v4, v3;
	_ =	sdelay $0x1  }
0x1e2: {  	[tilespmem:$0x5AB8] =	vst v3  }
0x1e3: {  	[tilespmem:v62+s18+$0x0] =	vst.idx.msk $0x7, v3  }
0x1e4: {  	v3 =	vld [tilespmem:$0x5BC0];
	_ =	sdelay $0x2  }
0x1e5: {  	v63 =	vor.u32 $0x2C0, v0  }
0x1e6: {  	v2 =	vnsel vm0, $0x0, v2  }
0x1e7: {  	v3 =	vsub.f32 v3, v2;
	_ =	sdelay $0x1  }
0x1e8: {  	[tilespmem:$0x5BC0] =	vst v3  }
0x1e9: {  	[tilespmem:v63+s18+$0x0] =	vst.idx.msk $0x7, v3  }
0x1ea: {  	v3 =	vld [tilespmem:$0x5CC8];
	_ =	sdelay $0x2  }
0x1eb: {  	v26 =	vadd.s32 $0x2C8, v0;
	_ =	sdelay $0x1  }
0x1ec: {  	v3 =	vsub.f32 v3, v2;
	_ =	sdelay $0x1  }
0x1ed: {  	[tilespmem:$0x5CC8] =	vst v3  }
0x1ee: {  	[tilespmem:v26+s18+$0x0] =	vst.idx.msk $0x7, v3  }
0x1ef: {  	v3 =	vld [tilespmem:$0x5DD0];
	_ =	sdelay $0x2  }
0x1f0: {  	v27 =	vor.u32 $0x2D0, v0;
	_ =	sdelay $0x1  }
0x1f1: {  	v3 =	vsub.f32 v3, v2;
	_ =	sdelay $0x1  }
0x1f2: {  	[tilespmem:$0x5DD0] =	vst v3  }
0x1f3: {  	[tilespmem:v27+s18+$0x0] =	vst.idx.msk $0x7, v3  }
0x1f4: {  	v3 =	vld [tilespmem:$0x5ED8];
	_ =	sdelay $0x2  }
0x1f5: {  	v28 =	vadd.s32 $0x2D8, v0;
	_ =	sdelay $0x1  }
0x1f6: {  	v3 =	vsub.f32 v3, v2;
	_ =	sdelay $0x1  }
0x1f7: {  	[tilespmem:$0x5ED8] =	vst v3  }
0x1f8: {  	[tilespmem:v28+s18+$0x0] =	vst.idx.msk $0x7, v3  }
0x1f9: {  	v3 =	vld [tilespmem:$0x5FE0];
	_ =	sdelay $0x2  }
0x1fa: {  	v29 =	vor.u32 $0x2E0, v0;
	_ =	sdelay $0x1  }
0x1fb: {  	v3 =	vsub.f32 v3, v2;
	_ =	sdelay $0x1  }
0x1fc: {  	[tilespmem:$0x5FE0] =	vst v3  }
0x1fd: {  	[tilespmem:v29+s18+$0x0] =	vst.idx.msk $0x7, v3  }
0x1fe: {  	v3 =	vld [tilespmem:$0x60E8];
	_ =	sdelay $0x2  }
0x1ff: {  	v30 =	vadd.s32 $0x2E8, v0;
	_ =	sdelay $0x1  }
0x200: {  	v3 =	vsub.f32 v3, v2;
	_ =	sdelay $0x1  }
0x201: {  	[tilespmem:$0x60E8] =	vst v3  }
0x202: {  	[tilespmem:v30+s18+$0x0] =	vst.idx.msk $0x7, v3  }
0x203: {  	v3 =	vld [tilespmem:$0x61F0];
	_ =	sdelay $0x2  }
0x204: {  	v31 =	vor.u32 $0x2F0, v0;
	_ =	sdelay $0x1  }
0x205: {  	v3 =	vsub.f32 v3, v2;
	_ =	sdelay $0x1  }
0x206: {  	[tilespmem:$0x61F0] =	vst v3  }
0x207: {  	[tilespmem:v31+s18+$0x0] =	vst.idx.msk $0x7, v3  }
0x208: {  	v3 =	vld [tilespmem:$0x62F8];
	_ =	sdelay $0x2  }
0x209: {  	v32 =	vadd.s32 $0x2F8, v0;
	_ =	sdelay $0x1  }
0x20a: {  	v2 =	vsub.f32 v3, v2;
	_ =	sdelay $0x1  }
0x20b: {  	[tilespmem:$0x62F8] =	vst v2  }
0x20c: {  	[tilespmem:v32+s18+$0x0] =	vst.idx.msk $0x7, v2  }
0x20d: {  	v2 =	vld [tilespmem:$0x6400];
	_ =	sdelay $0x2  }
0x20e: {  	v33 =	vor.u32 $0x300, v0  }
0x20f: {  	v3 =	vnsel vm0, $0x0, v34  }
0x210: {  	v2 =	vsub.f32 v2, v3;
	_ =	sdelay $0x1  }
0x211: {  	[tilespmem:$0x6400] =	vst v2  }
0x212: {  	[tilespmem:v33+s18+$0x0] =	vst.idx.msk $0x7, v2  }
0x213: {  	v2 =	vld [tilespmem:$0x6508];
	_ =	sdelay $0x2  }
0x214: {  	v34 =	vadd.s32 $0x308, v0;
	_ =	sdelay $0x1  }
0x215: {  	v2 =	vsub.f32 v2, v3;
	_ =	sdelay $0x1  }
0x216: {  	[tilespmem:$0x6508] =	vst v2  }
0x217: {  	[tilespmem:v34+s18+$0x0] =	vst.idx.msk $0x7, v2  }
0x218: {  	v2 =	vld [tilespmem:$0x6610];
	_ =	sdelay $0x2  }
0x219: {  	v35 =	vor.u32 $0x310, v0;
	_ =	sdelay $0x1  }
0x21a: {  	v2 =	vsub.f32 v2, v3;
	_ =	sdelay $0x1  }
0x21b: {  	[tilespmem:$0x6610] =	vst v2  }
0x21c: {  	[tilespmem:v35+s18+$0x0] =	vst.idx.msk $0x7, v2  }
0x21d: {  	v2 =	vld [tilespmem:$0x6718];
	_ =	sdelay $0x2  }
0x21e: {  	v36 =	vadd.s32 $0x318, v0;
	_ =	sdelay $0x1  }
0x21f: {  	v2 =	vsub.f32 v2, v3;
	_ =	sdelay $0x1  }
0x220: {  	[tilespmem:$0x6718] =	vst v2  }
0x221: {  	[tilespmem:v36+s18+$0x0] =	vst.idx.msk $0x7, v2  }
0x222: {  	v2 =	vld [tilespmem:$0x6820];
	_ =	sdelay $0x2  }
0x223: {  	[tilespmem:$0x1FAE0] =	vst v37;
	v37 =	vor.u32 $0x320, v0;
	_ =	sdelay $0x1  }
0x224: {  	v2 =	vsub.f32 v2, v3;
	_ =	sdelay $0x1  }
0x225: {  	[tilespmem:$0x6820] =	vst v2  }
0x226: {  	[tilespmem:v37+s18+$0x0] =	vst.idx.msk $0x7, v2  }
0x227: {  	v2 =	vld [tilespmem:$0x6928];
	_ =	sdelay $0x2  }
0x228: {  	[tilespmem:$0x1FAF0] =	vst v38;
	v38 =	vadd.s32 $0x328, v0;
	_ =	sdelay $0x1  }
0x229: {  	v2 =	vsub.f32 v2, v3;
	_ =	sdelay $0x1  }
0x22a: {  	[tilespmem:$0x6928] =	vst v2  }
0x22b: {  	[tilespmem:v38+s18+$0x0] =	vst.idx.msk $0x7, v2  }
0x22c: {  	v2 =	vld [tilespmem:$0x6A30];
	_ =	sdelay $0x2  }
0x22d: {  	[tilespmem:$0x1FB00] =	vst v39;
	v39 =	vor.u32 $0x330, v0;
	_ =	sdelay $0x1  }
0x22e: {  	v2 =	vsub.f32 v2, v3;
	_ =	sdelay $0x1  }
0x22f: {  	[tilespmem:$0x6A30] =	vst v2  }
0x230: {  	[tilespmem:v39+s18+$0x0] =	vst.idx.msk $0x7, v2  }
0x231: {  	v2 =	vld [tilespmem:$0x6B38];
	_ =	sdelay $0x2  }
0x232: {  	[tilespmem:$0x1FB10] =	vst v40;
	v40 =	vadd.s32 $0x338, v0;
	_ =	sdelay $0x1  }
0x233: {  	v2 =	vsub.f32 v2, v3;
	_ =	sdelay $0x1  }
0x234: {  	[tilespmem:$0x6B38] =	vst v2  }
0x235: {  	[tilespmem:v40+s18+$0x0] =	vst.idx.msk $0x7, v2  }
0x236: {  	v2 =	vld [tilespmem:$0x6C40];
	_ =	sdelay $0x2  }
0x237: {  	[tilespmem:$0x1FB20] =	vst v41;
	v41 =	vor.u32 $0x340, v0  }
0x238: {  	v3 =	vnsel vm0, $0x0, v42  }
0x239: {  	v2 =	vsub.f32 v2, v3;
	_ =	sdelay $0x1  }
0x23a: {  	[tilespmem:$0x6C40] =	vst v2  }
0x23b: {  	[tilespmem:v41+s18+$0x0] =	vst.idx.msk $0x7, v2  }
0x23c: {  	v2 =	vld [tilespmem:$0x6D48];
	_ =	sdelay $0x2  }
0x23d: {  	v42 =	vadd.s32 $0x348, v0;
	_ =	sdelay $0x1  }
0x23e: {  	v2 =	vsub.f32 v2, v3;
	_ =	sdelay $0x1  }
0x23f: {  	[tilespmem:$0x6D48] =	vst v2  }
0x240: {  	[tilespmem:v42+s18+$0x0] =	vst.idx.msk $0x7, v2  }
0x241: {  	v2 =	vld [tilespmem:$0x6E50];
	_ =	sdelay $0x2  }
0x242: {  	[tilespmem:$0x1FB30] =	vst v43;
	v43 =	vor.u32 $0x350, v0;
	_ =	sdelay $0x1  }
0x243: {  	v2 =	vsub.f32 v2, v3;
	_ =	sdelay $0x1  }
0x244: {  	[tilespmem:$0x6E50] =	vst v2  }
0x245: {  	[tilespmem:v43+s18+$0x0] =	vst.idx.msk $0x7, v2  }
0x246: {  	v2 =	vld [tilespmem:$0x6F58];
	_ =	sdelay $0x2  }
0x247: {  	[tilespmem:$0x1FB40] =	vst v44;
	v44 =	vadd.s32 $0x358, v0;
	_ =	sdelay $0x1  }
0x248: {  	v2 =	vsub.f32 v2, v3;
	_ =	sdelay $0x1  }
0x249: {  	[tilespmem:$0x6F58] =	vst v2  }
0x24a: {  	[tilespmem:v44+s18+$0x0] =	vst.idx.msk $0x7, v2  }
0x24b: {  	v2 =	vld [tilespmem:$0x7060];
	_ =	sdelay $0x2  }
0x24c: {  	[tilespmem:$0x1FB50] =	vst v45;
	v45 =	vor.u32 $0x360, v0;
	_ =	sdelay $0x1  }
0x24d: {  	v2 =	vsub.f32 v2, v3;
	_ =	sdelay $0x1  }
0x24e: {  	[tilespmem:$0x7060] =	vst v2  }
0x24f: {  	[tilespmem:v45+s18+$0x0] =	vst.idx.msk $0x7, v2  }
0x250: {  	v2 =	vld [tilespmem:$0x7168];
	_ =	sdelay $0x2  }
0x251: {  	[tilespmem:$0x1FB60] =	vst v46;
	v46 =	vadd.s32 $0x368, v0;
	_ =	sdelay $0x1  }
0x252: {  	v2 =	vsub.f32 v2, v3;
	_ =	sdelay $0x1  }
0x253: {  	[tilespmem:$0x7168] =	vst v2  }
0x254: {  	[tilespmem:v46+s18+$0x0] =	vst.idx.msk $0x7, v2  }
0x255: {  	v2 =	vld [tilespmem:$0x7270];
	_ =	sdelay $0x2  }
0x256: {  	[tilespmem:$0x1FB70] =	vst v47;
	v47 =	vor.u32 $0x370, v0;
	_ =	sdelay $0x1  }
0x257: {  	v2 =	vsub.f32 v2, v3;
	_ =	sdelay $0x1  }
0x258: {  	[tilespmem:$0x7270] =	vst v2  }
0x259: {  	[tilespmem:v47+s18+$0x0] =	vst.idx.msk $0x7, v2  }
0x25a: {  	v2 =	vld [tilespmem:$0x7378];
	_ =	sdelay $0x2  }
0x25b: {  	[tilespmem:$0x1FB80] =	vst v48;
	v48 =	vadd.s32 $0x378, v0;
	_ =	sdelay $0x1  }
0x25c: {  	v2 =	vsub.f32 v2, v3;
	_ =	sdelay $0x1  }
0x25d: {  	[tilespmem:$0x7378] =	vst v2  }
0x25e: {  	[tilespmem:v48+s18+$0x0] =	vst.idx.msk $0x7, v2  }
0x25f: {  	v2 =	vld [tilespmem:$0x7480];
	_ =	sdelay $0x2  }
0x260: {  	[tilespmem:$0x1FB90] =	vst v49;
	v49 =	vor.u32 $0x380, v0  }
0x261: {  	v3 =	vnsel vm0, $0x0, v50  }
0x262: {  	v2 =	vsub.f32 v2, v3;
	_ =	sdelay $0x1  }
0x263: {  	[tilespmem:$0x7480] =	vst v2  }
0x264: {  	[tilespmem:v49+s18+$0x0] =	vst.idx.msk $0x7, v2  }
0x265: {  	v2 =	vld [tilespmem:$0x7588];
	_ =	sdelay $0x2  }
0x266: {  	v50 =	vadd.s32 $0x388, v0;
	_ =	sdelay $0x1  }
0x267: {  	v2 =	vsub.f32 v2, v3;
	_ =	sdelay $0x1  }
0x268: {  	[tilespmem:$0x7588] =	vst v2  }
0x269: {  	[tilespmem:v50+s18+$0x0] =	vst.idx.msk $0x7, v2  }
0x26a: {  	v2 =	vld [tilespmem:$0x7690];
	_ =	sdelay $0x2  }
0x26b: {  	[tilespmem:$0x1FBA0] =	vst v51;
	v51 =	vor.u32 $0x390, v0;
	_ =	sdelay $0x1  }
0x26c: {  	v2 =	vsub.f32 v2, v3;
	_ =	sdelay $0x1  }
0x26d: {  	[tilespmem:$0x7690] =	vst v2  }
0x26e: {  	[tilespmem:v51+s18+$0x0] =	vst.idx.msk $0x7, v2  }
0x26f: {  	v2 =	vld [tilespmem:$0x7798];
	_ =	sdelay $0x2  }
0x270: {  	[tilespmem:$0x1FBB0] =	vst v52;
	v52 =	vadd.s32 $0x398, v0;
	_ =	sdelay $0x1  }
0x271: {  	v2 =	vsub.f32 v2, v3;
	_ =	sdelay $0x1  }
0x272: {  	[tilespmem:$0x7798] =	vst v2  }
0x273: {  	[tilespmem:v52+s18+$0x0] =	vst.idx.msk $0x7, v2  }
0x274: {  	v2 =	vld [tilespmem:$0x78A0];
	_ =	sdelay $0x2  }
0x275: {  	[tilespmem:$0x1FBC0] =	vst v53;
	v53 =	vor.u32 $0x3A0, v0;
	_ =	sdelay $0x1  }
0x276: {  	v2 =	vsub.f32 v2, v3;
	_ =	sdelay $0x1  }
0x277: {  	[tilespmem:$0x78A0] =	vst v2  }
0x278: {  	[tilespmem:v53+s18+$0x0] =	vst.idx.msk $0x7, v2  }
0x279: {  	v2 =	vld [tilespmem:$0x79A8];
	_ =	sdelay $0x2  }
0x27a: {  	[tilespmem:$0x1FBD0] =	vst v54;
	v54 =	vadd.s32 $0x3A8, v0;
	_ =	sdelay $0x1  }
0x27b: {  	v2 =	vsub.f32 v2, v3;
	_ =	sdelay $0x1  }
0x27c: {  	[tilespmem:$0x79A8] =	vst v2  }
0x27d: {  	[tilespmem:v54+s18+$0x0] =	vst.idx.msk $0x7, v2  }
0x27e: {  	v2 =	vld [tilespmem:$0x7AB0];
	_ =	sdelay $0x2  }
0x27f: {  	[tilespmem:$0x1FBE0] =	vst v55;
	v55 =	vor.u32 $0x3B0, v0;
	_ =	sdelay $0x1  }
0x280: {  	v2 =	vsub.f32 v2, v3;
	_ =	sdelay $0x1  }
0x281: {  	[tilespmem:$0x7AB0] =	vst v2  }
0x282: {  	[tilespmem:v55+s18+$0x0] =	vst.idx.msk $0x7, v2  }
0x283: {  	v2 =	vld [tilespmem:$0x7BB8];
	_ =	sdelay $0x2  }
0x284: {  	[tilespmem:$0x1FBF0] =	vst v56;
	v56 =	vadd.s32 $0x3B8, v0;
	_ =	sdelay $0x1  }
0x285: {  	v2 =	vsub.f32 v2, v3;
	_ =	sdelay $0x1  }
0x286: {  	[tilespmem:$0x7BB8] =	vst v2  }
0x287: {  	[tilespmem:v56+s18+$0x0] =	vst.idx.msk $0x7, v2  }
0x288: {  	v2 =	vld [tilespmem:$0x7CC0];
	_ =	sdelay $0x2  }
0x289: {  	[tilespmem:$0x1FC00] =	vst v57;
	v57 =	vor.u32 $0x3C0, v0  }
0x28a: {  	v3 =	vnsel vm0, $0x0, v1  }
0x28b: {  	v1 =	vsub.f32 v2, v3;
	_ =	sdelay $0x1  }
0x28c: {  	[tilespmem:$0x7CC0] =	vst v1  }
0x28d: {  	[tilespmem:v57+s18+$0x0] =	vst.idx.msk $0x7, v1  }
0x28e: {  	v1 =	vld [tilespmem:$0x7DC8];
	_ =	sdelay $0x2  }
0x28f: {  	[tilespmem:$0x1FC10] =	vst v58;
	v58 =	vadd.s32 $0x3C8, v0;
	_ =	sdelay $0x1  }
0x290: {  	v1 =	vsub.f32 v1, v3;
	_ =	sdelay $0x1  }
0x291: {  	[tilespmem:$0x7DC8] =	vst v1  }
0x292: {  	[tilespmem:v58+s18+$0x0] =	vst.idx.msk $0x7, v1  }
0x293: {  	v1 =	vld [tilespmem:$0x7ED0];
	_ =	sdelay $0x2  }
0x294: {  	[tilespmem:$0x1FC20] =	vst v59;
	v59 =	vor.u32 $0x3D0, v0;
	_ =	sdelay $0x1  }
0x295: {  	v1 =	vsub.f32 v1, v3;
	_ =	sdelay $0x1  }
0x296: {  	[tilespmem:$0x7ED0] =	vst v1  }
0x297: {  	[tilespmem:v59+s18+$0x0] =	vst.idx.msk $0x7, v1  }
0x298: {  	v1 =	vld [tilespmem:$0x7FD8];
	_ =	sdelay $0x2  }
0x299: {  	[tilespmem:$0x1FC30] =	vst v60;
	v60 =	vadd.s32 $0x3D8, v0;
	_ =	sdelay $0x1  }
0x29a: {  	v1 =	vsub.f32 v1, v3;
	_ =	sdelay $0x1  }
0x29b: {  	[tilespmem:$0x7FD8] =	vst v1  }
0x29c: {  	[tilespmem:v60+s18+$0x0] =	vst.idx.msk $0x7, v1  }
0x29d: {  	v1 =	vld [tilespmem:$0x80E0];
	_ =	sdelay $0x2  }
0x29e: {  	[tilespmem:$0x1FC40] =	vst v61;
	v61 =	vor.u32 $0x3E0, v0;
	_ =	sdelay $0x1  }
0x29f: {  	v1 =	vsub.f32 v1, v3;
	_ =	sdelay $0x1  }
0x2a0: {  	[tilespmem:$0x80E0] =	vst v1  }
0x2a1: {  	[tilespmem:v61+s18+$0x0] =	vst.idx.msk $0x7, v1  }
0x2a2: {  	v1 =	vld [tilespmem:$0x81E8];
	_ =	sdelay $0x2  }
0x2a3: {  	[tilespmem:$0x1FC60] =	vst v63;
	v63 =	vadd.s32 $0x3E8, v0;
	_ =	sdelay $0x1  }
0x2a4: {  	v1 =	vsub.f32 v1, v3;
	_ =	sdelay $0x1  }
0x2a5: {  	[tilespmem:$0x81E8] =	vst v1  }
0x2a6: {  	[tilespmem:v63+s18+$0x0] =	vst.idx.msk $0x7, v1  }
0x2a7: {  	v2 =	vld [tilespmem:$0x82F0];
	_ =	sdelay $0x2  }
0x2a8: {  	v1 =	vor.u32 $0x3F0, v0;
	_ =	sdelay $0x1  }
0x2a9: {  	v2 =	vsub.f32 v2, v3;
	_ =	sdelay $0x1  }
0x2aa: {  	[tilespmem:$0x82F0] =	vst v2  }
0x2ab: {  	[tilespmem:v1+s18+$0x0] =	vst.idx.msk $0x7, v2  }
0x2ac: {  	v2 =	vld [tilespmem:$0x83F8];
	_ =	sdelay $0x2  }
0x2ad: {  	[tilespmem:$0x1FC50] =	vst v62;
	v62 =	vadd.s32 $0x3F8, v0;
	_ =	sdelay $0x1  }
0x2ae: {  	v2 =	vsub.f32 v2, v3  }
0x2af: {  	s29 =	sshll.u32 s26, $0x7  }
0x2b0: {  	s30 =	sadd.s32 s2, s29;
	[tilespmem:$0x83F8] =	vst v2  }
0x2b1: {  	s31 =	simm.s32 $0x10;
	s7 =	sadd.s32 $0x0, s30;
	s1 =	simm.s32 $0x208;
	[tilespmem:v62+s18+$0x0] =	vst.idx.msk $0x7, v2  }
.LBB2_3:
0x2b2: {  	[hbm4b:s7+s3] =	stream.linear.scatter [tilespmem:s28], [sflag:$0x3], $0x80, $0x38;
	[tilespmem:$0x11300] =	vst v63  }
0x2b3: {  	s7 =	smov.u32 s31;
	s28 =	smov.u32 s1;
	p0 =	sne.s32 s31, $0x7F0  }
.Ltmp0:
0x2b4: {  	s31 =	sadd.s32 $0x10, s31;
	(pc) =	sbr.rel @p0 .LBB2_3-.Ltmp0, $2  }
0x2b5: {  	_ =	sdelay $0x2  }
0x2b6: {  	s1 =	sadd.s32 $0x108, s1;
	s7 =	sadd.s32 s7, s30  }
0x2b7: {  	[hbm4b:s7+s3] =	stream.linear.scatter [tilespmem:s28], [sflag:$0x3], $0x80, $0x38;
	[tilespmem:$0x11300] =	vst v63  }
0x2b8: {  	s28 =	sadd.s32 s6, s29;
	s29 =	simm.s32 $0x180  }
0x2b9: {  	v25 =	vmovc v24;
	v23 =	vmov v21;
	v22 =	vmov v20;
	v19 =	vmov v18;
	s30 =	simm.s32 $0x10;
	s1 =	simm.s32 $0x288;
	s7 =	sadd.s32 $0x0, s28  }
.LBB2_5:
0x2ba: {  	[hbm4b:s7+s3] =	stream.linear.scatter [tilespmem:s29], [sflag:$0x3], $0x80, $0x38;
	[tilespmem:$0x11300] =	vst v63  }
0x2bb: {  	s7 =	smov.u32 s30;
	s29 =	smov.u32 s1;
	p0 =	sne.s32 s30, $0x7F0  }
.Ltmp1:
0x2bc: {  	s30 =	sadd.s32 $0x10, s30;
	(pc) =	sbr.rel @p0 .LBB2_5-.Ltmp1, $2  }
0x2bd: {  	_ =	sdelay $0x2  }
0x2be: {  	s1 =	sadd.s32 $0x108, s1;
	s7 =	sadd.s32 s7, s28  }
0x2bf: {  	[hbm4b:s7+s3] =	stream.linear.scatter [tilespmem:s29], [sflag:$0x3], $0x80, $0x38;
	[tilespmem:$0x11300] =	vst v63  }
0x2c0: {  	s26 =	sshll.u32 s26, $0x3  }
0x2c1: {  	s29 =	simm.s32 $0x200;
	s28 =	sadd.s32 s8, s26  }
0x2c2: {  	v24 =	vmov v17;
	v21 =	vmov v16;
	v20 =	vmov v15;
	v18 =	vld [tilespmem:$0x1FC80];
	s30 =	simm.s32 $0x1;
	s1 =	simm.s32 $0x308;
	s7 =	sadd.s32 $0x0, s28  }
.LBB2_7:
0x2c3: {  	[hbm4b:s7+s3] =	stream.linear.scatter [tilespmem:s29], [sflag:$0x3], $0x8, $0x38;
	[tilespmem:$0x11300] =	vst v63  }
0x2c4: {  	s7 =	smov.u32 s30;
	s29 =	smov.u32 s1;
	p0 =	sne.s32 s30, $0x7F  }
.Ltmp2:
0x2c5: {  	s30 =	sadd.s32 $0x1, s30;
	(pc) =	sbr.rel @p0 .LBB2_7-.Ltmp2, $2  }
0x2c6: {  	_ =	sdelay $0x2  }
0x2c7: {  	s1 =	sadd.s32 $0x108, s1;
	s7 =	sadd.s32 s7, s28  }
0x2c8: {  	[hbm4b:s7+s3] =	stream.linear.scatter [tilespmem:s29], [sflag:$0x3], $0x8, $0x38;
	[tilespmem:$0x11300] =	vst v63  }
0x2c9: {  	s1 =	sadd.s32 s9, s26;
	s31 =	simm.s32 $0x0  }
0x2ca: {  	[hbm4b:s1+s31] =	stream.linear.scatter [tilespmem:s18], [sflag:$0x3], $0x400, $0x38;
	[tilespmem:$0x11300] =	vst v63  }
0x2cb: {  	_ =	swait.ge [sflag:s19], $0x8400  }
0x2cc: {  	[sflag:s19] =	ssyncset.done $0x0  }
0x2cd: {  	[sflag:s19] =	ssyncadd.s32 $0xFFFF7C00  }
0x2ce: {  	v2 =	vld [tilespmem:$0x10A00]  }
0x2cf: {  	v12 =	vld [tilespmem:$0x10A10]  }
0x2d0: {  	v13 =	vld [tilespmem:$0x10A20]  }
0x2d1: {  	v14 =	vld [tilespmem:$0x10A30]  }
0x2d2: {  	v11 =	vld [tilespmem:$0x10A40]  }
0x2d3: {  	v10 =	vld [tilespmem:$0x10A50]  }
0x2d4: {  	v9 =	vld [tilespmem:$0x10A60]  }
0x2d5: {  	v15 =	vld [tilespmem:$0x8500]  }
0x2d6: {  	v17 =	vld [tilespmem:$0x10AE0]  }
0x2d7: {  	v8 =	vld [tilespmem:$0x10A70]  }
0x2d8: {  	v7 =	vld [tilespmem:$0x10A80]  }
0x2d9: {  	v6 =	vld [tilespmem:$0x10A90]  }
0x2da: {  	v5 =	vld [tilespmem:$0x10AA0];
	v16 =	vnsel vm0, $0x0, v2  }
0x2db: {  	[tilespmem:$0x1FAC0] =	vst v17;
	v17 =	vld [tilespmem:$0x10AF0];
	v15 =	vsub.f32 v15, v16  }
0x2dc: {  	v4 =	vld [tilespmem:$0x10AB0]  }
0x2dd: {  	v3 =	vld [tilespmem:$0x10AC0];
	[tilespmem:$0x8500] =	vst v15  }
0x2de: {  	v2 =	vld [tilespmem:$0x10AD0];
	[tilespmem:v0+s20+$0x0] =	vst.idx.msk $0x7, v15  }
0x2df: {  	v15 =	vld [tilespmem:$0x8608]  }
0x2e0: {  	[tilespmem:$0x1FAD0] =	vst v17;
	v17 =	vld [tilespmem:$0x1FC70];
	_ =	sdelay $0x4  }
0x2e1: {  	v15 =	vsub.f32 v15, v16;
	_ =	sdelay $0x1  }
0x2e2: {  	[tilespmem:$0x8608] =	vst v15  }
0x2e3: {  	[tilespmem:v17+s20+$0x0] =	vst.idx.msk $0x7, v15  }
0x2e4: {  	v15 =	vld [tilespmem:$0x8710];
	_ =	sdelay $0x4  }
0x2e5: {  	v15 =	vsub.f32 v15, v16;
	_ =	sdelay $0x1  }
0x2e6: {  	[tilespmem:$0x8710] =	vst v15  }
0x2e7: {  	[tilespmem:v18+s20+$0x0] =	vst.idx.msk $0x7, v15  }
0x2e8: {  	v15 =	vld [tilespmem:$0x8818];
	_ =	sdelay $0x4  }
0x2e9: {  	v15 =	vsub.f32 v15, v16;
	_ =	sdelay $0x1  }
0x2ea: {  	[tilespmem:$0x8818] =	vst v15  }
0x2eb: {  	v18 =	vmov v19;
	[tilespmem:v19+s20+$0x0] =	vst.idx.msk $0x7, v15;
	v19 =	vld [tilespmem:$0x1FFC0]  }
0x2ec: {  	v15 =	vld [tilespmem:$0x8920];
	_ =	sdelay $0x4  }
0x2ed: {  	v15 =	vsub.f32 v15, v16;
	_ =	sdelay $0x1  }
0x2ee: {  	[tilespmem:$0x8920] =	vst v15  }
0x2ef: {  	v17 =	vld [tilespmem:$0x1FC90];
	[tilespmem:v19+s20+$0x0] =	vst.idx.msk $0x7, v15  }
0x2f0: {  	v15 =	vld [tilespmem:$0x8A28];
	_ =	sdelay $0x4  }
0x2f1: {  	v15 =	vsub.f32 v15, v16;
	_ =	sdelay $0x1  }
0x2f2: {  	[tilespmem:$0x8A28] =	vst v15  }
0x2f3: {  	[tilespmem:v17+s20+$0x0] =	vst.idx.msk $0x7, v15  }
0x2f4: {  	v15 =	vld [tilespmem:$0x8B30];
	_ =	sdelay $0x4  }
0x2f5: {  	v15 =	vsub.f32 v15, v16;
	_ =	sdelay $0x1  }
0x2f6: {  	[tilespmem:$0x8B30] =	vst v15  }
0x2f7: {  	[tilespmem:v20+s20+$0x0] =	vst.idx.msk $0x7, v15  }
0x2f8: {  	v15 =	vld [tilespmem:$0x8C38];
	_ =	sdelay $0x4  }
0x2f9: {  	v15 =	vsub.f32 v15, v16;
	_ =	sdelay $0x1  }
0x2fa: {  	[tilespmem:$0x8C38] =	vst v15  }
0x2fb: {  	[tilespmem:v21+s20+$0x0] =	vst.idx.msk $0x7, v15  }
0x2fc: {  	v15 =	vld [tilespmem:$0x8D40];
	_ =	sdelay $0x3  }
0x2fd: {  	v12 =	vnsel vm0, $0x0, v12  }
0x2fe: {  	v15 =	vsub.f32 v15, v12;
	_ =	sdelay $0x1  }
0x2ff: {  	[tilespmem:$0x8D40] =	vst v15  }
0x300: {  	[tilespmem:v22+s20+$0x0] =	vst.idx.msk $0x7, v15  }
0x301: {  	v15 =	vld [tilespmem:$0x8E48];
	_ =	sdelay $0x4  }
0x302: {  	v15 =	vsub.f32 v15, v12;
	_ =	sdelay $0x1  }
0x303: {  	[tilespmem:$0x8E48] =	vst v15  }
0x304: {  	v20 =	vmov v22;
	v22 =	vld [tilespmem:$0x1FFD0];
	[tilespmem:v23+s20+$0x0] =	vst.idx.msk $0x7, v15  }
0x305: {  	v15 =	vld [tilespmem:$0x8F50];
	_ =	sdelay $0x4  }
0x306: {  	v15 =	vsub.f32 v15, v12;
	_ =	sdelay $0x1  }
0x307: {  	[tilespmem:$0x8F50] =	vst v15  }
0x308: {  	v16 =	vmov v21;
	v21 =	vmov v23;
	v23 =	vld [tilespmem:$0x1FFE0];
	[tilespmem:v22+s20+$0x0] =	vst.idx.msk $0x7, v15  }
0x309: {  	v15 =	vld [tilespmem:$0x9058];
	_ =	sdelay $0x4  }
0x30a: {  	v15 =	vsub.f32 v15, v12;
	_ =	sdelay $0x1  }
0x30b: {  	[tilespmem:$0x9058] =	vst v15  }
0x30c: {  	v17 =	vld [tilespmem:$0x1FCB0];
	[tilespmem:v23+s20+$0x0] =	vst.idx.msk $0x7, v15  }
0x30d: {  	v15 =	vld [tilespmem:$0x9160];
	_ =	sdelay $0x4  }
0x30e: {  	v15 =	vsub.f32 v15, v12;
	_ =	sdelay $0x1  }
0x30f: {  	[tilespmem:$0x9160] =	vst v15  }
0x310: {  	[tilespmem:v17+s20+$0x0] =	vst.idx.msk $0x7, v15  }
0x311: {  	v15 =	vld [tilespmem:$0x9268];
	_ =	sdelay $0x4  }
0x312: {  	v15 =	vsub.f32 v15, v12;
	_ =	sdelay $0x1  }
0x313: {  	[tilespmem:$0x9268] =	vst v15  }
0x314: {  	[tilespmem:v24+s20+$0x0] =	vst.idx.msk $0x7, v15  }
0x315: {  	v15 =	vld [tilespmem:$0x9370];
	_ =	sdelay $0x4  }
0x316: {  	v15 =	vsub.f32 v15, v12;
	_ =	sdelay $0x1  }
0x317: {  	[tilespmem:$0x9370] =	vst v15  }
0x318: {  	v17 =	vmov v24;
	v24 =	vmov v25;
	[tilespmem:v25+s20+$0x0] =	vst.idx.msk $0x7, v15;
	v25 =	vld [tilespmem:$0x1FFF0]  }
0x319: {  	v15 =	vld [tilespmem:$0x9478];
	_ =	sdelay $0x4  }
0x31a: {  	v12 =	vsub.f32 v15, v12;
	_ =	sdelay $0x1  }
0x31b: {  	[tilespmem:$0x9478] =	vst v12  }
0x31c: {  	v15 =	vld [tilespmem:$0x1FCC0];
	[tilespmem:v25+s20+$0x0] =	vst.idx.msk $0x7, v12  }
0x31d: {  	v12 =	vld [tilespmem:$0x9580];
	_ =	sdelay $0x3  }
0x31e: {  	v13 =	vnsel vm0, $0x0, v13  }
0x31f: {  	v12 =	vsub.f32 v12, v13;
	_ =	sdelay $0x1  }
0x320: {  	[tilespmem:$0x9580] =	vst v12  }
0x321: {  	[tilespmem:v15+s20+$0x0] =	vst.idx.msk $0x7, v12;
	v15 =	vld [tilespmem:$0x1FCD0]  }
0x322: {  	v12 =	vld [tilespmem:$0x9688];
	_ =	sdelay $0x4  }
0x323: {  	v12 =	vsub.f32 v12, v13;
	_ =	sdelay $0x1  }
0x324: {  	[tilespmem:$0x9688] =	vst v12  }
0x325: {  	[tilespmem:v15+s20+$0x0] =	vst.idx.msk $0x7, v12;
	v15 =	vld [tilespmem:$0x1FCE0]  }
0x326: {  	v12 =	vld [tilespmem:$0x9790];
	_ =	sdelay $0x4  }
0x327: {  	v12 =	vsub.f32 v12, v13;
	_ =	sdelay $0x1  }
0x328: {  	[tilespmem:$0x9790] =	vst v12  }
0x329: {  	[tilespmem:v15+s20+$0x0] =	vst.idx.msk $0x7, v12;
	v15 =	vld [tilespmem:$0x1FCF0]  }
0x32a: {  	v12 =	vld [tilespmem:$0x9898];
	_ =	sdelay $0x4  }
0x32b: {  	v12 =	vsub.f32 v12, v13;
	_ =	sdelay $0x1  }
0x32c: {  	[tilespmem:$0x9898] =	vst v12  }
0x32d: {  	[tilespmem:v15+s20+$0x0] =	vst.idx.msk $0x7, v12;
	v15 =	vld [tilespmem:$0x1FD00]  }
0x32e: {  	v12 =	vld [tilespmem:$0x99A0];
	_ =	sdelay $0x4  }
0x32f: {  	v12 =	vsub.f32 v12, v13;
	_ =	sdelay $0x1  }
0x330: {  	[tilespmem:$0x99A0] =	vst v12  }
0x331: {  	[tilespmem:v15+s20+$0x0] =	vst.idx.msk $0x7, v12;
	v15 =	vld [tilespmem:$0x1FD10]  }
0x332: {  	v12 =	vld [tilespmem:$0x9AA8];
	_ =	sdelay $0x4  }
0x333: {  	v12 =	vsub.f32 v12, v13;
	_ =	sdelay $0x1  }
0x334: {  	[tilespmem:$0x9AA8] =	vst v12  }
0x335: {  	[tilespmem:v15+s20+$0x0] =	vst.idx.msk $0x7, v12;
	v15 =	vld [tilespmem:$0x1FD20]  }
0x336: {  	v12 =	vld [tilespmem:$0x9BB0];
	_ =	sdelay $0x4  }
0x337: {  	v12 =	vsub.f32 v12, v13;
	_ =	sdelay $0x1  }
0x338: {  	[tilespmem:$0x9BB0] =	vst v12  }
0x339: {  	[tilespmem:v15+s20+$0x0] =	vst.idx.msk $0x7, v12  }
0x33a: {  	v12 =	vld [tilespmem:$0x9CB8];
	_ =	sdelay $0x4  }
0x33b: {  	v12 =	vsub.f32 v12, v13;
	v13 =	vld [tilespmem:$0x1FD30];
	_ =	sdelay $0x6  }
0x33c: {  	[tilespmem:$0x9CB8] =	vst v12  }
0x33d: {  	[tilespmem:v13+s20+$0x0] =	vst.idx.msk $0x7, v12;
	v13 =	vnsel vm0, $0x0, v14;
	v14 =	vld [tilespmem:$0x1FD40]  }
0x33e: {  	v12 =	vld [tilespmem:$0x9DC0];
	_ =	sdelay $0x4  }
0x33f: {  	v12 =	vsub.f32 v12, v13;
	_ =	sdelay $0x1  }
0x340: {  	[tilespmem:$0x9DC0] =	vst v12  }
0x341: {  	[tilespmem:v14+s20+$0x0] =	vst.idx.msk $0x7, v12;
	v14 =	vld [tilespmem:$0x1FD50]  }
0x342: {  	v12 =	vld [tilespmem:$0x9EC8];
	_ =	sdelay $0x4  }
0x343: {  	v12 =	vsub.f32 v12, v13;
	_ =	sdelay $0x1  }
0x344: {  	[tilespmem:$0x9EC8] =	vst v12  }
0x345: {  	[tilespmem:v14+s20+$0x0] =	vst.idx.msk $0x7, v12;
	v14 =	vld [tilespmem:$0x1FD60]  }
0x346: {  	v12 =	vld [tilespmem:$0x9FD0];
	_ =	sdelay $0x4  }
0x347: {  	v12 =	vsub.f32 v12, v13;
	_ =	sdelay $0x1  }
0x348: {  	[tilespmem:$0x9FD0] =	vst v12  }
0x349: {  	[tilespmem:v14+s20+$0x0] =	vst.idx.msk $0x7, v12;
	v14 =	vld [tilespmem:$0x1FD70]  }
0x34a: {  	v12 =	vld [tilespmem:$0xA0D8];
	_ =	sdelay $0x4  }
0x34b: {  	v12 =	vsub.f32 v12, v13;
	_ =	sdelay $0x1  }
0x34c: {  	[tilespmem:$0xA0D8] =	vst v12  }
0x34d: {  	[tilespmem:v14+s20+$0x0] =	vst.idx.msk $0x7, v12;
	v14 =	vld [tilespmem:$0x1FD80]  }
0x34e: {  	v12 =	vld [tilespmem:$0xA1E0];
	_ =	sdelay $0x4  }
0x34f: {  	v12 =	vsub.f32 v12, v13;
	_ =	sdelay $0x1  }
0x350: {  	[tilespmem:$0xA1E0] =	vst v12  }
0x351: {  	[tilespmem:v14+s20+$0x0] =	vst.idx.msk $0x7, v12;
	v14 =	vld [tilespmem:$0x1FD90]  }
0x352: {  	v12 =	vld [tilespmem:$0xA2E8];
	_ =	sdelay $0x4  }
0x353: {  	v12 =	vsub.f32 v12, v13;
	_ =	sdelay $0x1  }
0x354: {  	[tilespmem:$0xA2E8] =	vst v12  }
0x355: {  	[tilespmem:v14+s20+$0x0] =	vst.idx.msk $0x7, v12;
	v14 =	vld [tilespmem:$0x1FDA0]  }
0x356: {  	v12 =	vld [tilespmem:$0xA3F0];
	_ =	sdelay $0x4  }
0x357: {  	v12 =	vsub.f32 v12, v13;
	_ =	sdelay $0x1  }
0x358: {  	[tilespmem:$0xA3F0] =	vst v12  }
0x359: {  	[tilespmem:v14+s20+$0x0] =	vst.idx.msk $0x7, v12  }
0x35a: {  	v12 =	vld [tilespmem:$0xA4F8];
	_ =	sdelay $0x4  }
0x35b: {  	v12 =	vsub.f32 v12, v13;
	v13 =	vld [tilespmem:$0x1FDB0];
	_ =	sdelay $0x6  }
0x35c: {  	[tilespmem:$0xA4F8] =	vst v12  }
0x35d: {  	[tilespmem:v13+s20+$0x0] =	vst.idx.msk $0x7, v12;
	v13 =	vld [tilespmem:$0x1FDC0]  }
0x35e: {  	v12 =	vld [tilespmem:$0xA600];
	_ =	sdelay $0x3  }
0x35f: {  	v11 =	vnsel vm0, $0x0, v11  }
0x360: {  	v12 =	vsub.f32 v12, v11;
	_ =	sdelay $0x1  }
0x361: {  	[tilespmem:$0xA600] =	vst v12  }
0x362: {  	[tilespmem:v13+s20+$0x0] =	vst.idx.msk $0x7, v12;
	v13 =	vld [tilespmem:$0x1FDD0]  }
0x363: {  	v12 =	vld [tilespmem:$0xA708];
	_ =	sdelay $0x4  }
0x364: {  	v12 =	vsub.f32 v12, v11;
	_ =	sdelay $0x1  }
0x365: {  	[tilespmem:$0xA708] =	vst v12  }
0x366: {  	[tilespmem:v13+s20+$0x0] =	vst.idx.msk $0x7, v12;
	v13 =	vld [tilespmem:$0x1FDE0]  }
0x367: {  	v12 =	vld [tilespmem:$0xA810];
	_ =	sdelay $0x4  }
0x368: {  	v12 =	vsub.f32 v12, v11;
	_ =	sdelay $0x1  }
0x369: {  	[tilespmem:$0xA810] =	vst v12  }
0x36a: {  	[tilespmem:v13+s20+$0x0] =	vst.idx.msk $0x7, v12;
	v13 =	vld [tilespmem:$0x1FDF0]  }
0x36b: {  	v12 =	vld [tilespmem:$0xA918];
	_ =	sdelay $0x4  }
0x36c: {  	v12 =	vsub.f32 v12, v11;
	_ =	sdelay $0x1  }
0x36d: {  	[tilespmem:$0xA918] =	vst v12  }
0x36e: {  	[tilespmem:v13+s20+$0x0] =	vst.idx.msk $0x7, v12;
	v13 =	vld [tilespmem:$0x1FE00]  }
0x36f: {  	v12 =	vld [tilespmem:$0xAA20];
	_ =	sdelay $0x4  }
0x370: {  	v12 =	vsub.f32 v12, v11;
	_ =	sdelay $0x1  }
0x371: {  	[tilespmem:$0xAA20] =	vst v12  }
0x372: {  	[tilespmem:v13+s20+$0x0] =	vst.idx.msk $0x7, v12;
	v13 =	vld [tilespmem:$0x1FE10]  }
0x373: {  	v12 =	vld [tilespmem:$0xAB28];
	_ =	sdelay $0x4  }
0x374: {  	v12 =	vsub.f32 v12, v11;
	_ =	sdelay $0x1  }
0x375: {  	[tilespmem:$0xAB28] =	vst v12  }
0x376: {  	[tilespmem:v13+s20+$0x0] =	vst.idx.msk $0x7, v12;
	v13 =	vld [tilespmem:$0x1FE20]  }
0x377: {  	v12 =	vld [tilespmem:$0xAC30];
	_ =	sdelay $0x4  }
0x378: {  	v12 =	vsub.f32 v12, v11;
	_ =	sdelay $0x1  }
0x379: {  	[tilespmem:$0xAC30] =	vst v12  }
0x37a: {  	[tilespmem:v13+s20+$0x0] =	vst.idx.msk $0x7, v12  }
0x37b: {  	v12 =	vld [tilespmem:$0xAD38];
	_ =	sdelay $0x4  }
0x37c: {  	v11 =	vsub.f32 v12, v11;
	v12 =	vld [tilespmem:$0x1FE30];
	_ =	sdelay $0x6  }
0x37d: {  	[tilespmem:$0xAD38] =	vst v11  }
0x37e: {  	[tilespmem:v12+s20+$0x0] =	vst.idx.msk $0x7, v11;
	v12 =	vld [tilespmem:$0x1FE40]  }
0x37f: {  	v11 =	vld [tilespmem:$0xAE40];
	_ =	sdelay $0x3  }
0x380: {  	v10 =	vnsel vm0, $0x0, v10  }
0x381: {  	v11 =	vsub.f32 v11, v10;
	_ =	sdelay $0x1  }
0x382: {  	[tilespmem:$0xAE40] =	vst v11  }
0x383: {  	[tilespmem:v12+s20+$0x0] =	vst.idx.msk $0x7, v11;
	v12 =	vld [tilespmem:$0x1FE50]  }
0x384: {  	v11 =	vld [tilespmem:$0xAF48];
	_ =	sdelay $0x4  }
0x385: {  	v11 =	vsub.f32 v11, v10;
	_ =	sdelay $0x1  }
0x386: {  	[tilespmem:$0xAF48] =	vst v11  }
0x387: {  	[tilespmem:v12+s20+$0x0] =	vst.idx.msk $0x7, v11;
	v12 =	vld [tilespmem:$0x1FE60]  }
0x388: {  	v11 =	vld [tilespmem:$0xB050];
	_ =	sdelay $0x4  }
0x389: {  	v11 =	vsub.f32 v11, v10;
	_ =	sdelay $0x1  }
0x38a: {  	[tilespmem:$0xB050] =	vst v11  }
0x38b: {  	[tilespmem:v12+s20+$0x0] =	vst.idx.msk $0x7, v11;
	v12 =	vld [tilespmem:$0x1FE70]  }
0x38c: {  	v11 =	vld [tilespmem:$0xB158];
	_ =	sdelay $0x4  }
0x38d: {  	v11 =	vsub.f32 v11, v10;
	_ =	sdelay $0x1  }
0x38e: {  	[tilespmem:$0xB158] =	vst v11  }
0x38f: {  	[tilespmem:v12+s20+$0x0] =	vst.idx.msk $0x7, v11;
	v12 =	vld [tilespmem:$0x1FE80]  }
0x390: {  	v11 =	vld [tilespmem:$0xB260];
	_ =	sdelay $0x4  }
0x391: {  	v11 =	vsub.f32 v11, v10;
	_ =	sdelay $0x1  }
0x392: {  	[tilespmem:$0xB260] =	vst v11  }
0x393: {  	[tilespmem:v12+s20+$0x0] =	vst.idx.msk $0x7, v11;
	v12 =	vld [tilespmem:$0x1FE90]  }
0x394: {  	v11 =	vld [tilespmem:$0xB368];
	_ =	sdelay $0x4  }
0x395: {  	v11 =	vsub.f32 v11, v10;
	_ =	sdelay $0x1  }
0x396: {  	[tilespmem:$0xB368] =	vst v11  }
0x397: {  	[tilespmem:v12+s20+$0x0] =	vst.idx.msk $0x7, v11;
	v12 =	vld [tilespmem:$0x1FEA0]  }
0x398: {  	v11 =	vld [tilespmem:$0xB470];
	_ =	sdelay $0x4  }
0x399: {  	v11 =	vsub.f32 v11, v10;
	_ =	sdelay $0x1  }
0x39a: {  	[tilespmem:$0xB470] =	vst v11  }
0x39b: {  	v13 =	vld [tilespmem:$0x1FEB0];
	[tilespmem:v12+s20+$0x0] =	vst.idx.msk $0x7, v11  }
0x39c: {  	v11 =	vld [tilespmem:$0xB578];
	_ =	sdelay $0x4  }
0x39d: {  	v10 =	vsub.f32 v11, v10;
	_ =	sdelay $0x1  }
0x39e: {  	[tilespmem:$0xB578] =	vst v10  }
0x39f: {  	v14 =	vld [tilespmem:$0x1FEC0];
	[tilespmem:v13+s20+$0x0] =	vst.idx.msk $0x7, v10  }
0x3a0: {  	v10 =	vld [tilespmem:$0xB680];
	_ =	sdelay $0x3  }
0x3a1: {  	v9 =	vnsel vm0, $0x0, v9  }
0x3a2: {  	v10 =	vsub.f32 v10, v9;
	_ =	sdelay $0x1  }
0x3a3: {  	[tilespmem:$0xB680] =	vst v10  }
0x3a4: {  	v12 =	vld [tilespmem:$0x1FED0];
	[tilespmem:v14+s20+$0x0] =	vst.idx.msk $0x7, v10  }
0x3a5: {  	v10 =	vld [tilespmem:$0xB788];
	_ =	sdelay $0x4  }
0x3a6: {  	v10 =	vsub.f32 v10, v9;
	_ =	sdelay $0x1  }
0x3a7: {  	[tilespmem:$0xB788] =	vst v10  }
0x3a8: {  	v13 =	vld [tilespmem:$0x1FEE0];
	[tilespmem:v12+s20+$0x0] =	vst.idx.msk $0x7, v10  }
0x3a9: {  	v10 =	vld [tilespmem:$0xB890];
	_ =	sdelay $0x4  }
0x3aa: {  	v10 =	vsub.f32 v10, v9;
	_ =	sdelay $0x1  }
0x3ab: {  	[tilespmem:$0xB890] =	vst v10  }
0x3ac: {  	v14 =	vld [tilespmem:$0x1FEF0];
	[tilespmem:v13+s20+$0x0] =	vst.idx.msk $0x7, v10  }
0x3ad: {  	v10 =	vld [tilespmem:$0xB998];
	_ =	sdelay $0x4  }
0x3ae: {  	v10 =	vsub.f32 v10, v9;
	_ =	sdelay $0x1  }
0x3af: {  	[tilespmem:$0xB998] =	vst v10  }
0x3b0: {  	v12 =	vld [tilespmem:$0x1FF00];
	[tilespmem:v14+s20+$0x0] =	vst.idx.msk $0x7, v10  }
0x3b1: {  	v10 =	vld [tilespmem:$0xBAA0];
	_ =	sdelay $0x4  }
0x3b2: {  	v10 =	vsub.f32 v10, v9;
	_ =	sdelay $0x1  }
0x3b3: {  	[tilespmem:$0xBAA0] =	vst v10  }
0x3b4: {  	v13 =	vld [tilespmem:$0x1FF10];
	[tilespmem:v12+s20+$0x0] =	vst.idx.msk $0x7, v10  }
0x3b5: {  	v10 =	vld [tilespmem:$0xBBA8];
	_ =	sdelay $0x4  }
0x3b6: {  	v10 =	vsub.f32 v10, v9;
	_ =	sdelay $0x1  }
0x3b7: {  	[tilespmem:$0xBBA8] =	vst v10  }
0x3b8: {  	v14 =	vld [tilespmem:$0x1FF20];
	[tilespmem:v13+s20+$0x0] =	vst.idx.msk $0x7, v10  }
0x3b9: {  	v10 =	vld [tilespmem:$0xBCB0];
	_ =	sdelay $0x4  }
0x3ba: {  	v10 =	vsub.f32 v10, v9;
	_ =	sdelay $0x1  }
0x3bb: {  	[tilespmem:$0xBCB0] =	vst v10  }
0x3bc: {  	v12 =	vld [tilespmem:$0x1FF30];
	[tilespmem:v14+s20+$0x0] =	vst.idx.msk $0x7, v10  }
0x3bd: {  	v10 =	vld [tilespmem:$0xBDB8];
	_ =	sdelay $0x4  }
0x3be: {  	v9 =	vsub.f32 v10, v9;
	_ =	sdelay $0x1  }
0x3bf: {  	[tilespmem:$0xBDB8] =	vst v9  }
0x3c0: {  	v13 =	vld [tilespmem:$0x1FF40];
	[tilespmem:v12+s20+$0x0] =	vst.idx.msk $0x7, v9  }
0x3c1: {  	v9 =	vld [tilespmem:$0xBEC0];
	_ =	sdelay $0x3  }
0x3c2: {  	v8 =	vnsel vm0, $0x0, v8  }
0x3c3: {  	v9 =	vsub.f32 v9, v8;
	_ =	sdelay $0x1  }
0x3c4: {  	[tilespmem:$0xBEC0] =	vst v9  }
0x3c5: {  	v14 =	vld [tilespmem:$0x1FF50];
	[tilespmem:v13+s20+$0x0] =	vst.idx.msk $0x7, v9  }
0x3c6: {  	v9 =	vld [tilespmem:$0xBFC8];
	_ =	sdelay $0x4  }
0x3c7: {  	v9 =	vsub.f32 v9, v8;
	_ =	sdelay $0x1  }
0x3c8: {  	[tilespmem:$0xBFC8] =	vst v9  }
0x3c9: {  	v12 =	vld [tilespmem:$0x1FF60];
	[tilespmem:v14+s20+$0x0] =	vst.idx.msk $0x7, v9  }
0x3ca: {  	v9 =	vld [tilespmem:$0xC0D0];
	_ =	sdelay $0x4  }
0x3cb: {  	v9 =	vsub.f32 v9, v8;
	_ =	sdelay $0x1  }
0x3cc: {  	[tilespmem:$0xC0D0] =	vst v9  }
0x3cd: {  	v13 =	vld [tilespmem:$0x1FF70];
	[tilespmem:v12+s20+$0x0] =	vst.idx.msk $0x7, v9  }
0x3ce: {  	v9 =	vld [tilespmem:$0xC1D8];
	_ =	sdelay $0x4  }
0x3cf: {  	v9 =	vsub.f32 v9, v8;
	_ =	sdelay $0x1  }
0x3d0: {  	[tilespmem:$0xC1D8] =	vst v9  }
0x3d1: {  	v14 =	vld [tilespmem:$0x1FF80];
	[tilespmem:v13+s20+$0x0] =	vst.idx.msk $0x7, v9  }
0x3d2: {  	v9 =	vld [tilespmem:$0xC2E0];
	_ =	sdelay $0x4  }
0x3d3: {  	v9 =	vsub.f32 v9, v8;
	_ =	sdelay $0x1  }
0x3d4: {  	[tilespmem:$0xC2E0] =	vst v9  }
0x3d5: {  	v12 =	vld [tilespmem:$0x1FF90];
	[tilespmem:v14+s20+$0x0] =	vst.idx.msk $0x7, v9  }
0x3d6: {  	v9 =	vld [tilespmem:$0xC3E8];
	_ =	sdelay $0x4  }
0x3d7: {  	v9 =	vsub.f32 v9, v8;
	_ =	sdelay $0x1  }
0x3d8: {  	[tilespmem:$0xC3E8] =	vst v9  }
0x3d9: {  	v13 =	vld [tilespmem:$0x1FFA0];
	[tilespmem:v12+s20+$0x0] =	vst.idx.msk $0x7, v9  }
0x3da: {  	v9 =	vld [tilespmem:$0xC4F0];
	_ =	sdelay $0x4  }
0x3db: {  	v9 =	vsub.f32 v9, v8;
	_ =	sdelay $0x1  }
0x3dc: {  	[tilespmem:$0xC4F0] =	vst v9  }
0x3dd: {  	v14 =	vld [tilespmem:$0x1FFB0];
	[tilespmem:v13+s20+$0x0] =	vst.idx.msk $0x7, v9  }
0x3de: {  	v9 =	vld [tilespmem:$0xC5F8];
	_ =	sdelay $0x4  }
0x3df: {  	v8 =	vsub.f32 v9, v8;
	_ =	sdelay $0x1  }
0x3e0: {  	[tilespmem:$0xC5F8] =	vst v8  }
0x3e1: {  	v12 =	vld [tilespmem:$0x1FAE0];
	[tilespmem:v14+s20+$0x0] =	vst.idx.msk $0x7, v8  }
0x3e2: {  	v8 =	vld [tilespmem:$0xC700];
	_ =	sdelay $0x3  }
0x3e3: {  	v7 =	vnsel vm0, $0x0, v7  }
0x3e4: {  	v8 =	vsub.f32 v8, v7;
	_ =	sdelay $0x1  }
0x3e5: {  	[tilespmem:$0xC700] =	vst v8  }
0x3e6: {  	v13 =	vld [tilespmem:$0x1FAF0];
	[tilespmem:v12+s20+$0x0] =	vst.idx.msk $0x7, v8  }
0x3e7: {  	v8 =	vld [tilespmem:$0xC808];
	_ =	sdelay $0x4  }
0x3e8: {  	v8 =	vsub.f32 v8, v7;
	_ =	sdelay $0x1  }
0x3e9: {  	[tilespmem:$0xC808] =	vst v8  }
0x3ea: {  	v14 =	vld [tilespmem:$0x1FB00];
	[tilespmem:v13+s20+$0x0] =	vst.idx.msk $0x7, v8  }
0x3eb: {  	v8 =	vld [tilespmem:$0xC910];
	_ =	sdelay $0x4  }
0x3ec: {  	v8 =	vsub.f32 v8, v7;
	_ =	sdelay $0x1  }
0x3ed: {  	[tilespmem:$0xC910] =	vst v8  }
0x3ee: {  	v12 =	vld [tilespmem:$0x1FB10];
	[tilespmem:v14+s20+$0x0] =	vst.idx.msk $0x7, v8  }
0x3ef: {  	v8 =	vld [tilespmem:$0xCA18];
	_ =	sdelay $0x4  }
0x3f0: {  	v8 =	vsub.f32 v8, v7;
	_ =	sdelay $0x1  }
0x3f1: {  	[tilespmem:$0xCA18] =	vst v8  }
0x3f2: {  	v13 =	vld [tilespmem:$0x1FB20];
	[tilespmem:v12+s20+$0x0] =	vst.idx.msk $0x7, v8  }
0x3f3: {  	v8 =	vld [tilespmem:$0xCB20];
	_ =	sdelay $0x4  }
0x3f4: {  	v8 =	vsub.f32 v8, v7;
	_ =	sdelay $0x1  }
0x3f5: {  	[tilespmem:$0xCB20] =	vst v8  }
0x3f6: {  	v14 =	vld [tilespmem:$0x1FB30];
	[tilespmem:v13+s20+$0x0] =	vst.idx.msk $0x7, v8  }
0x3f7: {  	v8 =	vld [tilespmem:$0xCC28];
	_ =	sdelay $0x4  }
0x3f8: {  	v8 =	vsub.f32 v8, v7;
	_ =	sdelay $0x1  }
0x3f9: {  	[tilespmem:$0xCC28] =	vst v8  }
0x3fa: {  	v12 =	vld [tilespmem:$0x1FB40];
	[tilespmem:v14+s20+$0x0] =	vst.idx.msk $0x7, v8  }
0x3fb: {  	v8 =	vld [tilespmem:$0xCD30];
	_ =	sdelay $0x4  }
0x3fc: {  	v8 =	vsub.f32 v8, v7;
	_ =	sdelay $0x1  }
0x3fd: {  	[tilespmem:$0xCD30] =	vst v8  }
0x3fe: {  	v13 =	vld [tilespmem:$0x1FB50];
	[tilespmem:v12+s20+$0x0] =	vst.idx.msk $0x7, v8  }
0x3ff: {  	v8 =	vld [tilespmem:$0xCE38];
	_ =	sdelay $0x4  }
0x400: {  	v7 =	vsub.f32 v8, v7;
	_ =	sdelay $0x1  }
0x401: {  	[tilespmem:$0xCE38] =	vst v7  }
0x402: {  	v14 =	vld [tilespmem:$0x1FB60];
	[tilespmem:v13+s20+$0x0] =	vst.idx.msk $0x7, v7  }
0x403: {  	v7 =	vld [tilespmem:$0xCF40];
	_ =	sdelay $0x3  }
0x404: {  	v6 =	vnsel vm0, $0x0, v6  }
0x405: {  	v7 =	vsub.f32 v7, v6;
	_ =	sdelay $0x1  }
0x406: {  	[tilespmem:$0xCF40] =	vst v7  }
0x407: {  	v12 =	vld [tilespmem:$0x1FB70];
	[tilespmem:v14+s20+$0x0] =	vst.idx.msk $0x7, v7  }
0x408: {  	v7 =	vld [tilespmem:$0xD048];
	_ =	sdelay $0x4  }
0x409: {  	v7 =	vsub.f32 v7, v6;
	_ =	sdelay $0x1  }
0x40a: {  	[tilespmem:$0xD048] =	vst v7  }
0x40b: {  	v13 =	vld [tilespmem:$0x1FB80];
	[tilespmem:v12+s20+$0x0] =	vst.idx.msk $0x7, v7  }
0x40c: {  	v7 =	vld [tilespmem:$0xD150];
	_ =	sdelay $0x4  }
0x40d: {  	v7 =	vsub.f32 v7, v6;
	_ =	sdelay $0x1  }
0x40e: {  	[tilespmem:$0xD150] =	vst v7  }
0x40f: {  	v14 =	vld [tilespmem:$0x1FB90];
	[tilespmem:v13+s20+$0x0] =	vst.idx.msk $0x7, v7  }
0x410: {  	v7 =	vld [tilespmem:$0xD258];
	_ =	sdelay $0x4  }
0x411: {  	v7 =	vsub.f32 v7, v6;
	_ =	sdelay $0x1  }
0x412: {  	[tilespmem:$0xD258] =	vst v7  }
0x413: {  	v12 =	vld [tilespmem:$0x1FBA0];
	[tilespmem:v14+s20+$0x0] =	vst.idx.msk $0x7, v7  }
0x414: {  	v7 =	vld [tilespmem:$0xD360];
	_ =	sdelay $0x4  }
0x415: {  	v7 =	vsub.f32 v7, v6;
	_ =	sdelay $0x1  }
0x416: {  	[tilespmem:$0xD360] =	vst v7  }
0x417: {  	v13 =	vld [tilespmem:$0x1FBB0];
	[tilespmem:v12+s20+$0x0] =	vst.idx.msk $0x7, v7  }
0x418: {  	v7 =	vld [tilespmem:$0xD468];
	_ =	sdelay $0x4  }
0x419: {  	v7 =	vsub.f32 v7, v6;
	_ =	sdelay $0x1  }
0x41a: {  	[tilespmem:$0xD468] =	vst v7  }
0x41b: {  	v14 =	vld [tilespmem:$0x1FBC0];
	[tilespmem:v13+s20+$0x0] =	vst.idx.msk $0x7, v7  }
0x41c: {  	v7 =	vld [tilespmem:$0xD570];
	_ =	sdelay $0x4  }
0x41d: {  	v7 =	vsub.f32 v7, v6;
	_ =	sdelay $0x1  }
0x41e: {  	[tilespmem:$0xD570] =	vst v7  }
0x41f: {  	v11 =	vld [tilespmem:$0x1FBD0];
	[tilespmem:v14+s20+$0x0] =	vst.idx.msk $0x7, v7  }
0x420: {  	v7 =	vld [tilespmem:$0xD678];
	_ =	sdelay $0x4  }
0x421: {  	v6 =	vsub.f32 v7, v6;
	_ =	sdelay $0x1  }
0x422: {  	[tilespmem:$0xD678] =	vst v6  }
0x423: {  	v12 =	vld [tilespmem:$0x1FBE0];
	[tilespmem:v11+s20+$0x0] =	vst.idx.msk $0x7, v6  }
0x424: {  	v6 =	vld [tilespmem:$0xD780];
	_ =	sdelay $0x3  }
0x425: {  	v5 =	vnsel vm0, $0x0, v5  }
0x426: {  	v6 =	vsub.f32 v6, v5;
	_ =	sdelay $0x1  }
0x427: {  	[tilespmem:$0xD780] =	vst v6  }
0x428: {  	v13 =	vld [tilespmem:$0x1FBF0];
	[tilespmem:v12+s20+$0x0] =	vst.idx.msk $0x7, v6  }
0x429: {  	v6 =	vld [tilespmem:$0xD888];
	_ =	sdelay $0x4  }
0x42a: {  	v6 =	vsub.f32 v6, v5;
	_ =	sdelay $0x1  }
0x42b: {  	[tilespmem:$0xD888] =	vst v6  }
0x42c: {  	v14 =	vld [tilespmem:$0x1FC00];
	[tilespmem:v13+s20+$0x0] =	vst.idx.msk $0x7, v6  }
0x42d: {  	v6 =	vld [tilespmem:$0xD990];
	_ =	sdelay $0x4  }
0x42e: {  	v6 =	vsub.f32 v6, v5;
	_ =	sdelay $0x1  }
0x42f: {  	[tilespmem:$0xD990] =	vst v6  }
0x430: {  	v9 =	vld [tilespmem:$0x1FC10];
	[tilespmem:v14+s20+$0x0] =	vst.idx.msk $0x7, v6  }
0x431: {  	v6 =	vld [tilespmem:$0xDA98];
	_ =	sdelay $0x4  }
0x432: {  	v6 =	vsub.f32 v6, v5;
	_ =	sdelay $0x1  }
0x433: {  	[tilespmem:$0xDA98] =	vst v6  }
0x434: {  	v10 =	vld [tilespmem:$0x1FC20];
	[tilespmem:v9+s20+$0x0] =	vst.idx.msk $0x7, v6  }
0x435: {  	v6 =	vld [tilespmem:$0xDBA0];
	_ =	sdelay $0x4  }
0x436: {  	v6 =	vsub.f32 v6, v5;
	_ =	sdelay $0x1  }
0x437: {  	[tilespmem:$0xDBA0] =	vst v6  }
0x438: {  	v11 =	vld [tilespmem:$0x1FC30];
	[tilespmem:v10+s20+$0x0] =	vst.idx.msk $0x7, v6  }
0x439: {  	v6 =	vld [tilespmem:$0xDCA8];
	_ =	sdelay $0x4  }
0x43a: {  	v6 =	vsub.f32 v6, v5;
	_ =	sdelay $0x1  }
0x43b: {  	[tilespmem:$0xDCA8] =	vst v6  }
0x43c: {  	v12 =	vld [tilespmem:$0x1FC40];
	[tilespmem:v11+s20+$0x0] =	vst.idx.msk $0x7, v6  }
0x43d: {  	v6 =	vld [tilespmem:$0xDDB0];
	_ =	sdelay $0x4  }
0x43e: {  	v6 =	vsub.f32 v6, v5;
	_ =	sdelay $0x1  }
0x43f: {  	[tilespmem:$0xDDB0] =	vst v6  }
0x440: {  	v13 =	vld [tilespmem:$0x1FC50];
	[tilespmem:v12+s20+$0x0] =	vst.idx.msk $0x7, v6  }
0x441: {  	v6 =	vld [tilespmem:$0xDEB8];
	_ =	sdelay $0x4  }
0x442: {  	v5 =	vsub.f32 v6, v5;
	_ =	sdelay $0x1  }
0x443: {  	[tilespmem:$0xDEB8] =	vst v5  }
0x444: {  	v14 =	vld [tilespmem:$0x1FC60];
	[tilespmem:v13+s20+$0x0] =	vst.idx.msk $0x7, v5  }
0x445: {  	v5 =	vld [tilespmem:$0xDFC0];
	_ =	sdelay $0x3  }
0x446: {  	v4 =	vnsel vm0, $0x0, v4  }
0x447: {  	v5 =	vsub.f32 v5, v4;
	_ =	sdelay $0x1  }
0x448: {  	[tilespmem:$0xDFC0] =	vst v5  }
0x449: {  	[tilespmem:v14+s20+$0x0] =	vst.idx.msk $0x7, v5  }
0x44a: {  	v5 =	vld [tilespmem:$0xE0C8];
	_ =	sdelay $0x4  }
0x44b: {  	v5 =	vsub.f32 v5, v4;
	_ =	sdelay $0x1  }
0x44c: {  	[tilespmem:$0xE0C8] =	vst v5  }
0x44d: {  	[tilespmem:v26+s20+$0x0] =	vst.idx.msk $0x7, v5  }
0x44e: {  	v5 =	vld [tilespmem:$0xE1D0];
	_ =	sdelay $0x4  }
0x44f: {  	v5 =	vsub.f32 v5, v4;
	_ =	sdelay $0x1  }
0x450: {  	[tilespmem:$0xE1D0] =	vst v5  }
0x451: {  	[tilespmem:v27+s20+$0x0] =	vst.idx.msk $0x7, v5  }
0x452: {  	v5 =	vld [tilespmem:$0xE2D8];
	_ =	sdelay $0x4  }
0x453: {  	v5 =	vsub.f32 v5, v4;
	_ =	sdelay $0x1  }
0x454: {  	[tilespmem:$0xE2D8] =	vst v5  }
0x455: {  	[tilespmem:v28+s20+$0x0] =	vst.idx.msk $0x7, v5  }
0x456: {  	v5 =	vld [tilespmem:$0xE3E0];
	_ =	sdelay $0x4  }
0x457: {  	v5 =	vsub.f32 v5, v4;
	_ =	sdelay $0x1  }
0x458: {  	[tilespmem:$0xE3E0] =	vst v5  }
0x459: {  	[tilespmem:v29+s20+$0x0] =	vst.idx.msk $0x7, v5  }
0x45a: {  	v5 =	vld [tilespmem:$0xE4E8];
	_ =	sdelay $0x4  }
0x45b: {  	v5 =	vsub.f32 v5, v4;
	_ =	sdelay $0x1  }
0x45c: {  	[tilespmem:$0xE4E8] =	vst v5  }
0x45d: {  	[tilespmem:v30+s20+$0x0] =	vst.idx.msk $0x7, v5  }
0x45e: {  	v5 =	vld [tilespmem:$0xE5F0];
	_ =	sdelay $0x4  }
0x45f: {  	v5 =	vsub.f32 v5, v4;
	_ =	sdelay $0x1  }
0x460: {  	[tilespmem:$0xE5F0] =	vst v5  }
0x461: {  	[tilespmem:v31+s20+$0x0] =	vst.idx.msk $0x7, v5  }
0x462: {  	v5 =	vld [tilespmem:$0xE6F8];
	_ =	sdelay $0x4  }
0x463: {  	v4 =	vsub.f32 v5, v4;
	_ =	sdelay $0x1  }
0x464: {  	[tilespmem:$0xE6F8] =	vst v4  }
0x465: {  	[tilespmem:v32+s20+$0x0] =	vst.idx.msk $0x7, v4  }
0x466: {  	v4 =	vld [tilespmem:$0xE800];
	_ =	sdelay $0x3  }
0x467: {  	v3 =	vnsel vm0, $0x0, v3  }
0x468: {  	v4 =	vsub.f32 v4, v3;
	_ =	sdelay $0x1  }
0x469: {  	[tilespmem:$0xE800] =	vst v4  }
0x46a: {  	[tilespmem:v33+s20+$0x0] =	vst.idx.msk $0x7, v4  }
0x46b: {  	v4 =	vld [tilespmem:$0xE908];
	_ =	sdelay $0x4  }
0x46c: {  	v4 =	vsub.f32 v4, v3;
	_ =	sdelay $0x1  }
0x46d: {  	[tilespmem:$0xE908] =	vst v4  }
0x46e: {  	[tilespmem:v34+s20+$0x0] =	vst.idx.msk $0x7, v4  }
0x46f: {  	v4 =	vld [tilespmem:$0xEA10];
	_ =	sdelay $0x4  }
0x470: {  	v4 =	vsub.f32 v4, v3;
	_ =	sdelay $0x1  }
0x471: {  	[tilespmem:$0xEA10] =	vst v4  }
0x472: {  	[tilespmem:v35+s20+$0x0] =	vst.idx.msk $0x7, v4  }
0x473: {  	v4 =	vld [tilespmem:$0xEB18];
	_ =	sdelay $0x4  }
0x474: {  	v4 =	vsub.f32 v4, v3;
	_ =	sdelay $0x1  }
0x475: {  	[tilespmem:$0xEB18] =	vst v4  }
0x476: {  	[tilespmem:v36+s20+$0x0] =	vst.idx.msk $0x7, v4  }
0x477: {  	v4 =	vld [tilespmem:$0xEC20];
	_ =	sdelay $0x4  }
0x478: {  	v4 =	vsub.f32 v4, v3;
	_ =	sdelay $0x1  }
0x479: {  	[tilespmem:$0xEC20] =	vst v4  }
0x47a: {  	[tilespmem:v37+s20+$0x0] =	vst.idx.msk $0x7, v4  }
0x47b: {  	v4 =	vld [tilespmem:$0xED28];
	_ =	sdelay $0x4  }
0x47c: {  	v4 =	vsub.f32 v4, v3;
	_ =	sdelay $0x1  }
0x47d: {  	[tilespmem:$0xED28] =	vst v4  }
0x47e: {  	[tilespmem:v38+s20+$0x0] =	vst.idx.msk $0x7, v4  }
0x47f: {  	v4 =	vld [tilespmem:$0xEE30];
	_ =	sdelay $0x4  }
0x480: {  	v4 =	vsub.f32 v4, v3;
	_ =	sdelay $0x1  }
0x481: {  	[tilespmem:$0xEE30] =	vst v4  }
0x482: {  	[tilespmem:v39+s20+$0x0] =	vst.idx.msk $0x7, v4  }
0x483: {  	v4 =	vld [tilespmem:$0xEF38];
	_ =	sdelay $0x4  }
0x484: {  	v3 =	vsub.f32 v4, v3;
	_ =	sdelay $0x1  }
0x485: {  	[tilespmem:$0xEF38] =	vst v3  }
0x486: {  	[tilespmem:v40+s20+$0x0] =	vst.idx.msk $0x7, v3  }
0x487: {  	v3 =	vld [tilespmem:$0xF040];
	_ =	sdelay $0x3  }
0x488: {  	v2 =	vnsel vm0, $0x0, v2  }
0x489: {  	v3 =	vsub.f32 v3, v2;
	_ =	sdelay $0x1  }
0x48a: {  	[tilespmem:$0xF040] =	vst v3  }
0x48b: {  	[tilespmem:v41+s20+$0x0] =	vst.idx.msk $0x7, v3  }
0x48c: {  	v3 =	vld [tilespmem:$0xF148];
	_ =	sdelay $0x4  }
0x48d: {  	v3 =	vsub.f32 v3, v2;
	_ =	sdelay $0x1  }
0x48e: {  	[tilespmem:$0xF148] =	vst v3  }
0x48f: {  	[tilespmem:v42+s20+$0x0] =	vst.idx.msk $0x7, v3  }
0x490: {  	v3 =	vld [tilespmem:$0xF250];
	_ =	sdelay $0x4  }
0x491: {  	v3 =	vsub.f32 v3, v2;
	_ =	sdelay $0x1  }
0x492: {  	[tilespmem:$0xF250] =	vst v3  }
0x493: {  	[tilespmem:v43+s20+$0x0] =	vst.idx.msk $0x7, v3  }
0x494: {  	v3 =	vld [tilespmem:$0xF358];
	_ =	sdelay $0x4  }
0x495: {  	v3 =	vsub.f32 v3, v2;
	_ =	sdelay $0x1  }
0x496: {  	[tilespmem:$0xF358] =	vst v3  }
0x497: {  	[tilespmem:v44+s20+$0x0] =	vst.idx.msk $0x7, v3  }
0x498: {  	v3 =	vld [tilespmem:$0xF460];
	_ =	sdelay $0x4  }
0x499: {  	v3 =	vsub.f32 v3, v2;
	_ =	sdelay $0x1  }
0x49a: {  	[tilespmem:$0xF460] =	vst v3  }
0x49b: {  	[tilespmem:v45+s20+$0x0] =	vst.idx.msk $0x7, v3  }
0x49c: {  	v3 =	vld [tilespmem:$0xF568];
	_ =	sdelay $0x4  }
0x49d: {  	v3 =	vsub.f32 v3, v2;
	_ =	sdelay $0x1  }
0x49e: {  	[tilespmem:$0xF568] =	vst v3  }
0x49f: {  	[tilespmem:v46+s20+$0x0] =	vst.idx.msk $0x7, v3  }
0x4a0: {  	v3 =	vld [tilespmem:$0xF670];
	_ =	sdelay $0x4  }
0x4a1: {  	v3 =	vsub.f32 v3, v2;
	_ =	sdelay $0x1  }
0x4a2: {  	[tilespmem:$0xF670] =	vst v3  }
0x4a3: {  	[tilespmem:v47+s20+$0x0] =	vst.idx.msk $0x7, v3  }
0x4a4: {  	v3 =	vld [tilespmem:$0xF778];
	_ =	sdelay $0x4  }
0x4a5: {  	v2 =	vsub.f32 v3, v2;
	_ =	sdelay $0x1  }
0x4a6: {  	[tilespmem:$0xF778] =	vst v2  }
0x4a7: {  	v3 =	vld [tilespmem:$0x1FAC0];
	[tilespmem:v48+s20+$0x0] =	vst.idx.msk $0x7, v2  }
0x4a8: {  	v2 =	vld [tilespmem:$0xF880];
	_ =	sdelay $0x3  }
0x4a9: {  	v3 =	vnsel vm0, $0x0, v3  }
0x4aa: {  	v2 =	vsub.f32 v2, v3;
	_ =	sdelay $0x1  }
0x4ab: {  	[tilespmem:$0xF880] =	vst v2  }
0x4ac: {  	[tilespmem:v49+s20+$0x0] =	vst.idx.msk $0x7, v2  }
0x4ad: {  	v2 =	vld [tilespmem:$0xF988];
	_ =	sdelay $0x4  }
0x4ae: {  	v2 =	vsub.f32 v2, v3;
	_ =	sdelay $0x1  }
0x4af: {  	[tilespmem:$0xF988] =	vst v2  }
0x4b0: {  	[tilespmem:v50+s20+$0x0] =	vst.idx.msk $0x7, v2  }
0x4b1: {  	v2 =	vld [tilespmem:$0xFA90];
	_ =	sdelay $0x4  }
0x4b2: {  	v2 =	vsub.f32 v2, v3;
	_ =	sdelay $0x1  }
0x4b3: {  	[tilespmem:$0xFA90] =	vst v2  }
0x4b4: {  	[tilespmem:v51+s20+$0x0] =	vst.idx.msk $0x7, v2  }
0x4b5: {  	v2 =	vld [tilespmem:$0xFB98];
	_ =	sdelay $0x4  }
0x4b6: {  	v2 =	vsub.f32 v2, v3;
	_ =	sdelay $0x1  }
0x4b7: {  	[tilespmem:$0xFB98] =	vst v2  }
0x4b8: {  	[tilespmem:v52+s20+$0x0] =	vst.idx.msk $0x7, v2  }
0x4b9: {  	v2 =	vld [tilespmem:$0xFCA0];
	_ =	sdelay $0x4  }
0x4ba: {  	v2 =	vsub.f32 v2, v3;
	_ =	sdelay $0x1  }
0x4bb: {  	[tilespmem:$0xFCA0] =	vst v2  }
0x4bc: {  	[tilespmem:v53+s20+$0x0] =	vst.idx.msk $0x7, v2  }
0x4bd: {  	v2 =	vld [tilespmem:$0xFDA8];
	_ =	sdelay $0x4  }
0x4be: {  	v2 =	vsub.f32 v2, v3;
	_ =	sdelay $0x1  }
0x4bf: {  	[tilespmem:$0xFDA8] =	vst v2  }
0x4c0: {  	[tilespmem:v54+s20+$0x0] =	vst.idx.msk $0x7, v2  }
0x4c1: {  	v2 =	vld [tilespmem:$0xFEB0];
	_ =	sdelay $0x4  }
0x4c2: {  	v2 =	vsub.f32 v2, v3;
	_ =	sdelay $0x1  }
0x4c3: {  	[tilespmem:$0xFEB0] =	vst v2  }
0x4c4: {  	[tilespmem:v55+s20+$0x0] =	vst.idx.msk $0x7, v2  }
0x4c5: {  	v2 =	vld [tilespmem:$0xFFB8];
	_ =	sdelay $0x4  }
0x4c6: {  	v2 =	vsub.f32 v2, v3;
	_ =	sdelay $0x1  }
0x4c7: {  	[tilespmem:$0xFFB8] =	vst v2  }
0x4c8: {  	v3 =	vld [tilespmem:$0x1FAD0];
	[tilespmem:v56+s20+$0x0] =	vst.idx.msk $0x7, v2  }
0x4c9: {  	v2 =	vld [tilespmem:$0x100C0];
	_ =	sdelay $0x3  }
0x4ca: {  	v3 =	vnsel vm0, $0x0, v3  }
0x4cb: {  	v2 =	vsub.f32 v2, v3;
	_ =	sdelay $0x1  }
0x4cc: {  	[tilespmem:$0x100C0] =	vst v2  }
0x4cd: {  	[tilespmem:v57+s20+$0x0] =	vst.idx.msk $0x7, v2  }
0x4ce: {  	v2 =	vld [tilespmem:$0x101C8];
	_ =	sdelay $0x4  }
0x4cf: {  	v2 =	vsub.f32 v2, v3;
	_ =	sdelay $0x1  }
0x4d0: {  	[tilespmem:$0x101C8] =	vst v2  }
0x4d1: {  	[tilespmem:v58+s20+$0x0] =	vst.idx.msk $0x7, v2  }
0x4d2: {  	v2 =	vld [tilespmem:$0x102D0];
	_ =	sdelay $0x4  }
0x4d3: {  	v2 =	vsub.f32 v2, v3;
	_ =	sdelay $0x1  }
0x4d4: {  	[tilespmem:$0x102D0] =	vst v2  }
0x4d5: {  	[tilespmem:v59+s20+$0x0] =	vst.idx.msk $0x7, v2  }
0x4d6: {  	v2 =	vld [tilespmem:$0x103D8];
	_ =	sdelay $0x4  }
0x4d7: {  	v2 =	vsub.f32 v2, v3;
	_ =	sdelay $0x1  }
0x4d8: {  	[tilespmem:$0x103D8] =	vst v2  }
0x4d9: {  	[tilespmem:v60+s20+$0x0] =	vst.idx.msk $0x7, v2  }
0x4da: {  	v2 =	vld [tilespmem:$0x104E0];
	_ =	sdelay $0x4  }
0x4db: {  	v2 =	vsub.f32 v2, v3;
	_ =	sdelay $0x1  }
0x4dc: {  	[tilespmem:$0x104E0] =	vst v2  }
0x4dd: {  	[tilespmem:v61+s20+$0x0] =	vst.idx.msk $0x7, v2  }
0x4de: {  	v2 =	vld [tilespmem:$0x105E8];
	_ =	sdelay $0x4  }
0x4df: {  	v2 =	vsub.f32 v2, v3;
	_ =	sdelay $0x1  }
0x4e0: {  	[tilespmem:$0x105E8] =	vst v2  }
0x4e1: {  	[tilespmem:v63+s20+$0x0] =	vst.idx.msk $0x7, v2  }
0x4e2: {  	v2 =	vld [tilespmem:$0x106F0];
	_ =	sdelay $0x4  }
0x4e3: {  	v2 =	vsub.f32 v2, v3;
	_ =	sdelay $0x1  }
0x4e4: {  	[tilespmem:$0x106F0] =	vst v2  }
0x4e5: {  	[tilespmem:v1+s20+$0x0] =	vst.idx.msk $0x7, v2  }
0x4e6: {  	v1 =	vld [tilespmem:$0x107F8];
	_ =	sdelay $0x4  }
0x4e7: {  	v1 =	vsub.f32 v1, v3  }
0x4e8: {  	s26 =	sshll.u32 s25, $0x7  }
0x4e9: {  	s29 =	simm.s32 $0x8500;
	s28 =	sadd.s32 s2, s26;
	[tilespmem:$0x107F8] =	vst v1  }
0x4ea: {  	s30 =	simm.s32 $0x10;
	s7 =	sadd.s32 $0x0, s28;
	s1 =	simm.s32 $0x8608;
	[tilespmem:v62+s20+$0x0] =	vst.idx.msk $0x7, v1  }
.LBB2_9:
0x4eb: {  	[hbm4b:s7+s3] =	stream.linear.scatter [tilespmem:s29], [sflag:$0x4], $0x80, $0x38;
	[tilespmem:$0x11300] =	vst v63  }
0x4ec: {  	s7 =	smov.u32 s30;
	s29 =	smov.u32 s1;
	p0 =	sne.s32 s30, $0x7F0  }
.Ltmp3:
0x4ed: {  	s30 =	sadd.s32 $0x10, s30;
	(pc) =	sbr.rel @p0 .LBB2_9-.Ltmp3, $2  }
0x4ee: {  	_ =	sdelay $0x2  }
0x4ef: {  	s1 =	sadd.s32 $0x108, s1;
	s7 =	sadd.s32 s7, s28  }
0x4f0: {  	[hbm4b:s7+s3] =	stream.linear.scatter [tilespmem:s29], [sflag:$0x4], $0x80, $0x38;
	[tilespmem:$0x11300] =	vst v63  }
0x4f1: {  	s26 =	sadd.s32 s6, s26;
	s28 =	simm.s32 $0x8580  }
0x4f2: {  	s29 =	simm.s32 $0x10;
	s1 =	simm.s32 $0x8688;
	s7 =	sadd.s32 $0x0, s26  }
.LBB2_11:
0x4f3: {  	[hbm4b:s7+s3] =	stream.linear.scatter [tilespmem:s28], [sflag:$0x4], $0x80, $0x38;
	[tilespmem:$0x11300] =	vst v63  }
0x4f4: {  	s7 =	smov.u32 s29;
	s28 =	smov.u32 s1;
	p0 =	sne.s32 s29, $0x7F0  }
.Ltmp4:
0x4f5: {  	s29 =	sadd.s32 $0x10, s29;
	(pc) =	sbr.rel @p0 .LBB2_11-.Ltmp4, $2  }
0x4f6: {  	_ =	sdelay $0x2  }
0x4f7: {  	s1 =	sadd.s32 $0x108, s1;
	s7 =	sadd.s32 s7, s26  }
0x4f8: {  	[hbm4b:s7+s3] =	stream.linear.scatter [tilespmem:s28], [sflag:$0x4], $0x80, $0x38;
	[tilespmem:$0x11300] =	vst v63  }
0x4f9: {  	s25 =	sshll.u32 s25, $0x3  }
0x4fa: {  	s28 =	simm.s32 $0x8600;
	s26 =	sadd.s32 s8, s25  }
0x4fb: {  	s29 =	simm.s32 $0x1;
	s1 =	simm.s32 $0x8708;
	s7 =	sadd.s32 $0x0, s26  }
.LBB2_13:
0x4fc: {  	[hbm4b:s7+s3] =	stream.linear.scatter [tilespmem:s28], [sflag:$0x4], $0x8, $0x38;
	[tilespmem:$0x11300] =	vst v63  }
0x4fd: {  	s7 =	smov.u32 s29;
	s28 =	smov.u32 s1;
	p0 =	sne.s32 s29, $0x7F  }
.Ltmp5:
0x4fe: {  	s29 =	sadd.s32 $0x1, s29;
	(pc) =	sbr.rel @p0 .LBB2_13-.Ltmp5, $2  }
0x4ff: {  	_ =	sdelay $0x2  }
0x500: {  	s1 =	sadd.s32 $0x108, s1;
	s7 =	sadd.s32 s7, s26  }
0x501: {  	[hbm4b:s7+s3] =	stream.linear.scatter [tilespmem:s28], [sflag:$0x4], $0x8, $0x38;
	[tilespmem:$0x11300] =	vst v63  }
0x502: {  	s1 =	sadd.s32 s9, s25  }
0x503: {  	[hbm4b:s1+s3] =	stream.linear.scatter [tilespmem:s20], [sflag:$0x4], $0x400, $0x38;
	[tilespmem:$0x11300] =	vst v63  }
0x504: {  	_ =	swait.ge [sflag:s21], $0x4000  }
0x505: {  	[sflag:s21] =	ssyncset.done $0x0  }
0x506: {  	[sflag:s21] =	ssyncadd.s32 $0xFFFFC000  }
0x507: {  	_ =	swait.ge [sflag:s21], $0x4000  }
0x508: {  	[sflag:s21] =	ssyncset.done $0x0  }
0x509: {  	[sflag:s21] =	ssyncadd.s32 $0xFFFFC000  }
0x50a: {  	_ =	swait.ge [sflag:s21], $0x400  }
0x50b: {  	[sflag:s21] =	ssyncset.done $0x0  }
0x50c: {  	[sflag:s21] =	ssyncadd.s32 $0xFFFFFC00  }
0x50d: {  	_ =	swait.ge [sflag:s21], $0x400  }
0x50e: {  	[sflag:s21] =	ssyncset.done $0x0  }
0x50f: {  	[sflag:s21] =	ssyncadd.s32 $0xFFFFFC00  }
0x510: {  	_ =	swait.ge [sflag:s22], $0x4000  }
0x511: {  	[sflag:s22] =	ssyncset.done $0x0  }
0x512: {  	[sflag:s22] =	ssyncadd.s32 $0xFFFFC000  }
0x513: {  	_ =	swait.ge [sflag:s22], $0x4000  }
0x514: {  	[sflag:s22] =	ssyncset.done $0x0  }
0x515: {  	s24 =	sadd.s32 $0x1, s24;
	[sflag:s22] =	ssyncadd.s32 $0xFFFFC000  }
0x516: {  	p0 =	sne.s32 s24, $0x4;
	_ =	swait.ge [sflag:s22], $0x400  }
.Ltmp6:
0x517: {  	[sflag:s22] =	ssyncset.done $0x0;
	(pc) =	sbr.rel @p0 .LBB2_2-.Ltmp6, $4  }
0x518: {  	[sflag:s22] =	ssyncadd.s32 $0xFFFFFC00  }
0x519: {  	_ =	swait.ge [sflag:s22], $0x400  }
0x51a: {  	[sflag:s22] =	ssyncset.done $0x0  }
0x51b: {  	[sflag:s22] =	ssyncadd.s32 $0xFFFFFC00  }
0x51c: {  	s23 =	sadd.s32 $0x1, s23  }
0x51d: {  	p0 =	sne.s32 s23, s11  }
.Ltmp7:
0x51e: {  	_ = 	snop;
	(pc) =	sbr.rel @p0 .LBB2_1-.Ltmp7, $1  }
0x51f: {  	_ =	sdelay $0x3  }
0x520: {  	_ =	sfence.sel $0x180000  }
0x521: {  	[bflag:$0x0] =	sbarrier.arrive $0xFFFF  }
0x522: {  	_ =	strace $0x90000047  }
0x523: {  	s0 =	stileid.u32;
	[bflag:$0x2] =	sbarrier.arrive $0xFFFF  }
0x524: {  	p0 =	sne.s32 s0, $0x0;
	s0 =	rddreg [dreg:$0x3]  }
0x525: {  	s0 =	sadd.s32 @!p0 $0x100000, s0  }
0x526: {  	[sflag:s0] =	ssyncadd.tile.s32 @!p0 $0x1;
	_ =	shalt  }
.Lfunc_end2:
_tile_overlayer_lowered:
.L_overlay_start_2:
0x527: {  	(tag) =	ssettag $0x2  }
0x528: {  	s0 =	rddreg [dreg:$0x0];
	s2 =	stileid.u32  }
0x529: {  	s1 =	rddreg [dreg:$0x1];
	p0 =	sne.s32 s2, $0x0  }
0x52a: {  	s3 =	rddreg [dreg:$0x2];
	[bflag:$0x3] =	sbarrier.arrive $0xFFFF;
	s2 =	simm.s32 @!p0 $0x1C05  }
0x52b: {  	[timem:s3], [sflag:s2] =	dma.local @!p0 [hbm:s0], s1  }
0x52c: {  	s0 =	simm.s32 @!p0 $0x5  }
0x52d: {  	_ =	swait.ge @!p0 [sflag:s0], s1  }
0x52e: {  	s1 =	ssub.s32 @!p0 $0x0, s1;
	[sflag:s0] =	ssyncset.done @!p0 $0x0  }
0x52f: {  	[sflag:s0] =	ssyncadd.s32 @!p0 s1  }
0x530: {  	[bflag:$0x3] =	sbarrier.arrive $0xFFFF  }
0x531: {  	_ =	shalt  }

</sc_bundles>
